<compile_context>
chip_gen: v7x
topology: tpu7x:2x2x1
jax: 0.10.2.dev20260603
libtpu: 0.0.44.dev20260713+nightly
codegen_flags: <defaults>
</compile_context>

<pallas_src>
import dataclasses
import functools

import jax
import jax.numpy as jnp
from jax import lax
from jax.experimental import pallas as pl
from jax.experimental.pallas import tpu as pltpu
from jax.experimental.pallas import tpu_sc as plsc

N = 10000
E = 320000
NTILES = 16
NW = 2 * NTILES
CH = 96
NCHD = 105
KFIRE = 5
NP = 10240
NPT = NP // NTILES
RANGE = 3840
RPT = RANGE // NTILES
F32 = jnp.float32


def _sc_params():
    cp = pltpu.CompilerParams()
    if "needs_layout_passes" in pltpu.CompilerParams.__dataclass_fields__:
        cp = dataclasses.replace(cp, needs_layout_passes=False)
    return cp



@functools.cache
def _make_agg():

    @functools.partial(
        pl.kernel,
        mesh=plsc.VectorSubcoreMesh(core_axis_name="c", subcore_axis_name="s"),
        compiler_params=_sc_params(),
        out_type=[jax.ShapeDtypeStruct((2, RANGE, 128), F32) for _ in range(2)],
        scratch_types=[
            pltpu.VMEM((NCHD, CH), jnp.int32),
            pltpu.VMEM((NCHD, CH), jnp.int32),
            *[pltpu.VMEM((CH, 128), F32) for _ in range(KFIRE)],
            pltpu.VMEM_SHARED((RANGE, 128), F32),
            pltpu.VMEM((16,), jnp.int32),
            pltpu.VMEM((16,), jnp.int32),
            pltpu.SemaphoreType.DMA,
            pltpu.SemaphoreType.DMA,
        ],
    )
    def agg(tables_hbm, edge_hbm, flag_hbm, base_hbm, out0, out1,
            src_v, dst_v, b0, b1, b2, b3, b4,
            acc, flag_v, base_v, sem_g, sem_s):
        bufs = [b0, b1, b2, b3, b4]
        c = lax.axis_index("c")
        s = lax.axis_index("s")
        w = c * NTILES + s
        pltpu.sync_copy(edge_hbm.at[0, w], src_v)
        pltpu.sync_copy(edge_hbm.at[1, w], dst_v)
        pltpu.sync_copy(flag_hbm, flag_v)
        pltpu.sync_copy(base_hbm, base_v)
        base = jnp.max(base_v[...])

        @pl.loop(0, NCHD)
        def _(j):
            for k in range(CH // 16):
                sl = (j, pl.ds(16 * k, 16))
                sv = src_v[sl]
                dv = dst_v[sl]
                r = dv - base
                inr = (dv >= base) & (r < RANGE)
                src_v[sl] = jnp.where(inr, sv, N + (sv & 127))
                dst_v[sl] = jnp.where(inr, r, dv & 2047)

        npages = 1 + jnp.max(flag_v[...])

        @pl.loop(0, npages)
        def _(p):
            off = pl.multiple_of(p * NP, NP)
            table = tables_hbm.at[pl.ds(off, NP)]

            @pl.loop(0, CH)
            def _(i):
                @pl.loop(0, 128, step=16)
                def _(j):
                    b0[i, pl.ds(j, 16)] = jnp.zeros((16,), F32)

            for i in range(2):
                pltpu.sync_copy(b0, acc.at[pl.ds(s * RPT + i * CH, CH)])
            pltpu.sync_copy(b0.at[pl.ds(0, RPT - 2 * CH)],
                            acc.at[pl.ds(s * RPT + 2 * CH, RPT - 2 * CH)])

            plsc.subcore_barrier()

            @pl.loop(0, NCHD, step=KFIRE)
            def _(j0):
                gs = [pltpu.async_copy(table.at[src_v.at[j0 + k]], bufs[k],
                                       sem_g) for k in range(KFIRE)]
                ss = []
                for k in range(KFIRE):
                    gs[k].wait()
                    ss.append(pltpu.async_copy(bufs[k],
                                               acc.at[dst_v.at[j0 + k]],
                                               sem_s, add=True))
                for cp in ss:
                    cp.wait()

            plsc.subcore_barrier()

            @pl.when(c == 0)
            def _():
                pltpu.sync_copy(acc.at[pl.ds(s * RPT, RPT)],
                                out0.at[p, pl.ds(s * RPT, RPT)])

            @pl.when(c == 1)
            def _():
                pltpu.sync_copy(acc.at[pl.ds(s * RPT, RPT)],
                                out1.at[p, pl.ds(s * RPT, RPT)])

            plsc.subcore_barrier()

    return agg


@functools.cache
def _make_deg():
    @functools.partial(
        pl.kernel,
        mesh=plsc.VectorSubcoreMesh(core_axis_name="c", subcore_axis_name="s"),
        compiler_params=_sc_params(),
        out_type=jax.ShapeDtypeStruct((2, NP, 16), F32),
        scratch_types=[
            pltpu.VMEM((NCHD, CH), jnp.int32),
            pltpu.VMEM((CH, 16), F32),
            pltpu.VMEM((NPT // 4, 16), F32),
            pltpu.VMEM_SHARED((NP, 16), F32),
            pltpu.SemaphoreType.DMA,
        ],
    )
    def deg(edge_hbm, out_hbm, dst_v, ones_v, z_v, acc, sem):
        c = lax.axis_index("c")
        s = lax.axis_index("s")
        pltpu.sync_copy(edge_hbm.at[1, c * NTILES + s], dst_v)

        @pl.loop(0, CH)
        def _(i):
            ones_v[i, :] = jnp.full((16,), 1.0, F32)

        @pl.loop(0, NPT // 4)
        def _(i):
            z_v[i, :] = jnp.full((16,), 0.0, F32)

        for i in range(4):
            pltpu.sync_copy(
                z_v, acc.at[pl.ds(s * NPT + i * (NPT // 4), NPT // 4)])
        plsc.subcore_barrier()

        @pl.loop(0, NCHD)
        def _(j):
            pltpu.sync_copy(ones_v, acc.at[dst_v.at[j]], add=True)

        plsc.subcore_barrier()
        pltpu.sync_copy(acc.at[pl.ds(s * NPT, NPT)],
                        out_hbm.at[c, pl.ds(s * NPT, NPT)])

    return deg



def _bn(h, g, b):
    m = jnp.mean(h, axis=0, keepdims=True)
    v = jnp.mean((h - m) ** 2, axis=0, keepdims=True)
    return (h - m) * lax.rsqrt(v + 1e-5) * g + b


def _ln(h, g, b):
    m = jnp.mean(h, axis=-1, keepdims=True)
    v = jnp.mean((h - m) ** 2, axis=-1, keepdims=True)
    return (h - m) * lax.rsqrt(v + 1e-5) * g + b


def _h0_body(x_ref, w_ref, b_ref, g_ref, be_ref, o_ref):
    h = jnp.dot(x_ref[...], w_ref[...], preferred_element_type=F32) + b_ref[...]
    o_ref[...] = jnp.maximum(_bn(h, g_ref[...], be_ref[...]), 0.0)


def _tables_store(h, o_ref):
    o_ref[:N, :] = h[:, :128]
    o_ref[N:NP, :] = jnp.zeros((NP - N, 128), F32)
    o_ref[NP:NP + N, :] = h[:, 128:]
    o_ref[NP + N:, :] = jnp.zeros((NP - N, 128), F32)


def _pre1_body(h0_ref, degp_ref, w_ref, dinv_ref, o_ref):
    deg = degp_ref[0, :N, 0:1] + degp_ref[1, :N, 0:1] + 1.0
    dinv = lax.rsqrt(deg)
    dinv_ref[...] = dinv
    h = jnp.dot(h0_ref[...], w_ref[...], preferred_element_type=F32) * dinv
    _tables_store(h, o_ref)


def _pre_body(h_ref, dinv_ref, w_ref, o_ref):
    h = jnp.dot(h_ref[...], w_ref[...], preferred_element_type=F32) * dinv_ref[...]
    _tables_store(h, o_ref)


def _psum0_body(a0_ref, b0_ref, a1_ref, b1_ref, a2_ref, b2_ref, t_ref, o_ref):
    o_ref[:RANGE, :] = a0_ref[...] + b0_ref[...] + t_ref[:RANGE, :]
    o_ref[RANGE:2 * RANGE, :] = (a1_ref[...] + b1_ref[...]
                                 + t_ref[RANGE:2 * RANGE, :])
    o_ref[2 * RANGE:, :] = (a2_ref[:N - 2 * RANGE, :]
                            + b2_ref[:N - 2 * RANGE, :]
                            + t_ref[2 * RANGE:N, :])


def _psum1_body(a0_ref, b0_ref, a1_ref, b1_ref, a2_ref, b2_ref, t_ref,
                flag_ref, o_ref):
    f = flag_ref[...] != 0.0
    o_ref[:RANGE, :] = jnp.where(
        f, a0_ref[...] + b0_ref[...] + t_ref[NP:NP + RANGE, :], 0.0)
    o_ref[RANGE:2 * RANGE, :] = jnp.where(
        f, a1_ref[...] + b1_ref[...] + t_ref[NP + RANGE:NP + 2 * RANGE, :], 0.0)
    o_ref[2 * RANGE:, :] = jnp.where(
        f, a2_ref[:N - 2 * RANGE, :] + b2_ref[:N - 2 * RANGE, :]
        + t_ref[NP + 2 * RANGE:NP + N, :], 0.0)


def _post_body(s0_ref, s1_ref, dinv_ref, b_ref, g_ref, be_ref, r_ref,
               hp_ref, o_ref):
    agg = jnp.concatenate([s0_ref[...], s1_ref[...]], axis=1)
    out = agg * dinv_ref[...] + b_ref[...]
    o_ref[...] = (jnp.maximum(_bn(out, g_ref[...], be_ref[...]), 0.0)
                  + r_ref[...] * hp_ref[...])


def _head_body(h5_ref,
               wh1_ref, bh1_ref, lg1_ref, lb1_ref,
               wh2_ref, bh2_ref, lg2_ref, lb2_ref,
               wh3_ref, bh3_ref, wh4_ref, bh4_ref, o_ref):
    h5 = h5_ref[:, :64]
    o = jnp.dot(h5, wh1_ref[...], preferred_element_type=F32) + bh1_ref[...]
    o = jnp.maximum(_ln(o, lg1_ref[...], lb1_ref[...]), 0.0)
    o = jnp.dot(o, wh2_ref[...], preferred_element_type=F32) + bh2_ref[...]
    o = jnp.maximum(_ln(o, lg2_ref[...], lb2_ref[...]), 0.0)
    o = jnp.maximum(jnp.dot(o, wh3_ref[...], preferred_element_type=F32)
                    + bh3_ref[...], 0.0)
    o_ref[...] = jnp.dot(o, wh4_ref[...], preferred_element_type=F32) + bh4_ref[...]


def _tc_call(body, n_in, out_shapes, interpret=False):
    return pl.pallas_call(
        body,
        in_specs=[pl.BlockSpec(memory_space=pltpu.VMEM)] * n_in,
        out_specs=[pl.BlockSpec(memory_space=pltpu.VMEM)] * len(out_shapes),
        out_shape=[jax.ShapeDtypeStruct(s, F32) for s in out_shapes],
        interpret=interpret,
    )



def _pad_to(a, shape):
    pads = [(0, t - s) for s, t in zip(a.shape, shape)]
    return jnp.pad(a, pads)


def kernel(x, edge_index, W_in, b_in, g_in, be_in, W1, b1, g1, be1, W2, b2,
           g2, be2, W3, b3, g3, be3, W4, b4, g4, be4, W5, b5, g5, be5, Wh1,
           bh1, lg1, lb1, Wh2, bh2, lg2, lb2, Wh3, bh3, Wh4, bh4):
    ew = edge_index.reshape(2, NW, E // NW)
    ew = jnp.pad(ew, ((0, 0), (0, 0), (0, NCHD * CH - E // NW)),
                 constant_values=N)
    edge_d = ew.reshape(2, NW, NCHD, CH)
    row = lambda v: v.reshape(1, -1)
    agg = _make_agg()

    wnext = jnp.stack([
        _pad_to(W2.T, (256, 256)), _pad_to(W3.T, (256, 256)),
        _pad_to(W4.T, (256, 256)), _pad_to(W5.T, (256, 256)),
        jnp.zeros((256, 256), F32),
    ])
    bs = jnp.stack([_pad_to(row(b), (1, 256)) for b in (b1, b2, b3, b4, b5)])
    gs = jnp.stack([_pad_to(row(g), (1, 256)) for g in (g1, g2, g3, g4, g5)])
    bes = jnp.stack([_pad_to(row(b), (1, 256)) for b in (be1, be2, be3, be4, be5)])
    rmask = jnp.array([0.0, 1.0, 0.0, 1.0, 0.0], F32).reshape(5, 1, 1)
    flags_i = jnp.repeat(jnp.array([1, 1, 0, 0, 0], jnp.int32)[:, None], 16, axis=1)
    flags_f = flags_i[:, :1].astype(F32).reshape(5, 1, 1)

    degp = _make_deg()(edge_d)
    h0, = _tc_call(_h0_body, 5, [(N, 256)])(
        x, W_in.T, row(b_in), row(g_in), row(be_in))
    dinv, tables = _tc_call(_pre1_body, 3, [(N, 1), (2 * NP, 128)])(
        h0, degp, _pad_to(W1.T, (256, 256)))

    psum0 = _tc_call(_psum0_body, 7, [(N, 128)])
    psum1 = _tc_call(_psum1_body, 8, [(N, 128)])
    bases = [jnp.full((16,), i * RANGE, jnp.int32) for i in range(3)]
    post = _tc_call(_post_body, 8, [(N, 256)])
    pre = _tc_call(_pre_body, 3, [(2 * NP, 128)])

    def body(carry, xs):
        h_prev, tables = carry
        b, g, be, r, fi, ff, wn = xs
        parts = []
        chain = tables
        for i in range(3):
            p0i, p1i = agg(chain, edge_d, fi, bases[i])
            parts.append((p0i, p1i))
            if i < 2:
                chain, _ = lax.optimization_barrier((chain, p0i))
        s0, = psum0(parts[0][0][0], parts[0][1][0], parts[1][0][0],
                    parts[1][1][0], parts[2][0][0], parts[2][1][0], tables)
        s1, = psum1(parts[0][0][1], parts[0][1][1], parts[1][0][1],
                    parts[1][1][1], parts[2][0][1], parts[2][1][1], tables, ff)
        h_new, = post(s0, s1, dinv, b, g, be, r, h_prev)
        tables_new, = pre(h_new, dinv, wn)
        return (h_new, tables_new), None

    (h5, _), _ = lax.scan(
        body, (h0, tables), (bs, gs, bes, rmask, flags_i, flags_f, wnext))

    o, = _tc_call(_head_body, 13, [(N, 1)])(
        h5,
        Wh1.T, row(bh1), row(lg1), row(lb1),
        Wh2.T, row(bh2), row(lg2), row(lb2),
        Wh3.T, row(bh3), Wh4.T, row(bh4))
    return o[:, 0]

# --- scband reference (transcript-rebuilt; emitter-appended) ---
"""Pipeline reference for scband-simple-gcn-49520972923233 (READ-ONLY COPY).

The authoritative reference and input builder live on the scoring server;
editing this copy changes nothing except your own understanding.
"""

import jax, jax.numpy as jnp
import numpy as np

N = 10000
E = 320000
D_IN = 128
H = 256

def _bn(h, g, b):
    m = h.mean(axis=0)
    v = h.var(axis=0)
    return (h - m) / jnp.sqrt(v + 1e-5) * g + b

def _ln(h, g, b):
    m = h.mean(axis=-1, keepdims=True)
    v = h.var(axis=-1, keepdims=True)
    return (h - m) / jnp.sqrt(v + 1e-5) * g + b

def _gcn(x, src, dst, W, b):
    deg = jnp.zeros((N,), x.dtype).at[dst].add(1.0)
    dinv = jnp.where(deg > 0, deg ** -0.5, 0.0)
    norm = dinv[src] * dinv[dst]
    h = x @ W.T
    out = jnp.zeros((N, W.shape[0]), x.dtype).at[dst].add(h[src] * norm[:, None])
    return out + b

def setup_inputs(seed: int = 0):
    key = jax.random.key(seed)
    ks = jax.random.split(key, 64)
    def lin(i, out_d, in_d):
        bound = 1.0 / np.sqrt(in_d)
        W = jax.random.uniform(ks[i], (out_d, in_d), jnp.float32, -bound, bound)
        b = jax.random.uniform(ks[i + 1], (out_d,), jnp.float32, -bound, bound)
        return W, b
    inp = {}
    inp['x'] = jax.random.normal(ks[0], (N, D_IN), jnp.float32)
    inp['edge_index'] = jax.random.randint(ks[1], (2, E), 0, N, dtype=jnp.int32)
    inp['W_in'], inp['b_in'] = lin(2, H, D_IN)
    inp['g_in'] = jnp.ones((H,), jnp.float32); inp['be_in'] = jnp.zeros((H,), jnp.float32)
    inp['W1'], inp['b1'] = lin(4, H, H)
    inp['g1'] = jnp.ones((H,), jnp.float32); inp['be1'] = jnp.zeros((H,), jnp.float32)
    inp['W2'], inp['b2'] = lin(6, H, H)
    inp['g2'] = jnp.ones((H,), jnp.float32); inp['be2'] = jnp.zeros((H,), jnp.float32)
    inp['W3'], inp['b3'] = lin(8, H // 2, H)
    inp['g3'] = jnp.ones((H // 2,), jnp.float32); inp['be3'] = jnp.zeros((H // 2,), jnp.float32)
    inp['W4'], inp['b4'] = lin(10, H // 2, H // 2)
    inp['g4'] = jnp.ones((H // 2,), jnp.float32); inp['be4'] = jnp.zeros((H // 2,), jnp.float32)
    inp['W5'], inp['b5'] = lin(12, H // 4, H // 2)
    inp['g5'] = jnp.ones((H // 4,), jnp.float32); inp['be5'] = jnp.zeros((H // 4,), jnp.float32)
    inp['Wh1'], inp['bh1'] = lin(14, H // 2, H // 4)
    inp['lg1'] = jnp.ones((H // 2,), jnp.float32); inp['lb1'] = jnp.zeros((H // 2,), jnp.float32)
    inp['Wh2'], inp['bh2'] = lin(16, H // 4, H // 2)
    inp['lg2'] = jnp.ones((H // 4,), jnp.float32); inp['lb2'] = jnp.zeros((H // 4,), jnp.float32)
    inp['Wh3'], inp['bh3'] = lin(18, H // 8, H // 4)
    inp['Wh4'], inp['bh4'] = lin(20, 1, H // 8)
    return inp

def reference(x, edge_index, W_in, b_in, g_in, be_in, W1, b1, g1, be1, W2, b2, g2, be2, W3, b3, g3, be3, W4, b4, g4, be4, W5, b5, g5, be5, Wh1, bh1, lg1, lb1, Wh2, bh2, lg2, lb2, Wh3, bh3, Wh4, bh4):
    n = jnp.arange(N, dtype=edge_index.dtype)
    src = jnp.concatenate([edge_index[0], n])
    dst = jnp.concatenate([edge_index[1], n])
    h = x @ W_in.T + b_in
    h = jax.nn.relu(_bn(h, g_in, be_in))
    h1 = jax.nn.relu(_bn(_gcn(h, src, dst, W1, b1), g1, be1))
    h2 = jax.nn.relu(_bn(_gcn(h1, src, dst, W2, b2), g2, be2)) + h1
    h3 = jax.nn.relu(_bn(_gcn(h2, src, dst, W3, b3), g3, be3))
    h4 = jax.nn.relu(_bn(_gcn(h3, src, dst, W4, b4), g4, be4)) + h3
    h5 = jax.nn.relu(_bn(_gcn(h4, src, dst, W5, b5), g5, be5))
    o = jax.nn.relu(_ln(h5 @ Wh1.T + bh1, lg1, lb1))
    o = jax.nn.relu(_ln(o @ Wh2.T + bh2, lg2, lb2))
    o = jax.nn.relu(o @ Wh3.T + bh3)
    o = o @ Wh4.T + bh4
    return o.squeeze(-1)

if __name__ == "__main__":
    import jax
    _d = setup_inputs()
    print(jax.jit(kernel)(*tuple(_d.values())))

</pallas_src>

<mosaic_0001>
#map = affine_map<(d0, d1) -> (0, 0, 0, 0)>
#map1 = affine_map<(d0, d1) -> (0, 0, 0)>
module attributes {stable_mosaic.version = 14 : i64} {
  func.func @deg(%arg0: i32, %arg1: i32, %arg2: memref<2x32x105x96xi32, #tpu.memory_space<hbm>>, %arg3: memref<2x10240x16xf32, #tpu.memory_space<hbm>>, %arg4: memref<105x96xi32, #tpu.memory_space<vmem>>, %arg5: memref<96x16xf32, #tpu.memory_space<vmem>>, %arg6: memref<160x16xf32, #tpu.memory_space<vmem>>, %arg7: memref<10240x16xf32, #tpu.memory_space<vmem_shared>>, %arg8: memref<!tpu.dma_semaphore, #tpu.memory_space<semaphore_mem>>) attributes {dimension_semantics = [#tpu.dimension_semantics<core_parallel>, #tpu.dimension_semantics<subcore_parallel>], iteration_bounds = array<i64: 2, 16>, scalar_prefetch = 0 : i64, scratch_operands = 5 : i64, tpu.core_type = #tpu.core_type<sc_vector_subcore>, window_params = [{transform_indices = #map}, {transform_indices = #map1}]} {
    %mul3A = arith.constant 16 : i32
    %mul3A_0 = arith.muli %arg0, %mul3A : i32
    %add3A = arith.addi %mul3A_0, %arg1 : i32
    %run_scoped3A = arith.constant 1 : i32
    "tpu.region"() ({
      %run_scoped3A_36 = tpu.sem_alloc : memref<!tpu.dma_semaphore, #tpu.memory_space<semaphore_mem>>
      %dma_start3A = arith.constant 0 : i32
      %dma_start3A_37 = arith.constant 0 : i32
      %dma_start3A_38 = tpu.memref_slice %arg2[%run_scoped3A, %add3A, %dma_start3A, %dma_start3A_37] : memref<2x32x105x96xi32, #tpu.memory_space<hbm>> -> memref<1x1x105x96xi32, #tpu.memory_space<hbm>>
      %dma_start3A_39 = tpu.memref_squeeze %dma_start3A_38 : memref<1x1x105x96xi32, #tpu.memory_space<hbm>> -> memref<105x96xi32, #tpu.memory_space<hbm>>
      %dma_start3A_40 = arith.constant 0 : i32
      %dma_start3A_41 = arith.constant 0 : i32
      %dma_start3A_42 = tpu.memref_slice %arg2[%run_scoped3A, %add3A, %dma_start3A_40, %dma_start3A_41] : memref<2x32x105x96xi32, #tpu.memory_space<hbm>> -> memref<1x1x105x96xi32, #tpu.memory_space<hbm>>
      %dma_start3A_43 = tpu.memref_squeeze %dma_start3A_42 : memref<1x1x105x96xi32, #tpu.memory_space<hbm>> -> memref<105x96xi32, #tpu.memory_space<hbm>>
      tpu.enqueue_dma source(%dma_start3A_43 : memref<105x96xi32, #tpu.memory_space<hbm>>) target(%arg4 : memref<105x96xi32, #tpu.memory_space<vmem>>) target_semaphore(%run_scoped3A_36 : memref<!tpu.dma_semaphore, #tpu.memory_space<semaphore_mem>>)
      %dma_wait3A = arith.constant 0 : i32
      %dma_wait3A_44 = arith.constant 0 : i32
      %dma_wait3A_45 = tpu.memref_slice %arg2[%run_scoped3A, %add3A, %dma_wait3A, %dma_wait3A_44] : memref<2x32x105x96xi32, #tpu.memory_space<hbm>> -> memref<1x1x105x96xi32, #tpu.memory_space<hbm>>
      %dma_wait3A_46 = tpu.memref_squeeze %dma_wait3A_45 : memref<1x1x105x96xi32, #tpu.memory_space<hbm>> -> memref<105x96xi32, #tpu.memory_space<hbm>>
      %dma_wait3A_47 = arith.constant 0 : i32
      %dma_wait3A_48 = arith.constant 0 : i32
      %dma_wait3A_49 = tpu.memref_slice %arg2[%run_scoped3A, %add3A, %dma_wait3A_47, %dma_wait3A_48] : memref<2x32x105x96xi32, #tpu.memory_space<hbm>> -> memref<1x1x105x96xi32, #tpu.memory_space<hbm>>
      %dma_wait3A_50 = tpu.memref_squeeze %dma_wait3A_49 : memref<1x1x105x96xi32, #tpu.memory_space<hbm>> -> memref<105x96xi32, #tpu.memory_space<hbm>>
      tpu.wait_dma2 semaphore(%run_scoped3A_36 : memref<!tpu.dma_semaphore, #tpu.memory_space<semaphore_mem>>) src(%dma_wait3A_50 : memref<105x96xi32, #tpu.memory_space<hbm>>) dst(%arg4 : memref<105x96xi32, #tpu.memory_space<vmem>>)
      tpu.yield
    }) : () -> ()
    %scan3A = arith.constant 0 : i32
    %scan3A_1 = arith.constant 96 : i32
    %scan3A_2 = arith.addi %scan3A, %scan3A_1 : i32
    %scan3A_3 = arith.constant 1 : i32
    scf.for %scan3A_36 = %scan3A to %scan3A_2 step %scan3A_3  : i32 {
      %mul3A_37 = arith.constant 1 : i32
      %mul3A_38 = arith.muli %scan3A_36, %mul3A_37 : i32
      %add3A_39 = arith.constant 0 : i32
      %add3A_40 = arith.addi %add3A_39, %mul3A_38 : i32
      %broadcast_in_dim3A = arith.constant 1.000000e+00 : f32
      %broadcast_in_dim3A_41 = vector.broadcast %broadcast_in_dim3A : f32 to vector<16xf32>
      %swap3A = arith.index_cast %add3A_40 : i32 to index
      %swap3A_42 = arith.constant 0 : index
      %swap3A_43 = tpu.vector_load %arg5[%swap3A, %swap3A_42] {strides = array<i32>} : memref<96x16xf32, #tpu.memory_space<vmem>>, vector<16xf32>,
      tpu.vector_store %arg5[%swap3A, %swap3A_42], %broadcast_in_dim3A_41 {strides = array<i32>} : memref<96x16xf32, #tpu.memory_space<vmem>>, vector<16xf32>,
    }
    %scan3A_4 = arith.constant 96 : i32
    %scan3A_5 = arith.constant 0 : i32
    %scan3A_6 = arith.constant 160 : i32
    %scan3A_7 = arith.addi %scan3A_5, %scan3A_6 : i32
    %scan3A_8 = arith.constant 1 : i32
    scf.for %scan3A_36 = %scan3A_5 to %scan3A_7 step %scan3A_8  : i32 {
      %mul3A_37 = arith.constant 1 : i32
      %mul3A_38 = arith.muli %scan3A_36, %mul3A_37 : i32
      %add3A_39 = arith.constant 0 : i32
      %add3A_40 = arith.addi %add3A_39, %mul3A_38 : i32
      %broadcast_in_dim3A = arith.constant 0.000000e+00 : f32
      %broadcast_in_dim3A_41 = vector.broadcast %broadcast_in_dim3A : f32 to vector<16xf32>
      %swap3A = arith.index_cast %add3A_40 : i32 to index
      %swap3A_42 = arith.constant 0 : index
      %swap3A_43 = tpu.vector_load %arg6[%swap3A, %swap3A_42] {strides = array<i32>} : memref<160x16xf32, #tpu.memory_space<vmem>>, vector<16xf32>,
      tpu.vector_store %arg6[%swap3A, %swap3A_42], %broadcast_in_dim3A_41 {strides = array<i32>} : memref<160x16xf32, #tpu.memory_space<vmem>>, vector<16xf32>,
    }
    %scan3A_9 = arith.constant 160 : i32
    %mul3A_10 = arith.constant 640 : i32
    %mul3A_11 = arith.muli %arg1, %mul3A_10 : i32
    %add3A_12 = arith.constant 0 : i32
    %add3A_13 = arith.addi %mul3A_11, %add3A_12 : i32
    "tpu.region"() ({
      %run_scoped3A_36 = tpu.sem_alloc : memref<!tpu.dma_semaphore, #tpu.memory_space<semaphore_mem>>
      %dma_start3A = arith.constant 0 : i32
      %dma_start3A_37 = tpu.memref_slice %arg7[%add3A_13, %dma_start3A] : memref<10240x16xf32, #tpu.memory_space<vmem_shared>> -> memref<160x16xf32, #tpu.memory_space<vmem_shared>>
      %dma_start3A_38 = arith.constant 0 : i32
      %dma_start3A_39 = tpu.memref_slice %arg7[%add3A_13, %dma_start3A_38] : memref<10240x16xf32, #tpu.memory_space<vmem_shared>> -> memref<160x16xf32, #tpu.memory_space<vmem_shared>>
      tpu.enqueue_dma source(%arg6 : memref<160x16xf32, #tpu.memory_space<vmem>>) target(%dma_start3A_39 : memref<160x16xf32, #tpu.memory_space<vmem_shared>>) target_semaphore(%run_scoped3A_36 : memref<!tpu.dma_semaphore, #tpu.memory_space<semaphore_mem>>)
      %dma_wait3A = arith.constant 0 : i32
      %dma_wait3A_40 = tpu.memref_slice %arg7[%add3A_13, %dma_wait3A] : memref<10240x16xf32, #tpu.memory_space<vmem_shared>> -> memref<160x16xf32, #tpu.memory_space<vmem_shared>>
      %dma_wait3A_41 = arith.constant 0 : i32
      %dma_wait3A_42 = tpu.memref_slice %arg7[%add3A_13, %dma_wait3A_41] : memref<10240x16xf32, #tpu.memory_space<vmem_shared>> -> memref<160x16xf32, #tpu.memory_space<vmem_shared>>
      tpu.wait_dma2 semaphore(%run_scoped3A_36 : memref<!tpu.dma_semaphore, #tpu.memory_space<semaphore_mem>>) src(%arg6 : memref<160x16xf32, #tpu.memory_space<vmem>>) dst(%dma_wait3A_42 : memref<160x16xf32, #tpu.memory_space<vmem_shared>>)
      tpu.yield
    }) : () -> ()
    %mul3A_14 = arith.constant 640 : i32
    %mul3A_15 = arith.muli %arg1, %mul3A_14 : i32
    %add3A_16 = arith.constant 160 : i32
    %add3A_17 = arith.addi %mul3A_15, %add3A_16 : i32
    "tpu.region"() ({
      %run_scoped3A_36 = tpu.sem_alloc : memref<!tpu.dma_semaphore, #tpu.memory_space<semaphore_mem>>
      %dma_start3A = arith.constant 0 : i32
      %dma_start3A_37 = tpu.memref_slice %arg7[%add3A_17, %dma_start3A] : memref<10240x16xf32, #tpu.memory_space<vmem_shared>> -> memref<160x16xf32, #tpu.memory_space<vmem_shared>>
      %dma_start3A_38 = arith.constant 0 : i32
      %dma_start3A_39 = tpu.memref_slice %arg7[%add3A_17, %dma_start3A_38] : memref<10240x16xf32, #tpu.memory_space<vmem_shared>> -> memref<160x16xf32, #tpu.memory_space<vmem_shared>>
      tpu.enqueue_dma source(%arg6 : memref<160x16xf32, #tpu.memory_space<vmem>>) target(%dma_start3A_39 : memref<160x16xf32, #tpu.memory_space<vmem_shared>>) target_semaphore(%run_scoped3A_36 : memref<!tpu.dma_semaphore, #tpu.memory_space<semaphore_mem>>)
      %dma_wait3A = arith.constant 0 : i32
      %dma_wait3A_40 = tpu.memref_slice %arg7[%add3A_17, %dma_wait3A] : memref<10240x16xf32, #tpu.memory_space<vmem_shared>> -> memref<160x16xf32, #tpu.memory_space<vmem_shared>>
      %dma_wait3A_41 = arith.constant 0 : i32
      %dma_wait3A_42 = tpu.memref_slice %arg7[%add3A_17, %dma_wait3A_41] : memref<10240x16xf32, #tpu.memory_space<vmem_shared>> -> memref<160x16xf32, #tpu.memory_space<vmem_shared>>
      tpu.wait_dma2 semaphore(%run_scoped3A_36 : memref<!tpu.dma_semaphore, #tpu.memory_space<semaphore_mem>>) src(%arg6 : memref<160x16xf32, #tpu.memory_space<vmem>>) dst(%dma_wait3A_42 : memref<160x16xf32, #tpu.memory_space<vmem_shared>>)
      tpu.yield
    }) : () -> ()
    %mul3A_18 = arith.constant 640 : i32
    %mul3A_19 = arith.muli %arg1, %mul3A_18 : i32
    %add3A_20 = arith.constant 320 : i32
    %add3A_21 = arith.addi %mul3A_19, %add3A_20 : i32
    "tpu.region"() ({
      %run_scoped3A_36 = tpu.sem_alloc : memref<!tpu.dma_semaphore, #tpu.memory_space<semaphore_mem>>
      %dma_start3A = arith.constant 0 : i32
      %dma_start3A_37 = tpu.memref_slice %arg7[%add3A_21, %dma_start3A] : memref<10240x16xf32, #tpu.memory_space<vmem_shared>> -> memref<160x16xf32, #tpu.memory_space<vmem_shared>>
      %dma_start3A_38 = arith.constant 0 : i32
      %dma_start3A_39 = tpu.memref_slice %arg7[%add3A_21, %dma_start3A_38] : memref<10240x16xf32, #tpu.memory_space<vmem_shared>> -> memref<160x16xf32, #tpu.memory_space<vmem_shared>>
      tpu.enqueue_dma source(%arg6 : memref<160x16xf32, #tpu.memory_space<vmem>>) target(%dma_start3A_39 : memref<160x16xf32, #tpu.memory_space<vmem_shared>>) target_semaphore(%run_scoped3A_36 : memref<!tpu.dma_semaphore, #tpu.memory_space<semaphore_mem>>)
      %dma_wait3A = arith.constant 0 : i32
      %dma_wait3A_40 = tpu.memref_slice %arg7[%add3A_21, %dma_wait3A] : memref<10240x16xf32, #tpu.memory_space<vmem_shared>> -> memref<160x16xf32, #tpu.memory_space<vmem_shared>>
      %dma_wait3A_41 = arith.constant 0 : i32
      %dma_wait3A_42 = tpu.memref_slice %arg7[%add3A_21, %dma_wait3A_41] : memref<10240x16xf32, #tpu.memory_space<vmem_shared>> -> memref<160x16xf32, #tpu.memory_space<vmem_shared>>
      tpu.wait_dma2 semaphore(%run_scoped3A_36 : memref<!tpu.dma_semaphore, #tpu.memory_space<semaphore_mem>>) src(%arg6 : memref<160x16xf32, #tpu.memory_space<vmem>>) dst(%dma_wait3A_42 : memref<160x16xf32, #tpu.memory_space<vmem_shared>>)
      tpu.yield
    }) : () -> ()
    %mul3A_22 = arith.constant 640 : i32
    %mul3A_23 = arith.muli %arg1, %mul3A_22 : i32
    %add3A_24 = arith.constant 480 : i32
    %add3A_25 = arith.addi %mul3A_23, %add3A_24 : i32
    "tpu.region"() ({
      %run_scoped3A_36 = tpu.sem_alloc : memref<!tpu.dma_semaphore, #tpu.memory_space<semaphore_mem>>
      %dma_start3A = arith.constant 0 : i32
      %dma_start3A_37 = tpu.memref_slice %arg7[%add3A_25, %dma_start3A] : memref<10240x16xf32, #tpu.memory_space<vmem_shared>> -> memref<160x16xf32, #tpu.memory_space<vmem_shared>>
      %dma_start3A_38 = arith.constant 0 : i32
      %dma_start3A_39 = tpu.memref_slice %arg7[%add3A_25, %dma_start3A_38] : memref<10240x16xf32, #tpu.memory_space<vmem_shared>> -> memref<160x16xf32, #tpu.memory_space<vmem_shared>>
      tpu.enqueue_dma source(%arg6 : memref<160x16xf32, #tpu.memory_space<vmem>>) target(%dma_start3A_39 : memref<160x16xf32, #tpu.memory_space<vmem_shared>>) target_semaphore(%run_scoped3A_36 : memref<!tpu.dma_semaphore, #tpu.memory_space<semaphore_mem>>)
      %dma_wait3A = arith.constant 0 : i32
      %dma_wait3A_40 = tpu.memref_slice %arg7[%add3A_25, %dma_wait3A] : memref<10240x16xf32, #tpu.memory_space<vmem_shared>> -> memref<160x16xf32, #tpu.memory_space<vmem_shared>>
      %dma_wait3A_41 = arith.constant 0 : i32
      %dma_wait3A_42 = tpu.memref_slice %arg7[%add3A_25, %dma_wait3A_41] : memref<10240x16xf32, #tpu.memory_space<vmem_shared>> -> memref<160x16xf32, #tpu.memory_space<vmem_shared>>
      tpu.wait_dma2 semaphore(%run_scoped3A_36 : memref<!tpu.dma_semaphore, #tpu.memory_space<semaphore_mem>>) src(%arg6 : memref<160x16xf32, #tpu.memory_space<vmem>>) dst(%dma_wait3A_42 : memref<160x16xf32, #tpu.memory_space<vmem_shared>>)
      tpu.yield
    }) : () -> ()
    %barrier3A = arith.constant 0 : index
    tpu.barrier barrier_id(%barrier3A)
    %scan3A_26 = arith.constant 0 : i32
    %scan3A_27 = arith.constant 105 : i32
    %scan3A_28 = arith.addi %scan3A_26, %scan3A_27 : i32
    %scan3A_29 = arith.constant 1 : i32
    scf.for %scan3A_36 = %scan3A_26 to %scan3A_28 step %scan3A_29  : i32 {
      %mul3A_37 = arith.constant 1 : i32
      %mul3A_38 = arith.muli %scan3A_36, %mul3A_37 : i32
      %add3A_39 = arith.constant 0 : i32
      %add3A_40 = arith.addi %add3A_39, %mul3A_38 : i32
      "tpu.region"() ({
        %run_scoped3A_41 = tpu.sem_alloc : memref<!tpu.dma_semaphore, #tpu.memory_space<semaphore_mem>>
        %dma_start3A = arith.constant 0 : i32
        %dma_start3A_42 = tpu.memref_slice %arg4[%add3A_40, %dma_start3A] : memref<105x96xi32, #tpu.memory_space<vmem>> -> memref<1x96xi32, #tpu.memory_space<vmem>>
        %dma_start3A_43 = tpu.memref_squeeze %dma_start3A_42 : memref<1x96xi32, #tpu.memory_space<vmem>> -> memref<96xi32, #tpu.memory_space<vmem>>
        %dma_start3A_44 = arith.constant 0 : i32
        %dma_start3A_45 = arith.constant 0 : i32
        %dma_start3A_46 = tpu.memref_slice %arg7[%dma_start3A_44, %dma_start3A_45] : memref<10240x16xf32, #tpu.memory_space<vmem_shared>> -> memref<10240x16xf32, #tpu.memory_space<vmem_shared>>
        tpu.enqueue_indirect_dma source(%arg5 : memref<96x16xf32, #tpu.memory_space<vmem>>) target(%dma_start3A_46 : memref<10240x16xf32, #tpu.memory_space<vmem_shared>>) offsets(%dma_start3A_43 : memref<96xi32, #tpu.memory_space<vmem>>) semaphore(%run_scoped3A_41 : memref<!tpu.dma_semaphore, #tpu.memory_space<semaphore_mem>>) {add = true}
        %dma_wait3A = arith.constant 0 : i32
        %dma_wait3A_47 = tpu.memref_slice %arg4[%add3A_40, %dma_wait3A] : memref<105x96xi32, #tpu.memory_space<vmem>> -> memref<1x96xi32, #tpu.memory_space<vmem>>
        %dma_wait3A_48 = tpu.memref_squeeze %dma_wait3A_47 : memref<1x96xi32, #tpu.memory_space<vmem>> -> memref<96xi32, #tpu.memory_space<vmem>>
        %dma_wait3A_49 = arith.constant 0 : i32
        %dma_wait3A_50 = arith.constant 0 : i32
        %dma_wait3A_51 = tpu.memref_slice %arg7[%dma_wait3A_49, %dma_wait3A_50] : memref<10240x16xf32, #tpu.memory_space<vmem_shared>> -> memref<10240x16xf32, #tpu.memory_space<vmem_shared>>
        tpu.wait_indirect_dma semaphore(%run_scoped3A_41 : memref<!tpu.dma_semaphore, #tpu.memory_space<semaphore_mem>>) src(%arg5 : memref<96x16xf32, #tpu.memory_space<vmem>>) dst(%dma_wait3A_51 : memref<10240x16xf32, #tpu.memory_space<vmem_shared>>)
        tpu.yield
      }) : () -> ()
    }
    %scan3A_30 = arith.constant 105 : i32
    %barrier3A_31 = arith.constant 0 : index
    tpu.barrier barrier_id(%barrier3A_31)
    %mul3A_32 = arith.constant 640 : i32
    %mul3A_33 = arith.muli %arg1, %mul3A_32 : i32
    %mul3A_34 = arith.constant 640 : i32
    %mul3A_35 = arith.muli %arg1, %mul3A_34 : i32
    "tpu.region"() ({
      %run_scoped3A_36 = tpu.sem_alloc : memref<!tpu.dma_semaphore, #tpu.memory_space<semaphore_mem>>
      %dma_start3A = arith.constant 0 : i32
      %dma_start3A_37 = tpu.memref_slice %arg3[%arg0, %mul3A_35, %dma_start3A] : memref<2x10240x16xf32, #tpu.memory_space<hbm>> -> memref<1x640x16xf32, #tpu.memory_space<hbm>>
      %dma_start3A_38 = tpu.memref_squeeze %dma_start3A_37 : memref<1x640x16xf32, #tpu.memory_space<hbm>> -> memref<640x16xf32, #tpu.memory_space<hbm>>
      %dma_start3A_39 = arith.constant 0 : i32
      %dma_start3A_40 = tpu.memref_slice %arg7[%mul3A_33, %dma_start3A_39] : memref<10240x16xf32, #tpu.memory_space<vmem_shared>> -> memref<640x16xf32, #tpu.memory_space<vmem_shared>>
      tpu.enqueue_dma source(%dma_start3A_40 : memref<640x16xf32, #tpu.memory_space<vmem_shared>>) target(%dma_start3A_38 : memref<640x16xf32, #tpu.memory_space<hbm>>) target_semaphore(%run_scoped3A_36 : memref<!tpu.dma_semaphore, #tpu.memory_space<semaphore_mem>>)
      %dma_wait3A = arith.constant 0 : i32
      %dma_wait3A_41 = tpu.memref_slice %arg3[%arg0, %mul3A_35, %dma_wait3A] : memref<2x10240x16xf32, #tpu.memory_space<hbm>> -> memref<1x640x16xf32, #tpu.memory_space<hbm>>
      %dma_wait3A_42 = tpu.memref_squeeze %dma_wait3A_41 : memref<1x640x16xf32, #tpu.memory_space<hbm>> -> memref<640x16xf32, #tpu.memory_space<hbm>>
      %dma_wait3A_43 = arith.constant 0 : i32
      %dma_wait3A_44 = tpu.memref_slice %arg7[%mul3A_33, %dma_wait3A_43] : memref<10240x16xf32, #tpu.memory_space<vmem_shared>> -> memref<640x16xf32, #tpu.memory_space<vmem_shared>>
      tpu.wait_dma2 semaphore(%run_scoped3A_36 : memref<!tpu.dma_semaphore, #tpu.memory_space<semaphore_mem>>) src(%dma_wait3A_44 : memref<640x16xf32, #tpu.memory_space<vmem_shared>>) dst(%dma_wait3A_42 : memref<640x16xf32, #tpu.memory_space<hbm>>)
      tpu.yield
    }) : () -> ()
    return
  }
}

#map = affine_map<(d0, d1) -> (0, 0)>
#map1 = affine_map<(d0, d1) -> (0, 0, 0, 0)>
#map2 = affine_map<(d0, d1) -> (0)>
#map3 = affine_map<(d0, d1) -> (0, 0, 0)>
module attributes {stable_mosaic.version = 14 : i64} {
  func.func @agg(%arg0: i32, %arg1: i32, %arg2: memref<20480x128xf32, #tpu.memory_space<hbm>>, %arg3: memref<2x32x105x96xi32, #tpu.memory_space<hbm>>, %arg4: memref<16xi32, #tpu.memory_space<hbm>>, %arg5: memref<16xi32, #tpu.memory_space<hbm>>, %arg6: memref<2x3840x128xf32, #tpu.memory_space<hbm>>, %arg7: memref<2x3840x128xf32, #tpu.memory_space<hbm>>, %arg8: memref<105x96xi32, #tpu.memory_space<vmem>>, %arg9: memref<105x96xi32, #tpu.memory_space<vmem>>, %arg10: memref<96x128xf32, #tpu.memory_space<vmem>>, %arg11: memref<96x128xf32, #tpu.memory_space<vmem>>, %arg12: memref<96x128xf32, #tpu.memory_space<vmem>>, %arg13: memref<96x128xf32, #tpu.memory_space<vmem>>, %arg14: memref<96x128xf32, #tpu.memory_space<vmem>>, %arg15: memref<3840x128xf32, #tpu.memory_space<vmem_shared>>, %arg16: memref<16xi32, #tpu.memory_space<vmem>>, %arg17: memref<16xi32, #tpu.memory_space<vmem>>, %arg18: memref<!tpu.dma_semaphore, #tpu.memory_space<semaphore_mem>>, %arg19: memref<!tpu.dma_semaphore, #tpu.memory_space<semaphore_mem>>) attributes {dimension_semantics = [#tpu.dimension_semantics<core_parallel>, #tpu.dimension_semantics<subcore_parallel>], iteration_bounds = array<i64: 2, 16>, scalar_prefetch = 0 : i64, scratch_operands = 12 : i64, tpu.core_type = #tpu.core_type<sc_vector_subcore>, window_params = [{transform_indices = #map}, {transform_indices = #map1}, {transform_indices = #map2}, {transform_indices = #map2}, {transform_indices = #map3}, {transform_indices = #map3}]} {
    %mul3A = arith.constant 16 : i32
    %mul3A_0 = arith.muli %arg0, %mul3A : i32
    %add3A = arith.addi %mul3A_0, %arg1 : i32
    %run_scoped3A = arith.constant 0 : i32
    "tpu.region"() ({
      %run_scoped3A_42 = tpu.sem_alloc : memref<!tpu.dma_semaphore, #tpu.memory_space<semaphore_mem>>
      %dma_start3A = arith.constant 0 : i32
      %dma_start3A_43 = arith.constant 0 : i32
      %dma_start3A_44 = tpu.memref_slice %arg3[%run_scoped3A, %add3A, %dma_start3A, %dma_start3A_43] : memref<2x32x105x96xi32, #tpu.memory_space<hbm>> -> memref<1x1x105x96xi32, #tpu.memory_space<hbm>>
      %dma_start3A_45 = tpu.memref_squeeze %dma_start3A_44 : memref<1x1x105x96xi32, #tpu.memory_space<hbm>> -> memref<105x96xi32, #tpu.memory_space<hbm>>
      %dma_start3A_46 = arith.constant 0 : i32
      %dma_start3A_47 = arith.constant 0 : i32
      %dma_start3A_48 = tpu.memref_slice %arg3[%run_scoped3A, %add3A, %dma_start3A_46, %dma_start3A_47] : memref<2x32x105x96xi32, #tpu.memory_space<hbm>> -> memref<1x1x105x96xi32, #tpu.memory_space<hbm>>
      %dma_start3A_49 = tpu.memref_squeeze %dma_start3A_48 : memref<1x1x105x96xi32, #tpu.memory_space<hbm>> -> memref<105x96xi32, #tpu.memory_space<hbm>>
      tpu.enqueue_dma source(%dma_start3A_49 : memref<105x96xi32, #tpu.memory_space<hbm>>) target(%arg8 : memref<105x96xi32, #tpu.memory_space<vmem>>) target_semaphore(%run_scoped3A_42 : memref<!tpu.dma_semaphore, #tpu.memory_space<semaphore_mem>>)
      %dma_wait3A = arith.constant 0 : i32
      %dma_wait3A_50 = arith.constant 0 : i32
      %dma_wait3A_51 = tpu.memref_slice %arg3[%run_scoped3A, %add3A, %dma_wait3A, %dma_wait3A_50] : memref<2x32x105x96xi32, #tpu.memory_space<hbm>> -> memref<1x1x105x96xi32, #tpu.memory_space<hbm>>
      %dma_wait3A_52 = tpu.memref_squeeze %dma_wait3A_51 : memref<1x1x105x96xi32, #tpu.memory_space<hbm>> -> memref<105x96xi32, #tpu.memory_space<hbm>>
      %dma_wait3A_53 = arith.constant 0 : i32
      %dma_wait3A_54 = arith.constant 0 : i32
      %dma_wait3A_55 = tpu.memref_slice %arg3[%run_scoped3A, %add3A, %dma_wait3A_53, %dma_wait3A_54] : memref<2x32x105x96xi32, #tpu.memory_space<hbm>> -> memref<1x1x105x96xi32, #tpu.memory_space<hbm>>
      %dma_wait3A_56 = tpu.memref_squeeze %dma_wait3A_55 : memref<1x1x105x96xi32, #tpu.memory_space<hbm>> -> memref<105x96xi32, #tpu.memory_space<hbm>>
      tpu.wait_dma2 semaphore(%run_scoped3A_42 : memref<!tpu.dma_semaphore, #tpu.memory_space<semaphore_mem>>) src(%dma_wait3A_56 : memref<105x96xi32, #tpu.memory_space<hbm>>) dst(%arg8 : memref<105x96xi32, #tpu.memory_space<vmem>>)
      tpu.yield
    }) : () -> ()
    %run_scoped3A_1 = arith.constant 1 : i32
    "tpu.region"() ({
      %run_scoped3A_42 = tpu.sem_alloc : memref<!tpu.dma_semaphore, #tpu.memory_space<semaphore_mem>>
      %dma_start3A = arith.constant 0 : i32
      %dma_start3A_43 = arith.constant 0 : i32
      %dma_start3A_44 = tpu.memref_slice %arg3[%run_scoped3A_1, %add3A, %dma_start3A, %dma_start3A_43] : memref<2x32x105x96xi32, #tpu.memory_space<hbm>> -> memref<1x1x105x96xi32, #tpu.memory_space<hbm>>
      %dma_start3A_45 = tpu.memref_squeeze %dma_start3A_44 : memref<1x1x105x96xi32, #tpu.memory_space<hbm>> -> memref<105x96xi32, #tpu.memory_space<hbm>>
      %dma_start3A_46 = arith.constant 0 : i32
      %dma_start3A_47 = arith.constant 0 : i32
      %dma_start3A_48 = tpu.memref_slice %arg3[%run_scoped3A_1, %add3A, %dma_start3A_46, %dma_start3A_47] : memref<2x32x105x96xi32, #tpu.memory_space<hbm>> -> memref<1x1x105x96xi32, #tpu.memory_space<hbm>>
      %dma_start3A_49 = tpu.memref_squeeze %dma_start3A_48 : memref<1x1x105x96xi32, #tpu.memory_space<hbm>> -> memref<105x96xi32, #tpu.memory_space<hbm>>
      tpu.enqueue_dma source(%dma_start3A_49 : memref<105x96xi32, #tpu.memory_space<hbm>>) target(%arg9 : memref<105x96xi32, #tpu.memory_space<vmem>>) target_semaphore(%run_scoped3A_42 : memref<!tpu.dma_semaphore, #tpu.memory_space<semaphore_mem>>)
      %dma_wait3A = arith.constant 0 : i32
      %dma_wait3A_50 = arith.constant 0 : i32
      %dma_wait3A_51 = tpu.memref_slice %arg3[%run_scoped3A_1, %add3A, %dma_wait3A, %dma_wait3A_50] : memref<2x32x105x96xi32, #tpu.memory_space<hbm>> -> memref<1x1x105x96xi32, #tpu.memory_space<hbm>>
      %dma_wait3A_52 = tpu.memref_squeeze %dma_wait3A_51 : memref<1x1x105x96xi32, #tpu.memory_space<hbm>> -> memref<105x96xi32, #tpu.memory_space<hbm>>
      %dma_wait3A_53 = arith.constant 0 : i32
      %dma_wait3A_54 = arith.constant 0 : i32
      %dma_wait3A_55 = tpu.memref_slice %arg3[%run_scoped3A_1, %add3A, %dma_wait3A_53, %dma_wait3A_54] : memref<2x32x105x96xi32, #tpu.memory_space<hbm>> -> memref<1x1x105x96xi32, #tpu.memory_space<hbm>>
      %dma_wait3A_56 = tpu.memref_squeeze %dma_wait3A_55 : memref<1x1x105x96xi32, #tpu.memory_space<hbm>> -> memref<105x96xi32, #tpu.memory_space<hbm>>
      tpu.wait_dma2 semaphore(%run_scoped3A_42 : memref<!tpu.dma_semaphore, #tpu.memory_space<semaphore_mem>>) src(%dma_wait3A_56 : memref<105x96xi32, #tpu.memory_space<hbm>>) dst(%arg9 : memref<105x96xi32, #tpu.memory_space<vmem>>)
      tpu.yield
    }) : () -> ()
    "tpu.region"() ({
      %run_scoped3A_42 = tpu.sem_alloc : memref<!tpu.dma_semaphore, #tpu.memory_space<semaphore_mem>>
      tpu.enqueue_dma source(%arg4 : memref<16xi32, #tpu.memory_space<hbm>>) target(%arg16 : memref<16xi32, #tpu.memory_space<vmem>>) target_semaphore(%run_scoped3A_42 : memref<!tpu.dma_semaphore, #tpu.memory_space<semaphore_mem>>)
      tpu.wait_dma2 semaphore(%run_scoped3A_42 : memref<!tpu.dma_semaphore, #tpu.memory_space<semaphore_mem>>) src(%arg4 : memref<16xi32, #tpu.memory_space<hbm>>) dst(%arg16 : memref<16xi32, #tpu.memory_space<vmem>>)
      tpu.yield
    }) : () -> ()
    "tpu.region"() ({
      %run_scoped3A_42 = tpu.sem_alloc : memref<!tpu.dma_semaphore, #tpu.memory_space<semaphore_mem>>
      tpu.enqueue_dma source(%arg5 : memref<16xi32, #tpu.memory_space<hbm>>) target(%arg17 : memref<16xi32, #tpu.memory_space<vmem>>) target_semaphore(%run_scoped3A_42 : memref<!tpu.dma_semaphore, #tpu.memory_space<semaphore_mem>>)
      tpu.wait_dma2 semaphore(%run_scoped3A_42 : memref<!tpu.dma_semaphore, #tpu.memory_space<semaphore_mem>>) src(%arg5 : memref<16xi32, #tpu.memory_space<hbm>>) dst(%arg17 : memref<16xi32, #tpu.memory_space<vmem>>)
      tpu.yield
    }) : () -> ()
    %get3A = arith.constant 0 : index
    %get3A_2 = tpu.vector_load %arg17[%get3A] {strides = array<i32>} : memref<16xi32, #tpu.memory_space<vmem>>, vector<16xi32>,
    %reduce_max3A = arith.constant true
    %reduce_max3A_3 = vector.broadcast %reduce_max3A : i1 to vector<16xi1>
    %reduce_max3A_4 = arith.constant -2147483648 : i32
    %reduce_max3A_5 = vector.broadcast %reduce_max3A_4 : i32 to vector<16xi32>
    %reduce_max3A_6 = arith.xori %get3A_2, %reduce_max3A_5 : vector<16xi32>
    %reduce_max3A_7 = tpu.scan <max>, %reduce_max3A_6 masked %reduce_max3A_3 : vector<16xi32>, vector<16xi1> -> vector<16xi32>
    %reduce_max3A_8 = arith.xori %reduce_max3A_7, %reduce_max3A_5 : vector<16xi32>
    %reduce_max3A_9 = vector.extract %reduce_max3A_8[15] : i32 from vector<16xi32>
    %scan3A = arith.constant 0 : i32
    %scan3A_10 = arith.constant 105 : i32
    %scan3A_11 = arith.addi %scan3A, %scan3A_10 : i32
    %scan3A_12 = arith.constant 1 : i32
    scf.for %scan3A_42 = %scan3A to %scan3A_11 step %scan3A_12  : i32 {
      %mul3A_43 = arith.constant 1 : i32
      %mul3A_44 = arith.muli %scan3A_42, %mul3A_43 : i32
      %add3A_45 = arith.constant 0 : i32
      %add3A_46 = arith.addi %add3A_45, %mul3A_44 : i32
      %get3A_47 = arith.index_cast %add3A_46 : i32 to index
      %get3A_48 = arith.constant 0 : index
      %get3A_49 = tpu.vector_load %arg8[%get3A_47, %get3A_48] {strides = array<i32>} : memref<105x96xi32, #tpu.memory_space<vmem>>, vector<16xi32>,
      %get3A_50 = arith.index_cast %add3A_46 : i32 to index
      %get3A_51 = arith.constant 0 : index
      %get3A_52 = tpu.vector_load %arg9[%get3A_50, %get3A_51] {strides = array<i32>} : memref<105x96xi32, #tpu.memory_space<vmem>>, vector<16xi32>,
      %sub3A_53 = vector.broadcast %reduce_max3A_9 : i32 to vector<16xi32>
      %sub3A_54 = arith.subi %get3A_52, %sub3A_53 : vector<16xi32>
      %ge3A = vector.broadcast %reduce_max3A_9 : i32 to vector<16xi32>
      %ge3A_55 = arith.cmpi sge, %get3A_52, %ge3A : vector<16xi32>
      %lt3A = arith.constant 3840 : i32
      %lt3A_56 = vector.broadcast %lt3A : i32 to vector<16xi32>
      %lt3A_57 = arith.cmpi slt, %sub3A_54, %lt3A_56 : vector<16xi32>
      %and3A = arith.andi %ge3A_55, %lt3A_57 : vector<16xi1>
      %and3A_58 = arith.constant 127 : i32
      %and3A_59 = vector.broadcast %and3A_58 : i32 to vector<16xi32>
      %and3A_60 = arith.andi %get3A_49, %and3A_59 : vector<16xi32>
      %add3A_61 = arith.constant 10000 : i32
      %add3A_62 = vector.broadcast %add3A_61 : i32 to vector<16xi32>
      %add3A_63 = arith.addi %add3A_62, %and3A_60 : vector<16xi32>
      %select_n3A = arith.select %and3A, %get3A_49, %add3A_63 : vector<16xi1>, vector<16xi32>
      %swap3A = arith.index_cast %add3A_46 : i32 to index
      %swap3A_64 = arith.constant 0 : index
      %swap3A_65 = tpu.vector_load %arg8[%swap3A, %swap3A_64] {strides = array<i32>} : memref<105x96xi32, #tpu.memory_space<vmem>>, vector<16xi32>,
      tpu.vector_store %arg8[%swap3A, %swap3A_64], %select_n3A {strides = array<i32>} : memref<105x96xi32, #tpu.memory_space<vmem>>, vector<16xi32>,
      %and3A_66 = arith.constant 2047 : i32
      %and3A_67 = vector.broadcast %and3A_66 : i32 to vector<16xi32>
      %and3A_68 = arith.andi %get3A_52, %and3A_67 : vector<16xi32>
      %select_n3A_69 = arith.select %and3A, %sub3A_54, %and3A_68 : vector<16xi1>, vector<16xi32>
      %swap3A_70 = arith.index_cast %add3A_46 : i32 to index
      %swap3A_71 = arith.constant 0 : index
      %swap3A_72 = tpu.vector_load %arg9[%swap3A_70, %swap3A_71] {strides = array<i32>} : memref<105x96xi32, #tpu.memory_space<vmem>>, vector<16xi32>,
      tpu.vector_store %arg9[%swap3A_70, %swap3A_71], %select_n3A_69 {strides = array<i32>} : memref<105x96xi32, #tpu.memory_space<vmem>>, vector<16xi32>,
      %get3A_73 = arith.index_cast %add3A_46 : i32 to index
      %get3A_74 = arith.constant 16 : index
      %get3A_75 = tpu.vector_load %arg8[%get3A_73, %get3A_74] {strides = array<i32>} : memref<105x96xi32, #tpu.memory_space<vmem>>, vector<16xi32>,
      %get3A_76 = arith.index_cast %add3A_46 : i32 to index
      %get3A_77 = arith.constant 16 : index
      %get3A_78 = tpu.vector_load %arg9[%get3A_76, %get3A_77] {strides = array<i32>} : memref<105x96xi32, #tpu.memory_space<vmem>>, vector<16xi32>,
      %sub3A_79 = vector.broadcast %reduce_max3A_9 : i32 to vector<16xi32>
      %sub3A_80 = arith.subi %get3A_78, %sub3A_79 : vector<16xi32>
      %ge3A_81 = vector.broadcast %reduce_max3A_9 : i32 to vector<16xi32>
      %ge3A_82 = arith.cmpi sge, %get3A_78, %ge3A_81 : vector<16xi32>
      %lt3A_83 = arith.constant 3840 : i32
      %lt3A_84 = vector.broadcast %lt3A_83 : i32 to vector<16xi32>
      %lt3A_85 = arith.cmpi slt, %sub3A_80, %lt3A_84 : vector<16xi32>
      %and3A_86 = arith.andi %ge3A_82, %lt3A_85 : vector<16xi1>
      %and3A_87 = arith.constant 127 : i32
      %and3A_88 = vector.broadcast %and3A_87 : i32 to vector<16xi32>
      %and3A_89 = arith.andi %get3A_75, %and3A_88 : vector<16xi32>
      %add3A_90 = arith.constant 10000 : i32
      %add3A_91 = vector.broadcast %add3A_90 : i32 to vector<16xi32>
      %add3A_92 = arith.addi %add3A_91, %and3A_89 : vector<16xi32>
      %select_n3A_93 = arith.select %and3A_86, %get3A_75, %add3A_92 : vector<16xi1>, vector<16xi32>
      %swap3A_94 = arith.index_cast %add3A_46 : i32 to index
      %swap3A_95 = arith.constant 16 : index
      %swap3A_96 = tpu.vector_load %arg8[%swap3A_94, %swap3A_95] {strides = array<i32>} : memref<105x96xi32, #tpu.memory_space<vmem>>, vector<16xi32>,
      tpu.vector_store %arg8[%swap3A_94, %swap3A_95], %select_n3A_93 {strides = array<i32>} : memref<105x96xi32, #tpu.memory_space<vmem>>, vector<16xi32>,
      %and3A_97 = arith.constant 2047 : i32
      %and3A_98 = vector.broadcast %and3A_97 : i32 to vector<16xi32>
      %and3A_99 = arith.andi %get3A_78, %and3A_98 : vector<16xi32>
      %select_n3A_100 = arith.select %and3A_86, %sub3A_80, %and3A_99 : vector<16xi1>, vector<16xi32>
      %swap3A_101 = arith.index_cast %add3A_46 : i32 to index
      %swap3A_102 = arith.constant 16 : index
      %swap3A_103 = tpu.vector_load %arg9[%swap3A_101, %swap3A_102] {strides = array<i32>} : memref<105x96xi32, #tpu.memory_space<vmem>>, vector<16xi32>,
      tpu.vector_store %arg9[%swap3A_101, %swap3A_102], %select_n3A_100 {strides = array<i32>} : memref<105x96xi32, #tpu.memory_space<vmem>>, vector<16xi32>,
      %get3A_104 = arith.index_cast %add3A_46 : i32 to index
      %get3A_105 = arith.constant 32 : index
      %get3A_106 = tpu.vector_load %arg8[%get3A_104, %get3A_105] {strides = array<i32>} : memref<105x96xi32, #tpu.memory_space<vmem>>, vector<16xi32>,
      %get3A_107 = arith.index_cast %add3A_46 : i32 to index
      %get3A_108 = arith.constant 32 : index
      %get3A_109 = tpu.vector_load %arg9[%get3A_107, %get3A_108] {strides = array<i32>} : memref<105x96xi32, #tpu.memory_space<vmem>>, vector<16xi32>,
      %sub3A_110 = vector.broadcast %reduce_max3A_9 : i32 to vector<16xi32>
      %sub3A_111 = arith.subi %get3A_109, %sub3A_110 : vector<16xi32>
      %ge3A_112 = vector.broadcast %reduce_max3A_9 : i32 to vector<16xi32>
      %ge3A_113 = arith.cmpi sge, %get3A_109, %ge3A_112 : vector<16xi32>
      %lt3A_114 = arith.constant 3840 : i32
      %lt3A_115 = vector.broadcast %lt3A_114 : i32 to vector<16xi32>
      %lt3A_116 = arith.cmpi slt, %sub3A_111, %lt3A_115 : vector<16xi32>
      %and3A_117 = arith.andi %ge3A_113, %lt3A_116 : vector<16xi1>
      %and3A_118 = arith.constant 127 : i32
      %and3A_119 = vector.broadcast %and3A_118 : i32 to vector<16xi32>
      %and3A_120 = arith.andi %get3A_106, %and3A_119 : vector<16xi32>
      %add3A_121 = arith.constant 10000 : i32
      %add3A_122 = vector.broadcast %add3A_121 : i32 to vector<16xi32>
      %add3A_123 = arith.addi %add3A_122, %and3A_120 : vector<16xi32>
      %select_n3A_124 = arith.select %and3A_117, %get3A_106, %add3A_123 : vector<16xi1>, vector<16xi32>
      %swap3A_125 = arith.index_cast %add3A_46 : i32 to index
      %swap3A_126 = arith.constant 32 : index
      %swap3A_127 = tpu.vector_load %arg8[%swap3A_125, %swap3A_126] {strides = array<i32>} : memref<105x96xi32, #tpu.memory_space<vmem>>, vector<16xi32>,
      tpu.vector_store %arg8[%swap3A_125, %swap3A_126], %select_n3A_124 {strides = array<i32>} : memref<105x96xi32, #tpu.memory_space<vmem>>, vector<16xi32>,
      %and3A_128 = arith.constant 2047 : i32
      %and3A_129 = vector.broadcast %and3A_128 : i32 to vector<16xi32>
      %and3A_130 = arith.andi %get3A_109, %and3A_129 : vector<16xi32>
      %select_n3A_131 = arith.select %and3A_117, %sub3A_111, %and3A_130 : vector<16xi1>, vector<16xi32>
      %swap3A_132 = arith.index_cast %add3A_46 : i32 to index
      %swap3A_133 = arith.constant 32 : index
      %swap3A_134 = tpu.vector_load %arg9[%swap3A_132, %swap3A_133] {strides = array<i32>} : memref<105x96xi32, #tpu.memory_space<vmem>>, vector<16xi32>,
      tpu.vector_store %arg9[%swap3A_132, %swap3A_133], %select_n3A_131 {strides = array<i32>} : memref<105x96xi32, #tpu.memory_space<vmem>>, vector<16xi32>,
      %get3A_135 = arith.index_cast %add3A_46 : i32 to index
      %get3A_136 = arith.constant 48 : index
      %get3A_137 = tpu.vector_load %arg8[%get3A_135, %get3A_136] {strides = array<i32>} : memref<105x96xi32, #tpu.memory_space<vmem>>, vector<16xi32>,
      %get3A_138 = arith.index_cast %add3A_46 : i32 to index
      %get3A_139 = arith.constant 48 : index
      %get3A_140 = tpu.vector_load %arg9[%get3A_138, %get3A_139] {strides = array<i32>} : memref<105x96xi32, #tpu.memory_space<vmem>>, vector<16xi32>,
      %sub3A_141 = vector.broadcast %reduce_max3A_9 : i32 to vector<16xi32>
      %sub3A_142 = arith.subi %get3A_140, %sub3A_141 : vector<16xi32>
      %ge3A_143 = vector.broadcast %reduce_max3A_9 : i32 to vector<16xi32>
      %ge3A_144 = arith.cmpi sge, %get3A_140, %ge3A_143 : vector<16xi32>
      %lt3A_145 = arith.constant 3840 : i32
      %lt3A_146 = vector.broadcast %lt3A_145 : i32 to vector<16xi32>
      %lt3A_147 = arith.cmpi slt, %sub3A_142, %lt3A_146 : vector<16xi32>
      %and3A_148 = arith.andi %ge3A_144, %lt3A_147 : vector<16xi1>
      %and3A_149 = arith.constant 127 : i32
      %and3A_150 = vector.broadcast %and3A_149 : i32 to vector<16xi32>
      %and3A_151 = arith.andi %get3A_137, %and3A_150 : vector<16xi32>
      %add3A_152 = arith.constant 10000 : i32
      %add3A_153 = vector.broadcast %add3A_152 : i32 to vector<16xi32>
      %add3A_154 = arith.addi %add3A_153, %and3A_151 : vector<16xi32>
      %select_n3A_155 = arith.select %and3A_148, %get3A_137, %add3A_154 : vector<16xi1>, vector<16xi32>
      %swap3A_156 = arith.index_cast %add3A_46 : i32 to index
      %swap3A_157 = arith.constant 48 : index
      %swap3A_158 = tpu.vector_load %arg8[%swap3A_156, %swap3A_157] {strides = array<i32>} : memref<105x96xi32, #tpu.memory_space<vmem>>, vector<16xi32>,
      tpu.vector_store %arg8[%swap3A_156, %swap3A_157], %select_n3A_155 {strides = array<i32>} : memref<105x96xi32, #tpu.memory_space<vmem>>, vector<16xi32>,
      %and3A_159 = arith.constant 2047 : i32
      %and3A_160 = vector.broadcast %and3A_159 : i32 to vector<16xi32>
      %and3A_161 = arith.andi %get3A_140, %and3A_160 : vector<16xi32>
      %select_n3A_162 = arith.select %and3A_148, %sub3A_142, %and3A_161 : vector<16xi1>, vector<16xi32>
      %swap3A_163 = arith.index_cast %add3A_46 : i32 to index
      %swap3A_164 = arith.constant 48 : index
      %swap3A_165 = tpu.vector_load %arg9[%swap3A_163, %swap3A_164] {strides = array<i32>} : memref<105x96xi32, #tpu.memory_space<vmem>>, vector<16xi32>,
      tpu.vector_store %arg9[%swap3A_163, %swap3A_164], %select_n3A_162 {strides = array<i32>} : memref<105x96xi32, #tpu.memory_space<vmem>>, vector<16xi32>,
      %get3A_166 = arith.index_cast %add3A_46 : i32 to index
      %get3A_167 = arith.constant 64 : index
      %get3A_168 = tpu.vector_load %arg8[%get3A_166, %get3A_167] {strides = array<i32>} : memref<105x96xi32, #tpu.memory_space<vmem>>, vector<16xi32>,
      %get3A_169 = arith.index_cast %add3A_46 : i32 to index
      %get3A_170 = arith.constant 64 : index
      %get3A_171 = tpu.vector_load %arg9[%get3A_169, %get3A_170] {strides = array<i32>} : memref<105x96xi32, #tpu.memory_space<vmem>>, vector<16xi32>,
      %sub3A_172 = vector.broadcast %reduce_max3A_9 : i32 to vector<16xi32>
      %sub3A_173 = arith.subi %get3A_171, %sub3A_172 : vector<16xi32>
      %ge3A_174 = vector.broadcast %reduce_max3A_9 : i32 to vector<16xi32>
      %ge3A_175 = arith.cmpi sge, %get3A_171, %ge3A_174 : vector<16xi32>
      %lt3A_176 = arith.constant 3840 : i32
      %lt3A_177 = vector.broadcast %lt3A_176 : i32 to vector<16xi32>
      %lt3A_178 = arith.cmpi slt, %sub3A_173, %lt3A_177 : vector<16xi32>
      %and3A_179 = arith.andi %ge3A_175, %lt3A_178 : vector<16xi1>
      %and3A_180 = arith.constant 127 : i32
      %and3A_181 = vector.broadcast %and3A_180 : i32 to vector<16xi32>
      %and3A_182 = arith.andi %get3A_168, %and3A_181 : vector<16xi32>
      %add3A_183 = arith.constant 10000 : i32
      %add3A_184 = vector.broadcast %add3A_183 : i32 to vector<16xi32>
      %add3A_185 = arith.addi %add3A_184, %and3A_182 : vector<16xi32>
      %select_n3A_186 = arith.select %and3A_179, %get3A_168, %add3A_185 : vector<16xi1>, vector<16xi32>
      %swap3A_187 = arith.index_cast %add3A_46 : i32 to index
      %swap3A_188 = arith.constant 64 : index
      %swap3A_189 = tpu.vector_load %arg8[%swap3A_187, %swap3A_188] {strides = array<i32>} : memref<105x96xi32, #tpu.memory_space<vmem>>, vector<16xi32>,
      tpu.vector_store %arg8[%swap3A_187, %swap3A_188], %select_n3A_186 {strides = array<i32>} : memref<105x96xi32, #tpu.memory_space<vmem>>, vector<16xi32>,
      %and3A_190 = arith.constant 2047 : i32
      %and3A_191 = vector.broadcast %and3A_190 : i32 to vector<16xi32>
      %and3A_192 = arith.andi %get3A_171, %and3A_191 : vector<16xi32>
      %select_n3A_193 = arith.select %and3A_179, %sub3A_173, %and3A_192 : vector<16xi1>, vector<16xi32>
      %swap3A_194 = arith.index_cast %add3A_46 : i32 to index
      %swap3A_195 = arith.constant 64 : index
      %swap3A_196 = tpu.vector_load %arg9[%swap3A_194, %swap3A_195] {strides = array<i32>} : memref<105x96xi32, #tpu.memory_space<vmem>>, vector<16xi32>,
      tpu.vector_store %arg9[%swap3A_194, %swap3A_195], %select_n3A_193 {strides = array<i32>} : memref<105x96xi32, #tpu.memory_space<vmem>>, vector<16xi32>,
      %get3A_197 = arith.index_cast %add3A_46 : i32 to index
      %get3A_198 = arith.constant 80 : index
      %get3A_199 = tpu.vector_load %arg8[%get3A_197, %get3A_198] {strides = array<i32>} : memref<105x96xi32, #tpu.memory_space<vmem>>, vector<16xi32>,
      %get3A_200 = arith.index_cast %add3A_46 : i32 to index
      %get3A_201 = arith.constant 80 : index
      %get3A_202 = tpu.vector_load %arg9[%get3A_200, %get3A_201] {strides = array<i32>} : memref<105x96xi32, #tpu.memory_space<vmem>>, vector<16xi32>,
      %sub3A_203 = vector.broadcast %reduce_max3A_9 : i32 to vector<16xi32>
      %sub3A_204 = arith.subi %get3A_202, %sub3A_203 : vector<16xi32>
      %ge3A_205 = vector.broadcast %reduce_max3A_9 : i32 to vector<16xi32>
      %ge3A_206 = arith.cmpi sge, %get3A_202, %ge3A_205 : vector<16xi32>
      %lt3A_207 = arith.constant 3840 : i32
      %lt3A_208 = vector.broadcast %lt3A_207 : i32 to vector<16xi32>
      %lt3A_209 = arith.cmpi slt, %sub3A_204, %lt3A_208 : vector<16xi32>
      %and3A_210 = arith.andi %ge3A_206, %lt3A_209 : vector<16xi1>
      %and3A_211 = arith.constant 127 : i32
      %and3A_212 = vector.broadcast %and3A_211 : i32 to vector<16xi32>
      %and3A_213 = arith.andi %get3A_199, %and3A_212 : vector<16xi32>
      %add3A_214 = arith.constant 10000 : i32
      %add3A_215 = vector.broadcast %add3A_214 : i32 to vector<16xi32>
      %add3A_216 = arith.addi %add3A_215, %and3A_213 : vector<16xi32>
      %select_n3A_217 = arith.select %and3A_210, %get3A_199, %add3A_216 : vector<16xi1>, vector<16xi32>
      %swap3A_218 = arith.index_cast %add3A_46 : i32 to index
      %swap3A_219 = arith.constant 80 : index
      %swap3A_220 = tpu.vector_load %arg8[%swap3A_218, %swap3A_219] {strides = array<i32>} : memref<105x96xi32, #tpu.memory_space<vmem>>, vector<16xi32>,
      tpu.vector_store %arg8[%swap3A_218, %swap3A_219], %select_n3A_217 {strides = array<i32>} : memref<105x96xi32, #tpu.memory_space<vmem>>, vector<16xi32>,
      %and3A_221 = arith.constant 2047 : i32
      %and3A_222 = vector.broadcast %and3A_221 : i32 to vector<16xi32>
      %and3A_223 = arith.andi %get3A_202, %and3A_222 : vector<16xi32>
      %select_n3A_224 = arith.select %and3A_210, %sub3A_204, %and3A_223 : vector<16xi1>, vector<16xi32>
      %swap3A_225 = arith.index_cast %add3A_46 : i32 to index
      %swap3A_226 = arith.constant 80 : index
      %swap3A_227 = tpu.vector_load %arg9[%swap3A_225, %swap3A_226] {strides = array<i32>} : memref<105x96xi32, #tpu.memory_space<vmem>>, vector<16xi32>,
      tpu.vector_store %arg9[%swap3A_225, %swap3A_226], %select_n3A_224 {strides = array<i32>} : memref<105x96xi32, #tpu.memory_space<vmem>>, vector<16xi32>,
    }
    %scan3A_13 = arith.constant 105 : i32
    %get3A_14 = arith.constant 0 : index
    %get3A_15 = tpu.vector_load %arg16[%get3A_14] {strides = array<i32>} : memref<16xi32, #tpu.memory_space<vmem>>, vector<16xi32>,
    %reduce_max3A_16 = arith.constant true
    %reduce_max3A_17 = vector.broadcast %reduce_max3A_16 : i1 to vector<16xi1>
    %reduce_max3A_18 = arith.constant -2147483648 : i32
    %reduce_max3A_19 = vector.broadcast %reduce_max3A_18 : i32 to vector<16xi32>
    %reduce_max3A_20 = arith.xori %get3A_15, %reduce_max3A_19 : vector<16xi32>
    %reduce_max3A_21 = tpu.scan <max>, %reduce_max3A_20 masked %reduce_max3A_17 : vector<16xi32>, vector<16xi1> -> vector<16xi32>
    %reduce_max3A_22 = arith.xori %reduce_max3A_21, %reduce_max3A_19 : vector<16xi32>
    %reduce_max3A_23 = vector.extract %reduce_max3A_22[15] : i32 from vector<16xi32>
    %add3A_24 = arith.constant 1 : i32
    %add3A_25 = arith.addi %add3A_24, %reduce_max3A_23 : i32
    %sub3A = arith.constant 0 : i32
    %sub3A_26 = arith.subi %add3A_25, %sub3A : i32
    %sub3A_27 = arith.constant 1 : i32
    %sub3A_28 = arith.constant 1 : i32
    %sub3A_29 = arith.subi %sub3A_27, %sub3A_28 : i32
    %add3A_30 = arith.addi %sub3A_26, %sub3A_29 : i32
    %div3A = arith.constant 1 : i32
    %div3A_31 = arith.divsi %add3A_30, %div3A : i32
    %while3A = arith.constant 1 : i32
    %while3A_32 = arith.constant 0 : i32
    %while3A_33 = arith.constant 0 : i32
    %while3A_34 = arith.subi %div3A_31, %while3A_33 : i32
    %while3A_35 = arith.addi %while3A_33, %while3A_34 : i32
    %while3A_36 = arith.constant 1 : i32
    %while3A_37 = arith.divsi %while3A_34, %while3A_36 : i32
    %while3A_38 = arith.muli %while3A_37, %while3A_36 : i32
    %while3A_39 = arith.addi %while3A_33, %while3A_38 : i32
    %while3A_40 = arith.constant 1 : i32
    scf.for %while3A_42 = %while3A_33 to %while3A_39 step %while3A_40  : i32 {
      %mul3A_43 = arith.muli %while3A_42, %while3A : i32
      %add3A_44 = arith.addi %while3A_32, %mul3A_43 : i32
      %mul3A_45 = arith.constant 10240 : i32
      %mul3A_46 = arith.muli %add3A_44, %mul3A_45 : i32
      %multiple_of3A = tpu.assume_multiple %mul3A_46, 10240 : i32
      %scan3A_47 = arith.constant 0 : i32
      %scan3A_48 = arith.constant 96 : i32
      %scan3A_49 = arith.addi %scan3A_47, %scan3A_48 : i32
      %scan3A_50 = arith.constant 1 : i32
      scf.for %scan3A_78 = %scan3A_47 to %scan3A_49 step %scan3A_50  : i32 {
        %mul3A_79 = arith.constant 1 : i32
        %mul3A_80 = arith.muli %scan3A_78, %mul3A_79 : i32
        %add3A_81 = arith.constant 0 : i32
        %add3A_82 = arith.addi %add3A_81, %mul3A_80 : i32
        %scan3A_83 = arith.constant 0 : i32
        %scan3A_84 = arith.constant 8 : i32
        %scan3A_85 = arith.addi %scan3A_83, %scan3A_84 : i32
        %scan3A_86 = arith.constant 1 : i32
        scf.for %scan3A_88 = %scan3A_83 to %scan3A_85 step %scan3A_86  : i32 {
          %mul3A_89 = arith.constant 16 : i32
          %mul3A_90 = arith.muli %scan3A_88, %mul3A_89 : i32
          %add3A_91 = arith.constant 0 : i32
          %add3A_92 = arith.addi %add3A_91, %mul3A_90 : i32
          %broadcast_in_dim3A = arith.constant 0.000000e+00 : f32
          %broadcast_in_dim3A_93 = vector.broadcast %broadcast_in_dim3A : f32 to vector<16xf32>
          %swap3A = arith.index_cast %add3A_82 : i32 to index
          %swap3A_94 = arith.index_cast %add3A_92 : i32 to index
          %swap3A_95 = tpu.vector_load %arg10[%swap3A, %swap3A_94] {strides = array<i32>} : memref<96x128xf32, #tpu.memory_space<vmem>>, vector<16xf32>,
          tpu.vector_store %arg10[%swap3A, %swap3A_94], %broadcast_in_dim3A_93 {strides = array<i32>} : memref<96x128xf32, #tpu.memory_space<vmem>>, vector<16xf32>,
        }
        %scan3A_87 = arith.constant 8 : i32
      }
      %scan3A_51 = arith.constant 96 : i32
      %mul3A_52 = arith.constant 240 : i32
      %mul3A_53 = arith.muli %arg1, %mul3A_52 : i32
      %add3A_54 = arith.constant 0 : i32
      %add3A_55 = arith.addi %mul3A_53, %add3A_54 : i32
      "tpu.region"() ({
        %run_scoped3A_78 = tpu.sem_alloc : memref<!tpu.dma_semaphore, #tpu.memory_space<semaphore_mem>>
        %dma_start3A = arith.constant 0 : i32
        %dma_start3A_79 = tpu.memref_slice %arg15[%add3A_55, %dma_start3A] : memref<3840x128xf32, #tpu.memory_space<vmem_shared>> -> memref<96x128xf32, #tpu.memory_space<vmem_shared>>
        %dma_start3A_80 = arith.constant 0 : i32
        %dma_start3A_81 = tpu.memref_slice %arg15[%add3A_55, %dma_start3A_80] : memref<3840x128xf32, #tpu.memory_space<vmem_shared>> -> memref<96x128xf32, #tpu.memory_space<vmem_shared>>
        tpu.enqueue_dma source(%arg10 : memref<96x128xf32, #tpu.memory_space<vmem>>) target(%dma_start3A_81 : memref<96x128xf32, #tpu.memory_space<vmem_shared>>) target_semaphore(%run_scoped3A_78 : memref<!tpu.dma_semaphore, #tpu.memory_space<semaphore_mem>>)
        %dma_wait3A = arith.constant 0 : i32
        %dma_wait3A_82 = tpu.memref_slice %arg15[%add3A_55, %dma_wait3A] : memref<3840x128xf32, #tpu.memory_space<vmem_shared>> -> memref<96x128xf32, #tpu.memory_space<vmem_shared>>
        %dma_wait3A_83 = arith.constant 0 : i32
        %dma_wait3A_84 = tpu.memref_slice %arg15[%add3A_55, %dma_wait3A_83] : memref<3840x128xf32, #tpu.memory_space<vmem_shared>> -> memref<96x128xf32, #tpu.memory_space<vmem_shared>>
        tpu.wait_dma2 semaphore(%run_scoped3A_78 : memref<!tpu.dma_semaphore, #tpu.memory_space<semaphore_mem>>) src(%arg10 : memref<96x128xf32, #tpu.memory_space<vmem>>) dst(%dma_wait3A_84 : memref<96x128xf32, #tpu.memory_space<vmem_shared>>)
        tpu.yield
      }) : () -> ()
      %mul3A_56 = arith.constant 240 : i32
      %mul3A_57 = arith.muli %arg1, %mul3A_56 : i32
      %add3A_58 = arith.constant 96 : i32
      %add3A_59 = arith.addi %mul3A_57, %add3A_58 : i32
      "tpu.region"() ({
        %run_scoped3A_78 = tpu.sem_alloc : memref<!tpu.dma_semaphore, #tpu.memory_space<semaphore_mem>>
        %dma_start3A = arith.constant 0 : i32
        %dma_start3A_79 = tpu.memref_slice %arg15[%add3A_59, %dma_start3A] : memref<3840x128xf32, #tpu.memory_space<vmem_shared>> -> memref<96x128xf32, #tpu.memory_space<vmem_shared>>
        %dma_start3A_80 = arith.constant 0 : i32
        %dma_start3A_81 = tpu.memref_slice %arg15[%add3A_59, %dma_start3A_80] : memref<3840x128xf32, #tpu.memory_space<vmem_shared>> -> memref<96x128xf32, #tpu.memory_space<vmem_shared>>
        tpu.enqueue_dma source(%arg10 : memref<96x128xf32, #tpu.memory_space<vmem>>) target(%dma_start3A_81 : memref<96x128xf32, #tpu.memory_space<vmem_shared>>) target_semaphore(%run_scoped3A_78 : memref<!tpu.dma_semaphore, #tpu.memory_space<semaphore_mem>>)
        %dma_wait3A = arith.constant 0 : i32
        %dma_wait3A_82 = tpu.memref_slice %arg15[%add3A_59, %dma_wait3A] : memref<3840x128xf32, #tpu.memory_space<vmem_shared>> -> memref<96x128xf32, #tpu.memory_space<vmem_shared>>
        %dma_wait3A_83 = arith.constant 0 : i32
        %dma_wait3A_84 = tpu.memref_slice %arg15[%add3A_59, %dma_wait3A_83] : memref<3840x128xf32, #tpu.memory_space<vmem_shared>> -> memref<96x128xf32, #tpu.memory_space<vmem_shared>>
        tpu.wait_dma2 semaphore(%run_scoped3A_78 : memref<!tpu.dma_semaphore, #tpu.memory_space<semaphore_mem>>) src(%arg10 : memref<96x128xf32, #tpu.memory_space<vmem>>) dst(%dma_wait3A_84 : memref<96x128xf32, #tpu.memory_space<vmem_shared>>)
        tpu.yield
      }) : () -> ()
      %mul3A_60 = arith.constant 240 : i32
      %mul3A_61 = arith.muli %arg1, %mul3A_60 : i32
      %add3A_62 = arith.constant 192 : i32
      %add3A_63 = arith.addi %mul3A_61, %add3A_62 : i32
      "tpu.region"() ({
        %run_scoped3A_78 = tpu.sem_alloc : memref<!tpu.dma_semaphore, #tpu.memory_space<semaphore_mem>>
        %dma_start3A = arith.constant 0 : i32
        %dma_start3A_79 = arith.constant 0 : i32
        %dma_start3A_80 = tpu.memref_slice %arg10[%dma_start3A, %dma_start3A_79] : memref<96x128xf32, #tpu.memory_space<vmem>> -> memref<48x128xf32, #tpu.memory_space<vmem>>
        %dma_start3A_81 = arith.constant 0 : i32
        %dma_start3A_82 = tpu.memref_slice %arg15[%add3A_63, %dma_start3A_81] : memref<3840x128xf32, #tpu.memory_space<vmem_shared>> -> memref<48x128xf32, #tpu.memory_space<vmem_shared>>
        %dma_start3A_83 = arith.constant 0 : i32
        %dma_start3A_84 = tpu.memref_slice %arg15[%add3A_63, %dma_start3A_83] : memref<3840x128xf32, #tpu.memory_space<vmem_shared>> -> memref<48x128xf32, #tpu.memory_space<vmem_shared>>
        %dma_start3A_85 = arith.constant 0 : i32
        %dma_start3A_86 = arith.constant 0 : i32
        %dma_start3A_87 = tpu.memref_slice %arg10[%dma_start3A_85, %dma_start3A_86] : memref<96x128xf32, #tpu.memory_space<vmem>> -> memref<48x128xf32, #tpu.memory_space<vmem>>
        tpu.enqueue_dma source(%dma_start3A_87 : memref<48x128xf32, #tpu.memory_space<vmem>>) target(%dma_start3A_84 : memref<48x128xf32, #tpu.memory_space<vmem_shared>>) target_semaphore(%run_scoped3A_78 : memref<!tpu.dma_semaphore, #tpu.memory_space<semaphore_mem>>)
        %dma_wait3A = arith.constant 0 : i32
        %dma_wait3A_88 = arith.constant 0 : i32
        %dma_wait3A_89 = tpu.memref_slice %arg10[%dma_wait3A, %dma_wait3A_88] : memref<96x128xf32, #tpu.memory_space<vmem>> -> memref<48x128xf32, #tpu.memory_space<vmem>>
        %dma_wait3A_90 = arith.constant 0 : i32
        %dma_wait3A_91 = tpu.memref_slice %arg15[%add3A_63, %dma_wait3A_90] : memref<3840x128xf32, #tpu.memory_space<vmem_shared>> -> memref<48x128xf32, #tpu.memory_space<vmem_shared>>
        %dma_wait3A_92 = arith.constant 0 : i32
        %dma_wait3A_93 = tpu.memref_slice %arg15[%add3A_63, %dma_wait3A_92] : memref<3840x128xf32, #tpu.memory_space<vmem_shared>> -> memref<48x128xf32, #tpu.memory_space<vmem_shared>>
        %dma_wait3A_94 = arith.constant 0 : i32
        %dma_wait3A_95 = arith.constant 0 : i32
        %dma_wait3A_96 = tpu.memref_slice %arg10[%dma_wait3A_94, %dma_wait3A_95] : memref<96x128xf32, #tpu.memory_space<vmem>> -> memref<48x128xf32, #tpu.memory_space<vmem>>
        tpu.wait_dma2 semaphore(%run_scoped3A_78 : memref<!tpu.dma_semaphore, #tpu.memory_space<semaphore_mem>>) src(%dma_wait3A_96 : memref<48x128xf32, #tpu.memory_space<vmem>>) dst(%dma_wait3A_93 : memref<48x128xf32, #tpu.memory_space<vmem_shared>>)
        tpu.yield
      }) : () -> ()
      %barrier3A = arith.constant 0 : index
      tpu.barrier barrier_id(%barrier3A)
      %scan3A_64 = arith.constant 0 : i32
      %scan3A_65 = arith.constant 21 : i32
      %scan3A_66 = arith.addi %scan3A_64, %scan3A_65 : i32
      %scan3A_67 = arith.constant 1 : i32
      scf.for %scan3A_78 = %scan3A_64 to %scan3A_66 step %scan3A_67  : i32 {
        %mul3A_79 = arith.constant 5 : i32
        %mul3A_80 = arith.muli %scan3A_78, %mul3A_79 : i32
        %add3A_81 = arith.constant 0 : i32
        %add3A_82 = arith.addi %add3A_81, %mul3A_80 : i32
        %add3A_83 = arith.constant 0 : i32
        %add3A_84 = arith.addi %add3A_82, %add3A_83 : i32
        %dma_start3A = arith.constant 0 : i32
        %dma_start3A_85 = tpu.memref_slice %arg8[%add3A_84, %dma_start3A] : memref<105x96xi32, #tpu.memory_space<vmem>> -> memref<1x96xi32, #tpu.memory_space<vmem>>
        %dma_start3A_86 = tpu.memref_squeeze %dma_start3A_85 : memref<1x96xi32, #tpu.memory_space<vmem>> -> memref<96xi32, #tpu.memory_space<vmem>>
        %dma_start3A_87 = arith.constant 0 : i32
        %dma_start3A_88 = tpu.memref_slice %arg2[%multiple_of3A, %dma_start3A_87] : memref<20480x128xf32, #tpu.memory_space<hbm>> -> memref<10240x128xf32, #tpu.memory_space<hbm>>
        %dma_start3A_89 = arith.constant 0 : i32
        %dma_start3A_90 = arith.constant 0 : i32
        %dma_start3A_91 = tpu.memref_slice %dma_start3A_88[%dma_start3A_89, %dma_start3A_90] : memref<10240x128xf32, #tpu.memory_space<hbm>> -> memref<10240x128xf32, #tpu.memory_space<hbm>>
        tpu.enqueue_indirect_dma source(%dma_start3A_91 : memref<10240x128xf32, #tpu.memory_space<hbm>>) target(%arg10 : memref<96x128xf32, #tpu.memory_space<vmem>>) offsets(%dma_start3A_86 : memref<96xi32, #tpu.memory_space<vmem>>) semaphore(%arg18 : memref<!tpu.dma_semaphore, #tpu.memory_space<semaphore_mem>>)
        %add3A_92 = arith.constant 1 : i32
        %add3A_93 = arith.addi %add3A_82, %add3A_92 : i32
        %dma_start3A_94 = arith.constant 0 : i32
        %dma_start3A_95 = tpu.memref_slice %arg8[%add3A_93, %dma_start3A_94] : memref<105x96xi32, #tpu.memory_space<vmem>> -> memref<1x96xi32, #tpu.memory_space<vmem>>
        %dma_start3A_96 = tpu.memref_squeeze %dma_start3A_95 : memref<1x96xi32, #tpu.memory_space<vmem>> -> memref<96xi32, #tpu.memory_space<vmem>>
        %dma_start3A_97 = arith.constant 0 : i32
        %dma_start3A_98 = tpu.memref_slice %arg2[%multiple_of3A, %dma_start3A_97] : memref<20480x128xf32, #tpu.memory_space<hbm>> -> memref<10240x128xf32, #tpu.memory_space<hbm>>
        %dma_start3A_99 = arith.constant 0 : i32
        %dma_start3A_100 = arith.constant 0 : i32
        %dma_start3A_101 = tpu.memref_slice %dma_start3A_98[%dma_start3A_99, %dma_start3A_100] : memref<10240x128xf32, #tpu.memory_space<hbm>> -> memref<10240x128xf32, #tpu.memory_space<hbm>>
        tpu.enqueue_indirect_dma source(%dma_start3A_101 : memref<10240x128xf32, #tpu.memory_space<hbm>>) target(%arg11 : memref<96x128xf32, #tpu.memory_space<vmem>>) offsets(%dma_start3A_96 : memref<96xi32, #tpu.memory_space<vmem>>) semaphore(%arg18 : memref<!tpu.dma_semaphore, #tpu.memory_space<semaphore_mem>>)
        %add3A_102 = arith.constant 2 : i32
        %add3A_103 = arith.addi %add3A_82, %add3A_102 : i32
        %dma_start3A_104 = arith.constant 0 : i32
        %dma_start3A_105 = tpu.memref_slice %arg8[%add3A_103, %dma_start3A_104] : memref<105x96xi32, #tpu.memory_space<vmem>> -> memref<1x96xi32, #tpu.memory_space<vmem>>
        %dma_start3A_106 = tpu.memref_squeeze %dma_start3A_105 : memref<1x96xi32, #tpu.memory_space<vmem>> -> memref<96xi32, #tpu.memory_space<vmem>>
        %dma_start3A_107 = arith.constant 0 : i32
        %dma_start3A_108 = tpu.memref_slice %arg2[%multiple_of3A, %dma_start3A_107] : memref<20480x128xf32, #tpu.memory_space<hbm>> -> memref<10240x128xf32, #tpu.memory_space<hbm>>
        %dma_start3A_109 = arith.constant 0 : i32
        %dma_start3A_110 = arith.constant 0 : i32
        %dma_start3A_111 = tpu.memref_slice %dma_start3A_108[%dma_start3A_109, %dma_start3A_110] : memref<10240x128xf32, #tpu.memory_space<hbm>> -> memref<10240x128xf32, #tpu.memory_space<hbm>>
        tpu.enqueue_indirect_dma source(%dma_start3A_111 : memref<10240x128xf32, #tpu.memory_space<hbm>>) target(%arg12 : memref<96x128xf32, #tpu.memory_space<vmem>>) offsets(%dma_start3A_106 : memref<96xi32, #tpu.memory_space<vmem>>) semaphore(%arg18 : memref<!tpu.dma_semaphore, #tpu.memory_space<semaphore_mem>>)
        %add3A_112 = arith.constant 3 : i32
        %add3A_113 = arith.addi %add3A_82, %add3A_112 : i32
        %dma_start3A_114 = arith.constant 0 : i32
        %dma_start3A_115 = tpu.memref_slice %arg8[%add3A_113, %dma_start3A_114] : memref<105x96xi32, #tpu.memory_space<vmem>> -> memref<1x96xi32, #tpu.memory_space<vmem>>
        %dma_start3A_116 = tpu.memref_squeeze %dma_start3A_115 : memref<1x96xi32, #tpu.memory_space<vmem>> -> memref<96xi32, #tpu.memory_space<vmem>>
        %dma_start3A_117 = arith.constant 0 : i32
        %dma_start3A_118 = tpu.memref_slice %arg2[%multiple_of3A, %dma_start3A_117] : memref<20480x128xf32, #tpu.memory_space<hbm>> -> memref<10240x128xf32, #tpu.memory_space<hbm>>
        %dma_start3A_119 = arith.constant 0 : i32
        %dma_start3A_120 = arith.constant 0 : i32
        %dma_start3A_121 = tpu.memref_slice %dma_start3A_118[%dma_start3A_119, %dma_start3A_120] : memref<10240x128xf32, #tpu.memory_space<hbm>> -> memref<10240x128xf32, #tpu.memory_space<hbm>>
        tpu.enqueue_indirect_dma source(%dma_start3A_121 : memref<10240x128xf32, #tpu.memory_space<hbm>>) target(%arg13 : memref<96x128xf32, #tpu.memory_space<vmem>>) offsets(%dma_start3A_116 : memref<96xi32, #tpu.memory_space<vmem>>) semaphore(%arg18 : memref<!tpu.dma_semaphore, #tpu.memory_space<semaphore_mem>>)
        %add3A_122 = arith.constant 4 : i32
        %add3A_123 = arith.addi %add3A_82, %add3A_122 : i32
        %dma_start3A_124 = arith.constant 0 : i32
        %dma_start3A_125 = tpu.memref_slice %arg8[%add3A_123, %dma_start3A_124] : memref<105x96xi32, #tpu.memory_space<vmem>> -> memref<1x96xi32, #tpu.memory_space<vmem>>
        %dma_start3A_126 = tpu.memref_squeeze %dma_start3A_125 : memref<1x96xi32, #tpu.memory_space<vmem>> -> memref<96xi32, #tpu.memory_space<vmem>>
        %dma_start3A_127 = arith.constant 0 : i32
        %dma_start3A_128 = tpu.memref_slice %arg2[%multiple_of3A, %dma_start3A_127] : memref<20480x128xf32, #tpu.memory_space<hbm>> -> memref<10240x128xf32, #tpu.memory_space<hbm>>
        %dma_start3A_129 = arith.constant 0 : i32
        %dma_start3A_130 = arith.constant 0 : i32
        %dma_start3A_131 = tpu.memref_slice %dma_start3A_128[%dma_start3A_129, %dma_start3A_130] : memref<10240x128xf32, #tpu.memory_space<hbm>> -> memref<10240x128xf32, #tpu.memory_space<hbm>>
        tpu.enqueue_indirect_dma source(%dma_start3A_131 : memref<10240x128xf32, #tpu.memory_space<hbm>>) target(%arg14 : memref<96x128xf32, #tpu.memory_space<vmem>>) offsets(%dma_start3A_126 : memref<96xi32, #tpu.memory_space<vmem>>) semaphore(%arg18 : memref<!tpu.dma_semaphore, #tpu.memory_space<semaphore_mem>>)
        %dma_wait3A = arith.constant 0 : i32
        %dma_wait3A_132 = tpu.memref_slice %arg8[%add3A_84, %dma_wait3A] : memref<105x96xi32, #tpu.memory_space<vmem>> -> memref<1x96xi32, #tpu.memory_space<vmem>>
        %dma_wait3A_133 = tpu.memref_squeeze %dma_wait3A_132 : memref<1x96xi32, #tpu.memory_space<vmem>> -> memref<96xi32, #tpu.memory_space<vmem>>
        %dma_wait3A_134 = arith.constant 0 : i32
        %dma_wait3A_135 = tpu.memref_slice %arg2[%multiple_of3A, %dma_wait3A_134] : memref<20480x128xf32, #tpu.memory_space<hbm>> -> memref<10240x128xf32, #tpu.memory_space<hbm>>
        %dma_wait3A_136 = arith.constant 0 : i32
        %dma_wait3A_137 = arith.constant 0 : i32
        %dma_wait3A_138 = tpu.memref_slice %dma_wait3A_135[%dma_wait3A_136, %dma_wait3A_137] : memref<10240x128xf32, #tpu.memory_space<hbm>> -> memref<10240x128xf32, #tpu.memory_space<hbm>>
        tpu.wait_indirect_dma semaphore(%arg18 : memref<!tpu.dma_semaphore, #tpu.memory_space<semaphore_mem>>) src(%dma_wait3A_138 : memref<10240x128xf32, #tpu.memory_space<hbm>>) dst(%arg10 : memref<96x128xf32, #tpu.memory_space<vmem>>)
        %add3A_139 = arith.constant 0 : i32
        %add3A_140 = arith.addi %add3A_82, %add3A_139 : i32
        %dma_start3A_141 = arith.constant 0 : i32
        %dma_start3A_142 = tpu.memref_slice %arg9[%add3A_140, %dma_start3A_141] : memref<105x96xi32, #tpu.memory_space<vmem>> -> memref<1x96xi32, #tpu.memory_space<vmem>>
        %dma_start3A_143 = tpu.memref_squeeze %dma_start3A_142 : memref<1x96xi32, #tpu.memory_space<vmem>> -> memref<96xi32, #tpu.memory_space<vmem>>
        %dma_start3A_144 = arith.constant 0 : i32
        %dma_start3A_145 = arith.constant 0 : i32
        %dma_start3A_146 = tpu.memref_slice %arg15[%dma_start3A_144, %dma_start3A_145] : memref<3840x128xf32, #tpu.memory_space<vmem_shared>> -> memref<3840x128xf32, #tpu.memory_space<vmem_shared>>
        tpu.enqueue_indirect_dma source(%arg10 : memref<96x128xf32, #tpu.memory_space<vmem>>) target(%dma_start3A_146 : memref<3840x128xf32, #tpu.memory_space<vmem_shared>>) offsets(%dma_start3A_143 : memref<96xi32, #tpu.memory_space<vmem>>) semaphore(%arg19 : memref<!tpu.dma_semaphore, #tpu.memory_space<semaphore_mem>>) {add = true}
        %dma_wait3A_147 = arith.constant 0 : i32
        %dma_wait3A_148 = tpu.memref_slice %arg8[%add3A_93, %dma_wait3A_147] : memref<105x96xi32, #tpu.memory_space<vmem>> -> memref<1x96xi32, #tpu.memory_space<vmem>>
        %dma_wait3A_149 = tpu.memref_squeeze %dma_wait3A_148 : memref<1x96xi32, #tpu.memory_space<vmem>> -> memref<96xi32, #tpu.memory_space<vmem>>
        %dma_wait3A_150 = arith.constant 0 : i32
        %dma_wait3A_151 = tpu.memref_slice %arg2[%multiple_of3A, %dma_wait3A_150] : memref<20480x128xf32, #tpu.memory_space<hbm>> -> memref<10240x128xf32, #tpu.memory_space<hbm>>
        %dma_wait3A_152 = arith.constant 0 : i32
        %dma_wait3A_153 = arith.constant 0 : i32
        %dma_wait3A_154 = tpu.memref_slice %dma_wait3A_151[%dma_wait3A_152, %dma_wait3A_153] : memref<10240x128xf32, #tpu.memory_space<hbm>> -> memref<10240x128xf32, #tpu.memory_space<hbm>>
        tpu.wait_indirect_dma semaphore(%arg18 : memref<!tpu.dma_semaphore, #tpu.memory_space<semaphore_mem>>) src(%dma_wait3A_154 : memref<10240x128xf32, #tpu.memory_space<hbm>>) dst(%arg11 : memref<96x128xf32, #tpu.memory_space<vmem>>)
        %add3A_155 = arith.constant 1 : i32
        %add3A_156 = arith.addi %add3A_82, %add3A_155 : i32
        %dma_start3A_157 = arith.constant 0 : i32
        %dma_start3A_158 = tpu.memref_slice %arg9[%add3A_156, %dma_start3A_157] : memref<105x96xi32, #tpu.memory_space<vmem>> -> memref<1x96xi32, #tpu.memory_space<vmem>>
        %dma_start3A_159 = tpu.memref_squeeze %dma_start3A_158 : memref<1x96xi32, #tpu.memory_space<vmem>> -> memref<96xi32, #tpu.memory_space<vmem>>
        %dma_start3A_160 = arith.constant 0 : i32
        %dma_start3A_161 = arith.constant 0 : i32
        %dma_start3A_162 = tpu.memref_slice %arg15[%dma_start3A_160, %dma_start3A_161] : memref<3840x128xf32, #tpu.memory_space<vmem_shared>> -> memref<3840x128xf32, #tpu.memory_space<vmem_shared>>
        tpu.enqueue_indirect_dma source(%arg11 : memref<96x128xf32, #tpu.memory_space<vmem>>) target(%dma_start3A_162 : memref<3840x128xf32, #tpu.memory_space<vmem_shared>>) offsets(%dma_start3A_159 : memref<96xi32, #tpu.memory_space<vmem>>) semaphore(%arg19 : memref<!tpu.dma_semaphore, #tpu.memory_space<semaphore_mem>>) {add = true}
        %dma_wait3A_163 = arith.constant 0 : i32
        %dma_wait3A_164 = tpu.memref_slice %arg8[%add3A_103, %dma_wait3A_163] : memref<105x96xi32, #tpu.memory_space<vmem>> -> memref<1x96xi32, #tpu.memory_space<vmem>>
        %dma_wait3A_165 = tpu.memref_squeeze %dma_wait3A_164 : memref<1x96xi32, #tpu.memory_space<vmem>> -> memref<96xi32, #tpu.memory_space<vmem>>
        %dma_wait3A_166 = arith.constant 0 : i32
        %dma_wait3A_167 = tpu.memref_slice %arg2[%multiple_of3A, %dma_wait3A_166] : memref<20480x128xf32, #tpu.memory_space<hbm>> -> memref<10240x128xf32, #tpu.memory_space<hbm>>
        %dma_wait3A_168 = arith.constant 0 : i32
        %dma_wait3A_169 = arith.constant 0 : i32
        %dma_wait3A_170 = tpu.memref_slice %dma_wait3A_167[%dma_wait3A_168, %dma_wait3A_169] : memref<10240x128xf32, #tpu.memory_space<hbm>> -> memref<10240x128xf32, #tpu.memory_space<hbm>>
        tpu.wait_indirect_dma semaphore(%arg18 : memref<!tpu.dma_semaphore, #tpu.memory_space<semaphore_mem>>) src(%dma_wait3A_170 : memref<10240x128xf32, #tpu.memory_space<hbm>>) dst(%arg12 : memref<96x128xf32, #tpu.memory_space<vmem>>)
        %add3A_171 = arith.constant 2 : i32
        %add3A_172 = arith.addi %add3A_82, %add3A_171 : i32
        %dma_start3A_173 = arith.constant 0 : i32
        %dma_start3A_174 = tpu.memref_slice %arg9[%add3A_172, %dma_start3A_173] : memref<105x96xi32, #tpu.memory_space<vmem>> -> memref<1x96xi32, #tpu.memory_space<vmem>>
        %dma_start3A_175 = tpu.memref_squeeze %dma_start3A_174 : memref<1x96xi32, #tpu.memory_space<vmem>> -> memref<96xi32, #tpu.memory_space<vmem>>
        %dma_start3A_176 = arith.constant 0 : i32
        %dma_start3A_177 = arith.constant 0 : i32
        %dma_start3A_178 = tpu.memref_slice %arg15[%dma_start3A_176, %dma_start3A_177] : memref<3840x128xf32, #tpu.memory_space<vmem_shared>> -> memref<3840x128xf32, #tpu.memory_space<vmem_shared>>
        tpu.enqueue_indirect_dma source(%arg12 : memref<96x128xf32, #tpu.memory_space<vmem>>) target(%dma_start3A_178 : memref<3840x128xf32, #tpu.memory_space<vmem_shared>>) offsets(%dma_start3A_175 : memref<96xi32, #tpu.memory_space<vmem>>) semaphore(%arg19 : memref<!tpu.dma_semaphore, #tpu.memory_space<semaphore_mem>>) {add = true}
        %dma_wait3A_179 = arith.constant 0 : i32
        %dma_wait3A_180 = tpu.memref_slice %arg8[%add3A_113, %dma_wait3A_179] : memref<105x96xi32, #tpu.memory_space<vmem>> -> memref<1x96xi32, #tpu.memory_space<vmem>>
        %dma_wait3A_181 = tpu.memref_squeeze %dma_wait3A_180 : memref<1x96xi32, #tpu.memory_space<vmem>> -> memref<96xi32, #tpu.memory_space<vmem>>
        %dma_wait3A_182 = arith.constant 0 : i32
        %dma_wait3A_183 = tpu.memref_slice %arg2[%multiple_of3A, %dma_wait3A_182] : memref<20480x128xf32, #tpu.memory_space<hbm>> -> memref<10240x128xf32, #tpu.memory_space<hbm>>
        %dma_wait3A_184 = arith.constant 0 : i32
        %dma_wait3A_185 = arith.constant 0 : i32
        %dma_wait3A_186 = tpu.memref_slice %dma_wait3A_183[%dma_wait3A_184, %dma_wait3A_185] : memref<10240x128xf32, #tpu.memory_space<hbm>> -> memref<10240x128xf32, #tpu.memory_space<hbm>>
        tpu.wait_indirect_dma semaphore(%arg18 : memref<!tpu.dma_semaphore, #tpu.memory_space<semaphore_mem>>) src(%dma_wait3A_186 : memref<10240x128xf32, #tpu.memory_space<hbm>>) dst(%arg13 : memref<96x128xf32, #tpu.memory_space<vmem>>)
        %add3A_187 = arith.constant 3 : i32
        %add3A_188 = arith.addi %add3A_82, %add3A_187 : i32
        %dma_start3A_189 = arith.constant 0 : i32
        %dma_start3A_190 = tpu.memref_slice %arg9[%add3A_188, %dma_start3A_189] : memref<105x96xi32, #tpu.memory_space<vmem>> -> memref<1x96xi32, #tpu.memory_space<vmem>>
        %dma_start3A_191 = tpu.memref_squeeze %dma_start3A_190 : memref<1x96xi32, #tpu.memory_space<vmem>> -> memref<96xi32, #tpu.memory_space<vmem>>
        %dma_start3A_192 = arith.constant 0 : i32
        %dma_start3A_193 = arith.constant 0 : i32
        %dma_start3A_194 = tpu.memref_slice %arg15[%dma_start3A_192, %dma_start3A_193] : memref<3840x128xf32, #tpu.memory_space<vmem_shared>> -> memref<3840x128xf32, #tpu.memory_space<vmem_shared>>
        tpu.enqueue_indirect_dma source(%arg13 : memref<96x128xf32, #tpu.memory_space<vmem>>) target(%dma_start3A_194 : memref<3840x128xf32, #tpu.memory_space<vmem_shared>>) offsets(%dma_start3A_191 : memref<96xi32, #tpu.memory_space<vmem>>) semaphore(%arg19 : memref<!tpu.dma_semaphore, #tpu.memory_space<semaphore_mem>>) {add = true}
        %dma_wait3A_195 = arith.constant 0 : i32
        %dma_wait3A_196 = tpu.memref_slice %arg8[%add3A_123, %dma_wait3A_195] : memref<105x96xi32, #tpu.memory_space<vmem>> -> memref<1x96xi32, #tpu.memory_space<vmem>>
        %dma_wait3A_197 = tpu.memref_squeeze %dma_wait3A_196 : memref<1x96xi32, #tpu.memory_space<vmem>> -> memref<96xi32, #tpu.memory_space<vmem>>
        %dma_wait3A_198 = arith.constant 0 : i32
        %dma_wait3A_199 = tpu.memref_slice %arg2[%multiple_of3A, %dma_wait3A_198] : memref<20480x128xf32, #tpu.memory_space<hbm>> -> memref<10240x128xf32, #tpu.memory_space<hbm>>
        %dma_wait3A_200 = arith.constant 0 : i32
        %dma_wait3A_201 = arith.constant 0 : i32
        %dma_wait3A_202 = tpu.memref_slice %dma_wait3A_199[%dma_wait3A_200, %dma_wait3A_201] : memref<10240x128xf32, #tpu.memory_space<hbm>> -> memref<10240x128xf32, #tpu.memory_space<hbm>>
        tpu.wait_indirect_dma semaphore(%arg18 : memref<!tpu.dma_semaphore, #tpu.memory_space<semaphore_mem>>) src(%dma_wait3A_202 : memref<10240x128xf32, #tpu.memory_space<hbm>>) dst(%arg14 : memref<96x128xf32, #tpu.memory_space<vmem>>)
        %add3A_203 = arith.constant 4 : i32
        %add3A_204 = arith.addi %add3A_82, %add3A_203 : i32
        %dma_start3A_205 = arith.constant 0 : i32
        %dma_start3A_206 = tpu.memref_slice %arg9[%add3A_204, %dma_start3A_205] : memref<105x96xi32, #tpu.memory_space<vmem>> -> memref<1x96xi32, #tpu.memory_space<vmem>>
        %dma_start3A_207 = tpu.memref_squeeze %dma_start3A_206 : memref<1x96xi32, #tpu.memory_space<vmem>> -> memref<96xi32, #tpu.memory_space<vmem>>
        %dma_start3A_208 = arith.constant 0 : i32
        %dma_start3A_209 = arith.constant 0 : i32
        %dma_start3A_210 = tpu.memref_slice %arg15[%dma_start3A_208, %dma_start3A_209] : memref<3840x128xf32, #tpu.memory_space<vmem_shared>> -> memref<3840x128xf32, #tpu.memory_space<vmem_shared>>
        tpu.enqueue_indirect_dma source(%arg14 : memref<96x128xf32, #tpu.memory_space<vmem>>) target(%dma_start3A_210 : memref<3840x128xf32, #tpu.memory_space<vmem_shared>>) offsets(%dma_start3A_207 : memref<96xi32, #tpu.memory_space<vmem>>) semaphore(%arg19 : memref<!tpu.dma_semaphore, #tpu.memory_space<semaphore_mem>>) {add = true}
        %dma_wait3A_211 = arith.constant 0 : i32
        %dma_wait3A_212 = tpu.memref_slice %arg9[%add3A_140, %dma_wait3A_211] : memref<105x96xi32, #tpu.memory_space<vmem>> -> memref<1x96xi32, #tpu.memory_space<vmem>>
        %dma_wait3A_213 = tpu.memref_squeeze %dma_wait3A_212 : memref<1x96xi32, #tpu.memory_space<vmem>> -> memref<96xi32, #tpu.memory_space<vmem>>
        %dma_wait3A_214 = arith.constant 0 : i32
        %dma_wait3A_215 = arith.constant 0 : i32
        %dma_wait3A_216 = tpu.memref_slice %arg15[%dma_wait3A_214, %dma_wait3A_215] : memref<3840x128xf32, #tpu.memory_space<vmem_shared>> -> memref<3840x128xf32, #tpu.memory_space<vmem_shared>>
        tpu.wait_indirect_dma semaphore(%arg19 : memref<!tpu.dma_semaphore, #tpu.memory_space<semaphore_mem>>) src(%arg10 : memref<96x128xf32, #tpu.memory_space<vmem>>) dst(%dma_wait3A_216 : memref<3840x128xf32, #tpu.memory_space<vmem_shared>>)
        %dma_wait3A_217 = arith.constant 0 : i32
        %dma_wait3A_218 = tpu.memref_slice %arg9[%add3A_156, %dma_wait3A_217] : memref<105x96xi32, #tpu.memory_space<vmem>> -> memref<1x96xi32, #tpu.memory_space<vmem>>
        %dma_wait3A_219 = tpu.memref_squeeze %dma_wait3A_218 : memref<1x96xi32, #tpu.memory_space<vmem>> -> memref<96xi32, #tpu.memory_space<vmem>>
        %dma_wait3A_220 = arith.constant 0 : i32
        %dma_wait3A_221 = arith.constant 0 : i32
        %dma_wait3A_222 = tpu.memref_slice %arg15[%dma_wait3A_220, %dma_wait3A_221] : memref<3840x128xf32, #tpu.memory_space<vmem_shared>> -> memref<3840x128xf32, #tpu.memory_space<vmem_shared>>
        tpu.wait_indirect_dma semaphore(%arg19 : memref<!tpu.dma_semaphore, #tpu.memory_space<semaphore_mem>>) src(%arg11 : memref<96x128xf32, #tpu.memory_space<vmem>>) dst(%dma_wait3A_222 : memref<3840x128xf32, #tpu.memory_space<vmem_shared>>)
        %dma_wait3A_223 = arith.constant 0 : i32
        %dma_wait3A_224 = tpu.memref_slice %arg9[%add3A_172, %dma_wait3A_223] : memref<105x96xi32, #tpu.memory_space<vmem>> -> memref<1x96xi32, #tpu.memory_space<vmem>>
        %dma_wait3A_225 = tpu.memref_squeeze %dma_wait3A_224 : memref<1x96xi32, #tpu.memory_space<vmem>> -> memref<96xi32, #tpu.memory_space<vmem>>
        %dma_wait3A_226 = arith.constant 0 : i32
        %dma_wait3A_227 = arith.constant 0 : i32
        %dma_wait3A_228 = tpu.memref_slice %arg15[%dma_wait3A_226, %dma_wait3A_227] : memref<3840x128xf32, #tpu.memory_space<vmem_shared>> -> memref<3840x128xf32, #tpu.memory_space<vmem_shared>>
        tpu.wait_indirect_dma semaphore(%arg19 : memref<!tpu.dma_semaphore, #tpu.memory_space<semaphore_mem>>) src(%arg12 : memref<96x128xf32, #tpu.memory_space<vmem>>) dst(%dma_wait3A_228 : memref<3840x128xf32, #tpu.memory_space<vmem_shared>>)
        %dma_wait3A_229 = arith.constant 0 : i32
        %dma_wait3A_230 = tpu.memref_slice %arg9[%add3A_188, %dma_wait3A_229] : memref<105x96xi32, #tpu.memory_space<vmem>> -> memref<1x96xi32, #tpu.memory_space<vmem>>
        %dma_wait3A_231 = tpu.memref_squeeze %dma_wait3A_230 : memref<1x96xi32, #tpu.memory_space<vmem>> -> memref<96xi32, #tpu.memory_space<vmem>>
        %dma_wait3A_232 = arith.constant 0 : i32
        %dma_wait3A_233 = arith.constant 0 : i32
        %dma_wait3A_234 = tpu.memref_slice %arg15[%dma_wait3A_232, %dma_wait3A_233] : memref<3840x128xf32, #tpu.memory_space<vmem_shared>> -> memref<3840x128xf32, #tpu.memory_space<vmem_shared>>
        tpu.wait_indirect_dma semaphore(%arg19 : memref<!tpu.dma_semaphore, #tpu.memory_space<semaphore_mem>>) src(%arg13 : memref<96x128xf32, #tpu.memory_space<vmem>>) dst(%dma_wait3A_234 : memref<3840x128xf32, #tpu.memory_space<vmem_shared>>)
        %dma_wait3A_235 = arith.constant 0 : i32
        %dma_wait3A_236 = tpu.memref_slice %arg9[%add3A_204, %dma_wait3A_235] : memref<105x96xi32, #tpu.memory_space<vmem>> -> memref<1x96xi32, #tpu.memory_space<vmem>>
        %dma_wait3A_237 = tpu.memref_squeeze %dma_wait3A_236 : memref<1x96xi32, #tpu.memory_space<vmem>> -> memref<96xi32, #tpu.memory_space<vmem>>
        %dma_wait3A_238 = arith.constant 0 : i32
        %dma_wait3A_239 = arith.constant 0 : i32
        %dma_wait3A_240 = tpu.memref_slice %arg15[%dma_wait3A_238, %dma_wait3A_239] : memref<3840x128xf32, #tpu.memory_space<vmem_shared>> -> memref<3840x128xf32, #tpu.memory_space<vmem_shared>>
        tpu.wait_indirect_dma semaphore(%arg19 : memref<!tpu.dma_semaphore, #tpu.memory_space<semaphore_mem>>) src(%arg14 : memref<96x128xf32, #tpu.memory_space<vmem>>) dst(%dma_wait3A_240 : memref<3840x128xf32, #tpu.memory_space<vmem_shared>>)
      }
      %scan3A_68 = arith.constant 21 : i32
      %barrier3A_69 = arith.constant 0 : index
      tpu.barrier barrier_id(%barrier3A_69)
      %eq3A = arith.constant 0 : i32
      %eq3A_70 = arith.cmpi eq, %arg0, %eq3A : i32
      %convert_element_type3A = arith.extui %eq3A_70 : i1 to i32
      %cond3A = arith.constant 0 : i32
      %cond3A_71 = arith.cmpi ne, %convert_element_type3A, %cond3A : i32
      scf.if %cond3A_71 {
        %mul3A_78 = arith.constant 240 : i32
        %mul3A_79 = arith.muli %arg1, %mul3A_78 : i32
        %mul3A_80 = arith.constant 240 : i32
        %mul3A_81 = arith.muli %arg1, %mul3A_80 : i32
        "tpu.region"() ({
          %run_scoped3A_82 = tpu.sem_alloc : memref<!tpu.dma_semaphore, #tpu.memory_space<semaphore_mem>>
          %dma_start3A = arith.constant 0 : i32
          %dma_start3A_83 = tpu.memref_slice %arg6[%add3A_44, %mul3A_81, %dma_start3A] : memref<2x3840x128xf32, #tpu.memory_space<hbm>> -> memref<1x240x128xf32, #tpu.memory_space<hbm>>
          %dma_start3A_84 = tpu.memref_squeeze %dma_start3A_83 : memref<1x240x128xf32, #tpu.memory_space<hbm>> -> memref<240x128xf32, #tpu.memory_space<hbm>>
          %dma_start3A_85 = arith.constant 0 : i32
          %dma_start3A_86 = tpu.memref_slice %arg15[%mul3A_79, %dma_start3A_85] : memref<3840x128xf32, #tpu.memory_space<vmem_shared>> -> memref<240x128xf32, #tpu.memory_space<vmem_shared>>
          tpu.enqueue_dma source(%dma_start3A_86 : memref<240x128xf32, #tpu.memory_space<vmem_shared>>) target(%dma_start3A_84 : memref<240x128xf32, #tpu.memory_space<hbm>>) target_semaphore(%run_scoped3A_82 : memref<!tpu.dma_semaphore, #tpu.memory_space<semaphore_mem>>)
          %dma_wait3A = arith.constant 0 : i32
          %dma_wait3A_87 = tpu.memref_slice %arg6[%add3A_44, %mul3A_81, %dma_wait3A] : memref<2x3840x128xf32, #tpu.memory_space<hbm>> -> memref<1x240x128xf32, #tpu.memory_space<hbm>>
          %dma_wait3A_88 = tpu.memref_squeeze %dma_wait3A_87 : memref<1x240x128xf32, #tpu.memory_space<hbm>> -> memref<240x128xf32, #tpu.memory_space<hbm>>
          %dma_wait3A_89 = arith.constant 0 : i32
          %dma_wait3A_90 = tpu.memref_slice %arg15[%mul3A_79, %dma_wait3A_89] : memref<3840x128xf32, #tpu.memory_space<vmem_shared>> -> memref<240x128xf32, #tpu.memory_space<vmem_shared>>
          tpu.wait_dma2 semaphore(%run_scoped3A_82 : memref<!tpu.dma_semaphore, #tpu.memory_space<semaphore_mem>>) src(%dma_wait3A_90 : memref<240x128xf32, #tpu.memory_space<vmem_shared>>) dst(%dma_wait3A_88 : memref<240x128xf32, #tpu.memory_space<hbm>>)
          tpu.yield
        }) : () -> ()
      } else {
      }
      %eq3A_72 = arith.constant 1 : i32
      %eq3A_73 = arith.cmpi eq, %arg0, %eq3A_72 : i32
      %convert_element_type3A_74 = arith.extui %eq3A_73 : i1 to i32
      %cond3A_75 = arith.constant 0 : i32
      %cond3A_76 = arith.cmpi ne, %convert_element_type3A_74, %cond3A_75 : i32
      scf.if %cond3A_76 {
        %mul3A_78 = arith.constant 240 : i32
        %mul3A_79 = arith.muli %arg1, %mul3A_78 : i32
        %mul3A_80 = arith.constant 240 : i32
        %mul3A_81 = arith.muli %arg1, %mul3A_80 : i32
        "tpu.region"() ({
          %run_scoped3A_82 = tpu.sem_alloc : memref<!tpu.dma_semaphore, #tpu.memory_space<semaphore_mem>>
          %dma_start3A = arith.constant 0 : i32
          %dma_start3A_83 = tpu.memref_slice %arg7[%add3A_44, %mul3A_81, %dma_start3A] : memref<2x3840x128xf32, #tpu.memory_space<hbm>> -> memref<1x240x128xf32, #tpu.memory_space<hbm>>
          %dma_start3A_84 = tpu.memref_squeeze %dma_start3A_83 : memref<1x240x128xf32, #tpu.memory_space<hbm>> -> memref<240x128xf32, #tpu.memory_space<hbm>>
          %dma_start3A_85 = arith.constant 0 : i32
          %dma_start3A_86 = tpu.memref_slice %arg15[%mul3A_79, %dma_start3A_85] : memref<3840x128xf32, #tpu.memory_space<vmem_shared>> -> memref<240x128xf32, #tpu.memory_space<vmem_shared>>
          tpu.enqueue_dma source(%dma_start3A_86 : memref<240x128xf32, #tpu.memory_space<vmem_shared>>) target(%dma_start3A_84 : memref<240x128xf32, #tpu.memory_space<hbm>>) target_semaphore(%run_scoped3A_82 : memref<!tpu.dma_semaphore, #tpu.memory_space<semaphore_mem>>)
          %dma_wait3A = arith.constant 0 : i32
          %dma_wait3A_87 = tpu.memref_slice %arg7[%add3A_44, %mul3A_81, %dma_wait3A] : memref<2x3840x128xf32, #tpu.memory_space<hbm>> -> memref<1x240x128xf32, #tpu.memory_space<hbm>>
          %dma_wait3A_88 = tpu.memref_squeeze %dma_wait3A_87 : memref<1x240x128xf32, #tpu.memory_space<hbm>> -> memref<240x128xf32, #tpu.memory_space<hbm>>
          %dma_wait3A_89 = arith.constant 0 : i32
          %dma_wait3A_90 = tpu.memref_slice %arg15[%mul3A_79, %dma_wait3A_89] : memref<3840x128xf32, #tpu.memory_space<vmem_shared>> -> memref<240x128xf32, #tpu.memory_space<vmem_shared>>
          tpu.wait_dma2 semaphore(%run_scoped3A_82 : memref<!tpu.dma_semaphore, #tpu.memory_space<semaphore_mem>>) src(%dma_wait3A_90 : memref<240x128xf32, #tpu.memory_space<vmem_shared>>) dst(%dma_wait3A_88 : memref<240x128xf32, #tpu.memory_space<hbm>>)
          tpu.yield
        }) : () -> ()
      } else {
      }
      %barrier3A_77 = arith.constant 0 : index
      tpu.barrier barrier_id(%barrier3A_77)
    }
    %while3A_41 = arith.constant 1 : i32
    scf.for %while3A_42 = %while3A_39 to %while3A_35 step %while3A_41  : i32 {
      %mul3A_43 = arith.muli %while3A_42, %while3A : i32
      %add3A_44 = arith.addi %while3A_32, %mul3A_43 : i32
      %mul3A_45 = arith.constant 10240 : i32
      %mul3A_46 = arith.muli %add3A_44, %mul3A_45 : i32
      %multiple_of3A = tpu.assume_multiple %mul3A_46, 10240 : i32
      %scan3A_47 = arith.constant 0 : i32
      %scan3A_48 = arith.constant 96 : i32
      %scan3A_49 = arith.addi %scan3A_47, %scan3A_48 : i32
      %scan3A_50 = arith.constant 1 : i32
      scf.for %scan3A_78 = %scan3A_47 to %scan3A_49 step %scan3A_50  : i32 {
        %mul3A_79 = arith.constant 1 : i32
        %mul3A_80 = arith.muli %scan3A_78, %mul3A_79 : i32
        %add3A_81 = arith.constant 0 : i32
        %add3A_82 = arith.addi %add3A_81, %mul3A_80 : i32
        %scan3A_83 = arith.constant 0 : i32
        %scan3A_84 = arith.constant 8 : i32
        %scan3A_85 = arith.addi %scan3A_83, %scan3A_84 : i32
        %scan3A_86 = arith.constant 1 : i32
        scf.for %scan3A_88 = %scan3A_83 to %scan3A_85 step %scan3A_86  : i32 {
          %mul3A_89 = arith.constant 16 : i32
          %mul3A_90 = arith.muli %scan3A_88, %mul3A_89 : i32
          %add3A_91 = arith.constant 0 : i32
          %add3A_92 = arith.addi %add3A_91, %mul3A_90 : i32
          %broadcast_in_dim3A = arith.constant 0.000000e+00 : f32
          %broadcast_in_dim3A_93 = vector.broadcast %broadcast_in_dim3A : f32 to vector<16xf32>
          %swap3A = arith.index_cast %add3A_82 : i32 to index
          %swap3A_94 = arith.index_cast %add3A_92 : i32 to index
          %swap3A_95 = tpu.vector_load %arg10[%swap3A, %swap3A_94] {strides = array<i32>} : memref<96x128xf32, #tpu.memory_space<vmem>>, vector<16xf32>,
          tpu.vector_store %arg10[%swap3A, %swap3A_94], %broadcast_in_dim3A_93 {strides = array<i32>} : memref<96x128xf32, #tpu.memory_space<vmem>>, vector<16xf32>,
        }
        %scan3A_87 = arith.constant 8 : i32
      }
      %scan3A_51 = arith.constant 96 : i32
      %mul3A_52 = arith.constant 240 : i32
      %mul3A_53 = arith.muli %arg1, %mul3A_52 : i32
      %add3A_54 = arith.constant 0 : i32
      %add3A_55 = arith.addi %mul3A_53, %add3A_54 : i32
      "tpu.region"() ({
        %run_scoped3A_78 = tpu.sem_alloc : memref<!tpu.dma_semaphore, #tpu.memory_space<semaphore_mem>>
        %dma_start3A = arith.constant 0 : i32
        %dma_start3A_79 = tpu.memref_slice %arg15[%add3A_55, %dma_start3A] : memref<3840x128xf32, #tpu.memory_space<vmem_shared>> -> memref<96x128xf32, #tpu.memory_space<vmem_shared>>
        %dma_start3A_80 = arith.constant 0 : i32
        %dma_start3A_81 = tpu.memref_slice %arg15[%add3A_55, %dma_start3A_80] : memref<3840x128xf32, #tpu.memory_space<vmem_shared>> -> memref<96x128xf32, #tpu.memory_space<vmem_shared>>
        tpu.enqueue_dma source(%arg10 : memref<96x128xf32, #tpu.memory_space<vmem>>) target(%dma_start3A_81 : memref<96x128xf32, #tpu.memory_space<vmem_shared>>) target_semaphore(%run_scoped3A_78 : memref<!tpu.dma_semaphore, #tpu.memory_space<semaphore_mem>>)
        %dma_wait3A = arith.constant 0 : i32
        %dma_wait3A_82 = tpu.memref_slice %arg15[%add3A_55, %dma_wait3A] : memref<3840x128xf32, #tpu.memory_space<vmem_shared>> -> memref<96x128xf32, #tpu.memory_space<vmem_shared>>
        %dma_wait3A_83 = arith.constant 0 : i32
        %dma_wait3A_84 = tpu.memref_slice %arg15[%add3A_55, %dma_wait3A_83] : memref<3840x128xf32, #tpu.memory_space<vmem_shared>> -> memref<96x128xf32, #tpu.memory_space<vmem_shared>>
        tpu.wait_dma2 semaphore(%run_scoped3A_78 : memref<!tpu.dma_semaphore, #tpu.memory_space<semaphore_mem>>) src(%arg10 : memref<96x128xf32, #tpu.memory_space<vmem>>) dst(%dma_wait3A_84 : memref<96x128xf32, #tpu.memory_space<vmem_shared>>)
        tpu.yield
      }) : () -> ()
      %mul3A_56 = arith.constant 240 : i32
      %mul3A_57 = arith.muli %arg1, %mul3A_56 : i32
      %add3A_58 = arith.constant 96 : i32
      %add3A_59 = arith.addi %mul3A_57, %add3A_58 : i32
      "tpu.region"() ({
        %run_scoped3A_78 = tpu.sem_alloc : memref<!tpu.dma_semaphore, #tpu.memory_space<semaphore_mem>>
        %dma_start3A = arith.constant 0 : i32
        %dma_start3A_79 = tpu.memref_slice %arg15[%add3A_59, %dma_start3A] : memref<3840x128xf32, #tpu.memory_space<vmem_shared>> -> memref<96x128xf32, #tpu.memory_space<vmem_shared>>
        %dma_start3A_80 = arith.constant 0 : i32
        %dma_start3A_81 = tpu.memref_slice %arg15[%add3A_59, %dma_start3A_80] : memref<3840x128xf32, #tpu.memory_space<vmem_shared>> -> memref<96x128xf32, #tpu.memory_space<vmem_shared>>
        tpu.enqueue_dma source(%arg10 : memref<96x128xf32, #tpu.memory_space<vmem>>) target(%dma_start3A_81 : memref<96x128xf32, #tpu.memory_space<vmem_shared>>) target_semaphore(%run_scoped3A_78 : memref<!tpu.dma_semaphore, #tpu.memory_space<semaphore_mem>>)
        %dma_wait3A = arith.constant 0 : i32
        %dma_wait3A_82 = tpu.memref_slice %arg15[%add3A_59, %dma_wait3A] : memref<3840x128xf32, #tpu.memory_space<vmem_shared>> -> memref<96x128xf32, #tpu.memory_space<vmem_shared>>
        %dma_wait3A_83 = arith.constant 0 : i32
        %dma_wait3A_84 = tpu.memref_slice %arg15[%add3A_59, %dma_wait3A_83] : memref<3840x128xf32, #tpu.memory_space<vmem_shared>> -> memref<96x128xf32, #tpu.memory_space<vmem_shared>>
        tpu.wait_dma2 semaphore(%run_scoped3A_78 : memref<!tpu.dma_semaphore, #tpu.memory_space<semaphore_mem>>) src(%arg10 : memref<96x128xf32, #tpu.memory_space<vmem>>) dst(%dma_wait3A_84 : memref<96x128xf32, #tpu.memory_space<vmem_shared>>)
        tpu.yield
      }) : () -> ()
      %mul3A_60 = arith.constant 240 : i32
      %mul3A_61 = arith.muli %arg1, %mul3A_60 : i32
      %add3A_62 = arith.constant 192 : i32
      %add3A_63 = arith.addi %mul3A_61, %add3A_62 : i32
      "tpu.region"() ({
        %run_scoped3A_78 = tpu.sem_alloc : memref<!tpu.dma_semaphore, #tpu.memory_space<semaphore_mem>>
        %dma_start3A = arith.constant 0 : i32
        %dma_start3A_79 = arith.constant 0 : i32
        %dma_start3A_80 = tpu.memref_slice %arg10[%dma_start3A, %dma_start3A_79] : memref<96x128xf32, #tpu.memory_space<vmem>> -> memref<48x128xf32, #tpu.memory_space<vmem>>
        %dma_start3A_81 = arith.constant 0 : i32
        %dma_start3A_82 = tpu.memref_slice %arg15[%add3A_63, %dma_start3A_81] : memref<3840x128xf32, #tpu.memory_space<vmem_shared>> -> memref<48x128xf32, #tpu.memory_space<vmem_shared>>
        %dma_start3A_83 = arith.constant 0 : i32
        %dma_start3A_84 = tpu.memref_slice %arg15[%add3A_63, %dma_start3A_83] : memref<3840x128xf32, #tpu.memory_space<vmem_shared>> -> memref<48x128xf32, #tpu.memory_space<vmem_shared>>
        %dma_start3A_85 = arith.constant 0 : i32
        %dma_start3A_86 = arith.constant 0 : i32
        %dma_start3A_87 = tpu.memref_slice %arg10[%dma_start3A_85, %dma_start3A_86] : memref<96x128xf32, #tpu.memory_space<vmem>> -> memref<48x128xf32, #tpu.memory_space<vmem>>
        tpu.enqueue_dma source(%dma_start3A_87 : memref<48x128xf32, #tpu.memory_space<vmem>>) target(%dma_start3A_84 : memref<48x128xf32, #tpu.memory_space<vmem_shared>>) target_semaphore(%run_scoped3A_78 : memref<!tpu.dma_semaphore, #tpu.memory_space<semaphore_mem>>)
        %dma_wait3A = arith.constant 0 : i32
        %dma_wait3A_88 = arith.constant 0 : i32
        %dma_wait3A_89 = tpu.memref_slice %arg10[%dma_wait3A, %dma_wait3A_88] : memref<96x128xf32, #tpu.memory_space<vmem>> -> memref<48x128xf32, #tpu.memory_space<vmem>>
        %dma_wait3A_90 = arith.constant 0 : i32
        %dma_wait3A_91 = tpu.memref_slice %arg15[%add3A_63, %dma_wait3A_90] : memref<3840x128xf32, #tpu.memory_space<vmem_shared>> -> memref<48x128xf32, #tpu.memory_space<vmem_shared>>
        %dma_wait3A_92 = arith.constant 0 : i32
        %dma_wait3A_93 = tpu.memref_slice %arg15[%add3A_63, %dma_wait3A_92] : memref<3840x128xf32, #tpu.memory_space<vmem_shared>> -> memref<48x128xf32, #tpu.memory_space<vmem_shared>>
        %dma_wait3A_94 = arith.constant 0 : i32
        %dma_wait3A_95 = arith.constant 0 : i32
        %dma_wait3A_96 = tpu.memref_slice %arg10[%dma_wait3A_94, %dma_wait3A_95] : memref<96x128xf32, #tpu.memory_space<vmem>> -> memref<48x128xf32, #tpu.memory_space<vmem>>
        tpu.wait_dma2 semaphore(%run_scoped3A_78 : memref<!tpu.dma_semaphore, #tpu.memory_space<semaphore_mem>>) src(%dma_wait3A_96 : memref<48x128xf32, #tpu.memory_space<vmem>>) dst(%dma_wait3A_93 : memref<48x128xf32, #tpu.memory_space<vmem_shared>>)
        tpu.yield
      }) : () -> ()
      %barrier3A = arith.constant 0 : index
      tpu.barrier barrier_id(%barrier3A)
      %scan3A_64 = arith.constant 0 : i32
      %scan3A_65 = arith.constant 21 : i32
      %scan3A_66 = arith.addi %scan3A_64, %scan3A_65 : i32
      %scan3A_67 = arith.constant 1 : i32
      scf.for %scan3A_78 = %scan3A_64 to %scan3A_66 step %scan3A_67  : i32 {
        %mul3A_79 = arith.constant 5 : i32
        %mul3A_80 = arith.muli %scan3A_78, %mul3A_79 : i32
        %add3A_81 = arith.constant 0 : i32
        %add3A_82 = arith.addi %add3A_81, %mul3A_80 : i32
        %add3A_83 = arith.constant 0 : i32
        %add3A_84 = arith.addi %add3A_82, %add3A_83 : i32
        %dma_start3A = arith.constant 0 : i32
        %dma_start3A_85 = tpu.memref_slice %arg8[%add3A_84, %dma_start3A] : memref<105x96xi32, #tpu.memory_space<vmem>> -> memref<1x96xi32, #tpu.memory_space<vmem>>
        %dma_start3A_86 = tpu.memref_squeeze %dma_start3A_85 : memref<1x96xi32, #tpu.memory_space<vmem>> -> memref<96xi32, #tpu.memory_space<vmem>>
        %dma_start3A_87 = arith.constant 0 : i32
        %dma_start3A_88 = tpu.memref_slice %arg2[%multiple_of3A, %dma_start3A_87] : memref<20480x128xf32, #tpu.memory_space<hbm>> -> memref<10240x128xf32, #tpu.memory_space<hbm>>
        %dma_start3A_89 = arith.constant 0 : i32
        %dma_start3A_90 = arith.constant 0 : i32
        %dma_start3A_91 = tpu.memref_slice %dma_start3A_88[%dma_start3A_89, %dma_start3A_90] : memref<10240x128xf32, #tpu.memory_space<hbm>> -> memref<10240x128xf32, #tpu.memory_space<hbm>>
        tpu.enqueue_indirect_dma source(%dma_start3A_91 : memref<10240x128xf32, #tpu.memory_space<hbm>>) target(%arg10 : memref<96x128xf32, #tpu.memory_space<vmem>>) offsets(%dma_start3A_86 : memref<96xi32, #tpu.memory_space<vmem>>) semaphore(%arg18 : memref<!tpu.dma_semaphore, #tpu.memory_space<semaphore_mem>>)
        %add3A_92 = arith.constant 1 : i32
        %add3A_93 = arith.addi %add3A_82, %add3A_92 : i32
        %dma_start3A_94 = arith.constant 0 : i32
        %dma_start3A_95 = tpu.memref_slice %arg8[%add3A_93, %dma_start3A_94] : memref<105x96xi32, #tpu.memory_space<vmem>> -> memref<1x96xi32, #tpu.memory_space<vmem>>
        %dma_start3A_96 = tpu.memref_squeeze %dma_start3A_95 : memref<1x96xi32, #tpu.memory_space<vmem>> -> memref<96xi32, #tpu.memory_space<vmem>>
        %dma_start3A_97 = arith.constant 0 : i32
        %dma_start3A_98 = tpu.memref_slice %arg2[%multiple_of3A, %dma_start3A_97] : memref<20480x128xf32, #tpu.memory_space<hbm>> -> memref<10240x128xf32, #tpu.memory_space<hbm>>
        %dma_start3A_99 = arith.constant 0 : i32
        %dma_start3A_100 = arith.constant 0 : i32
        %dma_start3A_101 = tpu.memref_slice %dma_start3A_98[%dma_start3A_99, %dma_start3A_100] : memref<10240x128xf32, #tpu.memory_space<hbm>> -> memref<10240x128xf32, #tpu.memory_space<hbm>>
        tpu.enqueue_indirect_dma source(%dma_start3A_101 : memref<10240x128xf32, #tpu.memory_space<hbm>>) target(%arg11 : memref<96x128xf32, #tpu.memory_space<vmem>>) offsets(%dma_start3A_96 : memref<96xi32, #tpu.memory_space<vmem>>) semaphore(%arg18 : memref<!tpu.dma_semaphore, #tpu.memory_space<semaphore_mem>>)
        %add3A_102 = arith.constant 2 : i32
        %add3A_103 = arith.addi %add3A_82, %add3A_102 : i32
        %dma_start3A_104 = arith.constant 0 : i32
        %dma_start3A_105 = tpu.memref_slice %arg8[%add3A_103, %dma_start3A_104] : memref<105x96xi32, #tpu.memory_space<vmem>> -> memref<1x96xi32, #tpu.memory_space<vmem>>
        %dma_start3A_106 = tpu.memref_squeeze %dma_start3A_105 : memref<1x96xi32, #tpu.memory_space<vmem>> -> memref<96xi32, #tpu.memory_space<vmem>>
        %dma_start3A_107 = arith.constant 0 : i32
        %dma_start3A_108 = tpu.memref_slice %arg2[%multiple_of3A, %dma_start3A_107] : memref<20480x128xf32, #tpu.memory_space<hbm>> -> memref<10240x128xf32, #tpu.memory_space<hbm>>
        %dma_start3A_109 = arith.constant 0 : i32
        %dma_start3A_110 = arith.constant 0 : i32
        %dma_start3A_111 = tpu.memref_slice %dma_start3A_108[%dma_start3A_109, %dma_start3A_110] : memref<10240x128xf32, #tpu.memory_space<hbm>> -> memref<10240x128xf32, #tpu.memory_space<hbm>>
        tpu.enqueue_indirect_dma source(%dma_start3A_111 : memref<10240x128xf32, #tpu.memory_space<hbm>>) target(%arg12 : memref<96x128xf32, #tpu.memory_space<vmem>>) offsets(%dma_start3A_106 : memref<96xi32, #tpu.memory_space<vmem>>) semaphore(%arg18 : memref<!tpu.dma_semaphore, #tpu.memory_space<semaphore_mem>>)
        %add3A_112 = arith.constant 3 : i32
        %add3A_113 = arith.addi %add3A_82, %add3A_112 : i32
        %dma_start3A_114 = arith.constant 0 : i32
        %dma_start3A_115 = tpu.memref_slice %arg8[%add3A_113, %dma_start3A_114] : memref<105x96xi32, #tpu.memory_space<vmem>> -> memref<1x96xi32, #tpu.memory_space<vmem>>
        %dma_start3A_116 = tpu.memref_squeeze %dma_start3A_115 : memref<1x96xi32, #tpu.memory_space<vmem>> -> memref<96xi32, #tpu.memory_space<vmem>>
        %dma_start3A_117 = arith.constant 0 : i32
        %dma_start3A_118 = tpu.memref_slice %arg2[%multiple_of3A, %dma_start3A_117] : memref<20480x128xf32, #tpu.memory_space<hbm>> -> memref<10240x128xf32, #tpu.memory_space<hbm>>
        %dma_start3A_119 = arith.constant 0 : i32
        %dma_start3A_120 = arith.constant 0 : i32
        %dma_start3A_121 = tpu.memref_slice %dma_start3A_118[%dma_start3A_119, %dma_start3A_120] : memref<10240x128xf32, #tpu.memory_space<hbm>> -> memref<10240x128xf32, #tpu.memory_space<hbm>>
        tpu.enqueue_indirect_dma source(%dma_start3A_121 : memref<10240x128xf32, #tpu.memory_space<hbm>>) target(%arg13 : memref<96x128xf32, #tpu.memory_space<vmem>>) offsets(%dma_start3A_116 : memref<96xi32, #tpu.memory_space<vmem>>) semaphore(%arg18 : memref<!tpu.dma_semaphore, #tpu.memory_space<semaphore_mem>>)
        %add3A_122 = arith.constant 4 : i32
        %add3A_123 = arith.addi %add3A_82, %add3A_122 : i32
        %dma_start3A_124 = arith.constant 0 : i32
        %dma_start3A_125 = tpu.memref_slice %arg8[%add3A_123, %dma_start3A_124] : memref<105x96xi32, #tpu.memory_space<vmem>> -> memref<1x96xi32, #tpu.memory_space<vmem>>
        %dma_start3A_126 = tpu.memref_squeeze %dma_start3A_125 : memref<1x96xi32, #tpu.memory_space<vmem>> -> memref<96xi32, #tpu.memory_space<vmem>>
        %dma_start3A_127 = arith.constant 0 : i32
        %dma_start3A_128 = tpu.memref_slice %arg2[%multiple_of3A, %dma_start3A_127] : memref<20480x128xf32, #tpu.memory_space<hbm>> -> memref<10240x128xf32, #tpu.memory_space<hbm>>
        %dma_start3A_129 = arith.constant 0 : i32
        %dma_start3A_130 = arith.constant 0 : i32
        %dma_start3A_131 = tpu.memref_slice %dma_start3A_128[%dma_start3A_129, %dma_start3A_130] : memref<10240x128xf32, #tpu.memory_space<hbm>> -> memref<10240x128xf32, #tpu.memory_space<hbm>>
        tpu.enqueue_indirect_dma source(%dma_start3A_131 : memref<10240x128xf32, #tpu.memory_space<hbm>>) target(%arg14 : memref<96x128xf32, #tpu.memory_space<vmem>>) offsets(%dma_start3A_126 : memref<96xi32, #tpu.memory_space<vmem>>) semaphore(%arg18 : memref<!tpu.dma_semaphore, #tpu.memory_space<semaphore_mem>>)
        %dma_wait3A = arith.constant 0 : i32
        %dma_wait3A_132 = tpu.memref_slice %arg8[%add3A_84, %dma_wait3A] : memref<105x96xi32, #tpu.memory_space<vmem>> -> memref<1x96xi32, #tpu.memory_space<vmem>>
        %dma_wait3A_133 = tpu.memref_squeeze %dma_wait3A_132 : memref<1x96xi32, #tpu.memory_space<vmem>> -> memref<96xi32, #tpu.memory_space<vmem>>
        %dma_wait3A_134 = arith.constant 0 : i32
        %dma_wait3A_135 = tpu.memref_slice %arg2[%multiple_of3A, %dma_wait3A_134] : memref<20480x128xf32, #tpu.memory_space<hbm>> -> memref<10240x128xf32, #tpu.memory_space<hbm>>
        %dma_wait3A_136 = arith.constant 0 : i32
        %dma_wait3A_137 = arith.constant 0 : i32
        %dma_wait3A_138 = tpu.memref_slice %dma_wait3A_135[%dma_wait3A_136, %dma_wait3A_137] : memref<10240x128xf32, #tpu.memory_space<hbm>> -> memref<10240x128xf32, #tpu.memory_space<hbm>>
        tpu.wait_indirect_dma semaphore(%arg18 : memref<!tpu.dma_semaphore, #tpu.memory_space<semaphore_mem>>) src(%dma_wait3A_138 : memref<10240x128xf32, #tpu.memory_space<hbm>>) dst(%arg10 : memref<96x128xf32, #tpu.memory_space<vmem>>)
        %add3A_139 = arith.constant 0 : i32
        %add3A_140 = arith.addi %add3A_82, %add3A_139 : i32
        %dma_start3A_141 = arith.constant 0 : i32
        %dma_start3A_142 = tpu.memref_slice %arg9[%add3A_140, %dma_start3A_141] : memref<105x96xi32, #tpu.memory_space<vmem>> -> memref<1x96xi32, #tpu.memory_space<vmem>>
        %dma_start3A_143 = tpu.memref_squeeze %dma_start3A_142 : memref<1x96xi32, #tpu.memory_space<vmem>> -> memref<96xi32, #tpu.memory_space<vmem>>
        %dma_start3A_144 = arith.constant 0 : i32
        %dma_start3A_145 = arith.constant 0 : i32
        %dma_start3A_146 = tpu.memref_slice %arg15[%dma_start3A_144, %dma_start3A_145] : memref<3840x128xf32, #tpu.memory_space<vmem_shared>> -> memref<3840x128xf32, #tpu.memory_space<vmem_shared>>
        tpu.enqueue_indirect_dma source(%arg10 : memref<96x128xf32, #tpu.memory_space<vmem>>) target(%dma_start3A_146 : memref<3840x128xf32, #tpu.memory_space<vmem_shared>>) offsets(%dma_start3A_143 : memref<96xi32, #tpu.memory_space<vmem>>) semaphore(%arg19 : memref<!tpu.dma_semaphore, #tpu.memory_space<semaphore_mem>>) {add = true}
        %dma_wait3A_147 = arith.constant 0 : i32
        %dma_wait3A_148 = tpu.memref_slice %arg8[%add3A_93, %dma_wait3A_147] : memref<105x96xi32, #tpu.memory_space<vmem>> -> memref<1x96xi32, #tpu.memory_space<vmem>>
        %dma_wait3A_149 = tpu.memref_squeeze %dma_wait3A_148 : memref<1x96xi32, #tpu.memory_space<vmem>> -> memref<96xi32, #tpu.memory_space<vmem>>
        %dma_wait3A_150 = arith.constant 0 : i32
        %dma_wait3A_151 = tpu.memref_slice %arg2[%multiple_of3A, %dma_wait3A_150] : memref<20480x128xf32, #tpu.memory_space<hbm>> -> memref<10240x128xf32, #tpu.memory_space<hbm>>
        %dma_wait3A_152 = arith.constant 0 : i32
        %dma_wait3A_153 = arith.constant 0 : i32
        %dma_wait3A_154 = tpu.memref_slice %dma_wait3A_151[%dma_wait3A_152, %dma_wait3A_153] : memref<10240x128xf32, #tpu.memory_space<hbm>> -> memref<10240x128xf32, #tpu.memory_space<hbm>>
        tpu.wait_indirect_dma semaphore(%arg18 : memref<!tpu.dma_semaphore, #tpu.memory_space<semaphore_mem>>) src(%dma_wait3A_154 : memref<10240x128xf32, #tpu.memory_space<hbm>>) dst(%arg11 : memref<96x128xf32, #tpu.memory_space<vmem>>)
        %add3A_155 = arith.constant 1 : i32
        %add3A_156 = arith.addi %add3A_82, %add3A_155 : i32
        %dma_start3A_157 = arith.constant 0 : i32
        %dma_start3A_158 = tpu.memref_slice %arg9[%add3A_156, %dma_start3A_157] : memref<105x96xi32, #tpu.memory_space<vmem>> -> memref<1x96xi32, #tpu.memory_space<vmem>>
        %dma_start3A_159 = tpu.memref_squeeze %dma_start3A_158 : memref<1x96xi32, #tpu.memory_space<vmem>> -> memref<96xi32, #tpu.memory_space<vmem>>
        %dma_start3A_160 = arith.constant 0 : i32
        %dma_start3A_161 = arith.constant 0 : i32
        %dma_start3A_162 = tpu.memref_slice %arg15[%dma_start3A_160, %dma_start3A_161] : memref<3840x128xf32, #tpu.memory_space<vmem_shared>> -> memref<3840x128xf32, #tpu.memory_space<vmem_shared>>
        tpu.enqueue_indirect_dma source(%arg11 : memref<96x128xf32, #tpu.memory_space<vmem>>) target(%dma_start3A_162 : memref<3840x128xf32, #tpu.memory_space<vmem_shared>>) offsets(%dma_start3A_159 : memref<96xi32, #tpu.memory_space<vmem>>) semaphore(%arg19 : memref<!tpu.dma_semaphore, #tpu.memory_space<semaphore_mem>>) {add = true}
        %dma_wait3A_163 = arith.constant 0 : i32
        %dma_wait3A_164 = tpu.memref_slice %arg8[%add3A_103, %dma_wait3A_163] : memref<105x96xi32, #tpu.memory_space<vmem>> -> memref<1x96xi32, #tpu.memory_space<vmem>>
        %dma_wait3A_165 = tpu.memref_squeeze %dma_wait3A_164 : memref<1x96xi32, #tpu.memory_space<vmem>> -> memref<96xi32, #tpu.memory_space<vmem>>
        %dma_wait3A_166 = arith.constant 0 : i32
        %dma_wait3A_167 = tpu.memref_slice %arg2[%multiple_of3A, %dma_wait3A_166] : memref<20480x128xf32, #tpu.memory_space<hbm>> -> memref<10240x128xf32, #tpu.memory_space<hbm>>
        %dma_wait3A_168 = arith.constant 0 : i32
        %dma_wait3A_169 = arith.constant 0 : i32
        %dma_wait3A_170 = tpu.memref_slice %dma_wait3A_167[%dma_wait3A_168, %dma_wait3A_169] : memref<10240x128xf32, #tpu.memory_space<hbm>> -> memref<10240x128xf32, #tpu.memory_space<hbm>>
        tpu.wait_indirect_dma semaphore(%arg18 : memref<!tpu.dma_semaphore, #tpu.memory_space<semaphore_mem>>) src(%dma_wait3A_170 : memref<10240x128xf32, #tpu.memory_space<hbm>>) dst(%arg12 : memref<96x128xf32, #tpu.memory_space<vmem>>)
        %add3A_171 = arith.constant 2 : i32
        %add3A_172 = arith.addi %add3A_82, %add3A_171 : i32
        %dma_start3A_173 = arith.constant 0 : i32
        %dma_start3A_174 = tpu.memref_slice %arg9[%add3A_172, %dma_start3A_173] : memref<105x96xi32, #tpu.memory_space<vmem>> -> memref<1x96xi32, #tpu.memory_space<vmem>>
        %dma_start3A_175 = tpu.memref_squeeze %dma_start3A_174 : memref<1x96xi32, #tpu.memory_space<vmem>> -> memref<96xi32, #tpu.memory_space<vmem>>
        %dma_start3A_176 = arith.constant 0 : i32
        %dma_start3A_177 = arith.constant 0 : i32
        %dma_start3A_178 = tpu.memref_slice %arg15[%dma_start3A_176, %dma_start3A_177] : memref<3840x128xf32, #tpu.memory_space<vmem_shared>> -> memref<3840x128xf32, #tpu.memory_space<vmem_shared>>
        tpu.enqueue_indirect_dma source(%arg12 : memref<96x128xf32, #tpu.memory_space<vmem>>) target(%dma_start3A_178 : memref<3840x128xf32, #tpu.memory_space<vmem_shared>>) offsets(%dma_start3A_175 : memref<96xi32, #tpu.memory_space<vmem>>) semaphore(%arg19 : memref<!tpu.dma_semaphore, #tpu.memory_space<semaphore_mem>>) {add = true}
        %dma_wait3A_179 = arith.constant 0 : i32
        %dma_wait3A_180 = tpu.memref_slice %arg8[%add3A_113, %dma_wait3A_179] : memref<105x96xi32, #tpu.memory_space<vmem>> -> memref<1x96xi32, #tpu.memory_space<vmem>>
        %dma_wait3A_181 = tpu.memref_squeeze %dma_wait3A_180 : memref<1x96xi32, #tpu.memory_space<vmem>> -> memref<96xi32, #tpu.memory_space<vmem>>
        %dma_wait3A_182 = arith.constant 0 : i32
        %dma_wait3A_183 = tpu.memref_slice %arg2[%multiple_of3A, %dma_wait3A_182] : memref<20480x128xf32, #tpu.memory_space<hbm>> -> memref<10240x128xf32, #tpu.memory_space<hbm>>
        %dma_wait3A_184 = arith.constant 0 : i32
        %dma_wait3A_185 = arith.constant 0 : i32
        %dma_wait3A_186 = tpu.memref_slice %dma_wait3A_183[%dma_wait3A_184, %dma_wait3A_185] : memref<10240x128xf32, #tpu.memory_space<hbm>> -> memref<10240x128xf32, #tpu.memory_space<hbm>>
        tpu.wait_indirect_dma semaphore(%arg18 : memref<!tpu.dma_semaphore, #tpu.memory_space<semaphore_mem>>) src(%dma_wait3A_186 : memref<10240x128xf32, #tpu.memory_space<hbm>>) dst(%arg13 : memref<96x128xf32, #tpu.memory_space<vmem>>)
        %add3A_187 = arith.constant 3 : i32
        %add3A_188 = arith.addi %add3A_82, %add3A_187 : i32
        %dma_start3A_189 = arith.constant 0 : i32
        %dma_start3A_190 = tpu.memref_slice %arg9[%add3A_188, %dma_start3A_189] : memref<105x96xi32, #tpu.memory_space<vmem>> -> memref<1x96xi32, #tpu.memory_space<vmem>>
        %dma_start3A_191 = tpu.memref_squeeze %dma_start3A_190 : memref<1x96xi32, #tpu.memory_space<vmem>> -> memref<96xi32, #tpu.memory_space<vmem>>
        %dma_start3A_192 = arith.constant 0 : i32
        %dma_start3A_193 = arith.constant 0 : i32
        %dma_start3A_194 = tpu.memref_slice %arg15[%dma_start3A_192, %dma_start3A_193] : memref<3840x128xf32, #tpu.memory_space<vmem_shared>> -> memref<3840x128xf32, #tpu.memory_space<vmem_shared>>
        tpu.enqueue_indirect_dma source(%arg13 : memref<96x128xf32, #tpu.memory_space<vmem>>) target(%dma_start3A_194 : memref<3840x128xf32, #tpu.memory_space<vmem_shared>>) offsets(%dma_start3A_191 : memref<96xi32, #tpu.memory_space<vmem>>) semaphore(%arg19 : memref<!tpu.dma_semaphore, #tpu.memory_space<semaphore_mem>>) {add = true}
        %dma_wait3A_195 = arith.constant 0 : i32
        %dma_wait3A_196 = tpu.memref_slice %arg8[%add3A_123, %dma_wait3A_195] : memref<105x96xi32, #tpu.memory_space<vmem>> -> memref<1x96xi32, #tpu.memory_space<vmem>>
        %dma_wait3A_197 = tpu.memref_squeeze %dma_wait3A_196 : memref<1x96xi32, #tpu.memory_space<vmem>> -> memref<96xi32, #tpu.memory_space<vmem>>
        %dma_wait3A_198 = arith.constant 0 : i32
        %dma_wait3A_199 = tpu.memref_slice %arg2[%multiple_of3A, %dma_wait3A_198] : memref<20480x128xf32, #tpu.memory_space<hbm>> -> memref<10240x128xf32, #tpu.memory_space<hbm>>
        %dma_wait3A_200 = arith.constant 0 : i32
        %dma_wait3A_201 = arith.constant 0 : i32
        %dma_wait3A_202 = tpu.memref_slice %dma_wait3A_199[%dma_wait3A_200, %dma_wait3A_201] : memref<10240x128xf32, #tpu.memory_space<hbm>> -> memref<10240x128xf32, #tpu.memory_space<hbm>>
        tpu.wait_indirect_dma semaphore(%arg18 : memref<!tpu.dma_semaphore, #tpu.memory_space<semaphore_mem>>) src(%dma_wait3A_202 : memref<10240x128xf32, #tpu.memory_space<hbm>>) dst(%arg14 : memref<96x128xf32, #tpu.memory_space<vmem>>)
        %add3A_203 = arith.constant 4 : i32
        %add3A_204 = arith.addi %add3A_82, %add3A_203 : i32
        %dma_start3A_205 = arith.constant 0 : i32
        %dma_start3A_206 = tpu.memref_slice %arg9[%add3A_204, %dma_start3A_205] : memref<105x96xi32, #tpu.memory_space<vmem>> -> memref<1x96xi32, #tpu.memory_space<vmem>>
        %dma_start3A_207 = tpu.memref_squeeze %dma_start3A_206 : memref<1x96xi32, #tpu.memory_space<vmem>> -> memref<96xi32, #tpu.memory_space<vmem>>
        %dma_start3A_208 = arith.constant 0 : i32
        %dma_start3A_209 = arith.constant 0 : i32
        %dma_start3A_210 = tpu.memref_slice %arg15[%dma_start3A_208, %dma_start3A_209] : memref<3840x128xf32, #tpu.memory_space<vmem_shared>> -> memref<3840x128xf32, #tpu.memory_space<vmem_shared>>
        tpu.enqueue_indirect_dma source(%arg14 : memref<96x128xf32, #tpu.memory_space<vmem>>) target(%dma_start3A_210 : memref<3840x128xf32, #tpu.memory_space<vmem_shared>>) offsets(%dma_start3A_207 : memref<96xi32, #tpu.memory_space<vmem>>) semaphore(%arg19 : memref<!tpu.dma_semaphore, #tpu.memory_space<semaphore_mem>>) {add = true}
        %dma_wait3A_211 = arith.constant 0 : i32
        %dma_wait3A_212 = tpu.memref_slice %arg9[%add3A_140, %dma_wait3A_211] : memref<105x96xi32, #tpu.memory_space<vmem>> -> memref<1x96xi32, #tpu.memory_space<vmem>>
        %dma_wait3A_213 = tpu.memref_squeeze %dma_wait3A_212 : memref<1x96xi32, #tpu.memory_space<vmem>> -> memref<96xi32, #tpu.memory_space<vmem>>
        %dma_wait3A_214 = arith.constant 0 : i32
        %dma_wait3A_215 = arith.constant 0 : i32
        %dma_wait3A_216 = tpu.memref_slice %arg15[%dma_wait3A_214, %dma_wait3A_215] : memref<3840x128xf32, #tpu.memory_space<vmem_shared>> -> memref<3840x128xf32, #tpu.memory_space<vmem_shared>>
        tpu.wait_indirect_dma semaphore(%arg19 : memref<!tpu.dma_semaphore, #tpu.memory_space<semaphore_mem>>) src(%arg10 : memref<96x128xf32, #tpu.memory_space<vmem>>) dst(%dma_wait3A_216 : memref<3840x128xf32, #tpu.memory_space<vmem_shared>>)
        %dma_wait3A_217 = arith.constant 0 : i32
        %dma_wait3A_218 = tpu.memref_slice %arg9[%add3A_156, %dma_wait3A_217] : memref<105x96xi32, #tpu.memory_space<vmem>> -> memref<1x96xi32, #tpu.memory_space<vmem>>
        %dma_wait3A_219 = tpu.memref_squeeze %dma_wait3A_218 : memref<1x96xi32, #tpu.memory_space<vmem>> -> memref<96xi32, #tpu.memory_space<vmem>>
        %dma_wait3A_220 = arith.constant 0 : i32
        %dma_wait3A_221 = arith.constant 0 : i32
        %dma_wait3A_222 = tpu.memref_slice %arg15[%dma_wait3A_220, %dma_wait3A_221] : memref<3840x128xf32, #tpu.memory_space<vmem_shared>> -> memref<3840x128xf32, #tpu.memory_space<vmem_shared>>
        tpu.wait_indirect_dma semaphore(%arg19 : memref<!tpu.dma_semaphore, #tpu.memory_space<semaphore_mem>>) src(%arg11 : memref<96x128xf32, #tpu.memory_space<vmem>>) dst(%dma_wait3A_222 : memref<3840x128xf32, #tpu.memory_space<vmem_shared>>)
        %dma_wait3A_223 = arith.constant 0 : i32
        %dma_wait3A_224 = tpu.memref_slice %arg9[%add3A_172, %dma_wait3A_223] : memref<105x96xi32, #tpu.memory_space<vmem>> -> memref<1x96xi32, #tpu.memory_space<vmem>>
        %dma_wait3A_225 = tpu.memref_squeeze %dma_wait3A_224 : memref<1x96xi32, #tpu.memory_space<vmem>> -> memref<96xi32, #tpu.memory_space<vmem>>
        %dma_wait3A_226 = arith.constant 0 : i32
        %dma_wait3A_227 = arith.constant 0 : i32
        %dma_wait3A_228 = tpu.memref_slice %arg15[%dma_wait3A_226, %dma_wait3A_227] : memref<3840x128xf32, #tpu.memory_space<vmem_shared>> -> memref<3840x128xf32, #tpu.memory_space<vmem_shared>>
        tpu.wait_indirect_dma semaphore(%arg19 : memref<!tpu.dma_semaphore, #tpu.memory_space<semaphore_mem>>) src(%arg12 : memref<96x128xf32, #tpu.memory_space<vmem>>) dst(%dma_wait3A_228 : memref<3840x128xf32, #tpu.memory_space<vmem_shared>>)
        %dma_wait3A_229 = arith.constant 0 : i32
        %dma_wait3A_230 = tpu.memref_slice %arg9[%add3A_188, %dma_wait3A_229] : memref<105x96xi32, #tpu.memory_space<vmem>> -> memref<1x96xi32, #tpu.memory_space<vmem>>
        %dma_wait3A_231 = tpu.memref_squeeze %dma_wait3A_230 : memref<1x96xi32, #tpu.memory_space<vmem>> -> memref<96xi32, #tpu.memory_space<vmem>>
        %dma_wait3A_232 = arith.constant 0 : i32
        %dma_wait3A_233 = arith.constant 0 : i32
        %dma_wait3A_234 = tpu.memref_slice %arg15[%dma_wait3A_232, %dma_wait3A_233] : memref<3840x128xf32, #tpu.memory_space<vmem_shared>> -> memref<3840x128xf32, #tpu.memory_space<vmem_shared>>
        tpu.wait_indirect_dma semaphore(%arg19 : memref<!tpu.dma_semaphore, #tpu.memory_space<semaphore_mem>>) src(%arg13 : memref<96x128xf32, #tpu.memory_space<vmem>>) dst(%dma_wait3A_234 : memref<3840x128xf32, #tpu.memory_space<vmem_shared>>)
        %dma_wait3A_235 = arith.constant 0 : i32
        %dma_wait3A_236 = tpu.memref_slice %arg9[%add3A_204, %dma_wait3A_235] : memref<105x96xi32, #tpu.memory_space<vmem>> -> memref<1x96xi32, #tpu.memory_space<vmem>>
        %dma_wait3A_237 = tpu.memref_squeeze %dma_wait3A_236 : memref<1x96xi32, #tpu.memory_space<vmem>> -> memref<96xi32, #tpu.memory_space<vmem>>
        %dma_wait3A_238 = arith.constant 0 : i32
        %dma_wait3A_239 = arith.constant 0 : i32
        %dma_wait3A_240 = tpu.memref_slice %arg15[%dma_wait3A_238, %dma_wait3A_239] : memref<3840x128xf32, #tpu.memory_space<vmem_shared>> -> memref<3840x128xf32, #tpu.memory_space<vmem_shared>>
        tpu.wait_indirect_dma semaphore(%arg19 : memref<!tpu.dma_semaphore, #tpu.memory_space<semaphore_mem>>) src(%arg14 : memref<96x128xf32, #tpu.memory_space<vmem>>) dst(%dma_wait3A_240 : memref<3840x128xf32, #tpu.memory_space<vmem_shared>>)
      }
      %scan3A_68 = arith.constant 21 : i32
      %barrier3A_69 = arith.constant 0 : index
      tpu.barrier barrier_id(%barrier3A_69)
      %eq3A = arith.constant 0 : i32
      %eq3A_70 = arith.cmpi eq, %arg0, %eq3A : i32
      %convert_element_type3A = arith.extui %eq3A_70 : i1 to i32
      %cond3A = arith.constant 0 : i32
      %cond3A_71 = arith.cmpi ne, %convert_element_type3A, %cond3A : i32
      scf.if %cond3A_71 {
        %mul3A_78 = arith.constant 240 : i32
        %mul3A_79 = arith.muli %arg1, %mul3A_78 : i32
        %mul3A_80 = arith.constant 240 : i32
        %mul3A_81 = arith.muli %arg1, %mul3A_80 : i32
        "tpu.region"() ({
          %run_scoped3A_82 = tpu.sem_alloc : memref<!tpu.dma_semaphore, #tpu.memory_space<semaphore_mem>>
          %dma_start3A = arith.constant 0 : i32
          %dma_start3A_83 = tpu.memref_slice %arg6[%add3A_44, %mul3A_81, %dma_start3A] : memref<2x3840x128xf32, #tpu.memory_space<hbm>> -> memref<1x240x128xf32, #tpu.memory_space<hbm>>
          %dma_start3A_84 = tpu.memref_squeeze %dma_start3A_83 : memref<1x240x128xf32, #tpu.memory_space<hbm>> -> memref<240x128xf32, #tpu.memory_space<hbm>>
          %dma_start3A_85 = arith.constant 0 : i32
          %dma_start3A_86 = tpu.memref_slice %arg15[%mul3A_79, %dma_start3A_85] : memref<3840x128xf32, #tpu.memory_space<vmem_shared>> -> memref<240x128xf32, #tpu.memory_space<vmem_shared>>
          tpu.enqueue_dma source(%dma_start3A_86 : memref<240x128xf32, #tpu.memory_space<vmem_shared>>) target(%dma_start3A_84 : memref<240x128xf32, #tpu.memory_space<hbm>>) target_semaphore(%run_scoped3A_82 : memref<!tpu.dma_semaphore, #tpu.memory_space<semaphore_mem>>)
          %dma_wait3A = arith.constant 0 : i32
          %dma_wait3A_87 = tpu.memref_slice %arg6[%add3A_44, %mul3A_81, %dma_wait3A] : memref<2x3840x128xf32, #tpu.memory_space<hbm>> -> memref<1x240x128xf32, #tpu.memory_space<hbm>>
          %dma_wait3A_88 = tpu.memref_squeeze %dma_wait3A_87 : memref<1x240x128xf32, #tpu.memory_space<hbm>> -> memref<240x128xf32, #tpu.memory_space<hbm>>
          %dma_wait3A_89 = arith.constant 0 : i32
          %dma_wait3A_90 = tpu.memref_slice %arg15[%mul3A_79, %dma_wait3A_89] : memref<3840x128xf32, #tpu.memory_space<vmem_shared>> -> memref<240x128xf32, #tpu.memory_space<vmem_shared>>
          tpu.wait_dma2 semaphore(%run_scoped3A_82 : memref<!tpu.dma_semaphore, #tpu.memory_space<semaphore_mem>>) src(%dma_wait3A_90 : memref<240x128xf32, #tpu.memory_space<vmem_shared>>) dst(%dma_wait3A_88 : memref<240x128xf32, #tpu.memory_space<hbm>>)
          tpu.yield
        }) : () -> ()
      } else {
      }
      %eq3A_72 = arith.constant 1 : i32
      %eq3A_73 = arith.cmpi eq, %arg0, %eq3A_72 : i32
      %convert_element_type3A_74 = arith.extui %eq3A_73 : i1 to i32
      %cond3A_75 = arith.constant 0 : i32
      %cond3A_76 = arith.cmpi ne, %convert_element_type3A_74, %cond3A_75 : i32
      scf.if %cond3A_76 {
        %mul3A_78 = arith.constant 240 : i32
        %mul3A_79 = arith.muli %arg1, %mul3A_78 : i32
        %mul3A_80 = arith.constant 240 : i32
        %mul3A_81 = arith.muli %arg1, %mul3A_80 : i32
        "tpu.region"() ({
          %run_scoped3A_82 = tpu.sem_alloc : memref<!tpu.dma_semaphore, #tpu.memory_space<semaphore_mem>>
          %dma_start3A = arith.constant 0 : i32
          %dma_start3A_83 = tpu.memref_slice %arg7[%add3A_44, %mul3A_81, %dma_start3A] : memref<2x3840x128xf32, #tpu.memory_space<hbm>> -> memref<1x240x128xf32, #tpu.memory_space<hbm>>
          %dma_start3A_84 = tpu.memref_squeeze %dma_start3A_83 : memref<1x240x128xf32, #tpu.memory_space<hbm>> -> memref<240x128xf32, #tpu.memory_space<hbm>>
          %dma_start3A_85 = arith.constant 0 : i32
          %dma_start3A_86 = tpu.memref_slice %arg15[%mul3A_79, %dma_start3A_85] : memref<3840x128xf32, #tpu.memory_space<vmem_shared>> -> memref<240x128xf32, #tpu.memory_space<vmem_shared>>
          tpu.enqueue_dma source(%dma_start3A_86 : memref<240x128xf32, #tpu.memory_space<vmem_shared>>) target(%dma_start3A_84 : memref<240x128xf32, #tpu.memory_space<hbm>>) target_semaphore(%run_scoped3A_82 : memref<!tpu.dma_semaphore, #tpu.memory_space<semaphore_mem>>)
          %dma_wait3A = arith.constant 0 : i32
          %dma_wait3A_87 = tpu.memref_slice %arg7[%add3A_44, %mul3A_81, %dma_wait3A] : memref<2x3840x128xf32, #tpu.memory_space<hbm>> -> memref<1x240x128xf32, #tpu.memory_space<hbm>>
          %dma_wait3A_88 = tpu.memref_squeeze %dma_wait3A_87 : memref<1x240x128xf32, #tpu.memory_space<hbm>> -> memref<240x128xf32, #tpu.memory_space<hbm>>
          %dma_wait3A_89 = arith.constant 0 : i32
          %dma_wait3A_90 = tpu.memref_slice %arg15[%mul3A_79, %dma_wait3A_89] : memref<3840x128xf32, #tpu.memory_space<vmem_shared>> -> memref<240x128xf32, #tpu.memory_space<vmem_shared>>
          tpu.wait_dma2 semaphore(%run_scoped3A_82 : memref<!tpu.dma_semaphore, #tpu.memory_space<semaphore_mem>>) src(%dma_wait3A_90 : memref<240x128xf32, #tpu.memory_space<vmem_shared>>) dst(%dma_wait3A_88 : memref<240x128xf32, #tpu.memory_space<hbm>>)
          tpu.yield
        }) : () -> ()
      } else {
      }
      %barrier3A_77 = arith.constant 0 : index
      tpu.barrier barrier_id(%barrier3A_77)
    }
    return
  }
}

#map = affine_map<(d0, d1) -> (0, 0)>
#map1 = affine_map<(d0, d1) -> (0, 0, 0, 0)>
#map2 = affine_map<(d0, d1) -> (0)>
#map3 = affine_map<(d0, d1) -> (0, 0, 0)>
module attributes {stable_mosaic.version = 14 : i64} {
  func.func @agg(%arg0: i32, %arg1: i32, %arg2: memref<20480x128xf32, #tpu.memory_space<hbm>>, %arg3: memref<2x32x105x96xi32, #tpu.memory_space<hbm>>, %arg4: memref<16xi32, #tpu.memory_space<hbm>>, %arg5: memref<16xi32, #tpu.memory_space<hbm>>, %arg6: memref<2x3840x128xf32, #tpu.memory_space<hbm>>, %arg7: memref<2x3840x128xf32, #tpu.memory_space<hbm>>, %arg8: memref<105x96xi32, #tpu.memory_space<vmem>>, %arg9: memref<105x96xi32, #tpu.memory_space<vmem>>, %arg10: memref<96x128xf32, #tpu.memory_space<vmem>>, %arg11: memref<96x128xf32, #tpu.memory_space<vmem>>, %arg12: memref<96x128xf32, #tpu.memory_space<vmem>>, %arg13: memref<96x128xf32, #tpu.memory_space<vmem>>, %arg14: memref<96x128xf32, #tpu.memory_space<vmem>>, %arg15: memref<3840x128xf32, #tpu.memory_space<vmem_shared>>, %arg16: memref<16xi32, #tpu.memory_space<vmem>>, %arg17: memref<16xi32, #tpu.memory_space<vmem>>, %arg18: memref<!tpu.dma_semaphore, #tpu.memory_space<semaphore_mem>>, %arg19: memref<!tpu.dma_semaphore, #tpu.memory_space<semaphore_mem>>) attributes {dimension_semantics = [#tpu.dimension_semantics<core_parallel>, #tpu.dimension_semantics<subcore_parallel>], iteration_bounds = array<i64: 2, 16>, scalar_prefetch = 0 : i64, scratch_operands = 12 : i64, tpu.core_type = #tpu.core_type<sc_vector_subcore>, window_params = [{transform_indices = #map}, {transform_indices = #map1}, {transform_indices = #map2}, {transform_indices = #map2}, {transform_indices = #map3}, {transform_indices = #map3}]} {
    %mul3A = arith.constant 16 : i32
    %mul3A_0 = arith.muli %arg0, %mul3A : i32
    %add3A = arith.addi %mul3A_0, %arg1 : i32
    %run_scoped3A = arith.constant 0 : i32
    "tpu.region"() ({
      %run_scoped3A_42 = tpu.sem_alloc : memref<!tpu.dma_semaphore, #tpu.memory_space<semaphore_mem>>
      %dma_start3A = arith.constant 0 : i32
      %dma_start3A_43 = arith.constant 0 : i32
      %dma_start3A_44 = tpu.memref_slice %arg3[%run_scoped3A, %add3A, %dma_start3A, %dma_start3A_43] : memref<2x32x105x96xi32, #tpu.memory_space<hbm>> -> memref<1x1x105x96xi32, #tpu.memory_space<hbm>>
      %dma_start3A_45 = tpu.memref_squeeze %dma_start3A_44 : memref<1x1x105x96xi32, #tpu.memory_space<hbm>> -> memref<105x96xi32, #tpu.memory_space<hbm>>
      %dma_start3A_46 = arith.constant 0 : i32
      %dma_start3A_47 = arith.constant 0 : i32
      %dma_start3A_48 = tpu.memref_slice %arg3[%run_scoped3A, %add3A, %dma_start3A_46, %dma_start3A_47] : memref<2x32x105x96xi32, #tpu.memory_space<hbm>> -> memref<1x1x105x96xi32, #tpu.memory_space<hbm>>
      %dma_start3A_49 = tpu.memref_squeeze %dma_start3A_48 : memref<1x1x105x96xi32, #tpu.memory_space<hbm>> -> memref<105x96xi32, #tpu.memory_space<hbm>>
      tpu.enqueue_dma source(%dma_start3A_49 : memref<105x96xi32, #tpu.memory_space<hbm>>) target(%arg8 : memref<105x96xi32, #tpu.memory_space<vmem>>) target_semaphore(%run_scoped3A_42 : memref<!tpu.dma_semaphore, #tpu.memory_space<semaphore_mem>>)
      %dma_wait3A = arith.constant 0 : i32
      %dma_wait3A_50 = arith.constant 0 : i32
      %dma_wait3A_51 = tpu.memref_slice %arg3[%run_scoped3A, %add3A, %dma_wait3A, %dma_wait3A_50] : memref<2x32x105x96xi32, #tpu.memory_space<hbm>> -> memref<1x1x105x96xi32, #tpu.memory_space<hbm>>
      %dma_wait3A_52 = tpu.memref_squeeze %dma_wait3A_51 : memref<1x1x105x96xi32, #tpu.memory_space<hbm>> -> memref<105x96xi32, #tpu.memory_space<hbm>>
      %dma_wait3A_53 = arith.constant 0 : i32
      %dma_wait3A_54 = arith.constant 0 : i32
      %dma_wait3A_55 = tpu.memref_slice %arg3[%run_scoped3A, %add3A, %dma_wait3A_53, %dma_wait3A_54] : memref<2x32x105x96xi32, #tpu.memory_space<hbm>> -> memref<1x1x105x96xi32, #tpu.memory_space<hbm>>
      %dma_wait3A_56 = tpu.memref_squeeze %dma_wait3A_55 : memref<1x1x105x96xi32, #tpu.memory_space<hbm>> -> memref<105x96xi32, #tpu.memory_space<hbm>>
      tpu.wait_dma2 semaphore(%run_scoped3A_42 : memref<!tpu.dma_semaphore, #tpu.memory_space<semaphore_mem>>) src(%dma_wait3A_56 : memref<105x96xi32, #tpu.memory_space<hbm>>) dst(%arg8 : memref<105x96xi32, #tpu.memory_space<vmem>>)
      tpu.yield
    }) : () -> ()
    %run_scoped3A_1 = arith.constant 1 : i32
    "tpu.region"() ({
      %run_scoped3A_42 = tpu.sem_alloc : memref<!tpu.dma_semaphore, #tpu.memory_space<semaphore_mem>>
      %dma_start3A = arith.constant 0 : i32
      %dma_start3A_43 = arith.constant 0 : i32
      %dma_start3A_44 = tpu.memref_slice %arg3[%run_scoped3A_1, %add3A, %dma_start3A, %dma_start3A_43] : memref<2x32x105x96xi32, #tpu.memory_space<hbm>> -> memref<1x1x105x96xi32, #tpu.memory_space<hbm>>
      %dma_start3A_45 = tpu.memref_squeeze %dma_start3A_44 : memref<1x1x105x96xi32, #tpu.memory_space<hbm>> -> memref<105x96xi32, #tpu.memory_space<hbm>>
      %dma_start3A_46 = arith.constant 0 : i32
      %dma_start3A_47 = arith.constant 0 : i32
      %dma_start3A_48 = tpu.memref_slice %arg3[%run_scoped3A_1, %add3A, %dma_start3A_46, %dma_start3A_47] : memref<2x32x105x96xi32, #tpu.memory_space<hbm>> -> memref<1x1x105x96xi32, #tpu.memory_space<hbm>>
      %dma_start3A_49 = tpu.memref_squeeze %dma_start3A_48 : memref<1x1x105x96xi32, #tpu.memory_space<hbm>> -> memref<105x96xi32, #tpu.memory_space<hbm>>
      tpu.enqueue_dma source(%dma_start3A_49 : memref<105x96xi32, #tpu.memory_space<hbm>>) target(%arg9 : memref<105x96xi32, #tpu.memory_space<vmem>>) target_semaphore(%run_scoped3A_42 : memref<!tpu.dma_semaphore, #tpu.memory_space<semaphore_mem>>)
      %dma_wait3A = arith.constant 0 : i32
      %dma_wait3A_50 = arith.constant 0 : i32
      %dma_wait3A_51 = tpu.memref_slice %arg3[%run_scoped3A_1, %add3A, %dma_wait3A, %dma_wait3A_50] : memref<2x32x105x96xi32, #tpu.memory_space<hbm>> -> memref<1x1x105x96xi32, #tpu.memory_space<hbm>>
      %dma_wait3A_52 = tpu.memref_squeeze %dma_wait3A_51 : memref<1x1x105x96xi32, #tpu.memory_space<hbm>> -> memref<105x96xi32, #tpu.memory_space<hbm>>
      %dma_wait3A_53 = arith.constant 0 : i32
      %dma_wait3A_54 = arith.constant 0 : i32
      %dma_wait3A_55 = tpu.memref_slice %arg3[%run_scoped3A_1, %add3A, %dma_wait3A_53, %dma_wait3A_54] : memref<2x32x105x96xi32, #tpu.memory_space<hbm>> -> memref<1x1x105x96xi32, #tpu.memory_space<hbm>>
      %dma_wait3A_56 = tpu.memref_squeeze %dma_wait3A_55 : memref<1x1x105x96xi32, #tpu.memory_space<hbm>> -> memref<105x96xi32, #tpu.memory_space<hbm>>
      tpu.wait_dma2 semaphore(%run_scoped3A_42 : memref<!tpu.dma_semaphore, #tpu.memory_space<semaphore_mem>>) src(%dma_wait3A_56 : memref<105x96xi32, #tpu.memory_space<hbm>>) dst(%arg9 : memref<105x96xi32, #tpu.memory_space<vmem>>)
      tpu.yield
    }) : () -> ()
    "tpu.region"() ({
      %run_scoped3A_42 = tpu.sem_alloc : memref<!tpu.dma_semaphore, #tpu.memory_space<semaphore_mem>>
      tpu.enqueue_dma source(%arg4 : memref<16xi32, #tpu.memory_space<hbm>>) target(%arg16 : memref<16xi32, #tpu.memory_space<vmem>>) target_semaphore(%run_scoped3A_42 : memref<!tpu.dma_semaphore, #tpu.memory_space<semaphore_mem>>)
      tpu.wait_dma2 semaphore(%run_scoped3A_42 : memref<!tpu.dma_semaphore, #tpu.memory_space<semaphore_mem>>) src(%arg4 : memref<16xi32, #tpu.memory_space<hbm>>) dst(%arg16 : memref<16xi32, #tpu.memory_space<vmem>>)
      tpu.yield
    }) : () -> ()
    "tpu.region"() ({
      %run_scoped3A_42 = tpu.sem_alloc : memref<!tpu.dma_semaphore, #tpu.memory_space<semaphore_mem>>
      tpu.enqueue_dma source(%arg5 : memref<16xi32, #tpu.memory_space<hbm>>) target(%arg17 : memref<16xi32, #tpu.memory_space<vmem>>) target_semaphore(%run_scoped3A_42 : memref<!tpu.dma_semaphore, #tpu.memory_space<semaphore_mem>>)
      tpu.wait_dma2 semaphore(%run_scoped3A_42 : memref<!tpu.dma_semaphore, #tpu.memory_space<semaphore_mem>>) src(%arg5 : memref<16xi32, #tpu.memory_space<hbm>>) dst(%arg17 : memref<16xi32, #tpu.memory_space<vmem>>)
      tpu.yield
    }) : () -> ()
    %get3A = arith.constant 0 : index
    %get3A_2 = tpu.vector_load %arg17[%get3A] {strides = array<i32>} : memref<16xi32, #tpu.memory_space<vmem>>, vector<16xi32>,
    %reduce_max3A = arith.constant true
    %reduce_max3A_3 = vector.broadcast %reduce_max3A : i1 to vector<16xi1>
    %reduce_max3A_4 = arith.constant -2147483648 : i32
    %reduce_max3A_5 = vector.broadcast %reduce_max3A_4 : i32 to vector<16xi32>
    %reduce_max3A_6 = arith.xori %get3A_2, %reduce_max3A_5 : vector<16xi32>
    %reduce_max3A_7 = tpu.scan <max>, %reduce_max3A_6 masked %reduce_max3A_3 : vector<16xi32>, vector<16xi1> -> vector<16xi32>
    %reduce_max3A_8 = arith.xori %reduce_max3A_7, %reduce_max3A_5 : vector<16xi32>
    %reduce_max3A_9 = vector.extract %reduce_max3A_8[15] : i32 from vector<16xi32>
    %scan3A = arith.constant 0 : i32
    %scan3A_10 = arith.constant 105 : i32
    %scan3A_11 = arith.addi %scan3A, %scan3A_10 : i32
    %scan3A_12 = arith.constant 1 : i32
    scf.for %scan3A_42 = %scan3A to %scan3A_11 step %scan3A_12  : i32 {
      %mul3A_43 = arith.constant 1 : i32
      %mul3A_44 = arith.muli %scan3A_42, %mul3A_43 : i32
      %add3A_45 = arith.constant 0 : i32
      %add3A_46 = arith.addi %add3A_45, %mul3A_44 : i32
      %get3A_47 = arith.index_cast %add3A_46 : i32 to index
      %get3A_48 = arith.constant 0 : index
      %get3A_49 = tpu.vector_load %arg8[%get3A_47, %get3A_48] {strides = array<i32>} : memref<105x96xi32, #tpu.memory_space<vmem>>, vector<16xi32>,
      %get3A_50 = arith.index_cast %add3A_46 : i32 to index
      %get3A_51 = arith.constant 0 : index
      %get3A_52 = tpu.vector_load %arg9[%get3A_50, %get3A_51] {strides = array<i32>} : memref<105x96xi32, #tpu.memory_space<vmem>>, vector<16xi32>,
      %sub3A_53 = vector.broadcast %reduce_max3A_9 : i32 to vector<16xi32>
      %sub3A_54 = arith.subi %get3A_52, %sub3A_53 : vector<16xi32>
      %ge3A = vector.broadcast %reduce_max3A_9 : i32 to vector<16xi32>
      %ge3A_55 = arith.cmpi sge, %get3A_52, %ge3A : vector<16xi32>
      %lt3A = arith.constant 3840 : i32
      %lt3A_56 = vector.broadcast %lt3A : i32 to vector<16xi32>
      %lt3A_57 = arith.cmpi slt, %sub3A_54, %lt3A_56 : vector<16xi32>
      %and3A = arith.andi %ge3A_55, %lt3A_57 : vector<16xi1>
      %and3A_58 = arith.constant 127 : i32
      %and3A_59 = vector.broadcast %and3A_58 : i32 to vector<16xi32>
      %and3A_60 = arith.andi %get3A_49, %and3A_59 : vector<16xi32>
      %add3A_61 = arith.constant 10000 : i32
      %add3A_62 = vector.broadcast %add3A_61 : i32 to vector<16xi32>
      %add3A_63 = arith.addi %add3A_62, %and3A_60 : vector<16xi32>
      %select_n3A = arith.select %and3A, %get3A_49, %add3A_63 : vector<16xi1>, vector<16xi32>
      %swap3A = arith.index_cast %add3A_46 : i32 to index
      %swap3A_64 = arith.constant 0 : index
      %swap3A_65 = tpu.vector_load %arg8[%swap3A, %swap3A_64] {strides = array<i32>} : memref<105x96xi32, #tpu.memory_space<vmem>>, vector<16xi32>,
      tpu.vector_store %arg8[%swap3A, %swap3A_64], %select_n3A {strides = array<i32>} : memref<105x96xi32, #tpu.memory_space<vmem>>, vector<16xi32>,
      %and3A_66 = arith.constant 2047 : i32
      %and3A_67 = vector.broadcast %and3A_66 : i32 to vector<16xi32>
      %and3A_68 = arith.andi %get3A_52, %and3A_67 : vector<16xi32>
      %select_n3A_69 = arith.select %and3A, %sub3A_54, %and3A_68 : vector<16xi1>, vector<16xi32>
      %swap3A_70 = arith.index_cast %add3A_46 : i32 to index
      %swap3A_71 = arith.constant 0 : index
      %swap3A_72 = tpu.vector_load %arg9[%swap3A_70, %swap3A_71] {strides = array<i32>} : memref<105x96xi32, #tpu.memory_space<vmem>>, vector<16xi32>,
      tpu.vector_store %arg9[%swap3A_70, %swap3A_71], %select_n3A_69 {strides = array<i32>} : memref<105x96xi32, #tpu.memory_space<vmem>>, vector<16xi32>,
      %get3A_73 = arith.index_cast %add3A_46 : i32 to index
      %get3A_74 = arith.constant 16 : index
      %get3A_75 = tpu.vector_load %arg8[%get3A_73, %get3A_74] {strides = array<i32>} : memref<105x96xi32, #tpu.memory_space<vmem>>, vector<16xi32>,
      %get3A_76 = arith.index_cast %add3A_46 : i32 to index
      %get3A_77 = arith.constant 16 : index
      %get3A_78 = tpu.vector_load %arg9[%get3A_76, %get3A_77] {strides = array<i32>} : memref<105x96xi32, #tpu.memory_space<vmem>>, vector<16xi32>,
      %sub3A_79 = vector.broadcast %reduce_max3A_9 : i32 to vector<16xi32>
      %sub3A_80 = arith.subi %get3A_78, %sub3A_79 : vector<16xi32>
      %ge3A_81 = vector.broadcast %reduce_max3A_9 : i32 to vector<16xi32>
      %ge3A_82 = arith.cmpi sge, %get3A_78, %ge3A_81 : vector<16xi32>
      %lt3A_83 = arith.constant 3840 : i32
      %lt3A_84 = vector.broadcast %lt3A_83 : i32 to vector<16xi32>
      %lt3A_85 = arith.cmpi slt, %sub3A_80, %lt3A_84 : vector<16xi32>
      %and3A_86 = arith.andi %ge3A_82, %lt3A_85 : vector<16xi1>
      %and3A_87 = arith.constant 127 : i32
      %and3A_88 = vector.broadcast %and3A_87 : i32 to vector<16xi32>
      %and3A_89 = arith.andi %get3A_75, %and3A_88 : vector<16xi32>
      %add3A_90 = arith.constant 10000 : i32
      %add3A_91 = vector.broadcast %add3A_90 : i32 to vector<16xi32>
      %add3A_92 = arith.addi %add3A_91, %and3A_89 : vector<16xi32>
      %select_n3A_93 = arith.select %and3A_86, %get3A_75, %add3A_92 : vector<16xi1>, vector<16xi32>
      %swap3A_94 = arith.index_cast %add3A_46 : i32 to index
      %swap3A_95 = arith.constant 16 : index
      %swap3A_96 = tpu.vector_load %arg8[%swap3A_94, %swap3A_95] {strides = array<i32>} : memref<105x96xi32, #tpu.memory_space<vmem>>, vector<16xi32>,
      tpu.vector_store %arg8[%swap3A_94, %swap3A_95], %select_n3A_93 {strides = array<i32>} : memref<105x96xi32, #tpu.memory_space<vmem>>, vector<16xi32>,
      %and3A_97 = arith.constant 2047 : i32
      %and3A_98 = vector.broadcast %and3A_97 : i32 to vector<16xi32>
      %and3A_99 = arith.andi %get3A_78, %and3A_98 : vector<16xi32>
      %select_n3A_100 = arith.select %and3A_86, %sub3A_80, %and3A_99 : vector<16xi1>, vector<16xi32>
      %swap3A_101 = arith.index_cast %add3A_46 : i32 to index
      %swap3A_102 = arith.constant 16 : index
      %swap3A_103 = tpu.vector_load %arg9[%swap3A_101, %swap3A_102] {strides = array<i32>} : memref<105x96xi32, #tpu.memory_space<vmem>>, vector<16xi32>,
      tpu.vector_store %arg9[%swap3A_101, %swap3A_102], %select_n3A_100 {strides = array<i32>} : memref<105x96xi32, #tpu.memory_space<vmem>>, vector<16xi32>,
      %get3A_104 = arith.index_cast %add3A_46 : i32 to index
      %get3A_105 = arith.constant 32 : index
      %get3A_106 = tpu.vector_load %arg8[%get3A_104, %get3A_105] {strides = array<i32>} : memref<105x96xi32, #tpu.memory_space<vmem>>, vector<16xi32>,
      %get3A_107 = arith.index_cast %add3A_46 : i32 to index
      %get3A_108 = arith.constant 32 : index
      %get3A_109 = tpu.vector_load %arg9[%get3A_107, %get3A_108] {strides = array<i32>} : memref<105x96xi32, #tpu.memory_space<vmem>>, vector<16xi32>,
      %sub3A_110 = vector.broadcast %reduce_max3A_9 : i32 to vector<16xi32>
      %sub3A_111 = arith.subi %get3A_109, %sub3A_110 : vector<16xi32>
      %ge3A_112 = vector.broadcast %reduce_max3A_9 : i32 to vector<16xi32>
      %ge3A_113 = arith.cmpi sge, %get3A_109, %ge3A_112 : vector<16xi32>
      %lt3A_114 = arith.constant 3840 : i32
      %lt3A_115 = vector.broadcast %lt3A_114 : i32 to vector<16xi32>
      %lt3A_116 = arith.cmpi slt, %sub3A_111, %lt3A_115 : vector<16xi32>
      %and3A_117 = arith.andi %ge3A_113, %lt3A_116 : vector<16xi1>
      %and3A_118 = arith.constant 127 : i32
      %and3A_119 = vector.broadcast %and3A_118 : i32 to vector<16xi32>
      %and3A_120 = arith.andi %get3A_106, %and3A_119 : vector<16xi32>
      %add3A_121 = arith.constant 10000 : i32
      %add3A_122 = vector.broadcast %add3A_121 : i32 to vector<16xi32>
      %add3A_123 = arith.addi %add3A_122, %and3A_120 : vector<16xi32>
      %select_n3A_124 = arith.select %and3A_117, %get3A_106, %add3A_123 : vector<16xi1>, vector<16xi32>
      %swap3A_125 = arith.index_cast %add3A_46 : i32 to index
      %swap3A_126 = arith.constant 32 : index
      %swap3A_127 = tpu.vector_load %arg8[%swap3A_125, %swap3A_126] {strides = array<i32>} : memref<105x96xi32, #tpu.memory_space<vmem>>, vector<16xi32>,
      tpu.vector_store %arg8[%swap3A_125, %swap3A_126], %select_n3A_124 {strides = array<i32>} : memref<105x96xi32, #tpu.memory_space<vmem>>, vector<16xi32>,
      %and3A_128 = arith.constant 2047 : i32
      %and3A_129 = vector.broadcast %and3A_128 : i32 to vector<16xi32>
      %and3A_130 = arith.andi %get3A_109, %and3A_129 : vector<16xi32>
      %select_n3A_131 = arith.select %and3A_117, %sub3A_111, %and3A_130 : vector<16xi1>, vector<16xi32>
      %swap3A_132 = arith.index_cast %add3A_46 : i32 to index
      %swap3A_133 = arith.constant 32 : index
      %swap3A_134 = tpu.vector_load %arg9[%swap3A_132, %swap3A_133] {strides = array<i32>} : memref<105x96xi32, #tpu.memory_space<vmem>>, vector<16xi32>,
      tpu.vector_store %arg9[%swap3A_132, %swap3A_133], %select_n3A_131 {strides = array<i32>} : memref<105x96xi32, #tpu.memory_space<vmem>>, vector<16xi32>,
      %get3A_135 = arith.index_cast %add3A_46 : i32 to index
      %get3A_136 = arith.constant 48 : index
      %get3A_137 = tpu.vector_load %arg8[%get3A_135, %get3A_136] {strides = array<i32>} : memref<105x96xi32, #tpu.memory_space<vmem>>, vector<16xi32>,
      %get3A_138 = arith.index_cast %add3A_46 : i32 to index
      %get3A_139 = arith.constant 48 : index
      %get3A_140 = tpu.vector_load %arg9[%get3A_138, %get3A_139] {strides = array<i32>} : memref<105x96xi32, #tpu.memory_space<vmem>>, vector<16xi32>,
      %sub3A_141 = vector.broadcast %reduce_max3A_9 : i32 to vector<16xi32>
      %sub3A_142 = arith.subi %get3A_140, %sub3A_141 : vector<16xi32>
      %ge3A_143 = vector.broadcast %reduce_max3A_9 : i32 to vector<16xi32>
      %ge3A_144 = arith.cmpi sge, %get3A_140, %ge3A_143 : vector<16xi32>
      %lt3A_145 = arith.constant 3840 : i32
      %lt3A_146 = vector.broadcast %lt3A_145 : i32 to vector<16xi32>
      %lt3A_147 = arith.cmpi slt, %sub3A_142, %lt3A_146 : vector<16xi32>
      %and3A_148 = arith.andi %ge3A_144, %lt3A_147 : vector<16xi1>
      %and3A_149 = arith.constant 127 : i32
      %and3A_150 = vector.broadcast %and3A_149 : i32 to vector<16xi32>
      %and3A_151 = arith.andi %get3A_137, %and3A_150 : vector<16xi32>
      %add3A_152 = arith.constant 10000 : i32
      %add3A_153 = vector.broadcast %add3A_152 : i32 to vector<16xi32>
      %add3A_154 = arith.addi %add3A_153, %and3A_151 : vector<16xi32>
      %select_n3A_155 = arith.select %and3A_148, %get3A_137, %add3A_154 : vector<16xi1>, vector<16xi32>
      %swap3A_156 = arith.index_cast %add3A_46 : i32 to index
      %swap3A_157 = arith.constant 48 : index
      %swap3A_158 = tpu.vector_load %arg8[%swap3A_156, %swap3A_157] {strides = array<i32>} : memref<105x96xi32, #tpu.memory_space<vmem>>, vector<16xi32>,
      tpu.vector_store %arg8[%swap3A_156, %swap3A_157], %select_n3A_155 {strides = array<i32>} : memref<105x96xi32, #tpu.memory_space<vmem>>, vector<16xi32>,
      %and3A_159 = arith.constant 2047 : i32
      %and3A_160 = vector.broadcast %and3A_159 : i32 to vector<16xi32>
      %and3A_161 = arith.andi %get3A_140, %and3A_160 : vector<16xi32>
      %select_n3A_162 = arith.select %and3A_148, %sub3A_142, %and3A_161 : vector<16xi1>, vector<16xi32>
      %swap3A_163 = arith.index_cast %add3A_46 : i32 to index
      %swap3A_164 = arith.constant 48 : index
      %swap3A_165 = tpu.vector_load %arg9[%swap3A_163, %swap3A_164] {strides = array<i32>} : memref<105x96xi32, #tpu.memory_space<vmem>>, vector<16xi32>,
      tpu.vector_store %arg9[%swap3A_163, %swap3A_164], %select_n3A_162 {strides = array<i32>} : memref<105x96xi32, #tpu.memory_space<vmem>>, vector<16xi32>,
      %get3A_166 = arith.index_cast %add3A_46 : i32 to index
      %get3A_167 = arith.constant 64 : index
      %get3A_168 = tpu.vector_load %arg8[%get3A_166, %get3A_167] {strides = array<i32>} : memref<105x96xi32, #tpu.memory_space<vmem>>, vector<16xi32>,
      %get3A_169 = arith.index_cast %add3A_46 : i32 to index
      %get3A_170 = arith.constant 64 : index
      %get3A_171 = tpu.vector_load %arg9[%get3A_169, %get3A_170] {strides = array<i32>} : memref<105x96xi32, #tpu.memory_space<vmem>>, vector<16xi32>,
      %sub3A_172 = vector.broadcast %reduce_max3A_9 : i32 to vector<16xi32>
      %sub3A_173 = arith.subi %get3A_171, %sub3A_172 : vector<16xi32>
      %ge3A_174 = vector.broadcast %reduce_max3A_9 : i32 to vector<16xi32>
      %ge3A_175 = arith.cmpi sge, %get3A_171, %ge3A_174 : vector<16xi32>
      %lt3A_176 = arith.constant 3840 : i32
      %lt3A_177 = vector.broadcast %lt3A_176 : i32 to vector<16xi32>
      %lt3A_178 = arith.cmpi slt, %sub3A_173, %lt3A_177 : vector<16xi32>
      %and3A_179 = arith.andi %ge3A_175, %lt3A_178 : vector<16xi1>
      %and3A_180 = arith.constant 127 : i32
      %and3A_181 = vector.broadcast %and3A_180 : i32 to vector<16xi32>
      %and3A_182 = arith.andi %get3A_168, %and3A_181 : vector<16xi32>
      %add3A_183 = arith.constant 10000 : i32
      %add3A_184 = vector.broadcast %add3A_183 : i32 to vector<16xi32>
      %add3A_185 = arith.addi %add3A_184, %and3A_182 : vector<16xi32>
      %select_n3A_186 = arith.select %and3A_179, %get3A_168, %add3A_185 : vector<16xi1>, vector<16xi32>
      %swap3A_187 = arith.index_cast %add3A_46 : i32 to index
      %swap3A_188 = arith.constant 64 : index
      %swap3A_189 = tpu.vector_load %arg8[%swap3A_187, %swap3A_188] {strides = array<i32>} : memref<105x96xi32, #tpu.memory_space<vmem>>, vector<16xi32>,
      tpu.vector_store %arg8[%swap3A_187, %swap3A_188], %select_n3A_186 {strides = array<i32>} : memref<105x96xi32, #tpu.memory_space<vmem>>, vector<16xi32>,
      %and3A_190 = arith.constant 2047 : i32
      %and3A_191 = vector.broadcast %and3A_190 : i32 to vector<16xi32>
      %and3A_192 = arith.andi %get3A_171, %and3A_191 : vector<16xi32>
      %select_n3A_193 = arith.select %and3A_179, %sub3A_173, %and3A_192 : vector<16xi1>, vector<16xi32>
      %swap3A_194 = arith.index_cast %add3A_46 : i32 to index
      %swap3A_195 = arith.constant 64 : index
      %swap3A_196 = tpu.vector_load %arg9[%swap3A_194, %swap3A_195] {strides = array<i32>} : memref<105x96xi32, #tpu.memory_space<vmem>>, vector<16xi32>,
      tpu.vector_store %arg9[%swap3A_194, %swap3A_195], %select_n3A_193 {strides = array<i32>} : memref<105x96xi32, #tpu.memory_space<vmem>>, vector<16xi32>,
      %get3A_197 = arith.index_cast %add3A_46 : i32 to index
      %get3A_198 = arith.constant 80 : index
      %get3A_199 = tpu.vector_load %arg8[%get3A_197, %get3A_198] {strides = array<i32>} : memref<105x96xi32, #tpu.memory_space<vmem>>, vector<16xi32>,
      %get3A_200 = arith.index_cast %add3A_46 : i32 to index
      %get3A_201 = arith.constant 80 : index
      %get3A_202 = tpu.vector_load %arg9[%get3A_200, %get3A_201] {strides = array<i32>} : memref<105x96xi32, #tpu.memory_space<vmem>>, vector<16xi32>,
      %sub3A_203 = vector.broadcast %reduce_max3A_9 : i32 to vector<16xi32>
      %sub3A_204 = arith.subi %get3A_202, %sub3A_203 : vector<16xi32>
      %ge3A_205 = vector.broadcast %reduce_max3A_9 : i32 to vector<16xi32>
      %ge3A_206 = arith.cmpi sge, %get3A_202, %ge3A_205 : vector<16xi32>
      %lt3A_207 = arith.constant 3840 : i32
      %lt3A_208 = vector.broadcast %lt3A_207 : i32 to vector<16xi32>
      %lt3A_209 = arith.cmpi slt, %sub3A_204, %lt3A_208 : vector<16xi32>
      %and3A_210 = arith.andi %ge3A_206, %lt3A_209 : vector<16xi1>
      %and3A_211 = arith.constant 127 : i32
      %and3A_212 = vector.broadcast %and3A_211 : i32 to vector<16xi32>
      %and3A_213 = arith.andi %get3A_199, %and3A_212 : vector<16xi32>
      %add3A_214 = arith.constant 10000 : i32
      %add3A_215 = vector.broadcast %add3A_214 : i32 to vector<16xi32>
      %add3A_216 = arith.addi %add3A_215, %and3A_213 : vector<16xi32>
      %select_n3A_217 = arith.select %and3A_210, %get3A_199, %add3A_216 : vector<16xi1>, vector<16xi32>
      %swap3A_218 = arith.index_cast %add3A_46 : i32 to index
      %swap3A_219 = arith.constant 80 : index
      %swap3A_220 = tpu.vector_load %arg8[%swap3A_218, %swap3A_219] {strides = array<i32>} : memref<105x96xi32, #tpu.memory_space<vmem>>, vector<16xi32>,
      tpu.vector_store %arg8[%swap3A_218, %swap3A_219], %select_n3A_217 {strides = array<i32>} : memref<105x96xi32, #tpu.memory_space<vmem>>, vector<16xi32>,
      %and3A_221 = arith.constant 2047 : i32
      %and3A_222 = vector.broadcast %and3A_221 : i32 to vector<16xi32>
      %and3A_223 = arith.andi %get3A_202, %and3A_222 : vector<16xi32>
      %select_n3A_224 = arith.select %and3A_210, %sub3A_204, %and3A_223 : vector<16xi1>, vector<16xi32>
      %swap3A_225 = arith.index_cast %add3A_46 : i32 to index
      %swap3A_226 = arith.constant 80 : index
      %swap3A_227 = tpu.vector_load %arg9[%swap3A_225, %swap3A_226] {strides = array<i32>} : memref<105x96xi32, #tpu.memory_space<vmem>>, vector<16xi32>,
      tpu.vector_store %arg9[%swap3A_225, %swap3A_226], %select_n3A_224 {strides = array<i32>} : memref<105x96xi32, #tpu.memory_space<vmem>>, vector<16xi32>,
    }
    %scan3A_13 = arith.constant 105 : i32
    %get3A_14 = arith.constant 0 : index
    %get3A_15 = tpu.vector_load %arg16[%get3A_14] {strides = array<i32>} : memref<16xi32, #tpu.memory_space<vmem>>, vector<16xi32>,
    %reduce_max3A_16 = arith.constant true
    %reduce_max3A_17 = vector.broadcast %reduce_max3A_16 : i1 to vector<16xi1>
    %reduce_max3A_18 = arith.constant -2147483648 : i32
    %reduce_max3A_19 = vector.broadcast %reduce_max3A_18 : i32 to vector<16xi32>
    %reduce_max3A_20 = arith.xori %get3A_15, %reduce_max3A_19 : vector<16xi32>
    %reduce_max3A_21 = tpu.scan <max>, %reduce_max3A_20 masked %reduce_max3A_17 : vector<16xi32>, vector<16xi1> -> vector<16xi32>
    %reduce_max3A_22 = arith.xori %reduce_max3A_21, %reduce_max3A_19 : vector<16xi32>
    %reduce_max3A_23 = vector.extract %reduce_max3A_22[15] : i32 from vector<16xi32>
    %add3A_24 = arith.constant 1 : i32
    %add3A_25 = arith.addi %add3A_24, %reduce_max3A_23 : i32
    %sub3A = arith.constant 0 : i32
    %sub3A_26 = arith.subi %add3A_25, %sub3A : i32
    %sub3A_27 = arith.constant 1 : i32
    %sub3A_28 = arith.constant 1 : i32
    %sub3A_29 = arith.subi %sub3A_27, %sub3A_28 : i32
    %add3A_30 = arith.addi %sub3A_26, %sub3A_29 : i32
    %div3A = arith.constant 1 : i32
    %div3A_31 = arith.divsi %add3A_30, %div3A : i32
    %while3A = arith.constant 1 : i32
    %while3A_32 = arith.constant 0 : i32
    %while3A_33 = arith.constant 0 : i32
    %while3A_34 = arith.subi %div3A_31, %while3A_33 : i32
    %while3A_35 = arith.addi %while3A_33, %while3A_34 : i32
    %while3A_36 = arith.constant 1 : i32
    %while3A_37 = arith.divsi %while3A_34, %while3A_36 : i32
    %while3A_38 = arith.muli %while3A_37, %while3A_36 : i32
    %while3A_39 = arith.addi %while3A_33, %while3A_38 : i32
    %while3A_40 = arith.constant 1 : i32
    scf.for %while3A_42 = %while3A_33 to %while3A_39 step %while3A_40  : i32 {
      %mul3A_43 = arith.muli %while3A_42, %while3A : i32
      %add3A_44 = arith.addi %while3A_32, %mul3A_43 : i32
      %mul3A_45 = arith.constant 10240 : i32
      %mul3A_46 = arith.muli %add3A_44, %mul3A_45 : i32
      %multiple_of3A = tpu.assume_multiple %mul3A_46, 10240 : i32
      %scan3A_47 = arith.constant 0 : i32
      %scan3A_48 = arith.constant 96 : i32
      %scan3A_49 = arith.addi %scan3A_47, %scan3A_48 : i32
      %scan3A_50 = arith.constant 1 : i32
      scf.for %scan3A_78 = %scan3A_47 to %scan3A_49 step %scan3A_50  : i32 {
        %mul3A_79 = arith.constant 1 : i32
        %mul3A_80 = arith.muli %scan3A_78, %mul3A_79 : i32
        %add3A_81 = arith.constant 0 : i32
        %add3A_82 = arith.addi %add3A_81, %mul3A_80 : i32
        %scan3A_83 = arith.constant 0 : i32
        %scan3A_84 = arith.constant 8 : i32
        %scan3A_85 = arith.addi %scan3A_83, %scan3A_84 : i32
        %scan3A_86 = arith.constant 1 : i32
        scf.for %scan3A_88 = %scan3A_83 to %scan3A_85 step %scan3A_86  : i32 {
          %mul3A_89 = arith.constant 16 : i32
          %mul3A_90 = arith.muli %scan3A_88, %mul3A_89 : i32
          %add3A_91 = arith.constant 0 : i32
          %add3A_92 = arith.addi %add3A_91, %mul3A_90 : i32
          %broadcast_in_dim3A = arith.constant 0.000000e+00 : f32
          %broadcast_in_dim3A_93 = vector.broadcast %broadcast_in_dim3A : f32 to vector<16xf32>
          %swap3A = arith.index_cast %add3A_82 : i32 to index
          %swap3A_94 = arith.index_cast %add3A_92 : i32 to index
          %swap3A_95 = tpu.vector_load %arg10[%swap3A, %swap3A_94] {strides = array<i32>} : memref<96x128xf32, #tpu.memory_space<vmem>>, vector<16xf32>,
          tpu.vector_store %arg10[%swap3A, %swap3A_94], %broadcast_in_dim3A_93 {strides = array<i32>} : memref<96x128xf32, #tpu.memory_space<vmem>>, vector<16xf32>,
        }
        %scan3A_87 = arith.constant 8 : i32
      }
      %scan3A_51 = arith.constant 96 : i32
      %mul3A_52 = arith.constant 240 : i32
      %mul3A_53 = arith.muli %arg1, %mul3A_52 : i32
      %add3A_54 = arith.constant 0 : i32
      %add3A_55 = arith.addi %mul3A_53, %add3A_54 : i32
      "tpu.region"() ({
        %run_scoped3A_78 = tpu.sem_alloc : memref<!tpu.dma_semaphore, #tpu.memory_space<semaphore_mem>>
        %dma_start3A = arith.constant 0 : i32
        %dma_start3A_79 = tpu.memref_slice %arg15[%add3A_55, %dma_start3A] : memref<3840x128xf32, #tpu.memory_space<vmem_shared>> -> memref<96x128xf32, #tpu.memory_space<vmem_shared>>
        %dma_start3A_80 = arith.constant 0 : i32
        %dma_start3A_81 = tpu.memref_slice %arg15[%add3A_55, %dma_start3A_80] : memref<3840x128xf32, #tpu.memory_space<vmem_shared>> -> memref<96x128xf32, #tpu.memory_space<vmem_shared>>
        tpu.enqueue_dma source(%arg10 : memref<96x128xf32, #tpu.memory_space<vmem>>) target(%dma_start3A_81 : memref<96x128xf32, #tpu.memory_space<vmem_shared>>) target_semaphore(%run_scoped3A_78 : memref<!tpu.dma_semaphore, #tpu.memory_space<semaphore_mem>>)
        %dma_wait3A = arith.constant 0 : i32
        %dma_wait3A_82 = tpu.memref_slice %arg15[%add3A_55, %dma_wait3A] : memref<3840x128xf32, #tpu.memory_space<vmem_shared>> -> memref<96x128xf32, #tpu.memory_space<vmem_shared>>
        %dma_wait3A_83 = arith.constant 0 : i32
        %dma_wait3A_84 = tpu.memref_slice %arg15[%add3A_55, %dma_wait3A_83] : memref<3840x128xf32, #tpu.memory_space<vmem_shared>> -> memref<96x128xf32, #tpu.memory_space<vmem_shared>>
        tpu.wait_dma2 semaphore(%run_scoped3A_78 : memref<!tpu.dma_semaphore, #tpu.memory_space<semaphore_mem>>) src(%arg10 : memref<96x128xf32, #tpu.memory_space<vmem>>) dst(%dma_wait3A_84 : memref<96x128xf32, #tpu.memory_space<vmem_shared>>)
        tpu.yield
      }) : () -> ()
      %mul3A_56 = arith.constant 240 : i32
      %mul3A_57 = arith.muli %arg1, %mul3A_56 : i32
      %add3A_58 = arith.constant 96 : i32
      %add3A_59 = arith.addi %mul3A_57, %add3A_58 : i32
      "tpu.region"() ({
        %run_scoped3A_78 = tpu.sem_alloc : memref<!tpu.dma_semaphore, #tpu.memory_space<semaphore_mem>>
        %dma_start3A = arith.constant 0 : i32
        %dma_start3A_79 = tpu.memref_slice %arg15[%add3A_59, %dma_start3A] : memref<3840x128xf32, #tpu.memory_space<vmem_shared>> -> memref<96x128xf32, #tpu.memory_space<vmem_shared>>
        %dma_start3A_80 = arith.constant 0 : i32
        %dma_start3A_81 = tpu.memref_slice %arg15[%add3A_59, %dma_start3A_80] : memref<3840x128xf32, #tpu.memory_space<vmem_shared>> -> memref<96x128xf32, #tpu.memory_space<vmem_shared>>
        tpu.enqueue_dma source(%arg10 : memref<96x128xf32, #tpu.memory_space<vmem>>) target(%dma_start3A_81 : memref<96x128xf32, #tpu.memory_space<vmem_shared>>) target_semaphore(%run_scoped3A_78 : memref<!tpu.dma_semaphore, #tpu.memory_space<semaphore_mem>>)
        %dma_wait3A = arith.constant 0 : i32
        %dma_wait3A_82 = tpu.memref_slice %arg15[%add3A_59, %dma_wait3A] : memref<3840x128xf32, #tpu.memory_space<vmem_shared>> -> memref<96x128xf32, #tpu.memory_space<vmem_shared>>
        %dma_wait3A_83 = arith.constant 0 : i32
        %dma_wait3A_84 = tpu.memref_slice %arg15[%add3A_59, %dma_wait3A_83] : memref<3840x128xf32, #tpu.memory_space<vmem_shared>> -> memref<96x128xf32, #tpu.memory_space<vmem_shared>>
        tpu.wait_dma2 semaphore(%run_scoped3A_78 : memref<!tpu.dma_semaphore, #tpu.memory_space<semaphore_mem>>) src(%arg10 : memref<96x128xf32, #tpu.memory_space<vmem>>) dst(%dma_wait3A_84 : memref<96x128xf32, #tpu.memory_space<vmem_shared>>)
        tpu.yield
      }) : () -> ()
      %mul3A_60 = arith.constant 240 : i32
      %mul3A_61 = arith.muli %arg1, %mul3A_60 : i32
      %add3A_62 = arith.constant 192 : i32
      %add3A_63 = arith.addi %mul3A_61, %add3A_62 : i32
      "tpu.region"() ({
        %run_scoped3A_78 = tpu.sem_alloc : memref<!tpu.dma_semaphore, #tpu.memory_space<semaphore_mem>>
        %dma_start3A = arith.constant 0 : i32
        %dma_start3A_79 = arith.constant 0 : i32
        %dma_start3A_80 = tpu.memref_slice %arg10[%dma_start3A, %dma_start3A_79] : memref<96x128xf32, #tpu.memory_space<vmem>> -> memref<48x128xf32, #tpu.memory_space<vmem>>
        %dma_start3A_81 = arith.constant 0 : i32
        %dma_start3A_82 = tpu.memref_slice %arg15[%add3A_63, %dma_start3A_81] : memref<3840x128xf32, #tpu.memory_space<vmem_shared>> -> memref<48x128xf32, #tpu.memory_space<vmem_shared>>
        %dma_start3A_83 = arith.constant 0 : i32
        %dma_start3A_84 = tpu.memref_slice %arg15[%add3A_63, %dma_start3A_83] : memref<3840x128xf32, #tpu.memory_space<vmem_shared>> -> memref<48x128xf32, #tpu.memory_space<vmem_shared>>
        %dma_start3A_85 = arith.constant 0 : i32
        %dma_start3A_86 = arith.constant 0 : i32
        %dma_start3A_87 = tpu.memref_slice %arg10[%dma_start3A_85, %dma_start3A_86] : memref<96x128xf32, #tpu.memory_space<vmem>> -> memref<48x128xf32, #tpu.memory_space<vmem>>
        tpu.enqueue_dma source(%dma_start3A_87 : memref<48x128xf32, #tpu.memory_space<vmem>>) target(%dma_start3A_84 : memref<48x128xf32, #tpu.memory_space<vmem_shared>>) target_semaphore(%run_scoped3A_78 : memref<!tpu.dma_semaphore, #tpu.memory_space<semaphore_mem>>)
        %dma_wait3A = arith.constant 0 : i32
        %dma_wait3A_88 = arith.constant 0 : i32
        %dma_wait3A_89 = tpu.memref_slice %arg10[%dma_wait3A, %dma_wait3A_88] : memref<96x128xf32, #tpu.memory_space<vmem>> -> memref<48x128xf32, #tpu.memory_space<vmem>>
        %dma_wait3A_90 = arith.constant 0 : i32
        %dma_wait3A_91 = tpu.memref_slice %arg15[%add3A_63, %dma_wait3A_90] : memref<3840x128xf32, #tpu.memory_space<vmem_shared>> -> memref<48x128xf32, #tpu.memory_space<vmem_shared>>
        %dma_wait3A_92 = arith.constant 0 : i32
        %dma_wait3A_93 = tpu.memref_slice %arg15[%add3A_63, %dma_wait3A_92] : memref<3840x128xf32, #tpu.memory_space<vmem_shared>> -> memref<48x128xf32, #tpu.memory_space<vmem_shared>>
        %dma_wait3A_94 = arith.constant 0 : i32
        %dma_wait3A_95 = arith.constant 0 : i32
        %dma_wait3A_96 = tpu.memref_slice %arg10[%dma_wait3A_94, %dma_wait3A_95] : memref<96x128xf32, #tpu.memory_space<vmem>> -> memref<48x128xf32, #tpu.memory_space<vmem>>
        tpu.wait_dma2 semaphore(%run_scoped3A_78 : memref<!tpu.dma_semaphore, #tpu.memory_space<semaphore_mem>>) src(%dma_wait3A_96 : memref<48x128xf32, #tpu.memory_space<vmem>>) dst(%dma_wait3A_93 : memref<48x128xf32, #tpu.memory_space<vmem_shared>>)
        tpu.yield
      }) : () -> ()
      %barrier3A = arith.constant 0 : index
      tpu.barrier barrier_id(%barrier3A)
      %scan3A_64 = arith.constant 0 : i32
      %scan3A_65 = arith.constant 21 : i32
      %scan3A_66 = arith.addi %scan3A_64, %scan3A_65 : i32
      %scan3A_67 = arith.constant 1 : i32
      scf.for %scan3A_78 = %scan3A_64 to %scan3A_66 step %scan3A_67  : i32 {
        %mul3A_79 = arith.constant 5 : i32
        %mul3A_80 = arith.muli %scan3A_78, %mul3A_79 : i32
        %add3A_81 = arith.constant 0 : i32
        %add3A_82 = arith.addi %add3A_81, %mul3A_80 : i32
        %add3A_83 = arith.constant 0 : i32
        %add3A_84 = arith.addi %add3A_82, %add3A_83 : i32
        %dma_start3A = arith.constant 0 : i32
        %dma_start3A_85 = tpu.memref_slice %arg8[%add3A_84, %dma_start3A] : memref<105x96xi32, #tpu.memory_space<vmem>> -> memref<1x96xi32, #tpu.memory_space<vmem>>
        %dma_start3A_86 = tpu.memref_squeeze %dma_start3A_85 : memref<1x96xi32, #tpu.memory_space<vmem>> -> memref<96xi32, #tpu.memory_space<vmem>>
        %dma_start3A_87 = arith.constant 0 : i32
        %dma_start3A_88 = tpu.memref_slice %arg2[%multiple_of3A, %dma_start3A_87] : memref<20480x128xf32, #tpu.memory_space<hbm>> -> memref<10240x128xf32, #tpu.memory_space<hbm>>
        %dma_start3A_89 = arith.constant 0 : i32
        %dma_start3A_90 = arith.constant 0 : i32
        %dma_start3A_91 = tpu.memref_slice %dma_start3A_88[%dma_start3A_89, %dma_start3A_90] : memref<10240x128xf32, #tpu.memory_space<hbm>> -> memref<10240x128xf32, #tpu.memory_space<hbm>>
        tpu.enqueue_indirect_dma source(%dma_start3A_91 : memref<10240x128xf32, #tpu.memory_space<hbm>>) target(%arg10 : memref<96x128xf32, #tpu.memory_space<vmem>>) offsets(%dma_start3A_86 : memref<96xi32, #tpu.memory_space<vmem>>) semaphore(%arg18 : memref<!tpu.dma_semaphore, #tpu.memory_space<semaphore_mem>>)
        %add3A_92 = arith.constant 1 : i32
        %add3A_93 = arith.addi %add3A_82, %add3A_92 : i32
        %dma_start3A_94 = arith.constant 0 : i32
        %dma_start3A_95 = tpu.memref_slice %arg8[%add3A_93, %dma_start3A_94] : memref<105x96xi32, #tpu.memory_space<vmem>> -> memref<1x96xi32, #tpu.memory_space<vmem>>
        %dma_start3A_96 = tpu.memref_squeeze %dma_start3A_95 : memref<1x96xi32, #tpu.memory_space<vmem>> -> memref<96xi32, #tpu.memory_space<vmem>>
        %dma_start3A_97 = arith.constant 0 : i32
        %dma_start3A_98 = tpu.memref_slice %arg2[%multiple_of3A, %dma_start3A_97] : memref<20480x128xf32, #tpu.memory_space<hbm>> -> memref<10240x128xf32, #tpu.memory_space<hbm>>
        %dma_start3A_99 = arith.constant 0 : i32
        %dma_start3A_100 = arith.constant 0 : i32
        %dma_start3A_101 = tpu.memref_slice %dma_start3A_98[%dma_start3A_99, %dma_start3A_100] : memref<10240x128xf32, #tpu.memory_space<hbm>> -> memref<10240x128xf32, #tpu.memory_space<hbm>>
        tpu.enqueue_indirect_dma source(%dma_start3A_101 : memref<10240x128xf32, #tpu.memory_space<hbm>>) target(%arg11 : memref<96x128xf32, #tpu.memory_space<vmem>>) offsets(%dma_start3A_96 : memref<96xi32, #tpu.memory_space<vmem>>) semaphore(%arg18 : memref<!tpu.dma_semaphore, #tpu.memory_space<semaphore_mem>>)
        %add3A_102 = arith.constant 2 : i32
        %add3A_103 = arith.addi %add3A_82, %add3A_102 : i32
        %dma_start3A_104 = arith.constant 0 : i32
        %dma_start3A_105 = tpu.memref_slice %arg8[%add3A_103, %dma_start3A_104] : memref<105x96xi32, #tpu.memory_space<vmem>> -> memref<1x96xi32, #tpu.memory_space<vmem>>
        %dma_start3A_106 = tpu.memref_squeeze %dma_start3A_105 : memref<1x96xi32, #tpu.memory_space<vmem>> -> memref<96xi32, #tpu.memory_space<vmem>>
        %dma_start3A_107 = arith.constant 0 : i32
        %dma_start3A_108 = tpu.memref_slice %arg2[%multiple_of3A, %dma_start3A_107] : memref<20480x128xf32, #tpu.memory_space<hbm>> -> memref<10240x128xf32, #tpu.memory_space<hbm>>
        %dma_start3A_109 = arith.constant 0 : i32
        %dma_start3A_110 = arith.constant 0 : i32
        %dma_start3A_111 = tpu.memref_slice %dma_start3A_108[%dma_start3A_109, %dma_start3A_110] : memref<10240x128xf32, #tpu.memory_space<hbm>> -> memref<10240x128xf32, #tpu.memory_space<hbm>>
        tpu.enqueue_indirect_dma source(%dma_start3A_111 : memref<10240x128xf32, #tpu.memory_space<hbm>>) target(%arg12 : memref<96x128xf32, #tpu.memory_space<vmem>>) offsets(%dma_start3A_106 : memref<96xi32, #tpu.memory_space<vmem>>) semaphore(%arg18 : memref<!tpu.dma_semaphore, #tpu.memory_space<semaphore_mem>>)
        %add3A_112 = arith.constant 3 : i32
        %add3A_113 = arith.addi %add3A_82, %add3A_112 : i32
        %dma_start3A_114 = arith.constant 0 : i32
        %dma_start3A_115 = tpu.memref_slice %arg8[%add3A_113, %dma_start3A_114] : memref<105x96xi32, #tpu.memory_space<vmem>> -> memref<1x96xi32, #tpu.memory_space<vmem>>
        %dma_start3A_116 = tpu.memref_squeeze %dma_start3A_115 : memref<1x96xi32, #tpu.memory_space<vmem>> -> memref<96xi32, #tpu.memory_space<vmem>>
        %dma_start3A_117 = arith.constant 0 : i32
        %dma_start3A_118 = tpu.memref_slice %arg2[%multiple_of3A, %dma_start3A_117] : memref<20480x128xf32, #tpu.memory_space<hbm>> -> memref<10240x128xf32, #tpu.memory_space<hbm>>
        %dma_start3A_119 = arith.constant 0 : i32
        %dma_start3A_120 = arith.constant 0 : i32
        %dma_start3A_121 = tpu.memref_slice %dma_start3A_118[%dma_start3A_119, %dma_start3A_120] : memref<10240x128xf32, #tpu.memory_space<hbm>> -> memref<10240x128xf32, #tpu.memory_space<hbm>>
        tpu.enqueue_indirect_dma source(%dma_start3A_121 : memref<10240x128xf32, #tpu.memory_space<hbm>>) target(%arg13 : memref<96x128xf32, #tpu.memory_space<vmem>>) offsets(%dma_start3A_116 : memref<96xi32, #tpu.memory_space<vmem>>) semaphore(%arg18 : memref<!tpu.dma_semaphore, #tpu.memory_space<semaphore_mem>>)
        %add3A_122 = arith.constant 4 : i32
        %add3A_123 = arith.addi %add3A_82, %add3A_122 : i32
        %dma_start3A_124 = arith.constant 0 : i32
        %dma_start3A_125 = tpu.memref_slice %arg8[%add3A_123, %dma_start3A_124] : memref<105x96xi32, #tpu.memory_space<vmem>> -> memref<1x96xi32, #tpu.memory_space<vmem>>
        %dma_start3A_126 = tpu.memref_squeeze %dma_start3A_125 : memref<1x96xi32, #tpu.memory_space<vmem>> -> memref<96xi32, #tpu.memory_space<vmem>>
        %dma_start3A_127 = arith.constant 0 : i32
        %dma_start3A_128 = tpu.memref_slice %arg2[%multiple_of3A, %dma_start3A_127] : memref<20480x128xf32, #tpu.memory_space<hbm>> -> memref<10240x128xf32, #tpu.memory_space<hbm>>
        %dma_start3A_129 = arith.constant 0 : i32
        %dma_start3A_130 = arith.constant 0 : i32
        %dma_start3A_131 = tpu.memref_slice %dma_start3A_128[%dma_start3A_129, %dma_start3A_130] : memref<10240x128xf32, #tpu.memory_space<hbm>> -> memref<10240x128xf32, #tpu.memory_space<hbm>>
        tpu.enqueue_indirect_dma source(%dma_start3A_131 : memref<10240x128xf32, #tpu.memory_space<hbm>>) target(%arg14 : memref<96x128xf32, #tpu.memory_space<vmem>>) offsets(%dma_start3A_126 : memref<96xi32, #tpu.memory_space<vmem>>) semaphore(%arg18 : memref<!tpu.dma_semaphore, #tpu.memory_space<semaphore_mem>>)
        %dma_wait3A = arith.constant 0 : i32
        %dma_wait3A_132 = tpu.memref_slice %arg8[%add3A_84, %dma_wait3A] : memref<105x96xi32, #tpu.memory_space<vmem>> -> memref<1x96xi32, #tpu.memory_space<vmem>>
        %dma_wait3A_133 = tpu.memref_squeeze %dma_wait3A_132 : memref<1x96xi32, #tpu.memory_space<vmem>> -> memref<96xi32, #tpu.memory_space<vmem>>
        %dma_wait3A_134 = arith.constant 0 : i32
        %dma_wait3A_135 = tpu.memref_slice %arg2[%multiple_of3A, %dma_wait3A_134] : memref<20480x128xf32, #tpu.memory_space<hbm>> -> memref<10240x128xf32, #tpu.memory_space<hbm>>
        %dma_wait3A_136 = arith.constant 0 : i32
        %dma_wait3A_137 = arith.constant 0 : i32
        %dma_wait3A_138 = tpu.memref_slice %dma_wait3A_135[%dma_wait3A_136, %dma_wait3A_137] : memref<10240x128xf32, #tpu.memory_space<hbm>> -> memref<10240x128xf32, #tpu.memory_space<hbm>>
        tpu.wait_indirect_dma semaphore(%arg18 : memref<!tpu.dma_semaphore, #tpu.memory_space<semaphore_mem>>) src(%dma_wait3A_138 : memref<10240x128xf32, #tpu.memory_space<hbm>>) dst(%arg10 : memref<96x128xf32, #tpu.memory_space<vmem>>)
        %add3A_139 = arith.constant 0 : i32
        %add3A_140 = arith.addi %add3A_82, %add3A_139 : i32
        %dma_start3A_141 = arith.constant 0 : i32
        %dma_start3A_142 = tpu.memref_slice %arg9[%add3A_140, %dma_start3A_141] : memref<105x96xi32, #tpu.memory_space<vmem>> -> memref<1x96xi32, #tpu.memory_space<vmem>>
        %dma_start3A_143 = tpu.memref_squeeze %dma_start3A_142 : memref<1x96xi32, #tpu.memory_space<vmem>> -> memref<96xi32, #tpu.memory_space<vmem>>
        %dma_start3A_144 = arith.constant 0 : i32
        %dma_start3A_145 = arith.constant 0 : i32
        %dma_start3A_146 = tpu.memref_slice %arg15[%dma_start3A_144, %dma_start3A_145] : memref<3840x128xf32, #tpu.memory_space<vmem_shared>> -> memref<3840x128xf32, #tpu.memory_space<vmem_shared>>
        tpu.enqueue_indirect_dma source(%arg10 : memref<96x128xf32, #tpu.memory_space<vmem>>) target(%dma_start3A_146 : memref<3840x128xf32, #tpu.memory_space<vmem_shared>>) offsets(%dma_start3A_143 : memref<96xi32, #tpu.memory_space<vmem>>) semaphore(%arg19 : memref<!tpu.dma_semaphore, #tpu.memory_space<semaphore_mem>>) {add = true}
        %dma_wait3A_147 = arith.constant 0 : i32
        %dma_wait3A_148 = tpu.memref_slice %arg8[%add3A_93, %dma_wait3A_147] : memref<105x96xi32, #tpu.memory_space<vmem>> -> memref<1x96xi32, #tpu.memory_space<vmem>>
        %dma_wait3A_149 = tpu.memref_squeeze %dma_wait3A_148 : memref<1x96xi32, #tpu.memory_space<vmem>> -> memref<96xi32, #tpu.memory_space<vmem>>
        %dma_wait3A_150 = arith.constant 0 : i32
        %dma_wait3A_151 = tpu.memref_slice %arg2[%multiple_of3A, %dma_wait3A_150] : memref<20480x128xf32, #tpu.memory_space<hbm>> -> memref<10240x128xf32, #tpu.memory_space<hbm>>
        %dma_wait3A_152 = arith.constant 0 : i32
        %dma_wait3A_153 = arith.constant 0 : i32
        %dma_wait3A_154 = tpu.memref_slice %dma_wait3A_151[%dma_wait3A_152, %dma_wait3A_153] : memref<10240x128xf32, #tpu.memory_space<hbm>> -> memref<10240x128xf32, #tpu.memory_space<hbm>>
        tpu.wait_indirect_dma semaphore(%arg18 : memref<!tpu.dma_semaphore, #tpu.memory_space<semaphore_mem>>) src(%dma_wait3A_154 : memref<10240x128xf32, #tpu.memory_space<hbm>>) dst(%arg11 : memref<96x128xf32, #tpu.memory_space<vmem>>)
        %add3A_155 = arith.constant 1 : i32
        %add3A_156 = arith.addi %add3A_82, %add3A_155 : i32
        %dma_start3A_157 = arith.constant 0 : i32
        %dma_start3A_158 = tpu.memref_slice %arg9[%add3A_156, %dma_start3A_157] : memref<105x96xi32, #tpu.memory_space<vmem>> -> memref<1x96xi32, #tpu.memory_space<vmem>>
        %dma_start3A_159 = tpu.memref_squeeze %dma_start3A_158 : memref<1x96xi32, #tpu.memory_space<vmem>> -> memref<96xi32, #tpu.memory_space<vmem>>
        %dma_start3A_160 = arith.constant 0 : i32
        %dma_start3A_161 = arith.constant 0 : i32
        %dma_start3A_162 = tpu.memref_slice %arg15[%dma_start3A_160, %dma_start3A_161] : memref<3840x128xf32, #tpu.memory_space<vmem_shared>> -> memref<3840x128xf32, #tpu.memory_space<vmem_shared>>
        tpu.enqueue_indirect_dma source(%arg11 : memref<96x128xf32, #tpu.memory_space<vmem>>) target(%dma_start3A_162 : memref<3840x128xf32, #tpu.memory_space<vmem_shared>>) offsets(%dma_start3A_159 : memref<96xi32, #tpu.memory_space<vmem>>) semaphore(%arg19 : memref<!tpu.dma_semaphore, #tpu.memory_space<semaphore_mem>>) {add = true}
        %dma_wait3A_163 = arith.constant 0 : i32
        %dma_wait3A_164 = tpu.memref_slice %arg8[%add3A_103, %dma_wait3A_163] : memref<105x96xi32, #tpu.memory_space<vmem>> -> memref<1x96xi32, #tpu.memory_space<vmem>>
        %dma_wait3A_165 = tpu.memref_squeeze %dma_wait3A_164 : memref<1x96xi32, #tpu.memory_space<vmem>> -> memref<96xi32, #tpu.memory_space<vmem>>
        %dma_wait3A_166 = arith.constant 0 : i32
        %dma_wait3A_167 = tpu.memref_slice %arg2[%multiple_of3A, %dma_wait3A_166] : memref<20480x128xf32, #tpu.memory_space<hbm>> -> memref<10240x128xf32, #tpu.memory_space<hbm>>
        %dma_wait3A_168 = arith.constant 0 : i32
        %dma_wait3A_169 = arith.constant 0 : i32
        %dma_wait3A_170 = tpu.memref_slice %dma_wait3A_167[%dma_wait3A_168, %dma_wait3A_169] : memref<10240x128xf32, #tpu.memory_space<hbm>> -> memref<10240x128xf32, #tpu.memory_space<hbm>>
        tpu.wait_indirect_dma semaphore(%arg18 : memref<!tpu.dma_semaphore, #tpu.memory_space<semaphore_mem>>) src(%dma_wait3A_170 : memref<10240x128xf32, #tpu.memory_space<hbm>>) dst(%arg12 : memref<96x128xf32, #tpu.memory_space<vmem>>)
        %add3A_171 = arith.constant 2 : i32
        %add3A_172 = arith.addi %add3A_82, %add3A_171 : i32
        %dma_start3A_173 = arith.constant 0 : i32
        %dma_start3A_174 = tpu.memref_slice %arg9[%add3A_172, %dma_start3A_173] : memref<105x96xi32, #tpu.memory_space<vmem>> -> memref<1x96xi32, #tpu.memory_space<vmem>>
        %dma_start3A_175 = tpu.memref_squeeze %dma_start3A_174 : memref<1x96xi32, #tpu.memory_space<vmem>> -> memref<96xi32, #tpu.memory_space<vmem>>
        %dma_start3A_176 = arith.constant 0 : i32
        %dma_start3A_177 = arith.constant 0 : i32
        %dma_start3A_178 = tpu.memref_slice %arg15[%dma_start3A_176, %dma_start3A_177] : memref<3840x128xf32, #tpu.memory_space<vmem_shared>> -> memref<3840x128xf32, #tpu.memory_space<vmem_shared>>
        tpu.enqueue_indirect_dma source(%arg12 : memref<96x128xf32, #tpu.memory_space<vmem>>) target(%dma_start3A_178 : memref<3840x128xf32, #tpu.memory_space<vmem_shared>>) offsets(%dma_start3A_175 : memref<96xi32, #tpu.memory_space<vmem>>) semaphore(%arg19 : memref<!tpu.dma_semaphore, #tpu.memory_space<semaphore_mem>>) {add = true}
        %dma_wait3A_179 = arith.constant 0 : i32
        %dma_wait3A_180 = tpu.memref_slice %arg8[%add3A_113, %dma_wait3A_179] : memref<105x96xi32, #tpu.memory_space<vmem>> -> memref<1x96xi32, #tpu.memory_space<vmem>>
        %dma_wait3A_181 = tpu.memref_squeeze %dma_wait3A_180 : memref<1x96xi32, #tpu.memory_space<vmem>> -> memref<96xi32, #tpu.memory_space<vmem>>
        %dma_wait3A_182 = arith.constant 0 : i32
        %dma_wait3A_183 = tpu.memref_slice %arg2[%multiple_of3A, %dma_wait3A_182] : memref<20480x128xf32, #tpu.memory_space<hbm>> -> memref<10240x128xf32, #tpu.memory_space<hbm>>
        %dma_wait3A_184 = arith.constant 0 : i32
        %dma_wait3A_185 = arith.constant 0 : i32
        %dma_wait3A_186 = tpu.memref_slice %dma_wait3A_183[%dma_wait3A_184, %dma_wait3A_185] : memref<10240x128xf32, #tpu.memory_space<hbm>> -> memref<10240x128xf32, #tpu.memory_space<hbm>>
        tpu.wait_indirect_dma semaphore(%arg18 : memref<!tpu.dma_semaphore, #tpu.memory_space<semaphore_mem>>) src(%dma_wait3A_186 : memref<10240x128xf32, #tpu.memory_space<hbm>>) dst(%arg13 : memref<96x128xf32, #tpu.memory_space<vmem>>)
        %add3A_187 = arith.constant 3 : i32
        %add3A_188 = arith.addi %add3A_82, %add3A_187 : i32
        %dma_start3A_189 = arith.constant 0 : i32
        %dma_start3A_190 = tpu.memref_slice %arg9[%add3A_188, %dma_start3A_189] : memref<105x96xi32, #tpu.memory_space<vmem>> -> memref<1x96xi32, #tpu.memory_space<vmem>>
        %dma_start3A_191 = tpu.memref_squeeze %dma_start3A_190 : memref<1x96xi32, #tpu.memory_space<vmem>> -> memref<96xi32, #tpu.memory_space<vmem>>
        %dma_start3A_192 = arith.constant 0 : i32
        %dma_start3A_193 = arith.constant 0 : i32
        %dma_start3A_194 = tpu.memref_slice %arg15[%dma_start3A_192, %dma_start3A_193] : memref<3840x128xf32, #tpu.memory_space<vmem_shared>> -> memref<3840x128xf32, #tpu.memory_space<vmem_shared>>
        tpu.enqueue_indirect_dma source(%arg13 : memref<96x128xf32, #tpu.memory_space<vmem>>) target(%dma_start3A_194 : memref<3840x128xf32, #tpu.memory_space<vmem_shared>>) offsets(%dma_start3A_191 : memref<96xi32, #tpu.memory_space<vmem>>) semaphore(%arg19 : memref<!tpu.dma_semaphore, #tpu.memory_space<semaphore_mem>>) {add = true}
        %dma_wait3A_195 = arith.constant 0 : i32
        %dma_wait3A_196 = tpu.memref_slice %arg8[%add3A_123, %dma_wait3A_195] : memref<105x96xi32, #tpu.memory_space<vmem>> -> memref<1x96xi32, #tpu.memory_space<vmem>>
        %dma_wait3A_197 = tpu.memref_squeeze %dma_wait3A_196 : memref<1x96xi32, #tpu.memory_space<vmem>> -> memref<96xi32, #tpu.memory_space<vmem>>
        %dma_wait3A_198 = arith.constant 0 : i32
        %dma_wait3A_199 = tpu.memref_slice %arg2[%multiple_of3A, %dma_wait3A_198] : memref<20480x128xf32, #tpu.memory_space<hbm>> -> memref<10240x128xf32, #tpu.memory_space<hbm>>
        %dma_wait3A_200 = arith.constant 0 : i32
        %dma_wait3A_201 = arith.constant 0 : i32
        %dma_wait3A_202 = tpu.memref_slice %dma_wait3A_199[%dma_wait3A_200, %dma_wait3A_201] : memref<10240x128xf32, #tpu.memory_space<hbm>> -> memref<10240x128xf32, #tpu.memory_space<hbm>>
        tpu.wait_indirect_dma semaphore(%arg18 : memref<!tpu.dma_semaphore, #tpu.memory_space<semaphore_mem>>) src(%dma_wait3A_202 : memref<10240x128xf32, #tpu.memory_space<hbm>>) dst(%arg14 : memref<96x128xf32, #tpu.memory_space<vmem>>)
        %add3A_203 = arith.constant 4 : i32
        %add3A_204 = arith.addi %add3A_82, %add3A_203 : i32
        %dma_start3A_205 = arith.constant 0 : i32
        %dma_start3A_206 = tpu.memref_slice %arg9[%add3A_204, %dma_start3A_205] : memref<105x96xi32, #tpu.memory_space<vmem>> -> memref<1x96xi32, #tpu.memory_space<vmem>>
        %dma_start3A_207 = tpu.memref_squeeze %dma_start3A_206 : memref<1x96xi32, #tpu.memory_space<vmem>> -> memref<96xi32, #tpu.memory_space<vmem>>
        %dma_start3A_208 = arith.constant 0 : i32
        %dma_start3A_209 = arith.constant 0 : i32
        %dma_start3A_210 = tpu.memref_slice %arg15[%dma_start3A_208, %dma_start3A_209] : memref<3840x128xf32, #tpu.memory_space<vmem_shared>> -> memref<3840x128xf32, #tpu.memory_space<vmem_shared>>
        tpu.enqueue_indirect_dma source(%arg14 : memref<96x128xf32, #tpu.memory_space<vmem>>) target(%dma_start3A_210 : memref<3840x128xf32, #tpu.memory_space<vmem_shared>>) offsets(%dma_start3A_207 : memref<96xi32, #tpu.memory_space<vmem>>) semaphore(%arg19 : memref<!tpu.dma_semaphore, #tpu.memory_space<semaphore_mem>>) {add = true}
        %dma_wait3A_211 = arith.constant 0 : i32
        %dma_wait3A_212 = tpu.memref_slice %arg9[%add3A_140, %dma_wait3A_211] : memref<105x96xi32, #tpu.memory_space<vmem>> -> memref<1x96xi32, #tpu.memory_space<vmem>>
        %dma_wait3A_213 = tpu.memref_squeeze %dma_wait3A_212 : memref<1x96xi32, #tpu.memory_space<vmem>> -> memref<96xi32, #tpu.memory_space<vmem>>
        %dma_wait3A_214 = arith.constant 0 : i32
        %dma_wait3A_215 = arith.constant 0 : i32
        %dma_wait3A_216 = tpu.memref_slice %arg15[%dma_wait3A_214, %dma_wait3A_215] : memref<3840x128xf32, #tpu.memory_space<vmem_shared>> -> memref<3840x128xf32, #tpu.memory_space<vmem_shared>>
        tpu.wait_indirect_dma semaphore(%arg19 : memref<!tpu.dma_semaphore, #tpu.memory_space<semaphore_mem>>) src(%arg10 : memref<96x128xf32, #tpu.memory_space<vmem>>) dst(%dma_wait3A_216 : memref<3840x128xf32, #tpu.memory_space<vmem_shared>>)
        %dma_wait3A_217 = arith.constant 0 : i32
        %dma_wait3A_218 = tpu.memref_slice %arg9[%add3A_156, %dma_wait3A_217] : memref<105x96xi32, #tpu.memory_space<vmem>> -> memref<1x96xi32, #tpu.memory_space<vmem>>
        %dma_wait3A_219 = tpu.memref_squeeze %dma_wait3A_218 : memref<1x96xi32, #tpu.memory_space<vmem>> -> memref<96xi32, #tpu.memory_space<vmem>>
        %dma_wait3A_220 = arith.constant 0 : i32
        %dma_wait3A_221 = arith.constant 0 : i32
        %dma_wait3A_222 = tpu.memref_slice %arg15[%dma_wait3A_220, %dma_wait3A_221] : memref<3840x128xf32, #tpu.memory_space<vmem_shared>> -> memref<3840x128xf32, #tpu.memory_space<vmem_shared>>
        tpu.wait_indirect_dma semaphore(%arg19 : memref<!tpu.dma_semaphore, #tpu.memory_space<semaphore_mem>>) src(%arg11 : memref<96x128xf32, #tpu.memory_space<vmem>>) dst(%dma_wait3A_222 : memref<3840x128xf32, #tpu.memory_space<vmem_shared>>)
        %dma_wait3A_223 = arith.constant 0 : i32
        %dma_wait3A_224 = tpu.memref_slice %arg9[%add3A_172, %dma_wait3A_223] : memref<105x96xi32, #tpu.memory_space<vmem>> -> memref<1x96xi32, #tpu.memory_space<vmem>>
        %dma_wait3A_225 = tpu.memref_squeeze %dma_wait3A_224 : memref<1x96xi32, #tpu.memory_space<vmem>> -> memref<96xi32, #tpu.memory_space<vmem>>
        %dma_wait3A_226 = arith.constant 0 : i32
        %dma_wait3A_227 = arith.constant 0 : i32
        %dma_wait3A_228 = tpu.memref_slice %arg15[%dma_wait3A_226, %dma_wait3A_227] : memref<3840x128xf32, #tpu.memory_space<vmem_shared>> -> memref<3840x128xf32, #tpu.memory_space<vmem_shared>>
        tpu.wait_indirect_dma semaphore(%arg19 : memref<!tpu.dma_semaphore, #tpu.memory_space<semaphore_mem>>) src(%arg12 : memref<96x128xf32, #tpu.memory_space<vmem>>) dst(%dma_wait3A_228 : memref<3840x128xf32, #tpu.memory_space<vmem_shared>>)
        %dma_wait3A_229 = arith.constant 0 : i32
        %dma_wait3A_230 = tpu.memref_slice %arg9[%add3A_188, %dma_wait3A_229] : memref<105x96xi32, #tpu.memory_space<vmem>> -> memref<1x96xi32, #tpu.memory_space<vmem>>
        %dma_wait3A_231 = tpu.memref_squeeze %dma_wait3A_230 : memref<1x96xi32, #tpu.memory_space<vmem>> -> memref<96xi32, #tpu.memory_space<vmem>>
        %dma_wait3A_232 = arith.constant 0 : i32
        %dma_wait3A_233 = arith.constant 0 : i32
        %dma_wait3A_234 = tpu.memref_slice %arg15[%dma_wait3A_232, %dma_wait3A_233] : memref<3840x128xf32, #tpu.memory_space<vmem_shared>> -> memref<3840x128xf32, #tpu.memory_space<vmem_shared>>
        tpu.wait_indirect_dma semaphore(%arg19 : memref<!tpu.dma_semaphore, #tpu.memory_space<semaphore_mem>>) src(%arg13 : memref<96x128xf32, #tpu.memory_space<vmem>>) dst(%dma_wait3A_234 : memref<3840x128xf32, #tpu.memory_space<vmem_shared>>)
        %dma_wait3A_235 = arith.constant 0 : i32
        %dma_wait3A_236 = tpu.memref_slice %arg9[%add3A_204, %dma_wait3A_235] : memref<105x96xi32, #tpu.memory_space<vmem>> -> memref<1x96xi32, #tpu.memory_space<vmem>>
        %dma_wait3A_237 = tpu.memref_squeeze %dma_wait3A_236 : memref<1x96xi32, #tpu.memory_space<vmem>> -> memref<96xi32, #tpu.memory_space<vmem>>
        %dma_wait3A_238 = arith.constant 0 : i32
        %dma_wait3A_239 = arith.constant 0 : i32
        %dma_wait3A_240 = tpu.memref_slice %arg15[%dma_wait3A_238, %dma_wait3A_239] : memref<3840x128xf32, #tpu.memory_space<vmem_shared>> -> memref<3840x128xf32, #tpu.memory_space<vmem_shared>>
        tpu.wait_indirect_dma semaphore(%arg19 : memref<!tpu.dma_semaphore, #tpu.memory_space<semaphore_mem>>) src(%arg14 : memref<96x128xf32, #tpu.memory_space<vmem>>) dst(%dma_wait3A_240 : memref<3840x128xf32, #tpu.memory_space<vmem_shared>>)
      }
      %scan3A_68 = arith.constant 21 : i32
      %barrier3A_69 = arith.constant 0 : index
      tpu.barrier barrier_id(%barrier3A_69)
      %eq3A = arith.constant 0 : i32
      %eq3A_70 = arith.cmpi eq, %arg0, %eq3A : i32
      %convert_element_type3A = arith.extui %eq3A_70 : i1 to i32
      %cond3A = arith.constant 0 : i32
      %cond3A_71 = arith.cmpi ne, %convert_element_type3A, %cond3A : i32
      scf.if %cond3A_71 {
        %mul3A_78 = arith.constant 240 : i32
        %mul3A_79 = arith.muli %arg1, %mul3A_78 : i32
        %mul3A_80 = arith.constant 240 : i32
        %mul3A_81 = arith.muli %arg1, %mul3A_80 : i32
        "tpu.region"() ({
          %run_scoped3A_82 = tpu.sem_alloc : memref<!tpu.dma_semaphore, #tpu.memory_space<semaphore_mem>>
          %dma_start3A = arith.constant 0 : i32
          %dma_start3A_83 = tpu.memref_slice %arg6[%add3A_44, %mul3A_81, %dma_start3A] : memref<2x3840x128xf32, #tpu.memory_space<hbm>> -> memref<1x240x128xf32, #tpu.memory_space<hbm>>
          %dma_start3A_84 = tpu.memref_squeeze %dma_start3A_83 : memref<1x240x128xf32, #tpu.memory_space<hbm>> -> memref<240x128xf32, #tpu.memory_space<hbm>>
          %dma_start3A_85 = arith.constant 0 : i32
          %dma_start3A_86 = tpu.memref_slice %arg15[%mul3A_79, %dma_start3A_85] : memref<3840x128xf32, #tpu.memory_space<vmem_shared>> -> memref<240x128xf32, #tpu.memory_space<vmem_shared>>
          tpu.enqueue_dma source(%dma_start3A_86 : memref<240x128xf32, #tpu.memory_space<vmem_shared>>) target(%dma_start3A_84 : memref<240x128xf32, #tpu.memory_space<hbm>>) target_semaphore(%run_scoped3A_82 : memref<!tpu.dma_semaphore, #tpu.memory_space<semaphore_mem>>)
          %dma_wait3A = arith.constant 0 : i32
          %dma_wait3A_87 = tpu.memref_slice %arg6[%add3A_44, %mul3A_81, %dma_wait3A] : memref<2x3840x128xf32, #tpu.memory_space<hbm>> -> memref<1x240x128xf32, #tpu.memory_space<hbm>>
          %dma_wait3A_88 = tpu.memref_squeeze %dma_wait3A_87 : memref<1x240x128xf32, #tpu.memory_space<hbm>> -> memref<240x128xf32, #tpu.memory_space<hbm>>
          %dma_wait3A_89 = arith.constant 0 : i32
          %dma_wait3A_90 = tpu.memref_slice %arg15[%mul3A_79, %dma_wait3A_89] : memref<3840x128xf32, #tpu.memory_space<vmem_shared>> -> memref<240x128xf32, #tpu.memory_space<vmem_shared>>
          tpu.wait_dma2 semaphore(%run_scoped3A_82 : memref<!tpu.dma_semaphore, #tpu.memory_space<semaphore_mem>>) src(%dma_wait3A_90 : memref<240x128xf32, #tpu.memory_space<vmem_shared>>) dst(%dma_wait3A_88 : memref<240x128xf32, #tpu.memory_space<hbm>>)
          tpu.yield
        }) : () -> ()
      } else {
      }
      %eq3A_72 = arith.constant 1 : i32
      %eq3A_73 = arith.cmpi eq, %arg0, %eq3A_72 : i32
      %convert_element_type3A_74 = arith.extui %eq3A_73 : i1 to i32
      %cond3A_75 = arith.constant 0 : i32
      %cond3A_76 = arith.cmpi ne, %convert_element_type3A_74, %cond3A_75 : i32
      scf.if %cond3A_76 {
        %mul3A_78 = arith.constant 240 : i32
        %mul3A_79 = arith.muli %arg1, %mul3A_78 : i32
        %mul3A_80 = arith.constant 240 : i32
        %mul3A_81 = arith.muli %arg1, %mul3A_80 : i32
        "tpu.region"() ({
          %run_scoped3A_82 = tpu.sem_alloc : memref<!tpu.dma_semaphore, #tpu.memory_space<semaphore_mem>>
          %dma_start3A = arith.constant 0 : i32
          %dma_start3A_83 = tpu.memref_slice %arg7[%add3A_44, %mul3A_81, %dma_start3A] : memref<2x3840x128xf32, #tpu.memory_space<hbm>> -> memref<1x240x128xf32, #tpu.memory_space<hbm>>
          %dma_start3A_84 = tpu.memref_squeeze %dma_start3A_83 : memref<1x240x128xf32, #tpu.memory_space<hbm>> -> memref<240x128xf32, #tpu.memory_space<hbm>>
          %dma_start3A_85 = arith.constant 0 : i32
          %dma_start3A_86 = tpu.memref_slice %arg15[%mul3A_79, %dma_start3A_85] : memref<3840x128xf32, #tpu.memory_space<vmem_shared>> -> memref<240x128xf32, #tpu.memory_space<vmem_shared>>
          tpu.enqueue_dma source(%dma_start3A_86 : memref<240x128xf32, #tpu.memory_space<vmem_shared>>) target(%dma_start3A_84 : memref<240x128xf32, #tpu.memory_space<hbm>>) target_semaphore(%run_scoped3A_82 : memref<!tpu.dma_semaphore, #tpu.memory_space<semaphore_mem>>)
          %dma_wait3A = arith.constant 0 : i32
          %dma_wait3A_87 = tpu.memref_slice %arg7[%add3A_44, %mul3A_81, %dma_wait3A] : memref<2x3840x128xf32, #tpu.memory_space<hbm>> -> memref<1x240x128xf32, #tpu.memory_space<hbm>>
          %dma_wait3A_88 = tpu.memref_squeeze %dma_wait3A_87 : memref<1x240x128xf32, #tpu.memory_space<hbm>> -> memref<240x128xf32, #tpu.memory_space<hbm>>
          %dma_wait3A_89 = arith.constant 0 : i32
          %dma_wait3A_90 = tpu.memref_slice %arg15[%mul3A_79, %dma_wait3A_89] : memref<3840x128xf32, #tpu.memory_space<vmem_shared>> -> memref<240x128xf32, #tpu.memory_space<vmem_shared>>
          tpu.wait_dma2 semaphore(%run_scoped3A_82 : memref<!tpu.dma_semaphore, #tpu.memory_space<semaphore_mem>>) src(%dma_wait3A_90 : memref<240x128xf32, #tpu.memory_space<vmem_shared>>) dst(%dma_wait3A_88 : memref<240x128xf32, #tpu.memory_space<hbm>>)
          tpu.yield
        }) : () -> ()
      } else {
      }
      %barrier3A_77 = arith.constant 0 : index
      tpu.barrier barrier_id(%barrier3A_77)
    }
    %while3A_41 = arith.constant 1 : i32
    scf.for %while3A_42 = %while3A_39 to %while3A_35 step %while3A_41  : i32 {
      %mul3A_43 = arith.muli %while3A_42, %while3A : i32
      %add3A_44 = arith.addi %while3A_32, %mul3A_43 : i32
      %mul3A_45 = arith.constant 10240 : i32
      %mul3A_46 = arith.muli %add3A_44, %mul3A_45 : i32
      %multiple_of3A = tpu.assume_multiple %mul3A_46, 10240 : i32
      %scan3A_47 = arith.constant 0 : i32
      %scan3A_48 = arith.constant 96 : i32
      %scan3A_49 = arith.addi %scan3A_47, %scan3A_48 : i32
      %scan3A_50 = arith.constant 1 : i32
      scf.for %scan3A_78 = %scan3A_47 to %scan3A_49 step %scan3A_50  : i32 {
        %mul3A_79 = arith.constant 1 : i32
        %mul3A_80 = arith.muli %scan3A_78, %mul3A_79 : i32
        %add3A_81 = arith.constant 0 : i32
        %add3A_82 = arith.addi %add3A_81, %mul3A_80 : i32
        %scan3A_83 = arith.constant 0 : i32
        %scan3A_84 = arith.constant 8 : i32
        %scan3A_85 = arith.addi %scan3A_83, %scan3A_84 : i32
        %scan3A_86 = arith.constant 1 : i32
        scf.for %scan3A_88 = %scan3A_83 to %scan3A_85 step %scan3A_86  : i32 {
          %mul3A_89 = arith.constant 16 : i32
          %mul3A_90 = arith.muli %scan3A_88, %mul3A_89 : i32
          %add3A_91 = arith.constant 0 : i32
          %add3A_92 = arith.addi %add3A_91, %mul3A_90 : i32
          %broadcast_in_dim3A = arith.constant 0.000000e+00 : f32
          %broadcast_in_dim3A_93 = vector.broadcast %broadcast_in_dim3A : f32 to vector<16xf32>
          %swap3A = arith.index_cast %add3A_82 : i32 to index
          %swap3A_94 = arith.index_cast %add3A_92 : i32 to index
          %swap3A_95 = tpu.vector_load %arg10[%swap3A, %swap3A_94] {strides = array<i32>} : memref<96x128xf32, #tpu.memory_space<vmem>>, vector<16xf32>,
          tpu.vector_store %arg10[%swap3A, %swap3A_94], %broadcast_in_dim3A_93 {strides = array<i32>} : memref<96x128xf32, #tpu.memory_space<vmem>>, vector<16xf32>,
        }
        %scan3A_87 = arith.constant 8 : i32
      }
      %scan3A_51 = arith.constant 96 : i32
      %mul3A_52 = arith.constant 240 : i32
      %mul3A_53 = arith.muli %arg1, %mul3A_52 : i32
      %add3A_54 = arith.constant 0 : i32
      %add3A_55 = arith.addi %mul3A_53, %add3A_54 : i32
      "tpu.region"() ({
        %run_scoped3A_78 = tpu.sem_alloc : memref<!tpu.dma_semaphore, #tpu.memory_space<semaphore_mem>>
        %dma_start3A = arith.constant 0 : i32
        %dma_start3A_79 = tpu.memref_slice %arg15[%add3A_55, %dma_start3A] : memref<3840x128xf32, #tpu.memory_space<vmem_shared>> -> memref<96x128xf32, #tpu.memory_space<vmem_shared>>
        %dma_start3A_80 = arith.constant 0 : i32
        %dma_start3A_81 = tpu.memref_slice %arg15[%add3A_55, %dma_start3A_80] : memref<3840x128xf32, #tpu.memory_space<vmem_shared>> -> memref<96x128xf32, #tpu.memory_space<vmem_shared>>
        tpu.enqueue_dma source(%arg10 : memref<96x128xf32, #tpu.memory_space<vmem>>) target(%dma_start3A_81 : memref<96x128xf32, #tpu.memory_space<vmem_shared>>) target_semaphore(%run_scoped3A_78 : memref<!tpu.dma_semaphore, #tpu.memory_space<semaphore_mem>>)
        %dma_wait3A = arith.constant 0 : i32
        %dma_wait3A_82 = tpu.memref_slice %arg15[%add3A_55, %dma_wait3A] : memref<3840x128xf32, #tpu.memory_space<vmem_shared>> -> memref<96x128xf32, #tpu.memory_space<vmem_shared>>
        %dma_wait3A_83 = arith.constant 0 : i32
        %dma_wait3A_84 = tpu.memref_slice %arg15[%add3A_55, %dma_wait3A_83] : memref<3840x128xf32, #tpu.memory_space<vmem_shared>> -> memref<96x128xf32, #tpu.memory_space<vmem_shared>>
        tpu.wait_dma2 semaphore(%run_scoped3A_78 : memref<!tpu.dma_semaphore, #tpu.memory_space<semaphore_mem>>) src(%arg10 : memref<96x128xf32, #tpu.memory_space<vmem>>) dst(%dma_wait3A_84 : memref<96x128xf32, #tpu.memory_space<vmem_shared>>)
        tpu.yield
      }) : () -> ()
      %mul3A_56 = arith.constant 240 : i32
      %mul3A_57 = arith.muli %arg1, %mul3A_56 : i32
      %add3A_58 = arith.constant 96 : i32
      %add3A_59 = arith.addi %mul3A_57, %add3A_58 : i32
      "tpu.region"() ({
        %run_scoped3A_78 = tpu.sem_alloc : memref<!tpu.dma_semaphore, #tpu.memory_space<semaphore_mem>>
        %dma_start3A = arith.constant 0 : i32
        %dma_start3A_79 = tpu.memref_slice %arg15[%add3A_59, %dma_start3A] : memref<3840x128xf32, #tpu.memory_space<vmem_shared>> -> memref<96x128xf32, #tpu.memory_space<vmem_shared>>
        %dma_start3A_80 = arith.constant 0 : i32
        %dma_start3A_81 = tpu.memref_slice %arg15[%add3A_59, %dma_start3A_80] : memref<3840x128xf32, #tpu.memory_space<vmem_shared>> -> memref<96x128xf32, #tpu.memory_space<vmem_shared>>
        tpu.enqueue_dma source(%arg10 : memref<96x128xf32, #tpu.memory_space<vmem>>) target(%dma_start3A_81 : memref<96x128xf32, #tpu.memory_space<vmem_shared>>) target_semaphore(%run_scoped3A_78 : memref<!tpu.dma_semaphore, #tpu.memory_space<semaphore_mem>>)
        %dma_wait3A = arith.constant 0 : i32
        %dma_wait3A_82 = tpu.memref_slice %arg15[%add3A_59, %dma_wait3A] : memref<3840x128xf32, #tpu.memory_space<vmem_shared>> -> memref<96x128xf32, #tpu.memory_space<vmem_shared>>
        %dma_wait3A_83 = arith.constant 0 : i32
        %dma_wait3A_84 = tpu.memref_slice %arg15[%add3A_59, %dma_wait3A_83] : memref<3840x128xf32, #tpu.memory_space<vmem_shared>> -> memref<96x128xf32, #tpu.memory_space<vmem_shared>>
        tpu.wait_dma2 semaphore(%run_scoped3A_78 : memref<!tpu.dma_semaphore, #tpu.memory_space<semaphore_mem>>) src(%arg10 : memref<96x128xf32, #tpu.memory_space<vmem>>) dst(%dma_wait3A_84 : memref<96x128xf32, #tpu.memory_space<vmem_shared>>)
        tpu.yield
      }) : () -> ()
      %mul3A_60 = arith.constant 240 : i32
      %mul3A_61 = arith.muli %arg1, %mul3A_60 : i32
      %add3A_62 = arith.constant 192 : i32
      %add3A_63 = arith.addi %mul3A_61, %add3A_62 : i32
      "tpu.region"() ({
        %run_scoped3A_78 = tpu.sem_alloc : memref<!tpu.dma_semaphore, #tpu.memory_space<semaphore_mem>>
        %dma_start3A = arith.constant 0 : i32
        %dma_start3A_79 = arith.constant 0 : i32
        %dma_start3A_80 = tpu.memref_slice %arg10[%dma_start3A, %dma_start3A_79] : memref<96x128xf32, #tpu.memory_space<vmem>> -> memref<48x128xf32, #tpu.memory_space<vmem>>
        %dma_start3A_81 = arith.constant 0 : i32
        %dma_start3A_82 = tpu.memref_slice %arg15[%add3A_63, %dma_start3A_81] : memref<3840x128xf32, #tpu.memory_space<vmem_shared>> -> memref<48x128xf32, #tpu.memory_space<vmem_shared>>
        %dma_start3A_83 = arith.constant 0 : i32
        %dma_start3A_84 = tpu.memref_slice %arg15[%add3A_63, %dma_start3A_83] : memref<3840x128xf32, #tpu.memory_space<vmem_shared>> -> memref<48x128xf32, #tpu.memory_space<vmem_shared>>
        %dma_start3A_85 = arith.constant 0 : i32
        %dma_start3A_86 = arith.constant 0 : i32
        %dma_start3A_87 = tpu.memref_slice %arg10[%dma_start3A_85, %dma_start3A_86] : memref<96x128xf32, #tpu.memory_space<vmem>> -> memref<48x128xf32, #tpu.memory_space<vmem>>
        tpu.enqueue_dma source(%dma_start3A_87 : memref<48x128xf32, #tpu.memory_space<vmem>>) target(%dma_start3A_84 : memref<48x128xf32, #tpu.memory_space<vmem_shared>>) target_semaphore(%run_scoped3A_78 : memref<!tpu.dma_semaphore, #tpu.memory_space<semaphore_mem>>)
        %dma_wait3A = arith.constant 0 : i32
        %dma_wait3A_88 = arith.constant 0 : i32
        %dma_wait3A_89 = tpu.memref_slice %arg10[%dma_wait3A, %dma_wait3A_88] : memref<96x128xf32, #tpu.memory_space<vmem>> -> memref<48x128xf32, #tpu.memory_space<vmem>>
        %dma_wait3A_90 = arith.constant 0 : i32
        %dma_wait3A_91 = tpu.memref_slice %arg15[%add3A_63, %dma_wait3A_90] : memref<3840x128xf32, #tpu.memory_space<vmem_shared>> -> memref<48x128xf32, #tpu.memory_space<vmem_shared>>
        %dma_wait3A_92 = arith.constant 0 : i32
        %dma_wait3A_93 = tpu.memref_slice %arg15[%add3A_63, %dma_wait3A_92] : memref<3840x128xf32, #tpu.memory_space<vmem_shared>> -> memref<48x128xf32, #tpu.memory_space<vmem_shared>>
        %dma_wait3A_94 = arith.constant 0 : i32
        %dma_wait3A_95 = arith.constant 0 : i32
        %dma_wait3A_96 = tpu.memref_slice %arg10[%dma_wait3A_94, %dma_wait3A_95] : memref<96x128xf32, #tpu.memory_space<vmem>> -> memref<48x128xf32, #tpu.memory_space<vmem>>
        tpu.wait_dma2 semaphore(%run_scoped3A_78 : memref<!tpu.dma_semaphore, #tpu.memory_space<semaphore_mem>>) src(%dma_wait3A_96 : memref<48x128xf32, #tpu.memory_space<vmem>>) dst(%dma_wait3A_93 : memref<48x128xf32, #tpu.memory_space<vmem_shared>>)
        tpu.yield
      }) : () -> ()
      %barrier3A = arith.constant 0 : index
      tpu.barrier barrier_id(%barrier3A)
      %scan3A_64 = arith.constant 0 : i32
      %scan3A_65 = arith.constant 21 : i32
      %scan3A_66 = arith.addi %scan3A_64, %scan3A_65 : i32
      %scan3A_67 = arith.constant 1 : i32
      scf.for %scan3A_78 = %scan3A_64 to %scan3A_66 step %scan3A_67  : i32 {
        %mul3A_79 = arith.constant 5 : i32
        %mul3A_80 = arith.muli %scan3A_78, %mul3A_79 : i32
        %add3A_81 = arith.constant 0 : i32
        %add3A_82 = arith.addi %add3A_81, %mul3A_80 : i32
        %add3A_83 = arith.constant 0 : i32
        %add3A_84 = arith.addi %add3A_82, %add3A_83 : i32
        %dma_start3A = arith.constant 0 : i32
        %dma_start3A_85 = tpu.memref_slice %arg8[%add3A_84, %dma_start3A] : memref<105x96xi32, #tpu.memory_space<vmem>> -> memref<1x96xi32, #tpu.memory_space<vmem>>
        %dma_start3A_86 = tpu.memref_squeeze %dma_start3A_85 : memref<1x96xi32, #tpu.memory_space<vmem>> -> memref<96xi32, #tpu.memory_space<vmem>>
        %dma_start3A_87 = arith.constant 0 : i32
        %dma_start3A_88 = tpu.memref_slice %arg2[%multiple_of3A, %dma_start3A_87] : memref<20480x128xf32, #tpu.memory_space<hbm>> -> memref<10240x128xf32, #tpu.memory_space<hbm>>
        %dma_start3A_89 = arith.constant 0 : i32
        %dma_start3A_90 = arith.constant 0 : i32
        %dma_start3A_91 = tpu.memref_slice %dma_start3A_88[%dma_start3A_89, %dma_start3A_90] : memref<10240x128xf32, #tpu.memory_space<hbm>> -> memref<10240x128xf32, #tpu.memory_space<hbm>>
        tpu.enqueue_indirect_dma source(%dma_start3A_91 : memref<10240x128xf32, #tpu.memory_space<hbm>>) target(%arg10 : memref<96x128xf32, #tpu.memory_space<vmem>>) offsets(%dma_start3A_86 : memref<96xi32, #tpu.memory_space<vmem>>) semaphore(%arg18 : memref<!tpu.dma_semaphore, #tpu.memory_space<semaphore_mem>>)
        %add3A_92 = arith.constant 1 : i32
        %add3A_93 = arith.addi %add3A_82, %add3A_92 : i32
        %dma_start3A_94 = arith.constant 0 : i32
        %dma_start3A_95 = tpu.memref_slice %arg8[%add3A_93, %dma_start3A_94] : memref<105x96xi32, #tpu.memory_space<vmem>> -> memref<1x96xi32, #tpu.memory_space<vmem>>
        %dma_start3A_96 = tpu.memref_squeeze %dma_start3A_95 : memref<1x96xi32, #tpu.memory_space<vmem>> -> memref<96xi32, #tpu.memory_space<vmem>>
        %dma_start3A_97 = arith.constant 0 : i32
        %dma_start3A_98 = tpu.memref_slice %arg2[%multiple_of3A, %dma_start3A_97] : memref<20480x128xf32, #tpu.memory_space<hbm>> -> memref<10240x128xf32, #tpu.memory_space<hbm>>
        %dma_start3A_99 = arith.constant 0 : i32
        %dma_start3A_100 = arith.constant 0 : i32
        %dma_start3A_101 = tpu.memref_slice %dma_start3A_98[%dma_start3A_99, %dma_start3A_100] : memref<10240x128xf32, #tpu.memory_space<hbm>> -> memref<10240x128xf32, #tpu.memory_space<hbm>>
        tpu.enqueue_indirect_dma source(%dma_start3A_101 : memref<10240x128xf32, #tpu.memory_space<hbm>>) target(%arg11 : memref<96x128xf32, #tpu.memory_space<vmem>>) offsets(%dma_start3A_96 : memref<96xi32, #tpu.memory_space<vmem>>) semaphore(%arg18 : memref<!tpu.dma_semaphore, #tpu.memory_space<semaphore_mem>>)
        %add3A_102 = arith.constant 2 : i32
        %add3A_103 = arith.addi %add3A_82, %add3A_102 : i32
        %dma_start3A_104 = arith.constant 0 : i32
        %dma_start3A_105 = tpu.memref_slice %arg8[%add3A_103, %dma_start3A_104] : memref<105x96xi32, #tpu.memory_space<vmem>> -> memref<1x96xi32, #tpu.memory_space<vmem>>
        %dma_start3A_106 = tpu.memref_squeeze %dma_start3A_105 : memref<1x96xi32, #tpu.memory_space<vmem>> -> memref<96xi32, #tpu.memory_space<vmem>>
        %dma_start3A_107 = arith.constant 0 : i32
        %dma_start3A_108 = tpu.memref_slice %arg2[%multiple_of3A, %dma_start3A_107] : memref<20480x128xf32, #tpu.memory_space<hbm>> -> memref<10240x128xf32, #tpu.memory_space<hbm>>
        %dma_start3A_109 = arith.constant 0 : i32
        %dma_start3A_110 = arith.constant 0 : i32
        %dma_start3A_111 = tpu.memref_slice %dma_start3A_108[%dma_start3A_109, %dma_start3A_110] : memref<10240x128xf32, #tpu.memory_space<hbm>> -> memref<10240x128xf32, #tpu.memory_space<hbm>>
        tpu.enqueue_indirect_dma source(%dma_start3A_111 : memref<10240x128xf32, #tpu.memory_space<hbm>>) target(%arg12 : memref<96x128xf32, #tpu.memory_space<vmem>>) offsets(%dma_start3A_106 : memref<96xi32, #tpu.memory_space<vmem>>) semaphore(%arg18 : memref<!tpu.dma_semaphore, #tpu.memory_space<semaphore_mem>>)
        %add3A_112 = arith.constant 3 : i32
        %add3A_113 = arith.addi %add3A_82, %add3A_112 : i32
        %dma_start3A_114 = arith.constant 0 : i32
        %dma_start3A_115 = tpu.memref_slice %arg8[%add3A_113, %dma_start3A_114] : memref<105x96xi32, #tpu.memory_space<vmem>> -> memref<1x96xi32, #tpu.memory_space<vmem>>
        %dma_start3A_116 = tpu.memref_squeeze %dma_start3A_115 : memref<1x96xi32, #tpu.memory_space<vmem>> -> memref<96xi32, #tpu.memory_space<vmem>>
        %dma_start3A_117 = arith.constant 0 : i32
        %dma_start3A_118 = tpu.memref_slice %arg2[%multiple_of3A, %dma_start3A_117] : memref<20480x128xf32, #tpu.memory_space<hbm>> -> memref<10240x128xf32, #tpu.memory_space<hbm>>
        %dma_start3A_119 = arith.constant 0 : i32
        %dma_start3A_120 = arith.constant 0 : i32
        %dma_start3A_121 = tpu.memref_slice %dma_start3A_118[%dma_start3A_119, %dma_start3A_120] : memref<10240x128xf32, #tpu.memory_space<hbm>> -> memref<10240x128xf32, #tpu.memory_space<hbm>>
        tpu.enqueue_indirect_dma source(%dma_start3A_121 : memref<10240x128xf32, #tpu.memory_space<hbm>>) target(%arg13 : memref<96x128xf32, #tpu.memory_space<vmem>>) offsets(%dma_start3A_116 : memref<96xi32, #tpu.memory_space<vmem>>) semaphore(%arg18 : memref<!tpu.dma_semaphore, #tpu.memory_space<semaphore_mem>>)
        %add3A_122 = arith.constant 4 : i32
        %add3A_123 = arith.addi %add3A_82, %add3A_122 : i32
        %dma_start3A_124 = arith.constant 0 : i32
        %dma_start3A_125 = tpu.memref_slice %arg8[%add3A_123, %dma_start3A_124] : memref<105x96xi32, #tpu.memory_space<vmem>> -> memref<1x96xi32, #tpu.memory_space<vmem>>
        %dma_start3A_126 = tpu.memref_squeeze %dma_start3A_125 : memref<1x96xi32, #tpu.memory_space<vmem>> -> memref<96xi32, #tpu.memory_space<vmem>>
        %dma_start3A_127 = arith.constant 0 : i32
        %dma_start3A_128 = tpu.memref_slice %arg2[%multiple_of3A, %dma_start3A_127] : memref<20480x128xf32, #tpu.memory_space<hbm>> -> memref<10240x128xf32, #tpu.memory_space<hbm>>
        %dma_start3A_129 = arith.constant 0 : i32
        %dma_start3A_130 = arith.constant 0 : i32
        %dma_start3A_131 = tpu.memref_slice %dma_start3A_128[%dma_start3A_129, %dma_start3A_130] : memref<10240x128xf32, #tpu.memory_space<hbm>> -> memref<10240x128xf32, #tpu.memory_space<hbm>>
        tpu.enqueue_indirect_dma source(%dma_start3A_131 : memref<10240x128xf32, #tpu.memory_space<hbm>>) target(%arg14 : memref<96x128xf32, #tpu.memory_space<vmem>>) offsets(%dma_start3A_126 : memref<96xi32, #tpu.memory_space<vmem>>) semaphore(%arg18 : memref<!tpu.dma_semaphore, #tpu.memory_space<semaphore_mem>>)
        %dma_wait3A = arith.constant 0 : i32
        %dma_wait3A_132 = tpu.memref_slice %arg8[%add3A_84, %dma_wait3A] : memref<105x96xi32, #tpu.memory_space<vmem>> -> memref<1x96xi32, #tpu.memory_space<vmem>>
        %dma_wait3A_133 = tpu.memref_squeeze %dma_wait3A_132 : memref<1x96xi32, #tpu.memory_space<vmem>> -> memref<96xi32, #tpu.memory_space<vmem>>
        %dma_wait3A_134 = arith.constant 0 : i32
        %dma_wait3A_135 = tpu.memref_slice %arg2[%multiple_of3A, %dma_wait3A_134] : memref<20480x128xf32, #tpu.memory_space<hbm>> -> memref<10240x128xf32, #tpu.memory_space<hbm>>
        %dma_wait3A_136 = arith.constant 0 : i32
        %dma_wait3A_137 = arith.constant 0 : i32
        %dma_wait3A_138 = tpu.memref_slice %dma_wait3A_135[%dma_wait3A_136, %dma_wait3A_137] : memref<10240x128xf32, #tpu.memory_space<hbm>> -> memref<10240x128xf32, #tpu.memory_space<hbm>>
        tpu.wait_indirect_dma semaphore(%arg18 : memref<!tpu.dma_semaphore, #tpu.memory_space<semaphore_mem>>) src(%dma_wait3A_138 : memref<10240x128xf32, #tpu.memory_space<hbm>>) dst(%arg10 : memref<96x128xf32, #tpu.memory_space<vmem>>)
        %add3A_139 = arith.constant 0 : i32
        %add3A_140 = arith.addi %add3A_82, %add3A_139 : i32
        %dma_start3A_141 = arith.constant 0 : i32
        %dma_start3A_142 = tpu.memref_slice %arg9[%add3A_140, %dma_start3A_141] : memref<105x96xi32, #tpu.memory_space<vmem>> -> memref<1x96xi32, #tpu.memory_space<vmem>>
        %dma_start3A_143 = tpu.memref_squeeze %dma_start3A_142 : memref<1x96xi32, #tpu.memory_space<vmem>> -> memref<96xi32, #tpu.memory_space<vmem>>
        %dma_start3A_144 = arith.constant 0 : i32
        %dma_start3A_145 = arith.constant 0 : i32
        %dma_start3A_146 = tpu.memref_slice %arg15[%dma_start3A_144, %dma_start3A_145] : memref<3840x128xf32, #tpu.memory_space<vmem_shared>> -> memref<3840x128xf32, #tpu.memory_space<vmem_shared>>
        tpu.enqueue_indirect_dma source(%arg10 : memref<96x128xf32, #tpu.memory_space<vmem>>) target(%dma_start3A_146 : memref<3840x128xf32, #tpu.memory_space<vmem_shared>>) offsets(%dma_start3A_143 : memref<96xi32, #tpu.memory_space<vmem>>) semaphore(%arg19 : memref<!tpu.dma_semaphore, #tpu.memory_space<semaphore_mem>>) {add = true}
        %dma_wait3A_147 = arith.constant 0 : i32
        %dma_wait3A_148 = tpu.memref_slice %arg8[%add3A_93, %dma_wait3A_147] : memref<105x96xi32, #tpu.memory_space<vmem>> -> memref<1x96xi32, #tpu.memory_space<vmem>>
        %dma_wait3A_149 = tpu.memref_squeeze %dma_wait3A_148 : memref<1x96xi32, #tpu.memory_space<vmem>> -> memref<96xi32, #tpu.memory_space<vmem>>
        %dma_wait3A_150 = arith.constant 0 : i32
        %dma_wait3A_151 = tpu.memref_slice %arg2[%multiple_of3A, %dma_wait3A_150] : memref<20480x128xf32, #tpu.memory_space<hbm>> -> memref<10240x128xf32, #tpu.memory_space<hbm>>
        %dma_wait3A_152 = arith.constant 0 : i32
        %dma_wait3A_153 = arith.constant 0 : i32
        %dma_wait3A_154 = tpu.memref_slice %dma_wait3A_151[%dma_wait3A_152, %dma_wait3A_153] : memref<10240x128xf32, #tpu.memory_space<hbm>> -> memref<10240x128xf32, #tpu.memory_space<hbm>>
        tpu.wait_indirect_dma semaphore(%arg18 : memref<!tpu.dma_semaphore, #tpu.memory_space<semaphore_mem>>) src(%dma_wait3A_154 : memref<10240x128xf32, #tpu.memory_space<hbm>>) dst(%arg11 : memref<96x128xf32, #tpu.memory_space<vmem>>)
        %add3A_155 = arith.constant 1 : i32
        %add3A_156 = arith.addi %add3A_82, %add3A_155 : i32
        %dma_start3A_157 = arith.constant 0 : i32
        %dma_start3A_158 = tpu.memref_slice %arg9[%add3A_156, %dma_start3A_157] : memref<105x96xi32, #tpu.memory_space<vmem>> -> memref<1x96xi32, #tpu.memory_space<vmem>>
        %dma_start3A_159 = tpu.memref_squeeze %dma_start3A_158 : memref<1x96xi32, #tpu.memory_space<vmem>> -> memref<96xi32, #tpu.memory_space<vmem>>
        %dma_start3A_160 = arith.constant 0 : i32
        %dma_start3A_161 = arith.constant 0 : i32
        %dma_start3A_162 = tpu.memref_slice %arg15[%dma_start3A_160, %dma_start3A_161] : memref<3840x128xf32, #tpu.memory_space<vmem_shared>> -> memref<3840x128xf32, #tpu.memory_space<vmem_shared>>
        tpu.enqueue_indirect_dma source(%arg11 : memref<96x128xf32, #tpu.memory_space<vmem>>) target(%dma_start3A_162 : memref<3840x128xf32, #tpu.memory_space<vmem_shared>>) offsets(%dma_start3A_159 : memref<96xi32, #tpu.memory_space<vmem>>) semaphore(%arg19 : memref<!tpu.dma_semaphore, #tpu.memory_space<semaphore_mem>>) {add = true}
        %dma_wait3A_163 = arith.constant 0 : i32
        %dma_wait3A_164 = tpu.memref_slice %arg8[%add3A_103, %dma_wait3A_163] : memref<105x96xi32, #tpu.memory_space<vmem>> -> memref<1x96xi32, #tpu.memory_space<vmem>>
        %dma_wait3A_165 = tpu.memref_squeeze %dma_wait3A_164 : memref<1x96xi32, #tpu.memory_space<vmem>> -> memref<96xi32, #tpu.memory_space<vmem>>
        %dma_wait3A_166 = arith.constant 0 : i32
        %dma_wait3A_167 = tpu.memref_slice %arg2[%multiple_of3A, %dma_wait3A_166] : memref<20480x128xf32, #tpu.memory_space<hbm>> -> memref<10240x128xf32, #tpu.memory_space<hbm>>
        %dma_wait3A_168 = arith.constant 0 : i32
        %dma_wait3A_169 = arith.constant 0 : i32
        %dma_wait3A_170 = tpu.memref_slice %dma_wait3A_167[%dma_wait3A_168, %dma_wait3A_169] : memref<10240x128xf32, #tpu.memory_space<hbm>> -> memref<10240x128xf32, #tpu.memory_space<hbm>>
        tpu.wait_indirect_dma semaphore(%arg18 : memref<!tpu.dma_semaphore, #tpu.memory_space<semaphore_mem>>) src(%dma_wait3A_170 : memref<10240x128xf32, #tpu.memory_space<hbm>>) dst(%arg12 : memref<96x128xf32, #tpu.memory_space<vmem>>)
        %add3A_171 = arith.constant 2 : i32
        %add3A_172 = arith.addi %add3A_82, %add3A_171 : i32
        %dma_start3A_173 = arith.constant 0 : i32
        %dma_start3A_174 = tpu.memref_slice %arg9[%add3A_172, %dma_start3A_173] : memref<105x96xi32, #tpu.memory_space<vmem>> -> memref<1x96xi32, #tpu.memory_space<vmem>>
        %dma_start3A_175 = tpu.memref_squeeze %dma_start3A_174 : memref<1x96xi32, #tpu.memory_space<vmem>> -> memref<96xi32, #tpu.memory_space<vmem>>
        %dma_start3A_176 = arith.constant 0 : i32
        %dma_start3A_177 = arith.constant 0 : i32
        %dma_start3A_178 = tpu.memref_slice %arg15[%dma_start3A_176, %dma_start3A_177] : memref<3840x128xf32, #tpu.memory_space<vmem_shared>> -> memref<3840x128xf32, #tpu.memory_space<vmem_shared>>
        tpu.enqueue_indirect_dma source(%arg12 : memref<96x128xf32, #tpu.memory_space<vmem>>) target(%dma_start3A_178 : memref<3840x128xf32, #tpu.memory_space<vmem_shared>>) offsets(%dma_start3A_175 : memref<96xi32, #tpu.memory_space<vmem>>) semaphore(%arg19 : memref<!tpu.dma_semaphore, #tpu.memory_space<semaphore_mem>>) {add = true}
        %dma_wait3A_179 = arith.constant 0 : i32
        %dma_wait3A_180 = tpu.memref_slice %arg8[%add3A_113, %dma_wait3A_179] : memref<105x96xi32, #tpu.memory_space<vmem>> -> memref<1x96xi32, #tpu.memory_space<vmem>>
        %dma_wait3A_181 = tpu.memref_squeeze %dma_wait3A_180 : memref<1x96xi32, #tpu.memory_space<vmem>> -> memref<96xi32, #tpu.memory_space<vmem>>
        %dma_wait3A_182 = arith.constant 0 : i32
        %dma_wait3A_183 = tpu.memref_slice %arg2[%multiple_of3A, %dma_wait3A_182] : memref<20480x128xf32, #tpu.memory_space<hbm>> -> memref<10240x128xf32, #tpu.memory_space<hbm>>
        %dma_wait3A_184 = arith.constant 0 : i32
        %dma_wait3A_185 = arith.constant 0 : i32
        %dma_wait3A_186 = tpu.memref_slice %dma_wait3A_183[%dma_wait3A_184, %dma_wait3A_185] : memref<10240x128xf32, #tpu.memory_space<hbm>> -> memref<10240x128xf32, #tpu.memory_space<hbm>>
        tpu.wait_indirect_dma semaphore(%arg18 : memref<!tpu.dma_semaphore, #tpu.memory_space<semaphore_mem>>) src(%dma_wait3A_186 : memref<10240x128xf32, #tpu.memory_space<hbm>>) dst(%arg13 : memref<96x128xf32, #tpu.memory_space<vmem>>)
        %add3A_187 = arith.constant 3 : i32
        %add3A_188 = arith.addi %add3A_82, %add3A_187 : i32
        %dma_start3A_189 = arith.constant 0 : i32
        %dma_start3A_190 = tpu.memref_slice %arg9[%add3A_188, %dma_start3A_189] : memref<105x96xi32, #tpu.memory_space<vmem>> -> memref<1x96xi32, #tpu.memory_space<vmem>>
        %dma_start3A_191 = tpu.memref_squeeze %dma_start3A_190 : memref<1x96xi32, #tpu.memory_space<vmem>> -> memref<96xi32, #tpu.memory_space<vmem>>
        %dma_start3A_192 = arith.constant 0 : i32
        %dma_start3A_193 = arith.constant 0 : i32
        %dma_start3A_194 = tpu.memref_slice %arg15[%dma_start3A_192, %dma_start3A_193] : memref<3840x128xf32, #tpu.memory_space<vmem_shared>> -> memref<3840x128xf32, #tpu.memory_space<vmem_shared>>
        tpu.enqueue_indirect_dma source(%arg13 : memref<96x128xf32, #tpu.memory_space<vmem>>) target(%dma_start3A_194 : memref<3840x128xf32, #tpu.memory_space<vmem_shared>>) offsets(%dma_start3A_191 : memref<96xi32, #tpu.memory_space<vmem>>) semaphore(%arg19 : memref<!tpu.dma_semaphore, #tpu.memory_space<semaphore_mem>>) {add = true}
        %dma_wait3A_195 = arith.constant 0 : i32
        %dma_wait3A_196 = tpu.memref_slice %arg8[%add3A_123, %dma_wait3A_195] : memref<105x96xi32, #tpu.memory_space<vmem>> -> memref<1x96xi32, #tpu.memory_space<vmem>>
        %dma_wait3A_197 = tpu.memref_squeeze %dma_wait3A_196 : memref<1x96xi32, #tpu.memory_space<vmem>> -> memref<96xi32, #tpu.memory_space<vmem>>
        %dma_wait3A_198 = arith.constant 0 : i32
        %dma_wait3A_199 = tpu.memref_slice %arg2[%multiple_of3A, %dma_wait3A_198] : memref<20480x128xf32, #tpu.memory_space<hbm>> -> memref<10240x128xf32, #tpu.memory_space<hbm>>
        %dma_wait3A_200 = arith.constant 0 : i32
        %dma_wait3A_201 = arith.constant 0 : i32
        %dma_wait3A_202 = tpu.memref_slice %dma_wait3A_199[%dma_wait3A_200, %dma_wait3A_201] : memref<10240x128xf32, #tpu.memory_space<hbm>> -> memref<10240x128xf32, #tpu.memory_space<hbm>>
        tpu.wait_indirect_dma semaphore(%arg18 : memref<!tpu.dma_semaphore, #tpu.memory_space<semaphore_mem>>) src(%dma_wait3A_202 : memref<10240x128xf32, #tpu.memory_space<hbm>>) dst(%arg14 : memref<96x128xf32, #tpu.memory_space<vmem>>)
        %add3A_203 = arith.constant 4 : i32
        %add3A_204 = arith.addi %add3A_82, %add3A_203 : i32
        %dma_start3A_205 = arith.constant 0 : i32
        %dma_start3A_206 = tpu.memref_slice %arg9[%add3A_204, %dma_start3A_205] : memref<105x96xi32, #tpu.memory_space<vmem>> -> memref<1x96xi32, #tpu.memory_space<vmem>>
        %dma_start3A_207 = tpu.memref_squeeze %dma_start3A_206 : memref<1x96xi32, #tpu.memory_space<vmem>> -> memref<96xi32, #tpu.memory_space<vmem>>
        %dma_start3A_208 = arith.constant 0 : i32
        %dma_start3A_209 = arith.constant 0 : i32
        %dma_start3A_210 = tpu.memref_slice %arg15[%dma_start3A_208, %dma_start3A_209] : memref<3840x128xf32, #tpu.memory_space<vmem_shared>> -> memref<3840x128xf32, #tpu.memory_space<vmem_shared>>
        tpu.enqueue_indirect_dma source(%arg14 : memref<96x128xf32, #tpu.memory_space<vmem>>) target(%dma_start3A_210 : memref<3840x128xf32, #tpu.memory_space<vmem_shared>>) offsets(%dma_start3A_207 : memref<96xi32, #tpu.memory_space<vmem>>) semaphore(%arg19 : memref<!tpu.dma_semaphore, #tpu.memory_space<semaphore_mem>>) {add = true}
        %dma_wait3A_211 = arith.constant 0 : i32
        %dma_wait3A_212 = tpu.memref_slice %arg9[%add3A_140, %dma_wait3A_211] : memref<105x96xi32, #tpu.memory_space<vmem>> -> memref<1x96xi32, #tpu.memory_space<vmem>>
        %dma_wait3A_213 = tpu.memref_squeeze %dma_wait3A_212 : memref<1x96xi32, #tpu.memory_space<vmem>> -> memref<96xi32, #tpu.memory_space<vmem>>
        %dma_wait3A_214 = arith.constant 0 : i32
        %dma_wait3A_215 = arith.constant 0 : i32
        %dma_wait3A_216 = tpu.memref_slice %arg15[%dma_wait3A_214, %dma_wait3A_215] : memref<3840x128xf32, #tpu.memory_space<vmem_shared>> -> memref<3840x128xf32, #tpu.memory_space<vmem_shared>>
        tpu.wait_indirect_dma semaphore(%arg19 : memref<!tpu.dma_semaphore, #tpu.memory_space<semaphore_mem>>) src(%arg10 : memref<96x128xf32, #tpu.memory_space<vmem>>) dst(%dma_wait3A_216 : memref<3840x128xf32, #tpu.memory_space<vmem_shared>>)
        %dma_wait3A_217 = arith.constant 0 : i32
        %dma_wait3A_218 = tpu.memref_slice %arg9[%add3A_156, %dma_wait3A_217] : memref<105x96xi32, #tpu.memory_space<vmem>> -> memref<1x96xi32, #tpu.memory_space<vmem>>
        %dma_wait3A_219 = tpu.memref_squeeze %dma_wait3A_218 : memref<1x96xi32, #tpu.memory_space<vmem>> -> memref<96xi32, #tpu.memory_space<vmem>>
        %dma_wait3A_220 = arith.constant 0 : i32
        %dma_wait3A_221 = arith.constant 0 : i32
        %dma_wait3A_222 = tpu.memref_slice %arg15[%dma_wait3A_220, %dma_wait3A_221] : memref<3840x128xf32, #tpu.memory_space<vmem_shared>> -> memref<3840x128xf32, #tpu.memory_space<vmem_shared>>
        tpu.wait_indirect_dma semaphore(%arg19 : memref<!tpu.dma_semaphore, #tpu.memory_space<semaphore_mem>>) src(%arg11 : memref<96x128xf32, #tpu.memory_space<vmem>>) dst(%dma_wait3A_222 : memref<3840x128xf32, #tpu.memory_space<vmem_shared>>)
        %dma_wait3A_223 = arith.constant 0 : i32
        %dma_wait3A_224 = tpu.memref_slice %arg9[%add3A_172, %dma_wait3A_223] : memref<105x96xi32, #tpu.memory_space<vmem>> -> memref<1x96xi32, #tpu.memory_space<vmem>>
        %dma_wait3A_225 = tpu.memref_squeeze %dma_wait3A_224 : memref<1x96xi32, #tpu.memory_space<vmem>> -> memref<96xi32, #tpu.memory_space<vmem>>
        %dma_wait3A_226 = arith.constant 0 : i32
        %dma_wait3A_227 = arith.constant 0 : i32
        %dma_wait3A_228 = tpu.memref_slice %arg15[%dma_wait3A_226, %dma_wait3A_227] : memref<3840x128xf32, #tpu.memory_space<vmem_shared>> -> memref<3840x128xf32, #tpu.memory_space<vmem_shared>>
        tpu.wait_indirect_dma semaphore(%arg19 : memref<!tpu.dma_semaphore, #tpu.memory_space<semaphore_mem>>) src(%arg12 : memref<96x128xf32, #tpu.memory_space<vmem>>) dst(%dma_wait3A_228 : memref<3840x128xf32, #tpu.memory_space<vmem_shared>>)
        %dma_wait3A_229 = arith.constant 0 : i32
        %dma_wait3A_230 = tpu.memref_slice %arg9[%add3A_188, %dma_wait3A_229] : memref<105x96xi32, #tpu.memory_space<vmem>> -> memref<1x96xi32, #tpu.memory_space<vmem>>
        %dma_wait3A_231 = tpu.memref_squeeze %dma_wait3A_230 : memref<1x96xi32, #tpu.memory_space<vmem>> -> memref<96xi32, #tpu.memory_space<vmem>>
        %dma_wait3A_232 = arith.constant 0 : i32
        %dma_wait3A_233 = arith.constant 0 : i32
        %dma_wait3A_234 = tpu.memref_slice %arg15[%dma_wait3A_232, %dma_wait3A_233] : memref<3840x128xf32, #tpu.memory_space<vmem_shared>> -> memref<3840x128xf32, #tpu.memory_space<vmem_shared>>
        tpu.wait_indirect_dma semaphore(%arg19 : memref<!tpu.dma_semaphore, #tpu.memory_space<semaphore_mem>>) src(%arg13 : memref<96x128xf32, #tpu.memory_space<vmem>>) dst(%dma_wait3A_234 : memref<3840x128xf32, #tpu.memory_space<vmem_shared>>)
        %dma_wait3A_235 = arith.constant 0 : i32
        %dma_wait3A_236 = tpu.memref_slice %arg9[%add3A_204, %dma_wait3A_235] : memref<105x96xi32, #tpu.memory_space<vmem>> -> memref<1x96xi32, #tpu.memory_space<vmem>>
        %dma_wait3A_237 = tpu.memref_squeeze %dma_wait3A_236 : memref<1x96xi32, #tpu.memory_space<vmem>> -> memref<96xi32, #tpu.memory_space<vmem>>
        %dma_wait3A_238 = arith.constant 0 : i32
        %dma_wait3A_239 = arith.constant 0 : i32
        %dma_wait3A_240 = tpu.memref_slice %arg15[%dma_wait3A_238, %dma_wait3A_239] : memref<3840x128xf32, #tpu.memory_space<vmem_shared>> -> memref<3840x128xf32, #tpu.memory_space<vmem_shared>>
        tpu.wait_indirect_dma semaphore(%arg19 : memref<!tpu.dma_semaphore, #tpu.memory_space<semaphore_mem>>) src(%arg14 : memref<96x128xf32, #tpu.memory_space<vmem>>) dst(%dma_wait3A_240 : memref<3840x128xf32, #tpu.memory_space<vmem_shared>>)
      }
      %scan3A_68 = arith.constant 21 : i32
      %barrier3A_69 = arith.constant 0 : index
      tpu.barrier barrier_id(%barrier3A_69)
      %eq3A = arith.constant 0 : i32
      %eq3A_70 = arith.cmpi eq, %arg0, %eq3A : i32
      %convert_element_type3A = arith.extui %eq3A_70 : i1 to i32
      %cond3A = arith.constant 0 : i32
      %cond3A_71 = arith.cmpi ne, %convert_element_type3A, %cond3A : i32
      scf.if %cond3A_71 {
        %mul3A_78 = arith.constant 240 : i32
        %mul3A_79 = arith.muli %arg1, %mul3A_78 : i32
        %mul3A_80 = arith.constant 240 : i32
        %mul3A_81 = arith.muli %arg1, %mul3A_80 : i32
        "tpu.region"() ({
          %run_scoped3A_82 = tpu.sem_alloc : memref<!tpu.dma_semaphore, #tpu.memory_space<semaphore_mem>>
          %dma_start3A = arith.constant 0 : i32
          %dma_start3A_83 = tpu.memref_slice %arg6[%add3A_44, %mul3A_81, %dma_start3A] : memref<2x3840x128xf32, #tpu.memory_space<hbm>> -> memref<1x240x128xf32, #tpu.memory_space<hbm>>
          %dma_start3A_84 = tpu.memref_squeeze %dma_start3A_83 : memref<1x240x128xf32, #tpu.memory_space<hbm>> -> memref<240x128xf32, #tpu.memory_space<hbm>>
          %dma_start3A_85 = arith.constant 0 : i32
          %dma_start3A_86 = tpu.memref_slice %arg15[%mul3A_79, %dma_start3A_85] : memref<3840x128xf32, #tpu.memory_space<vmem_shared>> -> memref<240x128xf32, #tpu.memory_space<vmem_shared>>
          tpu.enqueue_dma source(%dma_start3A_86 : memref<240x128xf32, #tpu.memory_space<vmem_shared>>) target(%dma_start3A_84 : memref<240x128xf32, #tpu.memory_space<hbm>>) target_semaphore(%run_scoped3A_82 : memref<!tpu.dma_semaphore, #tpu.memory_space<semaphore_mem>>)
          %dma_wait3A = arith.constant 0 : i32
          %dma_wait3A_87 = tpu.memref_slice %arg6[%add3A_44, %mul3A_81, %dma_wait3A] : memref<2x3840x128xf32, #tpu.memory_space<hbm>> -> memref<1x240x128xf32, #tpu.memory_space<hbm>>
          %dma_wait3A_88 = tpu.memref_squeeze %dma_wait3A_87 : memref<1x240x128xf32, #tpu.memory_space<hbm>> -> memref<240x128xf32, #tpu.memory_space<hbm>>
          %dma_wait3A_89 = arith.constant 0 : i32
          %dma_wait3A_90 = tpu.memref_slice %arg15[%mul3A_79, %dma_wait3A_89] : memref<3840x128xf32, #tpu.memory_space<vmem_shared>> -> memref<240x128xf32, #tpu.memory_space<vmem_shared>>
          tpu.wait_dma2 semaphore(%run_scoped3A_82 : memref<!tpu.dma_semaphore, #tpu.memory_space<semaphore_mem>>) src(%dma_wait3A_90 : memref<240x128xf32, #tpu.memory_space<vmem_shared>>) dst(%dma_wait3A_88 : memref<240x128xf32, #tpu.memory_space<hbm>>)
          tpu.yield
        }) : () -> ()
      } else {
      }
      %eq3A_72 = arith.constant 1 : i32
      %eq3A_73 = arith.cmpi eq, %arg0, %eq3A_72 : i32
      %convert_element_type3A_74 = arith.extui %eq3A_73 : i1 to i32
      %cond3A_75 = arith.constant 0 : i32
      %cond3A_76 = arith.cmpi ne, %convert_element_type3A_74, %cond3A_75 : i32
      scf.if %cond3A_76 {
        %mul3A_78 = arith.constant 240 : i32
        %mul3A_79 = arith.muli %arg1, %mul3A_78 : i32
        %mul3A_80 = arith.constant 240 : i32
        %mul3A_81 = arith.muli %arg1, %mul3A_80 : i32
        "tpu.region"() ({
          %run_scoped3A_82 = tpu.sem_alloc : memref<!tpu.dma_semaphore, #tpu.memory_space<semaphore_mem>>
          %dma_start3A = arith.constant 0 : i32
          %dma_start3A_83 = tpu.memref_slice %arg7[%add3A_44, %mul3A_81, %dma_start3A] : memref<2x3840x128xf32, #tpu.memory_space<hbm>> -> memref<1x240x128xf32, #tpu.memory_space<hbm>>
          %dma_start3A_84 = tpu.memref_squeeze %dma_start3A_83 : memref<1x240x128xf32, #tpu.memory_space<hbm>> -> memref<240x128xf32, #tpu.memory_space<hbm>>
          %dma_start3A_85 = arith.constant 0 : i32
          %dma_start3A_86 = tpu.memref_slice %arg15[%mul3A_79, %dma_start3A_85] : memref<3840x128xf32, #tpu.memory_space<vmem_shared>> -> memref<240x128xf32, #tpu.memory_space<vmem_shared>>
          tpu.enqueue_dma source(%dma_start3A_86 : memref<240x128xf32, #tpu.memory_space<vmem_shared>>) target(%dma_start3A_84 : memref<240x128xf32, #tpu.memory_space<hbm>>) target_semaphore(%run_scoped3A_82 : memref<!tpu.dma_semaphore, #tpu.memory_space<semaphore_mem>>)
          %dma_wait3A = arith.constant 0 : i32
          %dma_wait3A_87 = tpu.memref_slice %arg7[%add3A_44, %mul3A_81, %dma_wait3A] : memref<2x3840x128xf32, #tpu.memory_space<hbm>> -> memref<1x240x128xf32, #tpu.memory_space<hbm>>
          %dma_wait3A_88 = tpu.memref_squeeze %dma_wait3A_87 : memref<1x240x128xf32, #tpu.memory_space<hbm>> -> memref<240x128xf32, #tpu.memory_space<hbm>>
          %dma_wait3A_89 = arith.constant 0 : i32
          %dma_wait3A_90 = tpu.memref_slice %arg15[%mul3A_79, %dma_wait3A_89] : memref<3840x128xf32, #tpu.memory_space<vmem_shared>> -> memref<240x128xf32, #tpu.memory_space<vmem_shared>>
          tpu.wait_dma2 semaphore(%run_scoped3A_82 : memref<!tpu.dma_semaphore, #tpu.memory_space<semaphore_mem>>) src(%dma_wait3A_90 : memref<240x128xf32, #tpu.memory_space<vmem_shared>>) dst(%dma_wait3A_88 : memref<240x128xf32, #tpu.memory_space<hbm>>)
          tpu.yield
        }) : () -> ()
      } else {
      }
      %barrier3A_77 = arith.constant 0 : index
      tpu.barrier barrier_id(%barrier3A_77)
    }
    return
  }
}

#map = affine_map<(d0, d1) -> (0, 0)>
#map1 = affine_map<(d0, d1) -> (0, 0, 0, 0)>
#map2 = affine_map<(d0, d1) -> (0)>
#map3 = affine_map<(d0, d1) -> (0, 0, 0)>
module attributes {stable_mosaic.version = 14 : i64} {
  func.func @agg(%arg0: i32, %arg1: i32, %arg2: memref<20480x128xf32, #tpu.memory_space<hbm>>, %arg3: memref<2x32x105x96xi32, #tpu.memory_space<hbm>>, %arg4: memref<16xi32, #tpu.memory_space<hbm>>, %arg5: memref<16xi32, #tpu.memory_space<hbm>>, %arg6: memref<2x3840x128xf32, #tpu.memory_space<hbm>>, %arg7: memref<2x3840x128xf32, #tpu.memory_space<hbm>>, %arg8: memref<105x96xi32, #tpu.memory_space<vmem>>, %arg9: memref<105x96xi32, #tpu.memory_space<vmem>>, %arg10: memref<96x128xf32, #tpu.memory_space<vmem>>, %arg11: memref<96x128xf32, #tpu.memory_space<vmem>>, %arg12: memref<96x128xf32, #tpu.memory_space<vmem>>, %arg13: memref<96x128xf32, #tpu.memory_space<vmem>>, %arg14: memref<96x128xf32, #tpu.memory_space<vmem>>, %arg15: memref<3840x128xf32, #tpu.memory_space<vmem_shared>>, %arg16: memref<16xi32, #tpu.memory_space<vmem>>, %arg17: memref<16xi32, #tpu.memory_space<vmem>>, %arg18: memref<!tpu.dma_semaphore, #tpu.memory_space<semaphore_mem>>, %arg19: memref<!tpu.dma_semaphore, #tpu.memory_space<semaphore_mem>>) attributes {dimension_semantics = [#tpu.dimension_semantics<core_parallel>, #tpu.dimension_semantics<subcore_parallel>], iteration_bounds = array<i64: 2, 16>, scalar_prefetch = 0 : i64, scratch_operands = 12 : i64, tpu.core_type = #tpu.core_type<sc_vector_subcore>, window_params = [{transform_indices = #map}, {transform_indices = #map1}, {transform_indices = #map2}, {transform_indices = #map2}, {transform_indices = #map3}, {transform_indices = #map3}]} {
    %mul3A = arith.constant 16 : i32
    %mul3A_0 = arith.muli %arg0, %mul3A : i32
    %add3A = arith.addi %mul3A_0, %arg1 : i32
    %run_scoped3A = arith.constant 0 : i32
    "tpu.region"() ({
      %run_scoped3A_42 = tpu.sem_alloc : memref<!tpu.dma_semaphore, #tpu.memory_space<semaphore_mem>>
      %dma_start3A = arith.constant 0 : i32
      %dma_start3A_43 = arith.constant 0 : i32
      %dma_start3A_44 = tpu.memref_slice %arg3[%run_scoped3A, %add3A, %dma_start3A, %dma_start3A_43] : memref<2x32x105x96xi32, #tpu.memory_space<hbm>> -> memref<1x1x105x96xi32, #tpu.memory_space<hbm>>
      %dma_start3A_45 = tpu.memref_squeeze %dma_start3A_44 : memref<1x1x105x96xi32, #tpu.memory_space<hbm>> -> memref<105x96xi32, #tpu.memory_space<hbm>>
      %dma_start3A_46 = arith.constant 0 : i32
      %dma_start3A_47 = arith.constant 0 : i32
      %dma_start3A_48 = tpu.memref_slice %arg3[%run_scoped3A, %add3A, %dma_start3A_46, %dma_start3A_47] : memref<2x32x105x96xi32, #tpu.memory_space<hbm>> -> memref<1x1x105x96xi32, #tpu.memory_space<hbm>>
      %dma_start3A_49 = tpu.memref_squeeze %dma_start3A_48 : memref<1x1x105x96xi32, #tpu.memory_space<hbm>> -> memref<105x96xi32, #tpu.memory_space<hbm>>
      tpu.enqueue_dma source(%dma_start3A_49 : memref<105x96xi32, #tpu.memory_space<hbm>>) target(%arg8 : memref<105x96xi32, #tpu.memory_space<vmem>>) target_semaphore(%run_scoped3A_42 : memref<!tpu.dma_semaphore, #tpu.memory_space<semaphore_mem>>)
      %dma_wait3A = arith.constant 0 : i32
      %dma_wait3A_50 = arith.constant 0 : i32
      %dma_wait3A_51 = tpu.memref_slice %arg3[%run_scoped3A, %add3A, %dma_wait3A, %dma_wait3A_50] : memref<2x32x105x96xi32, #tpu.memory_space<hbm>> -> memref<1x1x105x96xi32, #tpu.memory_space<hbm>>
      %dma_wait3A_52 = tpu.memref_squeeze %dma_wait3A_51 : memref<1x1x105x96xi32, #tpu.memory_space<hbm>> -> memref<105x96xi32, #tpu.memory_space<hbm>>
      %dma_wait3A_53 = arith.constant 0 : i32
      %dma_wait3A_54 = arith.constant 0 : i32
      %dma_wait3A_55 = tpu.memref_slice %arg3[%run_scoped3A, %add3A, %dma_wait3A_53, %dma_wait3A_54] : memref<2x32x105x96xi32, #tpu.memory_space<hbm>> -> memref<1x1x105x96xi32, #tpu.memory_space<hbm>>
      %dma_wait3A_56 = tpu.memref_squeeze %dma_wait3A_55 : memref<1x1x105x96xi32, #tpu.memory_space<hbm>> -> memref<105x96xi32, #tpu.memory_space<hbm>>
      tpu.wait_dma2 semaphore(%run_scoped3A_42 : memref<!tpu.dma_semaphore, #tpu.memory_space<semaphore_mem>>) src(%dma_wait3A_56 : memref<105x96xi32, #tpu.memory_space<hbm>>) dst(%arg8 : memref<105x96xi32, #tpu.memory_space<vmem>>)
      tpu.yield
    }) : () -> ()
    %run_scoped3A_1 = arith.constant 1 : i32
    "tpu.region"() ({
      %run_scoped3A_42 = tpu.sem_alloc : memref<!tpu.dma_semaphore, #tpu.memory_space<semaphore_mem>>
      %dma_start3A = arith.constant 0 : i32
      %dma_start3A_43 = arith.constant 0 : i32
      %dma_start3A_44 = tpu.memref_slice %arg3[%run_scoped3A_1, %add3A, %dma_start3A, %dma_start3A_43] : memref<2x32x105x96xi32, #tpu.memory_space<hbm>> -> memref<1x1x105x96xi32, #tpu.memory_space<hbm>>
      %dma_start3A_45 = tpu.memref_squeeze %dma_start3A_44 : memref<1x1x105x96xi32, #tpu.memory_space<hbm>> -> memref<105x96xi32, #tpu.memory_space<hbm>>
      %dma_start3A_46 = arith.constant 0 : i32
      %dma_start3A_47 = arith.constant 0 : i32
      %dma_start3A_48 = tpu.memref_slice %arg3[%run_scoped3A_1, %add3A, %dma_start3A_46, %dma_start3A_47] : memref<2x32x105x96xi32, #tpu.memory_space<hbm>> -> memref<1x1x105x96xi32, #tpu.memory_space<hbm>>
      %dma_start3A_49 = tpu.memref_squeeze %dma_start3A_48 : memref<1x1x105x96xi32, #tpu.memory_space<hbm>> -> memref<105x96xi32, #tpu.memory_space<hbm>>
      tpu.enqueue_dma source(%dma_start3A_49 : memref<105x96xi32, #tpu.memory_space<hbm>>) target(%arg9 : memref<105x96xi32, #tpu.memory_space<vmem>>) target_semaphore(%run_scoped3A_42 : memref<!tpu.dma_semaphore, #tpu.memory_space<semaphore_mem>>)
      %dma_wait3A = arith.constant 0 : i32
      %dma_wait3A_50 = arith.constant 0 : i32
      %dma_wait3A_51 = tpu.memref_slice %arg3[%run_scoped3A_1, %add3A, %dma_wait3A, %dma_wait3A_50] : memref<2x32x105x96xi32, #tpu.memory_space<hbm>> -> memref<1x1x105x96xi32, #tpu.memory_space<hbm>>
      %dma_wait3A_52 = tpu.memref_squeeze %dma_wait3A_51 : memref<1x1x105x96xi32, #tpu.memory_space<hbm>> -> memref<105x96xi32, #tpu.memory_space<hbm>>
      %dma_wait3A_53 = arith.constant 0 : i32
      %dma_wait3A_54 = arith.constant 0 : i32
      %dma_wait3A_55 = tpu.memref_slice %arg3[%run_scoped3A_1, %add3A, %dma_wait3A_53, %dma_wait3A_54] : memref<2x32x105x96xi32, #tpu.memory_space<hbm>> -> memref<1x1x105x96xi32, #tpu.memory_space<hbm>>
      %dma_wait3A_56 = tpu.memref_squeeze %dma_wait3A_55 : memref<1x1x105x96xi32, #tpu.memory_space<hbm>> -> memref<105x96xi32, #tpu.memory_space<hbm>>
      tpu.wait_dma2 semaphore(%run_scoped3A_42 : memref<!tpu.dma_semaphore, #tpu.memory_space<semaphore_mem>>) src(%dma_wait3A_56 : memref<105x96xi32, #tpu.memory_space<hbm>>) dst(%arg9 : memref<105x96xi32, #tpu.memory_space<vmem>>)
      tpu.yield
    }) : () -> ()
    "tpu.region"() ({
      %run_scoped3A_42 = tpu.sem_alloc : memref<!tpu.dma_semaphore, #tpu.memory_space<semaphore_mem>>
      tpu.enqueue_dma source(%arg4 : memref<16xi32, #tpu.memory_space<hbm>>) target(%arg16 : memref<16xi32, #tpu.memory_space<vmem>>) target_semaphore(%run_scoped3A_42 : memref<!tpu.dma_semaphore, #tpu.memory_space<semaphore_mem>>)
      tpu.wait_dma2 semaphore(%run_scoped3A_42 : memref<!tpu.dma_semaphore, #tpu.memory_space<semaphore_mem>>) src(%arg4 : memref<16xi32, #tpu.memory_space<hbm>>) dst(%arg16 : memref<16xi32, #tpu.memory_space<vmem>>)
      tpu.yield
    }) : () -> ()
    "tpu.region"() ({
      %run_scoped3A_42 = tpu.sem_alloc : memref<!tpu.dma_semaphore, #tpu.memory_space<semaphore_mem>>
      tpu.enqueue_dma source(%arg5 : memref<16xi32, #tpu.memory_space<hbm>>) target(%arg17 : memref<16xi32, #tpu.memory_space<vmem>>) target_semaphore(%run_scoped3A_42 : memref<!tpu.dma_semaphore, #tpu.memory_space<semaphore_mem>>)
      tpu.wait_dma2 semaphore(%run_scoped3A_42 : memref<!tpu.dma_semaphore, #tpu.memory_space<semaphore_mem>>) src(%arg5 : memref<16xi32, #tpu.memory_space<hbm>>) dst(%arg17 : memref<16xi32, #tpu.memory_space<vmem>>)
      tpu.yield
    }) : () -> ()
    %get3A = arith.constant 0 : index
    %get3A_2 = tpu.vector_load %arg17[%get3A] {strides = array<i32>} : memref<16xi32, #tpu.memory_space<vmem>>, vector<16xi32>,
    %reduce_max3A = arith.constant true
    %reduce_max3A_3 = vector.broadcast %reduce_max3A : i1 to vector<16xi1>
    %reduce_max3A_4 = arith.constant -2147483648 : i32
    %reduce_max3A_5 = vector.broadcast %reduce_max3A_4 : i32 to vector<16xi32>
    %reduce_max3A_6 = arith.xori %get3A_2, %reduce_max3A_5 : vector<16xi32>
    %reduce_max3A_7 = tpu.scan <max>, %reduce_max3A_6 masked %reduce_max3A_3 : vector<16xi32>, vector<16xi1> -> vector<16xi32>
    %reduce_max3A_8 = arith.xori %reduce_max3A_7, %reduce_max3A_5 : vector<16xi32>
    %reduce_max3A_9 = vector.extract %reduce_max3A_8[15] : i32 from vector<16xi32>
    %scan3A = arith.constant 0 : i32
    %scan3A_10 = arith.constant 105 : i32
    %scan3A_11 = arith.addi %scan3A, %scan3A_10 : i32
    %scan3A_12 = arith.constant 1 : i32
    scf.for %scan3A_42 = %scan3A to %scan3A_11 step %scan3A_12  : i32 {
      %mul3A_43 = arith.constant 1 : i32
      %mul3A_44 = arith.muli %scan3A_42, %mul3A_43 : i32
      %add3A_45 = arith.constant 0 : i32
      %add3A_46 = arith.addi %add3A_45, %mul3A_44 : i32
      %get3A_47 = arith.index_cast %add3A_46 : i32 to index
      %get3A_48 = arith.constant 0 : index
      %get3A_49 = tpu.vector_load %arg8[%get3A_47, %get3A_48] {strides = array<i32>} : memref<105x96xi32, #tpu.memory_space<vmem>>, vector<16xi32>,
      %get3A_50 = arith.index_cast %add3A_46 : i32 to index
      %get3A_51 = arith.constant 0 : index
      %get3A_52 = tpu.vector_load %arg9[%get3A_50, %get3A_51] {strides = array<i32>} : memref<105x96xi32, #tpu.memory_space<vmem>>, vector<16xi32>,
      %sub3A_53 = vector.broadcast %reduce_max3A_9 : i32 to vector<16xi32>
      %sub3A_54 = arith.subi %get3A_52, %sub3A_53 : vector<16xi32>
      %ge3A = vector.broadcast %reduce_max3A_9 : i32 to vector<16xi32>
      %ge3A_55 = arith.cmpi sge, %get3A_52, %ge3A : vector<16xi32>
      %lt3A = arith.constant 3840 : i32
      %lt3A_56 = vector.broadcast %lt3A : i32 to vector<16xi32>
      %lt3A_57 = arith.cmpi slt, %sub3A_54, %lt3A_56 : vector<16xi32>
      %and3A = arith.andi %ge3A_55, %lt3A_57 : vector<16xi1>
      %and3A_58 = arith.constant 127 : i32
      %and3A_59 = vector.broadcast %and3A_58 : i32 to vector<16xi32>
      %and3A_60 = arith.andi %get3A_49, %and3A_59 : vector<16xi32>
      %add3A_61 = arith.constant 10000 : i32
      %add3A_62 = vector.broadcast %add3A_61 : i32 to vector<16xi32>
      %add3A_63 = arith.addi %add3A_62, %and3A_60 : vector<16xi32>
      %select_n3A = arith.select %and3A, %get3A_49, %add3A_63 : vector<16xi1>, vector<16xi32>
      %swap3A = arith.index_cast %add3A_46 : i32 to index
      %swap3A_64 = arith.constant 0 : index
      %swap3A_65 = tpu.vector_load %arg8[%swap3A, %swap3A_64] {strides = array<i32>} : memref<105x96xi32, #tpu.memory_space<vmem>>, vector<16xi32>,
      tpu.vector_store %arg8[%swap3A, %swap3A_64], %select_n3A {strides = array<i32>} : memref<105x96xi32, #tpu.memory_space<vmem>>, vector<16xi32>,
      %and3A_66 = arith.constant 2047 : i32
      %and3A_67 = vector.broadcast %and3A_66 : i32 to vector<16xi32>
      %and3A_68 = arith.andi %get3A_52, %and3A_67 : vector<16xi32>
      %select_n3A_69 = arith.select %and3A, %sub3A_54, %and3A_68 : vector<16xi1>, vector<16xi32>
      %swap3A_70 = arith.index_cast %add3A_46 : i32 to index
      %swap3A_71 = arith.constant 0 : index
      %swap3A_72 = tpu.vector_load %arg9[%swap3A_70, %swap3A_71] {strides = array<i32>} : memref<105x96xi32, #tpu.memory_space<vmem>>, vector<16xi32>,
      tpu.vector_store %arg9[%swap3A_70, %swap3A_71], %select_n3A_69 {strides = array<i32>} : memref<105x96xi32, #tpu.memory_space<vmem>>, vector<16xi32>,
      %get3A_73 = arith.index_cast %add3A_46 : i32 to index
      %get3A_74 = arith.constant 16 : index
      %get3A_75 = tpu.vector_load %arg8[%get3A_73, %get3A_74] {strides = array<i32>} : memref<105x96xi32, #tpu.memory_space<vmem>>, vector<16xi32>,
      %get3A_76 = arith.index_cast %add3A_46 : i32 to index
      %get3A_77 = arith.constant 16 : index
      %get3A_78 = tpu.vector_load %arg9[%get3A_76, %get3A_77] {strides = array<i32>} : memref<105x96xi32, #tpu.memory_space<vmem>>, vector<16xi32>,
      %sub3A_79 = vector.broadcast %reduce_max3A_9 : i32 to vector<16xi32>
      %sub3A_80 = arith.subi %get3A_78, %sub3A_79 : vector<16xi32>
      %ge3A_81 = vector.broadcast %reduce_max3A_9 : i32 to vector<16xi32>
      %ge3A_82 = arith.cmpi sge, %get3A_78, %ge3A_81 : vector<16xi32>
      %lt3A_83 = arith.constant 3840 : i32
      %lt3A_84 = vector.broadcast %lt3A_83 : i32 to vector<16xi32>
      %lt3A_85 = arith.cmpi slt, %sub3A_80, %lt3A_84 : vector<16xi32>
      %and3A_86 = arith.andi %ge3A_82, %lt3A_85 : vector<16xi1>
      %and3A_87 = arith.constant 127 : i32
      %and3A_88 = vector.broadcast %and3A_87 : i32 to vector<16xi32>
      %and3A_89 = arith.andi %get3A_75, %and3A_88 : vector<16xi32>
      %add3A_90 = arith.constant 10000 : i32
      %add3A_91 = vector.broadcast %add3A_90 : i32 to vector<16xi32>
      %add3A_92 = arith.addi %add3A_91, %and3A_89 : vector<16xi32>
      %select_n3A_93 = arith.select %and3A_86, %get3A_75, %add3A_92 : vector<16xi1>, vector<16xi32>
      %swap3A_94 = arith.index_cast %add3A_46 : i32 to index
      %swap3A_95 = arith.constant 16 : index
      %swap3A_96 = tpu.vector_load %arg8[%swap3A_94, %swap3A_95] {strides = array<i32>} : memref<105x96xi32, #tpu.memory_space<vmem>>, vector<16xi32>,
      tpu.vector_store %arg8[%swap3A_94, %swap3A_95], %select_n3A_93 {strides = array<i32>} : memref<105x96xi32, #tpu.memory_space<vmem>>, vector<16xi32>,
      %and3A_97 = arith.constant 2047 : i32
      %and3A_98 = vector.broadcast %and3A_97 : i32 to vector<16xi32>
      %and3A_99 = arith.andi %get3A_78, %and3A_98 : vector<16xi32>
      %select_n3A_100 = arith.select %and3A_86, %sub3A_80, %and3A_99 : vector<16xi1>, vector<16xi32>
      %swap3A_101 = arith.index_cast %add3A_46 : i32 to index
      %swap3A_102 = arith.constant 16 : index
      %swap3A_103 = tpu.vector_load %arg9[%swap3A_101, %swap3A_102] {strides = array<i32>} : memref<105x96xi32, #tpu.memory_space<vmem>>, vector<16xi32>,
      tpu.vector_store %arg9[%swap3A_101, %swap3A_102], %select_n3A_100 {strides = array<i32>} : memref<105x96xi32, #tpu.memory_space<vmem>>, vector<16xi32>,
      %get3A_104 = arith.index_cast %add3A_46 : i32 to index
      %get3A_105 = arith.constant 32 : index
      %get3A_106 = tpu.vector_load %arg8[%get3A_104, %get3A_105] {strides = array<i32>} : memref<105x96xi32, #tpu.memory_space<vmem>>, vector<16xi32>,
      %get3A_107 = arith.index_cast %add3A_46 : i32 to index
      %get3A_108 = arith.constant 32 : index
      %get3A_109 = tpu.vector_load %arg9[%get3A_107, %get3A_108] {strides = array<i32>} : memref<105x96xi32, #tpu.memory_space<vmem>>, vector<16xi32>,
      %sub3A_110 = vector.broadcast %reduce_max3A_9 : i32 to vector<16xi32>
      %sub3A_111 = arith.subi %get3A_109, %sub3A_110 : vector<16xi32>
      %ge3A_112 = vector.broadcast %reduce_max3A_9 : i32 to vector<16xi32>
      %ge3A_113 = arith.cmpi sge, %get3A_109, %ge3A_112 : vector<16xi32>
      %lt3A_114 = arith.constant 3840 : i32
      %lt3A_115 = vector.broadcast %lt3A_114 : i32 to vector<16xi32>
      %lt3A_116 = arith.cmpi slt, %sub3A_111, %lt3A_115 : vector<16xi32>
      %and3A_117 = arith.andi %ge3A_113, %lt3A_116 : vector<16xi1>
      %and3A_118 = arith.constant 127 : i32
      %and3A_119 = vector.broadcast %and3A_118 : i32 to vector<16xi32>
      %and3A_120 = arith.andi %get3A_106, %and3A_119 : vector<16xi32>
      %add3A_121 = arith.constant 10000 : i32
      %add3A_122 = vector.broadcast %add3A_121 : i32 to vector<16xi32>
      %add3A_123 = arith.addi %add3A_122, %and3A_120 : vector<16xi32>
      %select_n3A_124 = arith.select %and3A_117, %get3A_106, %add3A_123 : vector<16xi1>, vector<16xi32>
      %swap3A_125 = arith.index_cast %add3A_46 : i32 to index
      %swap3A_126 = arith.constant 32 : index
      %swap3A_127 = tpu.vector_load %arg8[%swap3A_125, %swap3A_126] {strides = array<i32>} : memref<105x96xi32, #tpu.memory_space<vmem>>, vector<16xi32>,
      tpu.vector_store %arg8[%swap3A_125, %swap3A_126], %select_n3A_124 {strides = array<i32>} : memref<105x96xi32, #tpu.memory_space<vmem>>, vector<16xi32>,
      %and3A_128 = arith.constant 2047 : i32
      %and3A_129 = vector.broadcast %and3A_128 : i32 to vector<16xi32>
      %and3A_130 = arith.andi %get3A_109, %and3A_129 : vector<16xi32>
      %select_n3A_131 = arith.select %and3A_117, %sub3A_111, %and3A_130 : vector<16xi1>, vector<16xi32>
      %swap3A_132 = arith.index_cast %add3A_46 : i32 to index
      %swap3A_133 = arith.constant 32 : index
      %swap3A_134 = tpu.vector_load %arg9[%swap3A_132, %swap3A_133] {strides = array<i32>} : memref<105x96xi32, #tpu.memory_space<vmem>>, vector<16xi32>,
      tpu.vector_store %arg9[%swap3A_132, %swap3A_133], %select_n3A_131 {strides = array<i32>} : memref<105x96xi32, #tpu.memory_space<vmem>>, vector<16xi32>,
      %get3A_135 = arith.index_cast %add3A_46 : i32 to index
      %get3A_136 = arith.constant 48 : index
      %get3A_137 = tpu.vector_load %arg8[%get3A_135, %get3A_136] {strides = array<i32>} : memref<105x96xi32, #tpu.memory_space<vmem>>, vector<16xi32>,
      %get3A_138 = arith.index_cast %add3A_46 : i32 to index
      %get3A_139 = arith.constant 48 : index
      %get3A_140 = tpu.vector_load %arg9[%get3A_138, %get3A_139] {strides = array<i32>} : memref<105x96xi32, #tpu.memory_space<vmem>>, vector<16xi32>,
      %sub3A_141 = vector.broadcast %reduce_max3A_9 : i32 to vector<16xi32>
      %sub3A_142 = arith.subi %get3A_140, %sub3A_141 : vector<16xi32>
      %ge3A_143 = vector.broadcast %reduce_max3A_9 : i32 to vector<16xi32>
      %ge3A_144 = arith.cmpi sge, %get3A_140, %ge3A_143 : vector<16xi32>
      %lt3A_145 = arith.constant 3840 : i32
      %lt3A_146 = vector.broadcast %lt3A_145 : i32 to vector<16xi32>
      %lt3A_147 = arith.cmpi slt, %sub3A_142, %lt3A_146 : vector<16xi32>
      %and3A_148 = arith.andi %ge3A_144, %lt3A_147 : vector<16xi1>
      %and3A_149 = arith.constant 127 : i32
      %and3A_150 = vector.broadcast %and3A_149 : i32 to vector<16xi32>
      %and3A_151 = arith.andi %get3A_137, %and3A_150 : vector<16xi32>
      %add3A_152 = arith.constant 10000 : i32
      %add3A_153 = vector.broadcast %add3A_152 : i32 to vector<16xi32>
      %add3A_154 = arith.addi %add3A_153, %and3A_151 : vector<16xi32>
      %select_n3A_155 = arith.select %and3A_148, %get3A_137, %add3A_154 : vector<16xi1>, vector<16xi32>
      %swap3A_156 = arith.index_cast %add3A_46 : i32 to index
      %swap3A_157 = arith.constant 48 : index
      %swap3A_158 = tpu.vector_load %arg8[%swap3A_156, %swap3A_157] {strides = array<i32>} : memref<105x96xi32, #tpu.memory_space<vmem>>, vector<16xi32>,
      tpu.vector_store %arg8[%swap3A_156, %swap3A_157], %select_n3A_155 {strides = array<i32>} : memref<105x96xi32, #tpu.memory_space<vmem>>, vector<16xi32>,
      %and3A_159 = arith.constant 2047 : i32
      %and3A_160 = vector.broadcast %and3A_159 : i32 to vector<16xi32>
      %and3A_161 = arith.andi %get3A_140, %and3A_160 : vector<16xi32>
      %select_n3A_162 = arith.select %and3A_148, %sub3A_142, %and3A_161 : vector<16xi1>, vector<16xi32>
      %swap3A_163 = arith.index_cast %add3A_46 : i32 to index
      %swap3A_164 = arith.constant 48 : index
      %swap3A_165 = tpu.vector_load %arg9[%swap3A_163, %swap3A_164] {strides = array<i32>} : memref<105x96xi32, #tpu.memory_space<vmem>>, vector<16xi32>,
      tpu.vector_store %arg9[%swap3A_163, %swap3A_164], %select_n3A_162 {strides = array<i32>} : memref<105x96xi32, #tpu.memory_space<vmem>>, vector<16xi32>,
      %get3A_166 = arith.index_cast %add3A_46 : i32 to index
      %get3A_167 = arith.constant 64 : index
      %get3A_168 = tpu.vector_load %arg8[%get3A_166, %get3A_167] {strides = array<i32>} : memref<105x96xi32, #tpu.memory_space<vmem>>, vector<16xi32>,
      %get3A_169 = arith.index_cast %add3A_46 : i32 to index
      %get3A_170 = arith.constant 64 : index
      %get3A_171 = tpu.vector_load %arg9[%get3A_169, %get3A_170] {strides = array<i32>} : memref<105x96xi32, #tpu.memory_space<vmem>>, vector<16xi32>,
      %sub3A_172 = vector.broadcast %reduce_max3A_9 : i32 to vector<16xi32>
      %sub3A_173 = arith.subi %get3A_171, %sub3A_172 : vector<16xi32>
      %ge3A_174 = vector.broadcast %reduce_max3A_9 : i32 to vector<16xi32>
      %ge3A_175 = arith.cmpi sge, %get3A_171, %ge3A_174 : vector<16xi32>
      %lt3A_176 = arith.constant 3840 : i32
      %lt3A_177 = vector.broadcast %lt3A_176 : i32 to vector<16xi32>
      %lt3A_178 = arith.cmpi slt, %sub3A_173, %lt3A_177 : vector<16xi32>
      %and3A_179 = arith.andi %ge3A_175, %lt3A_178 : vector<16xi1>
      %and3A_180 = arith.constant 127 : i32
      %and3A_181 = vector.broadcast %and3A_180 : i32 to vector<16xi32>
      %and3A_182 = arith.andi %get3A_168, %and3A_181 : vector<16xi32>
      %add3A_183 = arith.constant 10000 : i32
      %add3A_184 = vector.broadcast %add3A_183 : i32 to vector<16xi32>
      %add3A_185 = arith.addi %add3A_184, %and3A_182 : vector<16xi32>
      %select_n3A_186 = arith.select %and3A_179, %get3A_168, %add3A_185 : vector<16xi1>, vector<16xi32>
      %swap3A_187 = arith.index_cast %add3A_46 : i32 to index
      %swap3A_188 = arith.constant 64 : index
      %swap3A_189 = tpu.vector_load %arg8[%swap3A_187, %swap3A_188] {strides = array<i32>} : memref<105x96xi32, #tpu.memory_space<vmem>>, vector<16xi32>,
      tpu.vector_store %arg8[%swap3A_187, %swap3A_188], %select_n3A_186 {strides = array<i32>} : memref<105x96xi32, #tpu.memory_space<vmem>>, vector<16xi32>,
      %and3A_190 = arith.constant 2047 : i32
      %and3A_191 = vector.broadcast %and3A_190 : i32 to vector<16xi32>
      %and3A_192 = arith.andi %get3A_171, %and3A_191 : vector<16xi32>
      %select_n3A_193 = arith.select %and3A_179, %sub3A_173, %and3A_192 : vector<16xi1>, vector<16xi32>
      %swap3A_194 = arith.index_cast %add3A_46 : i32 to index
      %swap3A_195 = arith.constant 64 : index
      %swap3A_196 = tpu.vector_load %arg9[%swap3A_194, %swap3A_195] {strides = array<i32>} : memref<105x96xi32, #tpu.memory_space<vmem>>, vector<16xi32>,
      tpu.vector_store %arg9[%swap3A_194, %swap3A_195], %select_n3A_193 {strides = array<i32>} : memref<105x96xi32, #tpu.memory_space<vmem>>, vector<16xi32>,
      %get3A_197 = arith.index_cast %add3A_46 : i32 to index
      %get3A_198 = arith.constant 80 : index
      %get3A_199 = tpu.vector_load %arg8[%get3A_197, %get3A_198] {strides = array<i32>} : memref<105x96xi32, #tpu.memory_space<vmem>>, vector<16xi32>,
      %get3A_200 = arith.index_cast %add3A_46 : i32 to index
      %get3A_201 = arith.constant 80 : index
      %get3A_202 = tpu.vector_load %arg9[%get3A_200, %get3A_201] {strides = array<i32>} : memref<105x96xi32, #tpu.memory_space<vmem>>, vector<16xi32>,
      %sub3A_203 = vector.broadcast %reduce_max3A_9 : i32 to vector<16xi32>
      %sub3A_204 = arith.subi %get3A_202, %sub3A_203 : vector<16xi32>
      %ge3A_205 = vector.broadcast %reduce_max3A_9 : i32 to vector<16xi32>
      %ge3A_206 = arith.cmpi sge, %get3A_202, %ge3A_205 : vector<16xi32>
      %lt3A_207 = arith.constant 3840 : i32
      %lt3A_208 = vector.broadcast %lt3A_207 : i32 to vector<16xi32>
      %lt3A_209 = arith.cmpi slt, %sub3A_204, %lt3A_208 : vector<16xi32>
      %and3A_210 = arith.andi %ge3A_206, %lt3A_209 : vector<16xi1>
      %and3A_211 = arith.constant 127 : i32
      %and3A_212 = vector.broadcast %and3A_211 : i32 to vector<16xi32>
      %and3A_213 = arith.andi %get3A_199, %and3A_212 : vector<16xi32>
      %add3A_214 = arith.constant 10000 : i32
      %add3A_215 = vector.broadcast %add3A_214 : i32 to vector<16xi32>
      %add3A_216 = arith.addi %add3A_215, %and3A_213 : vector<16xi32>
      %select_n3A_217 = arith.select %and3A_210, %get3A_199, %add3A_216 : vector<16xi1>, vector<16xi32>
      %swap3A_218 = arith.index_cast %add3A_46 : i32 to index
      %swap3A_219 = arith.constant 80 : index
      %swap3A_220 = tpu.vector_load %arg8[%swap3A_218, %swap3A_219] {strides = array<i32>} : memref<105x96xi32, #tpu.memory_space<vmem>>, vector<16xi32>,
      tpu.vector_store %arg8[%swap3A_218, %swap3A_219], %select_n3A_217 {strides = array<i32>} : memref<105x96xi32, #tpu.memory_space<vmem>>, vector<16xi32>,
      %and3A_221 = arith.constant 2047 : i32
      %and3A_222 = vector.broadcast %and3A_221 : i32 to vector<16xi32>
      %and3A_223 = arith.andi %get3A_202, %and3A_222 : vector<16xi32>
      %select_n3A_224 = arith.select %and3A_210, %sub3A_204, %and3A_223 : vector<16xi1>, vector<16xi32>
      %swap3A_225 = arith.index_cast %add3A_46 : i32 to index
      %swap3A_226 = arith.constant 80 : index
      %swap3A_227 = tpu.vector_load %arg9[%swap3A_225, %swap3A_226] {strides = array<i32>} : memref<105x96xi32, #tpu.memory_space<vmem>>, vector<16xi32>,
      tpu.vector_store %arg9[%swap3A_225, %swap3A_226], %select_n3A_224 {strides = array<i32>} : memref<105x96xi32, #tpu.memory_space<vmem>>, vector<16xi32>,
    }
    %scan3A_13 = arith.constant 105 : i32
    %get3A_14 = arith.constant 0 : index
    %get3A_15 = tpu.vector_load %arg16[%get3A_14] {strides = array<i32>} : memref<16xi32, #tpu.memory_space<vmem>>, vector<16xi32>,
    %reduce_max3A_16 = arith.constant true
    %reduce_max3A_17 = vector.broadcast %reduce_max3A_16 : i1 to vector<16xi1>
    %reduce_max3A_18 = arith.constant -2147483648 : i32
    %reduce_max3A_19 = vector.broadcast %reduce_max3A_18 : i32 to vector<16xi32>
    %reduce_max3A_20 = arith.xori %get3A_15, %reduce_max3A_19 : vector<16xi32>
    %reduce_max3A_21 = tpu.scan <max>, %reduce_max3A_20 masked %reduce_max3A_17 : vector<16xi32>, vector<16xi1> -> vector<16xi32>
    %reduce_max3A_22 = arith.xori %reduce_max3A_21, %reduce_max3A_19 : vector<16xi32>
    %reduce_max3A_23 = vector.extract %reduce_max3A_22[15] : i32 from vector<16xi32>
    %add3A_24 = arith.constant 1 : i32
    %add3A_25 = arith.addi %add3A_24, %reduce_max3A_23 : i32
    %sub3A = arith.constant 0 : i32
    %sub3A_26 = arith.subi %add3A_25, %sub3A : i32
    %sub3A_27 = arith.constant 1 : i32
    %sub3A_28 = arith.constant 1 : i32
    %sub3A_29 = arith.subi %sub3A_27, %sub3A_28 : i32
    %add3A_30 = arith.addi %sub3A_26, %sub3A_29 : i32
    %div3A = arith.constant 1 : i32
    %div3A_31 = arith.divsi %add3A_30, %div3A : i32
    %while3A = arith.constant 1 : i32
    %while3A_32 = arith.constant 0 : i32
    %while3A_33 = arith.constant 0 : i32
    %while3A_34 = arith.subi %div3A_31, %while3A_33 : i32
    %while3A_35 = arith.addi %while3A_33, %while3A_34 : i32
    %while3A_36 = arith.constant 1 : i32
    %while3A_37 = arith.divsi %while3A_34, %while3A_36 : i32
    %while3A_38 = arith.muli %while3A_37, %while3A_36 : i32
    %while3A_39 = arith.addi %while3A_33, %while3A_38 : i32
    %while3A_40 = arith.constant 1 : i32
    scf.for %while3A_42 = %while3A_33 to %while3A_39 step %while3A_40  : i32 {
      %mul3A_43 = arith.muli %while3A_42, %while3A : i32
      %add3A_44 = arith.addi %while3A_32, %mul3A_43 : i32
      %mul3A_45 = arith.constant 10240 : i32
      %mul3A_46 = arith.muli %add3A_44, %mul3A_45 : i32
      %multiple_of3A = tpu.assume_multiple %mul3A_46, 10240 : i32
      %scan3A_47 = arith.constant 0 : i32
      %scan3A_48 = arith.constant 96 : i32
      %scan3A_49 = arith.addi %scan3A_47, %scan3A_48 : i32
      %scan3A_50 = arith.constant 1 : i32
      scf.for %scan3A_78 = %scan3A_47 to %scan3A_49 step %scan3A_50  : i32 {
        %mul3A_79 = arith.constant 1 : i32
        %mul3A_80 = arith.muli %scan3A_78, %mul3A_79 : i32
        %add3A_81 = arith.constant 0 : i32
        %add3A_82 = arith.addi %add3A_81, %mul3A_80 : i32
        %scan3A_83 = arith.constant 0 : i32
        %scan3A_84 = arith.constant 8 : i32
        %scan3A_85 = arith.addi %scan3A_83, %scan3A_84 : i32
        %scan3A_86 = arith.constant 1 : i32
        scf.for %scan3A_88 = %scan3A_83 to %scan3A_85 step %scan3A_86  : i32 {
          %mul3A_89 = arith.constant 16 : i32
          %mul3A_90 = arith.muli %scan3A_88, %mul3A_89 : i32
          %add3A_91 = arith.constant 0 : i32
          %add3A_92 = arith.addi %add3A_91, %mul3A_90 : i32
          %broadcast_in_dim3A = arith.constant 0.000000e+00 : f32
          %broadcast_in_dim3A_93 = vector.broadcast %broadcast_in_dim3A : f32 to vector<16xf32>
          %swap3A = arith.index_cast %add3A_82 : i32 to index
          %swap3A_94 = arith.index_cast %add3A_92 : i32 to index
          %swap3A_95 = tpu.vector_load %arg10[%swap3A, %swap3A_94] {strides = array<i32>} : memref<96x128xf32, #tpu.memory_space<vmem>>, vector<16xf32>,
          tpu.vector_store %arg10[%swap3A, %swap3A_94], %broadcast_in_dim3A_93 {strides = array<i32>} : memref<96x128xf32, #tpu.memory_space<vmem>>, vector<16xf32>,
        }
        %scan3A_87 = arith.constant 8 : i32
      }
      %scan3A_51 = arith.constant 96 : i32
      %mul3A_52 = arith.constant 240 : i32
      %mul3A_53 = arith.muli %arg1, %mul3A_52 : i32
      %add3A_54 = arith.constant 0 : i32
      %add3A_55 = arith.addi %mul3A_53, %add3A_54 : i32
      "tpu.region"() ({
        %run_scoped3A_78 = tpu.sem_alloc : memref<!tpu.dma_semaphore, #tpu.memory_space<semaphore_mem>>
        %dma_start3A = arith.constant 0 : i32
        %dma_start3A_79 = tpu.memref_slice %arg15[%add3A_55, %dma_start3A] : memref<3840x128xf32, #tpu.memory_space<vmem_shared>> -> memref<96x128xf32, #tpu.memory_space<vmem_shared>>
        %dma_start3A_80 = arith.constant 0 : i32
        %dma_start3A_81 = tpu.memref_slice %arg15[%add3A_55, %dma_start3A_80] : memref<3840x128xf32, #tpu.memory_space<vmem_shared>> -> memref<96x128xf32, #tpu.memory_space<vmem_shared>>
        tpu.enqueue_dma source(%arg10 : memref<96x128xf32, #tpu.memory_space<vmem>>) target(%dma_start3A_81 : memref<96x128xf32, #tpu.memory_space<vmem_shared>>) target_semaphore(%run_scoped3A_78 : memref<!tpu.dma_semaphore, #tpu.memory_space<semaphore_mem>>)
        %dma_wait3A = arith.constant 0 : i32
        %dma_wait3A_82 = tpu.memref_slice %arg15[%add3A_55, %dma_wait3A] : memref<3840x128xf32, #tpu.memory_space<vmem_shared>> -> memref<96x128xf32, #tpu.memory_space<vmem_shared>>
        %dma_wait3A_83 = arith.constant 0 : i32
        %dma_wait3A_84 = tpu.memref_slice %arg15[%add3A_55, %dma_wait3A_83] : memref<3840x128xf32, #tpu.memory_space<vmem_shared>> -> memref<96x128xf32, #tpu.memory_space<vmem_shared>>
        tpu.wait_dma2 semaphore(%run_scoped3A_78 : memref<!tpu.dma_semaphore, #tpu.memory_space<semaphore_mem>>) src(%arg10 : memref<96x128xf32, #tpu.memory_space<vmem>>) dst(%dma_wait3A_84 : memref<96x128xf32, #tpu.memory_space<vmem_shared>>)
        tpu.yield
      }) : () -> ()
      %mul3A_56 = arith.constant 240 : i32
      %mul3A_57 = arith.muli %arg1, %mul3A_56 : i32
      %add3A_58 = arith.constant 96 : i32
      %add3A_59 = arith.addi %mul3A_57, %add3A_58 : i32
      "tpu.region"() ({
        %run_scoped3A_78 = tpu.sem_alloc : memref<!tpu.dma_semaphore, #tpu.memory_space<semaphore_mem>>
        %dma_start3A = arith.constant 0 : i32
        %dma_start3A_79 = tpu.memref_slice %arg15[%add3A_59, %dma_start3A] : memref<3840x128xf32, #tpu.memory_space<vmem_shared>> -> memref<96x128xf32, #tpu.memory_space<vmem_shared>>
        %dma_start3A_80 = arith.constant 0 : i32
        %dma_start3A_81 = tpu.memref_slice %arg15[%add3A_59, %dma_start3A_80] : memref<3840x128xf32, #tpu.memory_space<vmem_shared>> -> memref<96x128xf32, #tpu.memory_space<vmem_shared>>
        tpu.enqueue_dma source(%arg10 : memref<96x128xf32, #tpu.memory_space<vmem>>) target(%dma_start3A_81 : memref<96x128xf32, #tpu.memory_space<vmem_shared>>) target_semaphore(%run_scoped3A_78 : memref<!tpu.dma_semaphore, #tpu.memory_space<semaphore_mem>>)
        %dma_wait3A = arith.constant 0 : i32
        %dma_wait3A_82 = tpu.memref_slice %arg15[%add3A_59, %dma_wait3A] : memref<3840x128xf32, #tpu.memory_space<vmem_shared>> -> memref<96x128xf32, #tpu.memory_space<vmem_shared>>
        %dma_wait3A_83 = arith.constant 0 : i32
        %dma_wait3A_84 = tpu.memref_slice %arg15[%add3A_59, %dma_wait3A_83] : memref<3840x128xf32, #tpu.memory_space<vmem_shared>> -> memref<96x128xf32, #tpu.memory_space<vmem_shared>>
        tpu.wait_dma2 semaphore(%run_scoped3A_78 : memref<!tpu.dma_semaphore, #tpu.memory_space<semaphore_mem>>) src(%arg10 : memref<96x128xf32, #tpu.memory_space<vmem>>) dst(%dma_wait3A_84 : memref<96x128xf32, #tpu.memory_space<vmem_shared>>)
        tpu.yield
      }) : () -> ()
      %mul3A_60 = arith.constant 240 : i32
      %mul3A_61 = arith.muli %arg1, %mul3A_60 : i32
      %add3A_62 = arith.constant 192 : i32
      %add3A_63 = arith.addi %mul3A_61, %add3A_62 : i32
      "tpu.region"() ({
        %run_scoped3A_78 = tpu.sem_alloc : memref<!tpu.dma_semaphore, #tpu.memory_space<semaphore_mem>>
        %dma_start3A = arith.constant 0 : i32
        %dma_start3A_79 = arith.constant 0 : i32
        %dma_start3A_80 = tpu.memref_slice %arg10[%dma_start3A, %dma_start3A_79] : memref<96x128xf32, #tpu.memory_space<vmem>> -> memref<48x128xf32, #tpu.memory_space<vmem>>
        %dma_start3A_81 = arith.constant 0 : i32
        %dma_start3A_82 = tpu.memref_slice %arg15[%add3A_63, %dma_start3A_81] : memref<3840x128xf32, #tpu.memory_space<vmem_shared>> -> memref<48x128xf32, #tpu.memory_space<vmem_shared>>
        %dma_start3A_83 = arith.constant 0 : i32
        %dma_start3A_84 = tpu.memref_slice %arg15[%add3A_63, %dma_start3A_83] : memref<3840x128xf32, #tpu.memory_space<vmem_shared>> -> memref<48x128xf32, #tpu.memory_space<vmem_shared>>
        %dma_start3A_85 = arith.constant 0 : i32
        %dma_start3A_86 = arith.constant 0 : i32
        %dma_start3A_87 = tpu.memref_slice %arg10[%dma_start3A_85, %dma_start3A_86] : memref<96x128xf32, #tpu.memory_space<vmem>> -> memref<48x128xf32, #tpu.memory_space<vmem>>
        tpu.enqueue_dma source(%dma_start3A_87 : memref<48x128xf32, #tpu.memory_space<vmem>>) target(%dma_start3A_84 : memref<48x128xf32, #tpu.memory_space<vmem_shared>>) target_semaphore(%run_scoped3A_78 : memref<!tpu.dma_semaphore, #tpu.memory_space<semaphore_mem>>)
        %dma_wait3A = arith.constant 0 : i32
        %dma_wait3A_88 = arith.constant 0 : i32
        %dma_wait3A_89 = tpu.memref_slice %arg10[%dma_wait3A, %dma_wait3A_88] : memref<96x128xf32, #tpu.memory_space<vmem>> -> memref<48x128xf32, #tpu.memory_space<vmem>>
        %dma_wait3A_90 = arith.constant 0 : i32
        %dma_wait3A_91 = tpu.memref_slice %arg15[%add3A_63, %dma_wait3A_90] : memref<3840x128xf32, #tpu.memory_space<vmem_shared>> -> memref<48x128xf32, #tpu.memory_space<vmem_shared>>
        %dma_wait3A_92 = arith.constant 0 : i32
        %dma_wait3A_93 = tpu.memref_slice %arg15[%add3A_63, %dma_wait3A_92] : memref<3840x128xf32, #tpu.memory_space<vmem_shared>> -> memref<48x128xf32, #tpu.memory_space<vmem_shared>>
        %dma_wait3A_94 = arith.constant 0 : i32
        %dma_wait3A_95 = arith.constant 0 : i32
        %dma_wait3A_96 = tpu.memref_slice %arg10[%dma_wait3A_94, %dma_wait3A_95] : memref<96x128xf32, #tpu.memory_space<vmem>> -> memref<48x128xf32, #tpu.memory_space<vmem>>
        tpu.wait_dma2 semaphore(%run_scoped3A_78 : memref<!tpu.dma_semaphore, #tpu.memory_space<semaphore_mem>>) src(%dma_wait3A_96 : memref<48x128xf32, #tpu.memory_space<vmem>>) dst(%dma_wait3A_93 : memref<48x128xf32, #tpu.memory_space<vmem_shared>>)
        tpu.yield
      }) : () -> ()
      %barrier3A = arith.constant 0 : index
      tpu.barrier barrier_id(%barrier3A)
      %scan3A_64 = arith.constant 0 : i32
      %scan3A_65 = arith.constant 21 : i32
      %scan3A_66 = arith.addi %scan3A_64, %scan3A_65 : i32
      %scan3A_67 = arith.constant 1 : i32
      scf.for %scan3A_78 = %scan3A_64 to %scan3A_66 step %scan3A_67  : i32 {
        %mul3A_79 = arith.constant 5 : i32
        %mul3A_80 = arith.muli %scan3A_78, %mul3A_79 : i32
        %add3A_81 = arith.constant 0 : i32
        %add3A_82 = arith.addi %add3A_81, %mul3A_80 : i32
        %add3A_83 = arith.constant 0 : i32
        %add3A_84 = arith.addi %add3A_82, %add3A_83 : i32
        %dma_start3A = arith.constant 0 : i32
        %dma_start3A_85 = tpu.memref_slice %arg8[%add3A_84, %dma_start3A] : memref<105x96xi32, #tpu.memory_space<vmem>> -> memref<1x96xi32, #tpu.memory_space<vmem>>
        %dma_start3A_86 = tpu.memref_squeeze %dma_start3A_85 : memref<1x96xi32, #tpu.memory_space<vmem>> -> memref<96xi32, #tpu.memory_space<vmem>>
        %dma_start3A_87 = arith.constant 0 : i32
        %dma_start3A_88 = tpu.memref_slice %arg2[%multiple_of3A, %dma_start3A_87] : memref<20480x128xf32, #tpu.memory_space<hbm>> -> memref<10240x128xf32, #tpu.memory_space<hbm>>
        %dma_start3A_89 = arith.constant 0 : i32
        %dma_start3A_90 = arith.constant 0 : i32
        %dma_start3A_91 = tpu.memref_slice %dma_start3A_88[%dma_start3A_89, %dma_start3A_90] : memref<10240x128xf32, #tpu.memory_space<hbm>> -> memref<10240x128xf32, #tpu.memory_space<hbm>>
        tpu.enqueue_indirect_dma source(%dma_start3A_91 : memref<10240x128xf32, #tpu.memory_space<hbm>>) target(%arg10 : memref<96x128xf32, #tpu.memory_space<vmem>>) offsets(%dma_start3A_86 : memref<96xi32, #tpu.memory_space<vmem>>) semaphore(%arg18 : memref<!tpu.dma_semaphore, #tpu.memory_space<semaphore_mem>>)
        %add3A_92 = arith.constant 1 : i32
        %add3A_93 = arith.addi %add3A_82, %add3A_92 : i32
        %dma_start3A_94 = arith.constant 0 : i32
        %dma_start3A_95 = tpu.memref_slice %arg8[%add3A_93, %dma_start3A_94] : memref<105x96xi32, #tpu.memory_space<vmem>> -> memref<1x96xi32, #tpu.memory_space<vmem>>
        %dma_start3A_96 = tpu.memref_squeeze %dma_start3A_95 : memref<1x96xi32, #tpu.memory_space<vmem>> -> memref<96xi32, #tpu.memory_space<vmem>>
        %dma_start3A_97 = arith.constant 0 : i32
        %dma_start3A_98 = tpu.memref_slice %arg2[%multiple_of3A, %dma_start3A_97] : memref<20480x128xf32, #tpu.memory_space<hbm>> -> memref<10240x128xf32, #tpu.memory_space<hbm>>
        %dma_start3A_99 = arith.constant 0 : i32
        %dma_start3A_100 = arith.constant 0 : i32
        %dma_start3A_101 = tpu.memref_slice %dma_start3A_98[%dma_start3A_99, %dma_start3A_100] : memref<10240x128xf32, #tpu.memory_space<hbm>> -> memref<10240x128xf32, #tpu.memory_space<hbm>>
        tpu.enqueue_indirect_dma source(%dma_start3A_101 : memref<10240x128xf32, #tpu.memory_space<hbm>>) target(%arg11 : memref<96x128xf32, #tpu.memory_space<vmem>>) offsets(%dma_start3A_96 : memref<96xi32, #tpu.memory_space<vmem>>) semaphore(%arg18 : memref<!tpu.dma_semaphore, #tpu.memory_space<semaphore_mem>>)
        %add3A_102 = arith.constant 2 : i32
        %add3A_103 = arith.addi %add3A_82, %add3A_102 : i32
        %dma_start3A_104 = arith.constant 0 : i32
        %dma_start3A_105 = tpu.memref_slice %arg8[%add3A_103, %dma_start3A_104] : memref<105x96xi32, #tpu.memory_space<vmem>> -> memref<1x96xi32, #tpu.memory_space<vmem>>
        %dma_start3A_106 = tpu.memref_squeeze %dma_start3A_105 : memref<1x96xi32, #tpu.memory_space<vmem>> -> memref<96xi32, #tpu.memory_space<vmem>>
        %dma_start3A_107 = arith.constant 0 : i32
        %dma_start3A_108 = tpu.memref_slice %arg2[%multiple_of3A, %dma_start3A_107] : memref<20480x128xf32, #tpu.memory_space<hbm>> -> memref<10240x128xf32, #tpu.memory_space<hbm>>
        %dma_start3A_109 = arith.constant 0 : i32
        %dma_start3A_110 = arith.constant 0 : i32
        %dma_start3A_111 = tpu.memref_slice %dma_start3A_108[%dma_start3A_109, %dma_start3A_110] : memref<10240x128xf32, #tpu.memory_space<hbm>> -> memref<10240x128xf32, #tpu.memory_space<hbm>>
        tpu.enqueue_indirect_dma source(%dma_start3A_111 : memref<10240x128xf32, #tpu.memory_space<hbm>>) target(%arg12 : memref<96x128xf32, #tpu.memory_space<vmem>>) offsets(%dma_start3A_106 : memref<96xi32, #tpu.memory_space<vmem>>) semaphore(%arg18 : memref<!tpu.dma_semaphore, #tpu.memory_space<semaphore_mem>>)
        %add3A_112 = arith.constant 3 : i32
        %add3A_113 = arith.addi %add3A_82, %add3A_112 : i32
        %dma_start3A_114 = arith.constant 0 : i32
        %dma_start3A_115 = tpu.memref_slice %arg8[%add3A_113, %dma_start3A_114] : memref<105x96xi32, #tpu.memory_space<vmem>> -> memref<1x96xi32, #tpu.memory_space<vmem>>
        %dma_start3A_116 = tpu.memref_squeeze %dma_start3A_115 : memref<1x96xi32, #tpu.memory_space<vmem>> -> memref<96xi32, #tpu.memory_space<vmem>>
        %dma_start3A_117 = arith.constant 0 : i32
        %dma_start3A_118 = tpu.memref_slice %arg2[%multiple_of3A, %dma_start3A_117] : memref<20480x128xf32, #tpu.memory_space<hbm>> -> memref<10240x128xf32, #tpu.memory_space<hbm>>
        %dma_start3A_119 = arith.constant 0 : i32
        %dma_start3A_120 = arith.constant 0 : i32
        %dma_start3A_121 = tpu.memref_slice %dma_start3A_118[%dma_start3A_119, %dma_start3A_120] : memref<10240x128xf32, #tpu.memory_space<hbm>> -> memref<10240x128xf32, #tpu.memory_space<hbm>>
        tpu.enqueue_indirect_dma source(%dma_start3A_121 : memref<10240x128xf32, #tpu.memory_space<hbm>>) target(%arg13 : memref<96x128xf32, #tpu.memory_space<vmem>>) offsets(%dma_start3A_116 : memref<96xi32, #tpu.memory_space<vmem>>) semaphore(%arg18 : memref<!tpu.dma_semaphore, #tpu.memory_space<semaphore_mem>>)
        %add3A_122 = arith.constant 4 : i32
        %add3A_123 = arith.addi %add3A_82, %add3A_122 : i32
        %dma_start3A_124 = arith.constant 0 : i32
        %dma_start3A_125 = tpu.memref_slice %arg8[%add3A_123, %dma_start3A_124] : memref<105x96xi32, #tpu.memory_space<vmem>> -> memref<1x96xi32, #tpu.memory_space<vmem>>
        %dma_start3A_126 = tpu.memref_squeeze %dma_start3A_125 : memref<1x96xi32, #tpu.memory_space<vmem>> -> memref<96xi32, #tpu.memory_space<vmem>>
        %dma_start3A_127 = arith.constant 0 : i32
        %dma_start3A_128 = tpu.memref_slice %arg2[%multiple_of3A, %dma_start3A_127] : memref<20480x128xf32, #tpu.memory_space<hbm>> -> memref<10240x128xf32, #tpu.memory_space<hbm>>
        %dma_start3A_129 = arith.constant 0 : i32
        %dma_start3A_130 = arith.constant 0 : i32
        %dma_start3A_131 = tpu.memref_slice %dma_start3A_128[%dma_start3A_129, %dma_start3A_130] : memref<10240x128xf32, #tpu.memory_space<hbm>> -> memref<10240x128xf32, #tpu.memory_space<hbm>>
        tpu.enqueue_indirect_dma source(%dma_start3A_131 : memref<10240x128xf32, #tpu.memory_space<hbm>>) target(%arg14 : memref<96x128xf32, #tpu.memory_space<vmem>>) offsets(%dma_start3A_126 : memref<96xi32, #tpu.memory_space<vmem>>) semaphore(%arg18 : memref<!tpu.dma_semaphore, #tpu.memory_space<semaphore_mem>>)
        %dma_wait3A = arith.constant 0 : i32
        %dma_wait3A_132 = tpu.memref_slice %arg8[%add3A_84, %dma_wait3A] : memref<105x96xi32, #tpu.memory_space<vmem>> -> memref<1x96xi32, #tpu.memory_space<vmem>>
        %dma_wait3A_133 = tpu.memref_squeeze %dma_wait3A_132 : memref<1x96xi32, #tpu.memory_space<vmem>> -> memref<96xi32, #tpu.memory_space<vmem>>
        %dma_wait3A_134 = arith.constant 0 : i32
        %dma_wait3A_135 = tpu.memref_slice %arg2[%multiple_of3A, %dma_wait3A_134] : memref<20480x128xf32, #tpu.memory_space<hbm>> -> memref<10240x128xf32, #tpu.memory_space<hbm>>
        %dma_wait3A_136 = arith.constant 0 : i32
        %dma_wait3A_137 = arith.constant 0 : i32
        %dma_wait3A_138 = tpu.memref_slice %dma_wait3A_135[%dma_wait3A_136, %dma_wait3A_137] : memref<10240x128xf32, #tpu.memory_space<hbm>> -> memref<10240x128xf32, #tpu.memory_space<hbm>>
        tpu.wait_indirect_dma semaphore(%arg18 : memref<!tpu.dma_semaphore, #tpu.memory_space<semaphore_mem>>) src(%dma_wait3A_138 : memref<10240x128xf32, #tpu.memory_space<hbm>>) dst(%arg10 : memref<96x128xf32, #tpu.memory_space<vmem>>)
        %add3A_139 = arith.constant 0 : i32
        %add3A_140 = arith.addi %add3A_82, %add3A_139 : i32
        %dma_start3A_141 = arith.constant 0 : i32
        %dma_start3A_142 = tpu.memref_slice %arg9[%add3A_140, %dma_start3A_141] : memref<105x96xi32, #tpu.memory_space<vmem>> -> memref<1x96xi32, #tpu.memory_space<vmem>>
        %dma_start3A_143 = tpu.memref_squeeze %dma_start3A_142 : memref<1x96xi32, #tpu.memory_space<vmem>> -> memref<96xi32, #tpu.memory_space<vmem>>
        %dma_start3A_144 = arith.constant 0 : i32
        %dma_start3A_145 = arith.constant 0 : i32
        %dma_start3A_146 = tpu.memref_slice %arg15[%dma_start3A_144, %dma_start3A_145] : memref<3840x128xf32, #tpu.memory_space<vmem_shared>> -> memref<3840x128xf32, #tpu.memory_space<vmem_shared>>
        tpu.enqueue_indirect_dma source(%arg10 : memref<96x128xf32, #tpu.memory_space<vmem>>) target(%dma_start3A_146 : memref<3840x128xf32, #tpu.memory_space<vmem_shared>>) offsets(%dma_start3A_143 : memref<96xi32, #tpu.memory_space<vmem>>) semaphore(%arg19 : memref<!tpu.dma_semaphore, #tpu.memory_space<semaphore_mem>>) {add = true}
        %dma_wait3A_147 = arith.constant 0 : i32
        %dma_wait3A_148 = tpu.memref_slice %arg8[%add3A_93, %dma_wait3A_147] : memref<105x96xi32, #tpu.memory_space<vmem>> -> memref<1x96xi32, #tpu.memory_space<vmem>>
        %dma_wait3A_149 = tpu.memref_squeeze %dma_wait3A_148 : memref<1x96xi32, #tpu.memory_space<vmem>> -> memref<96xi32, #tpu.memory_space<vmem>>
        %dma_wait3A_150 = arith.constant 0 : i32
        %dma_wait3A_151 = tpu.memref_slice %arg2[%multiple_of3A, %dma_wait3A_150] : memref<20480x128xf32, #tpu.memory_space<hbm>> -> memref<10240x128xf32, #tpu.memory_space<hbm>>
        %dma_wait3A_152 = arith.constant 0 : i32
        %dma_wait3A_153 = arith.constant 0 : i32
        %dma_wait3A_154 = tpu.memref_slice %dma_wait3A_151[%dma_wait3A_152, %dma_wait3A_153] : memref<10240x128xf32, #tpu.memory_space<hbm>> -> memref<10240x128xf32, #tpu.memory_space<hbm>>
        tpu.wait_indirect_dma semaphore(%arg18 : memref<!tpu.dma_semaphore, #tpu.memory_space<semaphore_mem>>) src(%dma_wait3A_154 : memref<10240x128xf32, #tpu.memory_space<hbm>>) dst(%arg11 : memref<96x128xf32, #tpu.memory_space<vmem>>)
        %add3A_155 = arith.constant 1 : i32
        %add3A_156 = arith.addi %add3A_82, %add3A_155 : i32
        %dma_start3A_157 = arith.constant 0 : i32
        %dma_start3A_158 = tpu.memref_slice %arg9[%add3A_156, %dma_start3A_157] : memref<105x96xi32, #tpu.memory_space<vmem>> -> memref<1x96xi32, #tpu.memory_space<vmem>>
        %dma_start3A_159 = tpu.memref_squeeze %dma_start3A_158 : memref<1x96xi32, #tpu.memory_space<vmem>> -> memref<96xi32, #tpu.memory_space<vmem>>
        %dma_start3A_160 = arith.constant 0 : i32
        %dma_start3A_161 = arith.constant 0 : i32
        %dma_start3A_162 = tpu.memref_slice %arg15[%dma_start3A_160, %dma_start3A_161] : memref<3840x128xf32, #tpu.memory_space<vmem_shared>> -> memref<3840x128xf32, #tpu.memory_space<vmem_shared>>
        tpu.enqueue_indirect_dma source(%arg11 : memref<96x128xf32, #tpu.memory_space<vmem>>) target(%dma_start3A_162 : memref<3840x128xf32, #tpu.memory_space<vmem_shared>>) offsets(%dma_start3A_159 : memref<96xi32, #tpu.memory_space<vmem>>) semaphore(%arg19 : memref<!tpu.dma_semaphore, #tpu.memory_space<semaphore_mem>>) {add = true}
        %dma_wait3A_163 = arith.constant 0 : i32
        %dma_wait3A_164 = tpu.memref_slice %arg8[%add3A_103, %dma_wait3A_163] : memref<105x96xi32, #tpu.memory_space<vmem>> -> memref<1x96xi32, #tpu.memory_space<vmem>>
        %dma_wait3A_165 = tpu.memref_squeeze %dma_wait3A_164 : memref<1x96xi32, #tpu.memory_space<vmem>> -> memref<96xi32, #tpu.memory_space<vmem>>
        %dma_wait3A_166 = arith.constant 0 : i32
        %dma_wait3A_167 = tpu.memref_slice %arg2[%multiple_of3A, %dma_wait3A_166] : memref<20480x128xf32, #tpu.memory_space<hbm>> -> memref<10240x128xf32, #tpu.memory_space<hbm>>
        %dma_wait3A_168 = arith.constant 0 : i32
        %dma_wait3A_169 = arith.constant 0 : i32
        %dma_wait3A_170 = tpu.memref_slice %dma_wait3A_167[%dma_wait3A_168, %dma_wait3A_169] : memref<10240x128xf32, #tpu.memory_space<hbm>> -> memref<10240x128xf32, #tpu.memory_space<hbm>>
        tpu.wait_indirect_dma semaphore(%arg18 : memref<!tpu.dma_semaphore, #tpu.memory_space<semaphore_mem>>) src(%dma_wait3A_170 : memref<10240x128xf32, #tpu.memory_space<hbm>>) dst(%arg12 : memref<96x128xf32, #tpu.memory_space<vmem>>)
        %add3A_171 = arith.constant 2 : i32
        %add3A_172 = arith.addi %add3A_82, %add3A_171 : i32
        %dma_start3A_173 = arith.constant 0 : i32
        %dma_start3A_174 = tpu.memref_slice %arg9[%add3A_172, %dma_start3A_173] : memref<105x96xi32, #tpu.memory_space<vmem>> -> memref<1x96xi32, #tpu.memory_space<vmem>>
        %dma_start3A_175 = tpu.memref_squeeze %dma_start3A_174 : memref<1x96xi32, #tpu.memory_space<vmem>> -> memref<96xi32, #tpu.memory_space<vmem>>
        %dma_start3A_176 = arith.constant 0 : i32
        %dma_start3A_177 = arith.constant 0 : i32
        %dma_start3A_178 = tpu.memref_slice %arg15[%dma_start3A_176, %dma_start3A_177] : memref<3840x128xf32, #tpu.memory_space<vmem_shared>> -> memref<3840x128xf32, #tpu.memory_space<vmem_shared>>
        tpu.enqueue_indirect_dma source(%arg12 : memref<96x128xf32, #tpu.memory_space<vmem>>) target(%dma_start3A_178 : memref<3840x128xf32, #tpu.memory_space<vmem_shared>>) offsets(%dma_start3A_175 : memref<96xi32, #tpu.memory_space<vmem>>) semaphore(%arg19 : memref<!tpu.dma_semaphore, #tpu.memory_space<semaphore_mem>>) {add = true}
        %dma_wait3A_179 = arith.constant 0 : i32
        %dma_wait3A_180 = tpu.memref_slice %arg8[%add3A_113, %dma_wait3A_179] : memref<105x96xi32, #tpu.memory_space<vmem>> -> memref<1x96xi32, #tpu.memory_space<vmem>>
        %dma_wait3A_181 = tpu.memref_squeeze %dma_wait3A_180 : memref<1x96xi32, #tpu.memory_space<vmem>> -> memref<96xi32, #tpu.memory_space<vmem>>
        %dma_wait3A_182 = arith.constant 0 : i32
        %dma_wait3A_183 = tpu.memref_slice %arg2[%multiple_of3A, %dma_wait3A_182] : memref<20480x128xf32, #tpu.memory_space<hbm>> -> memref<10240x128xf32, #tpu.memory_space<hbm>>
        %dma_wait3A_184 = arith.constant 0 : i32
        %dma_wait3A_185 = arith.constant 0 : i32
        %dma_wait3A_186 = tpu.memref_slice %dma_wait3A_183[%dma_wait3A_184, %dma_wait3A_185] : memref<10240x128xf32, #tpu.memory_space<hbm>> -> memref<10240x128xf32, #tpu.memory_space<hbm>>
        tpu.wait_indirect_dma semaphore(%arg18 : memref<!tpu.dma_semaphore, #tpu.memory_space<semaphore_mem>>) src(%dma_wait3A_186 : memref<10240x128xf32, #tpu.memory_space<hbm>>) dst(%arg13 : memref<96x128xf32, #tpu.memory_space<vmem>>)
        %add3A_187 = arith.constant 3 : i32
        %add3A_188 = arith.addi %add3A_82, %add3A_187 : i32
        %dma_start3A_189 = arith.constant 0 : i32
        %dma_start3A_190 = tpu.memref_slice %arg9[%add3A_188, %dma_start3A_189] : memref<105x96xi32, #tpu.memory_space<vmem>> -> memref<1x96xi32, #tpu.memory_space<vmem>>
        %dma_start3A_191 = tpu.memref_squeeze %dma_start3A_190 : memref<1x96xi32, #tpu.memory_space<vmem>> -> memref<96xi32, #tpu.memory_space<vmem>>
        %dma_start3A_192 = arith.constant 0 : i32
        %dma_start3A_193 = arith.constant 0 : i32
        %dma_start3A_194 = tpu.memref_slice %arg15[%dma_start3A_192, %dma_start3A_193] : memref<3840x128xf32, #tpu.memory_space<vmem_shared>> -> memref<3840x128xf32, #tpu.memory_space<vmem_shared>>
        tpu.enqueue_indirect_dma source(%arg13 : memref<96x128xf32, #tpu.memory_space<vmem>>) target(%dma_start3A_194 : memref<3840x128xf32, #tpu.memory_space<vmem_shared>>) offsets(%dma_start3A_191 : memref<96xi32, #tpu.memory_space<vmem>>) semaphore(%arg19 : memref<!tpu.dma_semaphore, #tpu.memory_space<semaphore_mem>>) {add = true}
        %dma_wait3A_195 = arith.constant 0 : i32
        %dma_wait3A_196 = tpu.memref_slice %arg8[%add3A_123, %dma_wait3A_195] : memref<105x96xi32, #tpu.memory_space<vmem>> -> memref<1x96xi32, #tpu.memory_space<vmem>>
        %dma_wait3A_197 = tpu.memref_squeeze %dma_wait3A_196 : memref<1x96xi32, #tpu.memory_space<vmem>> -> memref<96xi32, #tpu.memory_space<vmem>>
        %dma_wait3A_198 = arith.constant 0 : i32
        %dma_wait3A_199 = tpu.memref_slice %arg2[%multiple_of3A, %dma_wait3A_198] : memref<20480x128xf32, #tpu.memory_space<hbm>> -> memref<10240x128xf32, #tpu.memory_space<hbm>>
        %dma_wait3A_200 = arith.constant 0 : i32
        %dma_wait3A_201 = arith.constant 0 : i32
        %dma_wait3A_202 = tpu.memref_slice %dma_wait3A_199[%dma_wait3A_200, %dma_wait3A_201] : memref<10240x128xf32, #tpu.memory_space<hbm>> -> memref<10240x128xf32, #tpu.memory_space<hbm>>
        tpu.wait_indirect_dma semaphore(%arg18 : memref<!tpu.dma_semaphore, #tpu.memory_space<semaphore_mem>>) src(%dma_wait3A_202 : memref<10240x128xf32, #tpu.memory_space<hbm>>) dst(%arg14 : memref<96x128xf32, #tpu.memory_space<vmem>>)
        %add3A_203 = arith.constant 4 : i32
        %add3A_204 = arith.addi %add3A_82, %add3A_203 : i32
        %dma_start3A_205 = arith.constant 0 : i32
        %dma_start3A_206 = tpu.memref_slice %arg9[%add3A_204, %dma_start3A_205] : memref<105x96xi32, #tpu.memory_space<vmem>> -> memref<1x96xi32, #tpu.memory_space<vmem>>
        %dma_start3A_207 = tpu.memref_squeeze %dma_start3A_206 : memref<1x96xi32, #tpu.memory_space<vmem>> -> memref<96xi32, #tpu.memory_space<vmem>>
        %dma_start3A_208 = arith.constant 0 : i32
        %dma_start3A_209 = arith.constant 0 : i32
        %dma_start3A_210 = tpu.memref_slice %arg15[%dma_start3A_208, %dma_start3A_209] : memref<3840x128xf32, #tpu.memory_space<vmem_shared>> -> memref<3840x128xf32, #tpu.memory_space<vmem_shared>>
        tpu.enqueue_indirect_dma source(%arg14 : memref<96x128xf32, #tpu.memory_space<vmem>>) target(%dma_start3A_210 : memref<3840x128xf32, #tpu.memory_space<vmem_shared>>) offsets(%dma_start3A_207 : memref<96xi32, #tpu.memory_space<vmem>>) semaphore(%arg19 : memref<!tpu.dma_semaphore, #tpu.memory_space<semaphore_mem>>) {add = true}
        %dma_wait3A_211 = arith.constant 0 : i32
        %dma_wait3A_212 = tpu.memref_slice %arg9[%add3A_140, %dma_wait3A_211] : memref<105x96xi32, #tpu.memory_space<vmem>> -> memref<1x96xi32, #tpu.memory_space<vmem>>
        %dma_wait3A_213 = tpu.memref_squeeze %dma_wait3A_212 : memref<1x96xi32, #tpu.memory_space<vmem>> -> memref<96xi32, #tpu.memory_space<vmem>>
        %dma_wait3A_214 = arith.constant 0 : i32
        %dma_wait3A_215 = arith.constant 0 : i32
        %dma_wait3A_216 = tpu.memref_slice %arg15[%dma_wait3A_214, %dma_wait3A_215] : memref<3840x128xf32, #tpu.memory_space<vmem_shared>> -> memref<3840x128xf32, #tpu.memory_space<vmem_shared>>
        tpu.wait_indirect_dma semaphore(%arg19 : memref<!tpu.dma_semaphore, #tpu.memory_space<semaphore_mem>>) src(%arg10 : memref<96x128xf32, #tpu.memory_space<vmem>>) dst(%dma_wait3A_216 : memref<3840x128xf32, #tpu.memory_space<vmem_shared>>)
        %dma_wait3A_217 = arith.constant 0 : i32
        %dma_wait3A_218 = tpu.memref_slice %arg9[%add3A_156, %dma_wait3A_217] : memref<105x96xi32, #tpu.memory_space<vmem>> -> memref<1x96xi32, #tpu.memory_space<vmem>>
        %dma_wait3A_219 = tpu.memref_squeeze %dma_wait3A_218 : memref<1x96xi32, #tpu.memory_space<vmem>> -> memref<96xi32, #tpu.memory_space<vmem>>
        %dma_wait3A_220 = arith.constant 0 : i32
        %dma_wait3A_221 = arith.constant 0 : i32
        %dma_wait3A_222 = tpu.memref_slice %arg15[%dma_wait3A_220, %dma_wait3A_221] : memref<3840x128xf32, #tpu.memory_space<vmem_shared>> -> memref<3840x128xf32, #tpu.memory_space<vmem_shared>>
        tpu.wait_indirect_dma semaphore(%arg19 : memref<!tpu.dma_semaphore, #tpu.memory_space<semaphore_mem>>) src(%arg11 : memref<96x128xf32, #tpu.memory_space<vmem>>) dst(%dma_wait3A_222 : memref<3840x128xf32, #tpu.memory_space<vmem_shared>>)
        %dma_wait3A_223 = arith.constant 0 : i32
        %dma_wait3A_224 = tpu.memref_slice %arg9[%add3A_172, %dma_wait3A_223] : memref<105x96xi32, #tpu.memory_space<vmem>> -> memref<1x96xi32, #tpu.memory_space<vmem>>
        %dma_wait3A_225 = tpu.memref_squeeze %dma_wait3A_224 : memref<1x96xi32, #tpu.memory_space<vmem>> -> memref<96xi32, #tpu.memory_space<vmem>>
        %dma_wait3A_226 = arith.constant 0 : i32
        %dma_wait3A_227 = arith.constant 0 : i32
        %dma_wait3A_228 = tpu.memref_slice %arg15[%dma_wait3A_226, %dma_wait3A_227] : memref<3840x128xf32, #tpu.memory_space<vmem_shared>> -> memref<3840x128xf32, #tpu.memory_space<vmem_shared>>
        tpu.wait_indirect_dma semaphore(%arg19 : memref<!tpu.dma_semaphore, #tpu.memory_space<semaphore_mem>>) src(%arg12 : memref<96x128xf32, #tpu.memory_space<vmem>>) dst(%dma_wait3A_228 : memref<3840x128xf32, #tpu.memory_space<vmem_shared>>)
        %dma_wait3A_229 = arith.constant 0 : i32
        %dma_wait3A_230 = tpu.memref_slice %arg9[%add3A_188, %dma_wait3A_229] : memref<105x96xi32, #tpu.memory_space<vmem>> -> memref<1x96xi32, #tpu.memory_space<vmem>>
        %dma_wait3A_231 = tpu.memref_squeeze %dma_wait3A_230 : memref<1x96xi32, #tpu.memory_space<vmem>> -> memref<96xi32, #tpu.memory_space<vmem>>
        %dma_wait3A_232 = arith.constant 0 : i32
        %dma_wait3A_233 = arith.constant 0 : i32
        %dma_wait3A_234 = tpu.memref_slice %arg15[%dma_wait3A_232, %dma_wait3A_233] : memref<3840x128xf32, #tpu.memory_space<vmem_shared>> -> memref<3840x128xf32, #tpu.memory_space<vmem_shared>>
        tpu.wait_indirect_dma semaphore(%arg19 : memref<!tpu.dma_semaphore, #tpu.memory_space<semaphore_mem>>) src(%arg13 : memref<96x128xf32, #tpu.memory_space<vmem>>) dst(%dma_wait3A_234 : memref<3840x128xf32, #tpu.memory_space<vmem_shared>>)
        %dma_wait3A_235 = arith.constant 0 : i32
        %dma_wait3A_236 = tpu.memref_slice %arg9[%add3A_204, %dma_wait3A_235] : memref<105x96xi32, #tpu.memory_space<vmem>> -> memref<1x96xi32, #tpu.memory_space<vmem>>
        %dma_wait3A_237 = tpu.memref_squeeze %dma_wait3A_236 : memref<1x96xi32, #tpu.memory_space<vmem>> -> memref<96xi32, #tpu.memory_space<vmem>>
        %dma_wait3A_238 = arith.constant 0 : i32
        %dma_wait3A_239 = arith.constant 0 : i32
        %dma_wait3A_240 = tpu.memref_slice %arg15[%dma_wait3A_238, %dma_wait3A_239] : memref<3840x128xf32, #tpu.memory_space<vmem_shared>> -> memref<3840x128xf32, #tpu.memory_space<vmem_shared>>
        tpu.wait_indirect_dma semaphore(%arg19 : memref<!tpu.dma_semaphore, #tpu.memory_space<semaphore_mem>>) src(%arg14 : memref<96x128xf32, #tpu.memory_space<vmem>>) dst(%dma_wait3A_240 : memref<3840x128xf32, #tpu.memory_space<vmem_shared>>)
      }
      %scan3A_68 = arith.constant 21 : i32
      %barrier3A_69 = arith.constant 0 : index
      tpu.barrier barrier_id(%barrier3A_69)
      %eq3A = arith.constant 0 : i32
      %eq3A_70 = arith.cmpi eq, %arg0, %eq3A : i32
      %convert_element_type3A = arith.extui %eq3A_70 : i1 to i32
      %cond3A = arith.constant 0 : i32
      %cond3A_71 = arith.cmpi ne, %convert_element_type3A, %cond3A : i32
      scf.if %cond3A_71 {
        %mul3A_78 = arith.constant 240 : i32
        %mul3A_79 = arith.muli %arg1, %mul3A_78 : i32
        %mul3A_80 = arith.constant 240 : i32
        %mul3A_81 = arith.muli %arg1, %mul3A_80 : i32
        "tpu.region"() ({
          %run_scoped3A_82 = tpu.sem_alloc : memref<!tpu.dma_semaphore, #tpu.memory_space<semaphore_mem>>
          %dma_start3A = arith.constant 0 : i32
          %dma_start3A_83 = tpu.memref_slice %arg6[%add3A_44, %mul3A_81, %dma_start3A] : memref<2x3840x128xf32, #tpu.memory_space<hbm>> -> memref<1x240x128xf32, #tpu.memory_space<hbm>>
          %dma_start3A_84 = tpu.memref_squeeze %dma_start3A_83 : memref<1x240x128xf32, #tpu.memory_space<hbm>> -> memref<240x128xf32, #tpu.memory_space<hbm>>
          %dma_start3A_85 = arith.constant 0 : i32
          %dma_start3A_86 = tpu.memref_slice %arg15[%mul3A_79, %dma_start3A_85] : memref<3840x128xf32, #tpu.memory_space<vmem_shared>> -> memref<240x128xf32, #tpu.memory_space<vmem_shared>>
          tpu.enqueue_dma source(%dma_start3A_86 : memref<240x128xf32, #tpu.memory_space<vmem_shared>>) target(%dma_start3A_84 : memref<240x128xf32, #tpu.memory_space<hbm>>) target_semaphore(%run_scoped3A_82 : memref<!tpu.dma_semaphore, #tpu.memory_space<semaphore_mem>>)
          %dma_wait3A = arith.constant 0 : i32
          %dma_wait3A_87 = tpu.memref_slice %arg6[%add3A_44, %mul3A_81, %dma_wait3A] : memref<2x3840x128xf32, #tpu.memory_space<hbm>> -> memref<1x240x128xf32, #tpu.memory_space<hbm>>
          %dma_wait3A_88 = tpu.memref_squeeze %dma_wait3A_87 : memref<1x240x128xf32, #tpu.memory_space<hbm>> -> memref<240x128xf32, #tpu.memory_space<hbm>>
          %dma_wait3A_89 = arith.constant 0 : i32
          %dma_wait3A_90 = tpu.memref_slice %arg15[%mul3A_79, %dma_wait3A_89] : memref<3840x128xf32, #tpu.memory_space<vmem_shared>> -> memref<240x128xf32, #tpu.memory_space<vmem_shared>>
          tpu.wait_dma2 semaphore(%run_scoped3A_82 : memref<!tpu.dma_semaphore, #tpu.memory_space<semaphore_mem>>) src(%dma_wait3A_90 : memref<240x128xf32, #tpu.memory_space<vmem_shared>>) dst(%dma_wait3A_88 : memref<240x128xf32, #tpu.memory_space<hbm>>)
          tpu.yield
        }) : () -> ()
      } else {
      }
      %eq3A_72 = arith.constant 1 : i32
      %eq3A_73 = arith.cmpi eq, %arg0, %eq3A_72 : i32
      %convert_element_type3A_74 = arith.extui %eq3A_73 : i1 to i32
      %cond3A_75 = arith.constant 0 : i32
      %cond3A_76 = arith.cmpi ne, %convert_element_type3A_74, %cond3A_75 : i32
      scf.if %cond3A_76 {
        %mul3A_78 = arith.constant 240 : i32
        %mul3A_79 = arith.muli %arg1, %mul3A_78 : i32
        %mul3A_80 = arith.constant 240 : i32
        %mul3A_81 = arith.muli %arg1, %mul3A_80 : i32
        "tpu.region"() ({
          %run_scoped3A_82 = tpu.sem_alloc : memref<!tpu.dma_semaphore, #tpu.memory_space<semaphore_mem>>
          %dma_start3A = arith.constant 0 : i32
          %dma_start3A_83 = tpu.memref_slice %arg7[%add3A_44, %mul3A_81, %dma_start3A] : memref<2x3840x128xf32, #tpu.memory_space<hbm>> -> memref<1x240x128xf32, #tpu.memory_space<hbm>>
          %dma_start3A_84 = tpu.memref_squeeze %dma_start3A_83 : memref<1x240x128xf32, #tpu.memory_space<hbm>> -> memref<240x128xf32, #tpu.memory_space<hbm>>
          %dma_start3A_85 = arith.constant 0 : i32
          %dma_start3A_86 = tpu.memref_slice %arg15[%mul3A_79, %dma_start3A_85] : memref<3840x128xf32, #tpu.memory_space<vmem_shared>> -> memref<240x128xf32, #tpu.memory_space<vmem_shared>>
          tpu.enqueue_dma source(%dma_start3A_86 : memref<240x128xf32, #tpu.memory_space<vmem_shared>>) target(%dma_start3A_84 : memref<240x128xf32, #tpu.memory_space<hbm>>) target_semaphore(%run_scoped3A_82 : memref<!tpu.dma_semaphore, #tpu.memory_space<semaphore_mem>>)
          %dma_wait3A = arith.constant 0 : i32
          %dma_wait3A_87 = tpu.memref_slice %arg7[%add3A_44, %mul3A_81, %dma_wait3A] : memref<2x3840x128xf32, #tpu.memory_space<hbm>> -> memref<1x240x128xf32, #tpu.memory_space<hbm>>
          %dma_wait3A_88 = tpu.memref_squeeze %dma_wait3A_87 : memref<1x240x128xf32, #tpu.memory_space<hbm>> -> memref<240x128xf32, #tpu.memory_space<hbm>>
          %dma_wait3A_89 = arith.constant 0 : i32
          %dma_wait3A_90 = tpu.memref_slice %arg15[%mul3A_79, %dma_wait3A_89] : memref<3840x128xf32, #tpu.memory_space<vmem_shared>> -> memref<240x128xf32, #tpu.memory_space<vmem_shared>>
          tpu.wait_dma2 semaphore(%run_scoped3A_82 : memref<!tpu.dma_semaphore, #tpu.memory_space<semaphore_mem>>) src(%dma_wait3A_90 : memref<240x128xf32, #tpu.memory_space<vmem_shared>>) dst(%dma_wait3A_88 : memref<240x128xf32, #tpu.memory_space<hbm>>)
          tpu.yield
        }) : () -> ()
      } else {
      }
      %barrier3A_77 = arith.constant 0 : index
      tpu.barrier barrier_id(%barrier3A_77)
    }
    %while3A_41 = arith.constant 1 : i32
    scf.for %while3A_42 = %while3A_39 to %while3A_35 step %while3A_41  : i32 {
      %mul3A_43 = arith.muli %while3A_42, %while3A : i32
      %add3A_44 = arith.addi %while3A_32, %mul3A_43 : i32
      %mul3A_45 = arith.constant 10240 : i32
      %mul3A_46 = arith.muli %add3A_44, %mul3A_45 : i32
      %multiple_of3A = tpu.assume_multiple %mul3A_46, 10240 : i32
      %scan3A_47 = arith.constant 0 : i32
      %scan3A_48 = arith.constant 96 : i32
      %scan3A_49 = arith.addi %scan3A_47, %scan3A_48 : i32
      %scan3A_50 = arith.constant 1 : i32
      scf.for %scan3A_78 = %scan3A_47 to %scan3A_49 step %scan3A_50  : i32 {
        %mul3A_79 = arith.constant 1 : i32
        %mul3A_80 = arith.muli %scan3A_78, %mul3A_79 : i32
        %add3A_81 = arith.constant 0 : i32
        %add3A_82 = arith.addi %add3A_81, %mul3A_80 : i32
        %scan3A_83 = arith.constant 0 : i32
        %scan3A_84 = arith.constant 8 : i32
        %scan3A_85 = arith.addi %scan3A_83, %scan3A_84 : i32
        %scan3A_86 = arith.constant 1 : i32
        scf.for %scan3A_88 = %scan3A_83 to %scan3A_85 step %scan3A_86  : i32 {
          %mul3A_89 = arith.constant 16 : i32
          %mul3A_90 = arith.muli %scan3A_88, %mul3A_89 : i32
          %add3A_91 = arith.constant 0 : i32
          %add3A_92 = arith.addi %add3A_91, %mul3A_90 : i32
          %broadcast_in_dim3A = arith.constant 0.000000e+00 : f32
          %broadcast_in_dim3A_93 = vector.broadcast %broadcast_in_dim3A : f32 to vector<16xf32>
          %swap3A = arith.index_cast %add3A_82 : i32 to index
          %swap3A_94 = arith.index_cast %add3A_92 : i32 to index
          %swap3A_95 = tpu.vector_load %arg10[%swap3A, %swap3A_94] {strides = array<i32>} : memref<96x128xf32, #tpu.memory_space<vmem>>, vector<16xf32>,
          tpu.vector_store %arg10[%swap3A, %swap3A_94], %broadcast_in_dim3A_93 {strides = array<i32>} : memref<96x128xf32, #tpu.memory_space<vmem>>, vector<16xf32>,
        }
        %scan3A_87 = arith.constant 8 : i32
      }
      %scan3A_51 = arith.constant 96 : i32
      %mul3A_52 = arith.constant 240 : i32
      %mul3A_53 = arith.muli %arg1, %mul3A_52 : i32
      %add3A_54 = arith.constant 0 : i32
      %add3A_55 = arith.addi %mul3A_53, %add3A_54 : i32
      "tpu.region"() ({
        %run_scoped3A_78 = tpu.sem_alloc : memref<!tpu.dma_semaphore, #tpu.memory_space<semaphore_mem>>
        %dma_start3A = arith.constant 0 : i32
        %dma_start3A_79 = tpu.memref_slice %arg15[%add3A_55, %dma_start3A] : memref<3840x128xf32, #tpu.memory_space<vmem_shared>> -> memref<96x128xf32, #tpu.memory_space<vmem_shared>>
        %dma_start3A_80 = arith.constant 0 : i32
        %dma_start3A_81 = tpu.memref_slice %arg15[%add3A_55, %dma_start3A_80] : memref<3840x128xf32, #tpu.memory_space<vmem_shared>> -> memref<96x128xf32, #tpu.memory_space<vmem_shared>>
        tpu.enqueue_dma source(%arg10 : memref<96x128xf32, #tpu.memory_space<vmem>>) target(%dma_start3A_81 : memref<96x128xf32, #tpu.memory_space<vmem_shared>>) target_semaphore(%run_scoped3A_78 : memref<!tpu.dma_semaphore, #tpu.memory_space<semaphore_mem>>)
        %dma_wait3A = arith.constant 0 : i32
        %dma_wait3A_82 = tpu.memref_slice %arg15[%add3A_55, %dma_wait3A] : memref<3840x128xf32, #tpu.memory_space<vmem_shared>> -> memref<96x128xf32, #tpu.memory_space<vmem_shared>>
        %dma_wait3A_83 = arith.constant 0 : i32
        %dma_wait3A_84 = tpu.memref_slice %arg15[%add3A_55, %dma_wait3A_83] : memref<3840x128xf32, #tpu.memory_space<vmem_shared>> -> memref<96x128xf32, #tpu.memory_space<vmem_shared>>
        tpu.wait_dma2 semaphore(%run_scoped3A_78 : memref<!tpu.dma_semaphore, #tpu.memory_space<semaphore_mem>>) src(%arg10 : memref<96x128xf32, #tpu.memory_space<vmem>>) dst(%dma_wait3A_84 : memref<96x128xf32, #tpu.memory_space<vmem_shared>>)
        tpu.yield
      }) : () -> ()
      %mul3A_56 = arith.constant 240 : i32
      %mul3A_57 = arith.muli %arg1, %mul3A_56 : i32
      %add3A_58 = arith.constant 96 : i32
      %add3A_59 = arith.addi %mul3A_57, %add3A_58 : i32
      "tpu.region"() ({
        %run_scoped3A_78 = tpu.sem_alloc : memref<!tpu.dma_semaphore, #tpu.memory_space<semaphore_mem>>
        %dma_start3A = arith.constant 0 : i32
        %dma_start3A_79 = tpu.memref_slice %arg15[%add3A_59, %dma_start3A] : memref<3840x128xf32, #tpu.memory_space<vmem_shared>> -> memref<96x128xf32, #tpu.memory_space<vmem_shared>>
        %dma_start3A_80 = arith.constant 0 : i32
        %dma_start3A_81 = tpu.memref_slice %arg15[%add3A_59, %dma_start3A_80] : memref<3840x128xf32, #tpu.memory_space<vmem_shared>> -> memref<96x128xf32, #tpu.memory_space<vmem_shared>>
        tpu.enqueue_dma source(%arg10 : memref<96x128xf32, #tpu.memory_space<vmem>>) target(%dma_start3A_81 : memref<96x128xf32, #tpu.memory_space<vmem_shared>>) target_semaphore(%run_scoped3A_78 : memref<!tpu.dma_semaphore, #tpu.memory_space<semaphore_mem>>)
        %dma_wait3A = arith.constant 0 : i32
        %dma_wait3A_82 = tpu.memref_slice %arg15[%add3A_59, %dma_wait3A] : memref<3840x128xf32, #tpu.memory_space<vmem_shared>> -> memref<96x128xf32, #tpu.memory_space<vmem_shared>>
        %dma_wait3A_83 = arith.constant 0 : i32
        %dma_wait3A_84 = tpu.memref_slice %arg15[%add3A_59, %dma_wait3A_83] : memref<3840x128xf32, #tpu.memory_space<vmem_shared>> -> memref<96x128xf32, #tpu.memory_space<vmem_shared>>
        tpu.wait_dma2 semaphore(%run_scoped3A_78 : memref<!tpu.dma_semaphore, #tpu.memory_space<semaphore_mem>>) src(%arg10 : memref<96x128xf32, #tpu.memory_space<vmem>>) dst(%dma_wait3A_84 : memref<96x128xf32, #tpu.memory_space<vmem_shared>>)
        tpu.yield
      }) : () -> ()
      %mul3A_60 = arith.constant 240 : i32
      %mul3A_61 = arith.muli %arg1, %mul3A_60 : i32
      %add3A_62 = arith.constant 192 : i32
      %add3A_63 = arith.addi %mul3A_61, %add3A_62 : i32
      "tpu.region"() ({
        %run_scoped3A_78 = tpu.sem_alloc : memref<!tpu.dma_semaphore, #tpu.memory_space<semaphore_mem>>
        %dma_start3A = arith.constant 0 : i32
        %dma_start3A_79 = arith.constant 0 : i32
        %dma_start3A_80 = tpu.memref_slice %arg10[%dma_start3A, %dma_start3A_79] : memref<96x128xf32, #tpu.memory_space<vmem>> -> memref<48x128xf32, #tpu.memory_space<vmem>>
        %dma_start3A_81 = arith.constant 0 : i32
        %dma_start3A_82 = tpu.memref_slice %arg15[%add3A_63, %dma_start3A_81] : memref<3840x128xf32, #tpu.memory_space<vmem_shared>> -> memref<48x128xf32, #tpu.memory_space<vmem_shared>>
        %dma_start3A_83 = arith.constant 0 : i32
        %dma_start3A_84 = tpu.memref_slice %arg15[%add3A_63, %dma_start3A_83] : memref<3840x128xf32, #tpu.memory_space<vmem_shared>> -> memref<48x128xf32, #tpu.memory_space<vmem_shared>>
        %dma_start3A_85 = arith.constant 0 : i32
        %dma_start3A_86 = arith.constant 0 : i32
        %dma_start3A_87 = tpu.memref_slice %arg10[%dma_start3A_85, %dma_start3A_86] : memref<96x128xf32, #tpu.memory_space<vmem>> -> memref<48x128xf32, #tpu.memory_space<vmem>>
        tpu.enqueue_dma source(%dma_start3A_87 : memref<48x128xf32, #tpu.memory_space<vmem>>) target(%dma_start3A_84 : memref<48x128xf32, #tpu.memory_space<vmem_shared>>) target_semaphore(%run_scoped3A_78 : memref<!tpu.dma_semaphore, #tpu.memory_space<semaphore_mem>>)
        %dma_wait3A = arith.constant 0 : i32
        %dma_wait3A_88 = arith.constant 0 : i32
        %dma_wait3A_89 = tpu.memref_slice %arg10[%dma_wait3A, %dma_wait3A_88] : memref<96x128xf32, #tpu.memory_space<vmem>> -> memref<48x128xf32, #tpu.memory_space<vmem>>
        %dma_wait3A_90 = arith.constant 0 : i32
        %dma_wait3A_91 = tpu.memref_slice %arg15[%add3A_63, %dma_wait3A_90] : memref<3840x128xf32, #tpu.memory_space<vmem_shared>> -> memref<48x128xf32, #tpu.memory_space<vmem_shared>>
        %dma_wait3A_92 = arith.constant 0 : i32
        %dma_wait3A_93 = tpu.memref_slice %arg15[%add3A_63, %dma_wait3A_92] : memref<3840x128xf32, #tpu.memory_space<vmem_shared>> -> memref<48x128xf32, #tpu.memory_space<vmem_shared>>
        %dma_wait3A_94 = arith.constant 0 : i32
        %dma_wait3A_95 = arith.constant 0 : i32
        %dma_wait3A_96 = tpu.memref_slice %arg10[%dma_wait3A_94, %dma_wait3A_95] : memref<96x128xf32, #tpu.memory_space<vmem>> -> memref<48x128xf32, #tpu.memory_space<vmem>>
        tpu.wait_dma2 semaphore(%run_scoped3A_78 : memref<!tpu.dma_semaphore, #tpu.memory_space<semaphore_mem>>) src(%dma_wait3A_96 : memref<48x128xf32, #tpu.memory_space<vmem>>) dst(%dma_wait3A_93 : memref<48x128xf32, #tpu.memory_space<vmem_shared>>)
        tpu.yield
      }) : () -> ()
      %barrier3A = arith.constant 0 : index
      tpu.barrier barrier_id(%barrier3A)
      %scan3A_64 = arith.constant 0 : i32
      %scan3A_65 = arith.constant 21 : i32
      %scan3A_66 = arith.addi %scan3A_64, %scan3A_65 : i32
      %scan3A_67 = arith.constant 1 : i32
      scf.for %scan3A_78 = %scan3A_64 to %scan3A_66 step %scan3A_67  : i32 {
        %mul3A_79 = arith.constant 5 : i32
        %mul3A_80 = arith.muli %scan3A_78, %mul3A_79 : i32
        %add3A_81 = arith.constant 0 : i32
        %add3A_82 = arith.addi %add3A_81, %mul3A_80 : i32
        %add3A_83 = arith.constant 0 : i32
        %add3A_84 = arith.addi %add3A_82, %add3A_83 : i32
        %dma_start3A = arith.constant 0 : i32
        %dma_start3A_85 = tpu.memref_slice %arg8[%add3A_84, %dma_start3A] : memref<105x96xi32, #tpu.memory_space<vmem>> -> memref<1x96xi32, #tpu.memory_space<vmem>>
        %dma_start3A_86 = tpu.memref_squeeze %dma_start3A_85 : memref<1x96xi32, #tpu.memory_space<vmem>> -> memref<96xi32, #tpu.memory_space<vmem>>
        %dma_start3A_87 = arith.constant 0 : i32
        %dma_start3A_88 = tpu.memref_slice %arg2[%multiple_of3A, %dma_start3A_87] : memref<20480x128xf32, #tpu.memory_space<hbm>> -> memref<10240x128xf32, #tpu.memory_space<hbm>>
        %dma_start3A_89 = arith.constant 0 : i32
        %dma_start3A_90 = arith.constant 0 : i32
        %dma_start3A_91 = tpu.memref_slice %dma_start3A_88[%dma_start3A_89, %dma_start3A_90] : memref<10240x128xf32, #tpu.memory_space<hbm>> -> memref<10240x128xf32, #tpu.memory_space<hbm>>
        tpu.enqueue_indirect_dma source(%dma_start3A_91 : memref<10240x128xf32, #tpu.memory_space<hbm>>) target(%arg10 : memref<96x128xf32, #tpu.memory_space<vmem>>) offsets(%dma_start3A_86 : memref<96xi32, #tpu.memory_space<vmem>>) semaphore(%arg18 : memref<!tpu.dma_semaphore, #tpu.memory_space<semaphore_mem>>)
        %add3A_92 = arith.constant 1 : i32
        %add3A_93 = arith.addi %add3A_82, %add3A_92 : i32
        %dma_start3A_94 = arith.constant 0 : i32
        %dma_start3A_95 = tpu.memref_slice %arg8[%add3A_93, %dma_start3A_94] : memref<105x96xi32, #tpu.memory_space<vmem>> -> memref<1x96xi32, #tpu.memory_space<vmem>>
        %dma_start3A_96 = tpu.memref_squeeze %dma_start3A_95 : memref<1x96xi32, #tpu.memory_space<vmem>> -> memref<96xi32, #tpu.memory_space<vmem>>
        %dma_start3A_97 = arith.constant 0 : i32
        %dma_start3A_98 = tpu.memref_slice %arg2[%multiple_of3A, %dma_start3A_97] : memref<20480x128xf32, #tpu.memory_space<hbm>> -> memref<10240x128xf32, #tpu.memory_space<hbm>>
        %dma_start3A_99 = arith.constant 0 : i32
        %dma_start3A_100 = arith.constant 0 : i32
        %dma_start3A_101 = tpu.memref_slice %dma_start3A_98[%dma_start3A_99, %dma_start3A_100] : memref<10240x128xf32, #tpu.memory_space<hbm>> -> memref<10240x128xf32, #tpu.memory_space<hbm>>
        tpu.enqueue_indirect_dma source(%dma_start3A_101 : memref<10240x128xf32, #tpu.memory_space<hbm>>) target(%arg11 : memref<96x128xf32, #tpu.memory_space<vmem>>) offsets(%dma_start3A_96 : memref<96xi32, #tpu.memory_space<vmem>>) semaphore(%arg18 : memref<!tpu.dma_semaphore, #tpu.memory_space<semaphore_mem>>)
        %add3A_102 = arith.constant 2 : i32
        %add3A_103 = arith.addi %add3A_82, %add3A_102 : i32
        %dma_start3A_104 = arith.constant 0 : i32
        %dma_start3A_105 = tpu.memref_slice %arg8[%add3A_103, %dma_start3A_104] : memref<105x96xi32, #tpu.memory_space<vmem>> -> memref<1x96xi32, #tpu.memory_space<vmem>>
        %dma_start3A_106 = tpu.memref_squeeze %dma_start3A_105 : memref<1x96xi32, #tpu.memory_space<vmem>> -> memref<96xi32, #tpu.memory_space<vmem>>
        %dma_start3A_107 = arith.constant 0 : i32
        %dma_start3A_108 = tpu.memref_slice %arg2[%multiple_of3A, %dma_start3A_107] : memref<20480x128xf32, #tpu.memory_space<hbm>> -> memref<10240x128xf32, #tpu.memory_space<hbm>>
        %dma_start3A_109 = arith.constant 0 : i32
        %dma_start3A_110 = arith.constant 0 : i32
        %dma_start3A_111 = tpu.memref_slice %dma_start3A_108[%dma_start3A_109, %dma_start3A_110] : memref<10240x128xf32, #tpu.memory_space<hbm>> -> memref<10240x128xf32, #tpu.memory_space<hbm>>
        tpu.enqueue_indirect_dma source(%dma_start3A_111 : memref<10240x128xf32, #tpu.memory_space<hbm>>) target(%arg12 : memref<96x128xf32, #tpu.memory_space<vmem>>) offsets(%dma_start3A_106 : memref<96xi32, #tpu.memory_space<vmem>>) semaphore(%arg18 : memref<!tpu.dma_semaphore, #tpu.memory_space<semaphore_mem>>)
        %add3A_112 = arith.constant 3 : i32
        %add3A_113 = arith.addi %add3A_82, %add3A_112 : i32
        %dma_start3A_114 = arith.constant 0 : i32
        %dma_start3A_115 = tpu.memref_slice %arg8[%add3A_113, %dma_start3A_114] : memref<105x96xi32, #tpu.memory_space<vmem>> -> memref<1x96xi32, #tpu.memory_space<vmem>>
        %dma_start3A_116 = tpu.memref_squeeze %dma_start3A_115 : memref<1x96xi32, #tpu.memory_space<vmem>> -> memref<96xi32, #tpu.memory_space<vmem>>
        %dma_start3A_117 = arith.constant 0 : i32
        %dma_start3A_118 = tpu.memref_slice %arg2[%multiple_of3A, %dma_start3A_117] : memref<20480x128xf32, #tpu.memory_space<hbm>> -> memref<10240x128xf32, #tpu.memory_space<hbm>>
        %dma_start3A_119 = arith.constant 0 : i32
        %dma_start3A_120 = arith.constant 0 : i32
        %dma_start3A_121 = tpu.memref_slice %dma_start3A_118[%dma_start3A_119, %dma_start3A_120] : memref<10240x128xf32, #tpu.memory_space<hbm>> -> memref<10240x128xf32, #tpu.memory_space<hbm>>
        tpu.enqueue_indirect_dma source(%dma_start3A_121 : memref<10240x128xf32, #tpu.memory_space<hbm>>) target(%arg13 : memref<96x128xf32, #tpu.memory_space<vmem>>) offsets(%dma_start3A_116 : memref<96xi32, #tpu.memory_space<vmem>>) semaphore(%arg18 : memref<!tpu.dma_semaphore, #tpu.memory_space<semaphore_mem>>)
        %add3A_122 = arith.constant 4 : i32
        %add3A_123 = arith.addi %add3A_82, %add3A_122 : i32
        %dma_start3A_124 = arith.constant 0 : i32
        %dma_start3A_125 = tpu.memref_slice %arg8[%add3A_123, %dma_start3A_124] : memref<105x96xi32, #tpu.memory_space<vmem>> -> memref<1x96xi32, #tpu.memory_space<vmem>>
        %dma_start3A_126 = tpu.memref_squeeze %dma_start3A_125 : memref<1x96xi32, #tpu.memory_space<vmem>> -> memref<96xi32, #tpu.memory_space<vmem>>
        %dma_start3A_127 = arith.constant 0 : i32
        %dma_start3A_128 = tpu.memref_slice %arg2[%multiple_of3A, %dma_start3A_127] : memref<20480x128xf32, #tpu.memory_space<hbm>> -> memref<10240x128xf32, #tpu.memory_space<hbm>>
        %dma_start3A_129 = arith.constant 0 : i32
        %dma_start3A_130 = arith.constant 0 : i32
        %dma_start3A_131 = tpu.memref_slice %dma_start3A_128[%dma_start3A_129, %dma_start3A_130] : memref<10240x128xf32, #tpu.memory_space<hbm>> -> memref<10240x128xf32, #tpu.memory_space<hbm>>
        tpu.enqueue_indirect_dma source(%dma_start3A_131 : memref<10240x128xf32, #tpu.memory_space<hbm>>) target(%arg14 : memref<96x128xf32, #tpu.memory_space<vmem>>) offsets(%dma_start3A_126 : memref<96xi32, #tpu.memory_space<vmem>>) semaphore(%arg18 : memref<!tpu.dma_semaphore, #tpu.memory_space<semaphore_mem>>)
        %dma_wait3A = arith.constant 0 : i32
        %dma_wait3A_132 = tpu.memref_slice %arg8[%add3A_84, %dma_wait3A] : memref<105x96xi32, #tpu.memory_space<vmem>> -> memref<1x96xi32, #tpu.memory_space<vmem>>
        %dma_wait3A_133 = tpu.memref_squeeze %dma_wait3A_132 : memref<1x96xi32, #tpu.memory_space<vmem>> -> memref<96xi32, #tpu.memory_space<vmem>>
        %dma_wait3A_134 = arith.constant 0 : i32
        %dma_wait3A_135 = tpu.memref_slice %arg2[%multiple_of3A, %dma_wait3A_134] : memref<20480x128xf32, #tpu.memory_space<hbm>> -> memref<10240x128xf32, #tpu.memory_space<hbm>>
        %dma_wait3A_136 = arith.constant 0 : i32
        %dma_wait3A_137 = arith.constant 0 : i32
        %dma_wait3A_138 = tpu.memref_slice %dma_wait3A_135[%dma_wait3A_136, %dma_wait3A_137] : memref<10240x128xf32, #tpu.memory_space<hbm>> -> memref<10240x128xf32, #tpu.memory_space<hbm>>
        tpu.wait_indirect_dma semaphore(%arg18 : memref<!tpu.dma_semaphore, #tpu.memory_space<semaphore_mem>>) src(%dma_wait3A_138 : memref<10240x128xf32, #tpu.memory_space<hbm>>) dst(%arg10 : memref<96x128xf32, #tpu.memory_space<vmem>>)
        %add3A_139 = arith.constant 0 : i32
        %add3A_140 = arith.addi %add3A_82, %add3A_139 : i32
        %dma_start3A_141 = arith.constant 0 : i32
        %dma_start3A_142 = tpu.memref_slice %arg9[%add3A_140, %dma_start3A_141] : memref<105x96xi32, #tpu.memory_space<vmem>> -> memref<1x96xi32, #tpu.memory_space<vmem>>
        %dma_start3A_143 = tpu.memref_squeeze %dma_start3A_142 : memref<1x96xi32, #tpu.memory_space<vmem>> -> memref<96xi32, #tpu.memory_space<vmem>>
        %dma_start3A_144 = arith.constant 0 : i32
        %dma_start3A_145 = arith.constant 0 : i32
        %dma_start3A_146 = tpu.memref_slice %arg15[%dma_start3A_144, %dma_start3A_145] : memref<3840x128xf32, #tpu.memory_space<vmem_shared>> -> memref<3840x128xf32, #tpu.memory_space<vmem_shared>>
        tpu.enqueue_indirect_dma source(%arg10 : memref<96x128xf32, #tpu.memory_space<vmem>>) target(%dma_start3A_146 : memref<3840x128xf32, #tpu.memory_space<vmem_shared>>) offsets(%dma_start3A_143 : memref<96xi32, #tpu.memory_space<vmem>>) semaphore(%arg19 : memref<!tpu.dma_semaphore, #tpu.memory_space<semaphore_mem>>) {add = true}
        %dma_wait3A_147 = arith.constant 0 : i32
        %dma_wait3A_148 = tpu.memref_slice %arg8[%add3A_93, %dma_wait3A_147] : memref<105x96xi32, #tpu.memory_space<vmem>> -> memref<1x96xi32, #tpu.memory_space<vmem>>
        %dma_wait3A_149 = tpu.memref_squeeze %dma_wait3A_148 : memref<1x96xi32, #tpu.memory_space<vmem>> -> memref<96xi32, #tpu.memory_space<vmem>>
        %dma_wait3A_150 = arith.constant 0 : i32
        %dma_wait3A_151 = tpu.memref_slice %arg2[%multiple_of3A, %dma_wait3A_150] : memref<20480x128xf32, #tpu.memory_space<hbm>> -> memref<10240x128xf32, #tpu.memory_space<hbm>>
        %dma_wait3A_152 = arith.constant 0 : i32
        %dma_wait3A_153 = arith.constant 0 : i32
        %dma_wait3A_154 = tpu.memref_slice %dma_wait3A_151[%dma_wait3A_152, %dma_wait3A_153] : memref<10240x128xf32, #tpu.memory_space<hbm>> -> memref<10240x128xf32, #tpu.memory_space<hbm>>
        tpu.wait_indirect_dma semaphore(%arg18 : memref<!tpu.dma_semaphore, #tpu.memory_space<semaphore_mem>>) src(%dma_wait3A_154 : memref<10240x128xf32, #tpu.memory_space<hbm>>) dst(%arg11 : memref<96x128xf32, #tpu.memory_space<vmem>>)
        %add3A_155 = arith.constant 1 : i32
        %add3A_156 = arith.addi %add3A_82, %add3A_155 : i32
        %dma_start3A_157 = arith.constant 0 : i32
        %dma_start3A_158 = tpu.memref_slice %arg9[%add3A_156, %dma_start3A_157] : memref<105x96xi32, #tpu.memory_space<vmem>> -> memref<1x96xi32, #tpu.memory_space<vmem>>
        %dma_start3A_159 = tpu.memref_squeeze %dma_start3A_158 : memref<1x96xi32, #tpu.memory_space<vmem>> -> memref<96xi32, #tpu.memory_space<vmem>>
        %dma_start3A_160 = arith.constant 0 : i32
        %dma_start3A_161 = arith.constant 0 : i32
        %dma_start3A_162 = tpu.memref_slice %arg15[%dma_start3A_160, %dma_start3A_161] : memref<3840x128xf32, #tpu.memory_space<vmem_shared>> -> memref<3840x128xf32, #tpu.memory_space<vmem_shared>>
        tpu.enqueue_indirect_dma source(%arg11 : memref<96x128xf32, #tpu.memory_space<vmem>>) target(%dma_start3A_162 : memref<3840x128xf32, #tpu.memory_space<vmem_shared>>) offsets(%dma_start3A_159 : memref<96xi32, #tpu.memory_space<vmem>>) semaphore(%arg19 : memref<!tpu.dma_semaphore, #tpu.memory_space<semaphore_mem>>) {add = true}
        %dma_wait3A_163 = arith.constant 0 : i32
        %dma_wait3A_164 = tpu.memref_slice %arg8[%add3A_103, %dma_wait3A_163] : memref<105x96xi32, #tpu.memory_space<vmem>> -> memref<1x96xi32, #tpu.memory_space<vmem>>
        %dma_wait3A_165 = tpu.memref_squeeze %dma_wait3A_164 : memref<1x96xi32, #tpu.memory_space<vmem>> -> memref<96xi32, #tpu.memory_space<vmem>>
        %dma_wait3A_166 = arith.constant 0 : i32
        %dma_wait3A_167 = tpu.memref_slice %arg2[%multiple_of3A, %dma_wait3A_166] : memref<20480x128xf32, #tpu.memory_space<hbm>> -> memref<10240x128xf32, #tpu.memory_space<hbm>>
        %dma_wait3A_168 = arith.constant 0 : i32
        %dma_wait3A_169 = arith.constant 0 : i32
        %dma_wait3A_170 = tpu.memref_slice %dma_wait3A_167[%dma_wait3A_168, %dma_wait3A_169] : memref<10240x128xf32, #tpu.memory_space<hbm>> -> memref<10240x128xf32, #tpu.memory_space<hbm>>
        tpu.wait_indirect_dma semaphore(%arg18 : memref<!tpu.dma_semaphore, #tpu.memory_space<semaphore_mem>>) src(%dma_wait3A_170 : memref<10240x128xf32, #tpu.memory_space<hbm>>) dst(%arg12 : memref<96x128xf32, #tpu.memory_space<vmem>>)
        %add3A_171 = arith.constant 2 : i32
        %add3A_172 = arith.addi %add3A_82, %add3A_171 : i32
        %dma_start3A_173 = arith.constant 0 : i32
        %dma_start3A_174 = tpu.memref_slice %arg9[%add3A_172, %dma_start3A_173] : memref<105x96xi32, #tpu.memory_space<vmem>> -> memref<1x96xi32, #tpu.memory_space<vmem>>
        %dma_start3A_175 = tpu.memref_squeeze %dma_start3A_174 : memref<1x96xi32, #tpu.memory_space<vmem>> -> memref<96xi32, #tpu.memory_space<vmem>>
        %dma_start3A_176 = arith.constant 0 : i32
        %dma_start3A_177 = arith.constant 0 : i32
        %dma_start3A_178 = tpu.memref_slice %arg15[%dma_start3A_176, %dma_start3A_177] : memref<3840x128xf32, #tpu.memory_space<vmem_shared>> -> memref<3840x128xf32, #tpu.memory_space<vmem_shared>>
        tpu.enqueue_indirect_dma source(%arg12 : memref<96x128xf32, #tpu.memory_space<vmem>>) target(%dma_start3A_178 : memref<3840x128xf32, #tpu.memory_space<vmem_shared>>) offsets(%dma_start3A_175 : memref<96xi32, #tpu.memory_space<vmem>>) semaphore(%arg19 : memref<!tpu.dma_semaphore, #tpu.memory_space<semaphore_mem>>) {add = true}
        %dma_wait3A_179 = arith.constant 0 : i32
        %dma_wait3A_180 = tpu.memref_slice %arg8[%add3A_113, %dma_wait3A_179] : memref<105x96xi32, #tpu.memory_space<vmem>> -> memref<1x96xi32, #tpu.memory_space<vmem>>
        %dma_wait3A_181 = tpu.memref_squeeze %dma_wait3A_180 : memref<1x96xi32, #tpu.memory_space<vmem>> -> memref<96xi32, #tpu.memory_space<vmem>>
        %dma_wait3A_182 = arith.constant 0 : i32
        %dma_wait3A_183 = tpu.memref_slice %arg2[%multiple_of3A, %dma_wait3A_182] : memref<20480x128xf32, #tpu.memory_space<hbm>> -> memref<10240x128xf32, #tpu.memory_space<hbm>>
        %dma_wait3A_184 = arith.constant 0 : i32
        %dma_wait3A_185 = arith.constant 0 : i32
        %dma_wait3A_186 = tpu.memref_slice %dma_wait3A_183[%dma_wait3A_184, %dma_wait3A_185] : memref<10240x128xf32, #tpu.memory_space<hbm>> -> memref<10240x128xf32, #tpu.memory_space<hbm>>
        tpu.wait_indirect_dma semaphore(%arg18 : memref<!tpu.dma_semaphore, #tpu.memory_space<semaphore_mem>>) src(%dma_wait3A_186 : memref<10240x128xf32, #tpu.memory_space<hbm>>) dst(%arg13 : memref<96x128xf32, #tpu.memory_space<vmem>>)
        %add3A_187 = arith.constant 3 : i32
        %add3A_188 = arith.addi %add3A_82, %add3A_187 : i32
        %dma_start3A_189 = arith.constant 0 : i32
        %dma_start3A_190 = tpu.memref_slice %arg9[%add3A_188, %dma_start3A_189] : memref<105x96xi32, #tpu.memory_space<vmem>> -> memref<1x96xi32, #tpu.memory_space<vmem>>
        %dma_start3A_191 = tpu.memref_squeeze %dma_start3A_190 : memref<1x96xi32, #tpu.memory_space<vmem>> -> memref<96xi32, #tpu.memory_space<vmem>>
        %dma_start3A_192 = arith.constant 0 : i32
        %dma_start3A_193 = arith.constant 0 : i32
        %dma_start3A_194 = tpu.memref_slice %arg15[%dma_start3A_192, %dma_start3A_193] : memref<3840x128xf32, #tpu.memory_space<vmem_shared>> -> memref<3840x128xf32, #tpu.memory_space<vmem_shared>>
        tpu.enqueue_indirect_dma source(%arg13 : memref<96x128xf32, #tpu.memory_space<vmem>>) target(%dma_start3A_194 : memref<3840x128xf32, #tpu.memory_space<vmem_shared>>) offsets(%dma_start3A_191 : memref<96xi32, #tpu.memory_space<vmem>>) semaphore(%arg19 : memref<!tpu.dma_semaphore, #tpu.memory_space<semaphore_mem>>) {add = true}
        %dma_wait3A_195 = arith.constant 0 : i32
        %dma_wait3A_196 = tpu.memref_slice %arg8[%add3A_123, %dma_wait3A_195] : memref<105x96xi32, #tpu.memory_space<vmem>> -> memref<1x96xi32, #tpu.memory_space<vmem>>
        %dma_wait3A_197 = tpu.memref_squeeze %dma_wait3A_196 : memref<1x96xi32, #tpu.memory_space<vmem>> -> memref<96xi32, #tpu.memory_space<vmem>>
        %dma_wait3A_198 = arith.constant 0 : i32
        %dma_wait3A_199 = tpu.memref_slice %arg2[%multiple_of3A, %dma_wait3A_198] : memref<20480x128xf32, #tpu.memory_space<hbm>> -> memref<10240x128xf32, #tpu.memory_space<hbm>>
        %dma_wait3A_200 = arith.constant 0 : i32
        %dma_wait3A_201 = arith.constant 0 : i32
        %dma_wait3A_202 = tpu.memref_slice %dma_wait3A_199[%dma_wait3A_200, %dma_wait3A_201] : memref<10240x128xf32, #tpu.memory_space<hbm>> -> memref<10240x128xf32, #tpu.memory_space<hbm>>
        tpu.wait_indirect_dma semaphore(%arg18 : memref<!tpu.dma_semaphore, #tpu.memory_space<semaphore_mem>>) src(%dma_wait3A_202 : memref<10240x128xf32, #tpu.memory_space<hbm>>) dst(%arg14 : memref<96x128xf32, #tpu.memory_space<vmem>>)
        %add3A_203 = arith.constant 4 : i32
        %add3A_204 = arith.addi %add3A_82, %add3A_203 : i32
        %dma_start3A_205 = arith.constant 0 : i32
        %dma_start3A_206 = tpu.memref_slice %arg9[%add3A_204, %dma_start3A_205] : memref<105x96xi32, #tpu.memory_space<vmem>> -> memref<1x96xi32, #tpu.memory_space<vmem>>
        %dma_start3A_207 = tpu.memref_squeeze %dma_start3A_206 : memref<1x96xi32, #tpu.memory_space<vmem>> -> memref<96xi32, #tpu.memory_space<vmem>>
        %dma_start3A_208 = arith.constant 0 : i32
        %dma_start3A_209 = arith.constant 0 : i32
        %dma_start3A_210 = tpu.memref_slice %arg15[%dma_start3A_208, %dma_start3A_209] : memref<3840x128xf32, #tpu.memory_space<vmem_shared>> -> memref<3840x128xf32, #tpu.memory_space<vmem_shared>>
        tpu.enqueue_indirect_dma source(%arg14 : memref<96x128xf32, #tpu.memory_space<vmem>>) target(%dma_start3A_210 : memref<3840x128xf32, #tpu.memory_space<vmem_shared>>) offsets(%dma_start3A_207 : memref<96xi32, #tpu.memory_space<vmem>>) semaphore(%arg19 : memref<!tpu.dma_semaphore, #tpu.memory_space<semaphore_mem>>) {add = true}
        %dma_wait3A_211 = arith.constant 0 : i32
        %dma_wait3A_212 = tpu.memref_slice %arg9[%add3A_140, %dma_wait3A_211] : memref<105x96xi32, #tpu.memory_space<vmem>> -> memref<1x96xi32, #tpu.memory_space<vmem>>
        %dma_wait3A_213 = tpu.memref_squeeze %dma_wait3A_212 : memref<1x96xi32, #tpu.memory_space<vmem>> -> memref<96xi32, #tpu.memory_space<vmem>>
        %dma_wait3A_214 = arith.constant 0 : i32
        %dma_wait3A_215 = arith.constant 0 : i32
        %dma_wait3A_216 = tpu.memref_slice %arg15[%dma_wait3A_214, %dma_wait3A_215] : memref<3840x128xf32, #tpu.memory_space<vmem_shared>> -> memref<3840x128xf32, #tpu.memory_space<vmem_shared>>
        tpu.wait_indirect_dma semaphore(%arg19 : memref<!tpu.dma_semaphore, #tpu.memory_space<semaphore_mem>>) src(%arg10 : memref<96x128xf32, #tpu.memory_space<vmem>>) dst(%dma_wait3A_216 : memref<3840x128xf32, #tpu.memory_space<vmem_shared>>)
        %dma_wait3A_217 = arith.constant 0 : i32
        %dma_wait3A_218 = tpu.memref_slice %arg9[%add3A_156, %dma_wait3A_217] : memref<105x96xi32, #tpu.memory_space<vmem>> -> memref<1x96xi32, #tpu.memory_space<vmem>>
        %dma_wait3A_219 = tpu.memref_squeeze %dma_wait3A_218 : memref<1x96xi32, #tpu.memory_space<vmem>> -> memref<96xi32, #tpu.memory_space<vmem>>
        %dma_wait3A_220 = arith.constant 0 : i32
        %dma_wait3A_221 = arith.constant 0 : i32
        %dma_wait3A_222 = tpu.memref_slice %arg15[%dma_wait3A_220, %dma_wait3A_221] : memref<3840x128xf32, #tpu.memory_space<vmem_shared>> -> memref<3840x128xf32, #tpu.memory_space<vmem_shared>>
        tpu.wait_indirect_dma semaphore(%arg19 : memref<!tpu.dma_semaphore, #tpu.memory_space<semaphore_mem>>) src(%arg11 : memref<96x128xf32, #tpu.memory_space<vmem>>) dst(%dma_wait3A_222 : memref<3840x128xf32, #tpu.memory_space<vmem_shared>>)
        %dma_wait3A_223 = arith.constant 0 : i32
        %dma_wait3A_224 = tpu.memref_slice %arg9[%add3A_172, %dma_wait3A_223] : memref<105x96xi32, #tpu.memory_space<vmem>> -> memref<1x96xi32, #tpu.memory_space<vmem>>
        %dma_wait3A_225 = tpu.memref_squeeze %dma_wait3A_224 : memref<1x96xi32, #tpu.memory_space<vmem>> -> memref<96xi32, #tpu.memory_space<vmem>>
        %dma_wait3A_226 = arith.constant 0 : i32
        %dma_wait3A_227 = arith.constant 0 : i32
        %dma_wait3A_228 = tpu.memref_slice %arg15[%dma_wait3A_226, %dma_wait3A_227] : memref<3840x128xf32, #tpu.memory_space<vmem_shared>> -> memref<3840x128xf32, #tpu.memory_space<vmem_shared>>
        tpu.wait_indirect_dma semaphore(%arg19 : memref<!tpu.dma_semaphore, #tpu.memory_space<semaphore_mem>>) src(%arg12 : memref<96x128xf32, #tpu.memory_space<vmem>>) dst(%dma_wait3A_228 : memref<3840x128xf32, #tpu.memory_space<vmem_shared>>)
        %dma_wait3A_229 = arith.constant 0 : i32
        %dma_wait3A_230 = tpu.memref_slice %arg9[%add3A_188, %dma_wait3A_229] : memref<105x96xi32, #tpu.memory_space<vmem>> -> memref<1x96xi32, #tpu.memory_space<vmem>>
        %dma_wait3A_231 = tpu.memref_squeeze %dma_wait3A_230 : memref<1x96xi32, #tpu.memory_space<vmem>> -> memref<96xi32, #tpu.memory_space<vmem>>
        %dma_wait3A_232 = arith.constant 0 : i32
        %dma_wait3A_233 = arith.constant 0 : i32
        %dma_wait3A_234 = tpu.memref_slice %arg15[%dma_wait3A_232, %dma_wait3A_233] : memref<3840x128xf32, #tpu.memory_space<vmem_shared>> -> memref<3840x128xf32, #tpu.memory_space<vmem_shared>>
        tpu.wait_indirect_dma semaphore(%arg19 : memref<!tpu.dma_semaphore, #tpu.memory_space<semaphore_mem>>) src(%arg13 : memref<96x128xf32, #tpu.memory_space<vmem>>) dst(%dma_wait3A_234 : memref<3840x128xf32, #tpu.memory_space<vmem_shared>>)
        %dma_wait3A_235 = arith.constant 0 : i32
        %dma_wait3A_236 = tpu.memref_slice %arg9[%add3A_204, %dma_wait3A_235] : memref<105x96xi32, #tpu.memory_space<vmem>> -> memref<1x96xi32, #tpu.memory_space<vmem>>
        %dma_wait3A_237 = tpu.memref_squeeze %dma_wait3A_236 : memref<1x96xi32, #tpu.memory_space<vmem>> -> memref<96xi32, #tpu.memory_space<vmem>>
        %dma_wait3A_238 = arith.constant 0 : i32
        %dma_wait3A_239 = arith.constant 0 : i32
        %dma_wait3A_240 = tpu.memref_slice %arg15[%dma_wait3A_238, %dma_wait3A_239] : memref<3840x128xf32, #tpu.memory_space<vmem_shared>> -> memref<3840x128xf32, #tpu.memory_space<vmem_shared>>
        tpu.wait_indirect_dma semaphore(%arg19 : memref<!tpu.dma_semaphore, #tpu.memory_space<semaphore_mem>>) src(%arg14 : memref<96x128xf32, #tpu.memory_space<vmem>>) dst(%dma_wait3A_240 : memref<3840x128xf32, #tpu.memory_space<vmem_shared>>)
      }
      %scan3A_68 = arith.constant 21 : i32
      %barrier3A_69 = arith.constant 0 : index
      tpu.barrier barrier_id(%barrier3A_69)
      %eq3A = arith.constant 0 : i32
      %eq3A_70 = arith.cmpi eq, %arg0, %eq3A : i32
      %convert_element_type3A = arith.extui %eq3A_70 : i1 to i32
      %cond3A = arith.constant 0 : i32
      %cond3A_71 = arith.cmpi ne, %convert_element_type3A, %cond3A : i32
      scf.if %cond3A_71 {
        %mul3A_78 = arith.constant 240 : i32
        %mul3A_79 = arith.muli %arg1, %mul3A_78 : i32
        %mul3A_80 = arith.constant 240 : i32
        %mul3A_81 = arith.muli %arg1, %mul3A_80 : i32
        "tpu.region"() ({
          %run_scoped3A_82 = tpu.sem_alloc : memref<!tpu.dma_semaphore, #tpu.memory_space<semaphore_mem>>
          %dma_start3A = arith.constant 0 : i32
          %dma_start3A_83 = tpu.memref_slice %arg6[%add3A_44, %mul3A_81, %dma_start3A] : memref<2x3840x128xf32, #tpu.memory_space<hbm>> -> memref<1x240x128xf32, #tpu.memory_space<hbm>>
          %dma_start3A_84 = tpu.memref_squeeze %dma_start3A_83 : memref<1x240x128xf32, #tpu.memory_space<hbm>> -> memref<240x128xf32, #tpu.memory_space<hbm>>
          %dma_start3A_85 = arith.constant 0 : i32
          %dma_start3A_86 = tpu.memref_slice %arg15[%mul3A_79, %dma_start3A_85] : memref<3840x128xf32, #tpu.memory_space<vmem_shared>> -> memref<240x128xf32, #tpu.memory_space<vmem_shared>>
          tpu.enqueue_dma source(%dma_start3A_86 : memref<240x128xf32, #tpu.memory_space<vmem_shared>>) target(%dma_start3A_84 : memref<240x128xf32, #tpu.memory_space<hbm>>) target_semaphore(%run_scoped3A_82 : memref<!tpu.dma_semaphore, #tpu.memory_space<semaphore_mem>>)
          %dma_wait3A = arith.constant 0 : i32
          %dma_wait3A_87 = tpu.memref_slice %arg6[%add3A_44, %mul3A_81, %dma_wait3A] : memref<2x3840x128xf32, #tpu.memory_space<hbm>> -> memref<1x240x128xf32, #tpu.memory_space<hbm>>
          %dma_wait3A_88 = tpu.memref_squeeze %dma_wait3A_87 : memref<1x240x128xf32, #tpu.memory_space<hbm>> -> memref<240x128xf32, #tpu.memory_space<hbm>>
          %dma_wait3A_89 = arith.constant 0 : i32
          %dma_wait3A_90 = tpu.memref_slice %arg15[%mul3A_79, %dma_wait3A_89] : memref<3840x128xf32, #tpu.memory_space<vmem_shared>> -> memref<240x128xf32, #tpu.memory_space<vmem_shared>>
          tpu.wait_dma2 semaphore(%run_scoped3A_82 : memref<!tpu.dma_semaphore, #tpu.memory_space<semaphore_mem>>) src(%dma_wait3A_90 : memref<240x128xf32, #tpu.memory_space<vmem_shared>>) dst(%dma_wait3A_88 : memref<240x128xf32, #tpu.memory_space<hbm>>)
          tpu.yield
        }) : () -> ()
      } else {
      }
      %eq3A_72 = arith.constant 1 : i32
      %eq3A_73 = arith.cmpi eq, %arg0, %eq3A_72 : i32
      %convert_element_type3A_74 = arith.extui %eq3A_73 : i1 to i32
      %cond3A_75 = arith.constant 0 : i32
      %cond3A_76 = arith.cmpi ne, %convert_element_type3A_74, %cond3A_75 : i32
      scf.if %cond3A_76 {
        %mul3A_78 = arith.constant 240 : i32
        %mul3A_79 = arith.muli %arg1, %mul3A_78 : i32
        %mul3A_80 = arith.constant 240 : i32
        %mul3A_81 = arith.muli %arg1, %mul3A_80 : i32
        "tpu.region"() ({
          %run_scoped3A_82 = tpu.sem_alloc : memref<!tpu.dma_semaphore, #tpu.memory_space<semaphore_mem>>
          %dma_start3A = arith.constant 0 : i32
          %dma_start3A_83 = tpu.memref_slice %arg7[%add3A_44, %mul3A_81, %dma_start3A] : memref<2x3840x128xf32, #tpu.memory_space<hbm>> -> memref<1x240x128xf32, #tpu.memory_space<hbm>>
          %dma_start3A_84 = tpu.memref_squeeze %dma_start3A_83 : memref<1x240x128xf32, #tpu.memory_space<hbm>> -> memref<240x128xf32, #tpu.memory_space<hbm>>
          %dma_start3A_85 = arith.constant 0 : i32
          %dma_start3A_86 = tpu.memref_slice %arg15[%mul3A_79, %dma_start3A_85] : memref<3840x128xf32, #tpu.memory_space<vmem_shared>> -> memref<240x128xf32, #tpu.memory_space<vmem_shared>>
          tpu.enqueue_dma source(%dma_start3A_86 : memref<240x128xf32, #tpu.memory_space<vmem_shared>>) target(%dma_start3A_84 : memref<240x128xf32, #tpu.memory_space<hbm>>) target_semaphore(%run_scoped3A_82 : memref<!tpu.dma_semaphore, #tpu.memory_space<semaphore_mem>>)
          %dma_wait3A = arith.constant 0 : i32
          %dma_wait3A_87 = tpu.memref_slice %arg7[%add3A_44, %mul3A_81, %dma_wait3A] : memref<2x3840x128xf32, #tpu.memory_space<hbm>> -> memref<1x240x128xf32, #tpu.memory_space<hbm>>
          %dma_wait3A_88 = tpu.memref_squeeze %dma_wait3A_87 : memref<1x240x128xf32, #tpu.memory_space<hbm>> -> memref<240x128xf32, #tpu.memory_space<hbm>>
          %dma_wait3A_89 = arith.constant 0 : i32
          %dma_wait3A_90 = tpu.memref_slice %arg15[%mul3A_79, %dma_wait3A_89] : memref<3840x128xf32, #tpu.memory_space<vmem_shared>> -> memref<240x128xf32, #tpu.memory_space<vmem_shared>>
          tpu.wait_dma2 semaphore(%run_scoped3A_82 : memref<!tpu.dma_semaphore, #tpu.memory_space<semaphore_mem>>) src(%dma_wait3A_90 : memref<240x128xf32, #tpu.memory_space<vmem_shared>>) dst(%dma_wait3A_88 : memref<240x128xf32, #tpu.memory_space<hbm>>)
          tpu.yield
        }) : () -> ()
      } else {
      }
      %barrier3A_77 = arith.constant 0 : index
      tpu.barrier barrier_id(%barrier3A_77)
    }
    return
  }
}

module attributes {stable_mosaic.version = 14 : i64} {
  func.func @_h0_body(%arg0: memref<10000x128xf32, #tpu.memory_space<vmem>>, %arg1: memref<128x256xf32, #tpu.memory_space<vmem>>, %arg2: memref<1x256xf32, #tpu.memory_space<vmem>>, %arg3: memref<1x256xf32, #tpu.memory_space<vmem>>, %arg4: memref<1x256xf32, #tpu.memory_space<vmem>>, %arg5: memref<10000x256xf32, #tpu.memory_space<vmem>>) attributes {dimension_semantics = [], scalar_prefetch = 0 : i64, scratch_operands = 0 : i64, tpu.core_type = #tpu.core_type<tc>} {
    %get3A = arith.constant 0 : index
    %get3A_0 = arith.constant 0 : index
    %get3A_1 = vector.load %arg0[%get3A, %get3A_0] : memref<10000x128xf32, #tpu.memory_space<vmem>>, vector<10000x128xf32>
    %get3A_2 = arith.constant 0 : index
    %get3A_3 = arith.constant 0 : index
    %get3A_4 = vector.load %arg1[%get3A_2, %get3A_3] : memref<128x256xf32, #tpu.memory_space<vmem>>, vector<128x256xf32>
    %dot_general3A = arith.constant dense<0.000000e+00> : vector<10000x256xf32>
    %dot_general3A_5 = tpu.matmul %get3A_1, %get3A_4, %dot_general3A {dimension_numbers = #tpu.dot_dimension_numbers<[1], [0], [0], [1], [0, 0, 1, 1], [], []>, transpose_lhs_hint = false} : vector<10000x128xf32>, vector<128x256xf32>, vector<10000x256xf32> -> vector<10000x256xf32>
    %get3A_6 = arith.constant 0 : index
    %get3A_7 = arith.constant 0 : index
    %get3A_8 = vector.load %arg2[%get3A_6, %get3A_7] : memref<1x256xf32, #tpu.memory_space<vmem>>, vector<1x256xf32>
    %add3A = vector.broadcast %get3A_8 : vector<1x256xf32> to vector<10000x256xf32>
    %add3A_9 = arith.addf %dot_general3A_5, %add3A : vector<10000x256xf32>
    %get3A_10 = arith.constant 0 : index
    %get3A_11 = arith.constant 0 : index
    %get3A_12 = vector.load %arg3[%get3A_10, %get3A_11] : memref<1x256xf32, #tpu.memory_space<vmem>>, vector<1x256xf32>
    %get3A_13 = arith.constant 0 : index
    %get3A_14 = arith.constant 0 : index
    %get3A_15 = vector.load %arg4[%get3A_13, %get3A_14] : memref<1x256xf32, #tpu.memory_space<vmem>>, vector<1x256xf32>
    %reduce_sum3A = arith.constant dense<0.000000e+00> : vector<256xf32>
    %reduce_sum3A_16 = vector.multi_reduction <add>, %add3A_9, %reduce_sum3A [0] : vector<10000x256xf32> to vector<256xf32>
    %div3A = arith.constant 1.000000e+04 : f32
    %div3A_17 = vector.broadcast %div3A : f32 to vector<256xf32>
    %div3A_18 = arith.divf %reduce_sum3A_16, %div3A_17 : vector<256xf32>
    %jit3A = arith.constant 0 : i32
    %reduce_sum3A_19 = arith.constant dense<0.000000e+00> : vector<256xf32>
    %reduce_sum3A_20 = vector.multi_reduction <add>, %add3A_9, %reduce_sum3A_19 [0] : vector<10000x256xf32> to vector<256xf32>
    %broadcast_in_dim3A = vector.shape_cast %reduce_sum3A_20 : vector<256xf32> to vector<1x256xf32>
    %div3A_21 = arith.constant 1.000000e+04 : f32
    %div3A_22 = vector.broadcast %div3A_21 : f32 to vector<1x256xf32>
    %div3A_23 = arith.divf %broadcast_in_dim3A, %div3A_22 : vector<1x256xf32>
    %sub3A = vector.broadcast %div3A_23 : vector<1x256xf32> to vector<10000x256xf32>
    %sub3A_24 = arith.subf %add3A_9, %sub3A : vector<10000x256xf32>
    %square3A = arith.mulf %sub3A_24, %sub3A_24 : vector<10000x256xf32>
    %convert_element_type3A = arith.sitofp %jit3A : i32 to f32
    %sub3A_25 = arith.constant 1.000000e+04 : f32
    %sub3A_26 = arith.subf %sub3A_25, %convert_element_type3A : f32
    %reduce_sum3A_27 = arith.constant dense<0.000000e+00> : vector<256xf32>
    %reduce_sum3A_28 = vector.multi_reduction <add>, %square3A, %reduce_sum3A_27 [0] : vector<10000x256xf32> to vector<256xf32>
    %div3A_29 = vector.broadcast %sub3A_26 : f32 to vector<256xf32>
    %div3A_30 = arith.divf %reduce_sum3A_28, %div3A_29 : vector<256xf32>
    %gt3A = arith.constant 0.000000e+00 : f32
    %gt3A_31 = arith.cmpf ogt, %sub3A_26, %gt3A : f32
    %jit3A_32 = arith.constant 0x7FC00000 : f32
    %broadcast_in_dim3A_33 = vector.broadcast %jit3A_32 : f32 to vector<256xf32>
    %select_n3A = arith.select %gt3A_31, %div3A_30, %broadcast_in_dim3A_33 : vector<256xf32>
    %broadcast_in_dim3A_34 = vector.shape_cast %div3A_18 : vector<256xf32> to vector<1x256xf32>
    %sub3A_35 = vector.broadcast %broadcast_in_dim3A_34 : vector<1x256xf32> to vector<10000x256xf32>
    %sub3A_36 = arith.subf %add3A_9, %sub3A_35 : vector<10000x256xf32>
    %add3A_37 = arith.constant 9.99999974E-6 : f32
    %add3A_38 = vector.broadcast %add3A_37 : f32 to vector<256xf32>
    %add3A_39 = arith.addf %select_n3A, %add3A_38 : vector<256xf32>
    %sqrt3A = math.sqrt %add3A_39 : vector<256xf32>
    %broadcast_in_dim3A_40 = vector.shape_cast %sqrt3A : vector<256xf32> to vector<1x256xf32>
    %div3A_41 = vector.broadcast %broadcast_in_dim3A_40 : vector<1x256xf32> to vector<10000x256xf32>
    %div3A_42 = arith.divf %sub3A_36, %div3A_41 : vector<10000x256xf32>
    %mul3A = vector.broadcast %get3A_12 : vector<1x256xf32> to vector<10000x256xf32>
    %mul3A_43 = arith.mulf %div3A_42, %mul3A : vector<10000x256xf32>
    %add3A_44 = vector.broadcast %get3A_15 : vector<1x256xf32> to vector<10000x256xf32>
    %add3A_45 = arith.addf %mul3A_43, %add3A_44 : vector<10000x256xf32>
    %max3A = arith.constant 0.000000e+00 : f32
    %max3A_46 = vector.broadcast %max3A : f32 to vector<10000x256xf32>
    %max3A_47 = arith.maximumf %add3A_45, %max3A_46 : vector<10000x256xf32>
    %swap3A = arith.constant 0 : index
    %swap3A_48 = arith.constant 0 : index
    %swap3A_49 = vector.load %arg5[%swap3A, %swap3A_48] : memref<10000x256xf32, #tpu.memory_space<vmem>>, vector<10000x256xf32>
    tpu.vector_store %arg5[%swap3A, %swap3A_48], %max3A_47 {strides = array<i32>} : memref<10000x256xf32, #tpu.memory_space<vmem>>, vector<10000x256xf32>,
    return
  }
}

module attributes {stable_mosaic.version = 14 : i64} {
  func.func @_pre1_body(%arg0: memref<10000x256xf32, #tpu.memory_space<vmem>>, %arg1: memref<2x10240x16xf32, #tpu.memory_space<vmem>>, %arg2: memref<256x256xf32, #tpu.memory_space<vmem>>, %arg3: memref<10000x1xf32, #tpu.memory_space<vmem>>, %arg4: memref<20480x128xf32, #tpu.memory_space<vmem>>) attributes {dimension_semantics = [], scalar_prefetch = 0 : i64, scratch_operands = 0 : i64, tpu.core_type = #tpu.core_type<tc>} {
    %get3A = arith.constant 0 : index
    %get3A_0 = arith.constant 0 : index
    %get3A_1 = arith.constant 0 : index
    %get3A_2 = vector.load %arg1[%get3A, %get3A_0, %get3A_1] : memref<2x10240x16xf32, #tpu.memory_space<vmem>>, vector<1x10000x1xf32>
    %get3A_3 = vector.shape_cast %get3A_2 : vector<1x10000x1xf32> to vector<10000x1xf32>
    %get3A_4 = arith.constant 1 : index
    %get3A_5 = arith.constant 0 : index
    %get3A_6 = arith.constant 0 : index
    %get3A_7 = vector.load %arg1[%get3A_4, %get3A_5, %get3A_6] : memref<2x10240x16xf32, #tpu.memory_space<vmem>>, vector<1x10000x1xf32>
    %get3A_8 = vector.shape_cast %get3A_7 : vector<1x10000x1xf32> to vector<10000x1xf32>
    %add3A = arith.addf %get3A_3, %get3A_8 : vector<10000x1xf32>
    %add3A_9 = arith.constant 1.000000e+00 : f32
    %add3A_10 = vector.broadcast %add3A_9 : f32 to vector<10000x1xf32>
    %add3A_11 = arith.addf %add3A, %add3A_10 : vector<10000x1xf32>
    %rsqrt3A = math.rsqrt %add3A_11 : vector<10000x1xf32>
    %swap3A = arith.constant 0 : index
    %swap3A_12 = arith.constant 0 : index
    %swap3A_13 = vector.load %arg3[%swap3A, %swap3A_12] : memref<10000x1xf32, #tpu.memory_space<vmem>>, vector<10000x1xf32>
    tpu.vector_store %arg3[%swap3A, %swap3A_12], %rsqrt3A {strides = array<i32>} : memref<10000x1xf32, #tpu.memory_space<vmem>>, vector<10000x1xf32>,
    %get3A_14 = arith.constant 0 : index
    %get3A_15 = arith.constant 0 : index
    %get3A_16 = vector.load %arg0[%get3A_14, %get3A_15] : memref<10000x256xf32, #tpu.memory_space<vmem>>, vector<10000x256xf32>
    %get3A_17 = arith.constant 0 : index
    %get3A_18 = arith.constant 0 : index
    %get3A_19 = vector.load %arg2[%get3A_17, %get3A_18] : memref<256x256xf32, #tpu.memory_space<vmem>>, vector<256x256xf32>
    %dot_general3A = arith.constant dense<0.000000e+00> : vector<10000x256xf32>
    %dot_general3A_20 = tpu.matmul %get3A_16, %get3A_19, %dot_general3A {dimension_numbers = #tpu.dot_dimension_numbers<[1], [0], [0], [1], [0, 0, 1, 1], [], []>, transpose_lhs_hint = false} : vector<10000x256xf32>, vector<256x256xf32>, vector<10000x256xf32> -> vector<10000x256xf32>
    %mul3A = vector.broadcast %rsqrt3A : vector<10000x1xf32> to vector<10000x256xf32>
    %mul3A_21 = arith.mulf %dot_general3A_20, %mul3A : vector<10000x256xf32>
    %slice3A = vector.extract_strided_slice %mul3A_21 {offsets = [0, 0], sizes = [10000, 128], strides = [1, 1]} : vector<10000x256xf32> to vector<10000x128xf32>
    %swap3A_22 = arith.constant 0 : index
    %swap3A_23 = arith.constant 0 : index
    %swap3A_24 = vector.load %arg4[%swap3A_22, %swap3A_23] : memref<20480x128xf32, #tpu.memory_space<vmem>>, vector<10000x128xf32>
    tpu.vector_store %arg4[%swap3A_22, %swap3A_23], %slice3A {strides = array<i32>} : memref<20480x128xf32, #tpu.memory_space<vmem>>, vector<10000x128xf32>,
    %broadcast_in_dim3A = arith.constant 0.000000e+00 : f32
    %broadcast_in_dim3A_25 = vector.broadcast %broadcast_in_dim3A : f32 to vector<240x128xf32>
    %swap3A_26 = arith.constant 10000 : index
    %swap3A_27 = arith.constant 0 : index
    %swap3A_28 = vector.load %arg4[%swap3A_26, %swap3A_27] : memref<20480x128xf32, #tpu.memory_space<vmem>>, vector<240x128xf32>
    tpu.vector_store %arg4[%swap3A_26, %swap3A_27], %broadcast_in_dim3A_25 {strides = array<i32>} : memref<20480x128xf32, #tpu.memory_space<vmem>>, vector<240x128xf32>,
    %slice3A_29 = vector.extract_strided_slice %mul3A_21 {offsets = [0, 128], sizes = [10000, 128], strides = [1, 1]} : vector<10000x256xf32> to vector<10000x128xf32>
    %swap3A_30 = arith.constant 10240 : index
    %swap3A_31 = arith.constant 0 : index
    %swap3A_32 = vector.load %arg4[%swap3A_30, %swap3A_31] : memref<20480x128xf32, #tpu.memory_space<vmem>>, vector<10000x128xf32>
    tpu.vector_store %arg4[%swap3A_30, %swap3A_31], %slice3A_29 {strides = array<i32>} : memref<20480x128xf32, #tpu.memory_space<vmem>>, vector<10000x128xf32>,
    %broadcast_in_dim3A_33 = arith.constant 0.000000e+00 : f32
    %broadcast_in_dim3A_34 = vector.broadcast %broadcast_in_dim3A_33 : f32 to vector<240x128xf32>
    %swap3A_35 = arith.constant 20240 : index
    %swap3A_36 = arith.constant 0 : index
    %swap3A_37 = vector.load %arg4[%swap3A_35, %swap3A_36] : memref<20480x128xf32, #tpu.memory_space<vmem>>, vector<240x128xf32>
    tpu.vector_store %arg4[%swap3A_35, %swap3A_36], %broadcast_in_dim3A_34 {strides = array<i32>} : memref<20480x128xf32, #tpu.memory_space<vmem>>, vector<240x128xf32>,
    return
  }
}

module attributes {stable_mosaic.version = 14 : i64} {
  func.func @_psum0_body(%arg0: memref<3840x128xf32, #tpu.memory_space<vmem>>, %arg1: memref<3840x128xf32, #tpu.memory_space<vmem>>, %arg2: memref<3840x128xf32, #tpu.memory_space<vmem>>, %arg3: memref<3840x128xf32, #tpu.memory_space<vmem>>, %arg4: memref<3840x128xf32, #tpu.memory_space<vmem>>, %arg5: memref<3840x128xf32, #tpu.memory_space<vmem>>, %arg6: memref<20480x128xf32, #tpu.memory_space<vmem>>, %arg7: memref<10000x128xf32, #tpu.memory_space<vmem>>) attributes {dimension_semantics = [], scalar_prefetch = 0 : i64, scratch_operands = 0 : i64, tpu.core_type = #tpu.core_type<tc>} {
    %get3A = arith.constant 0 : index
    %get3A_0 = arith.constant 0 : index
    %get3A_1 = vector.load %arg0[%get3A, %get3A_0] : memref<3840x128xf32, #tpu.memory_space<vmem>>, vector<3840x128xf32>
    %get3A_2 = arith.constant 0 : index
    %get3A_3 = arith.constant 0 : index
    %get3A_4 = vector.load %arg1[%get3A_2, %get3A_3] : memref<3840x128xf32, #tpu.memory_space<vmem>>, vector<3840x128xf32>
    %add3A = arith.addf %get3A_1, %get3A_4 : vector<3840x128xf32>
    %get3A_5 = arith.constant 0 : index
    %get3A_6 = arith.constant 0 : index
    %get3A_7 = vector.load %arg6[%get3A_5, %get3A_6] : memref<20480x128xf32, #tpu.memory_space<vmem>>, vector<3840x128xf32>
    %add3A_8 = arith.addf %add3A, %get3A_7 : vector<3840x128xf32>
    %swap3A = arith.constant 0 : index
    %swap3A_9 = arith.constant 0 : index
    %swap3A_10 = vector.load %arg7[%swap3A, %swap3A_9] : memref<10000x128xf32, #tpu.memory_space<vmem>>, vector<3840x128xf32>
    tpu.vector_store %arg7[%swap3A, %swap3A_9], %add3A_8 {strides = array<i32>} : memref<10000x128xf32, #tpu.memory_space<vmem>>, vector<3840x128xf32>,
    %get3A_11 = arith.constant 0 : index
    %get3A_12 = arith.constant 0 : index
    %get3A_13 = vector.load %arg2[%get3A_11, %get3A_12] : memref<3840x128xf32, #tpu.memory_space<vmem>>, vector<3840x128xf32>
    %get3A_14 = arith.constant 0 : index
    %get3A_15 = arith.constant 0 : index
    %get3A_16 = vector.load %arg3[%get3A_14, %get3A_15] : memref<3840x128xf32, #tpu.memory_space<vmem>>, vector<3840x128xf32>
    %add3A_17 = arith.addf %get3A_13, %get3A_16 : vector<3840x128xf32>
    %get3A_18 = arith.constant 3840 : index
    %get3A_19 = arith.constant 0 : index
    %get3A_20 = vector.load %arg6[%get3A_18, %get3A_19] : memref<20480x128xf32, #tpu.memory_space<vmem>>, vector<3840x128xf32>
    %add3A_21 = arith.addf %add3A_17, %get3A_20 : vector<3840x128xf32>
    %swap3A_22 = arith.constant 3840 : index
    %swap3A_23 = arith.constant 0 : index
    %swap3A_24 = vector.load %arg7[%swap3A_22, %swap3A_23] : memref<10000x128xf32, #tpu.memory_space<vmem>>, vector<3840x128xf32>
    tpu.vector_store %arg7[%swap3A_22, %swap3A_23], %add3A_21 {strides = array<i32>} : memref<10000x128xf32, #tpu.memory_space<vmem>>, vector<3840x128xf32>,
    %get3A_25 = arith.constant 0 : index
    %get3A_26 = arith.constant 0 : index
    %get3A_27 = vector.load %arg4[%get3A_25, %get3A_26] : memref<3840x128xf32, #tpu.memory_space<vmem>>, vector<2320x128xf32>
    %get3A_28 = arith.constant 0 : index
    %get3A_29 = arith.constant 0 : index
    %get3A_30 = vector.load %arg5[%get3A_28, %get3A_29] : memref<3840x128xf32, #tpu.memory_space<vmem>>, vector<2320x128xf32>
    %add3A_31 = arith.addf %get3A_27, %get3A_30 : vector<2320x128xf32>
    %get3A_32 = arith.constant 7680 : index
    %get3A_33 = arith.constant 0 : index
    %get3A_34 = vector.load %arg6[%get3A_32, %get3A_33] : memref<20480x128xf32, #tpu.memory_space<vmem>>, vector<2320x128xf32>
    %add3A_35 = arith.addf %add3A_31, %get3A_34 : vector<2320x128xf32>
    %swap3A_36 = arith.constant 7680 : index
    %swap3A_37 = arith.constant 0 : index
    %swap3A_38 = vector.load %arg7[%swap3A_36, %swap3A_37] : memref<10000x128xf32, #tpu.memory_space<vmem>>, vector<2320x128xf32>
    tpu.vector_store %arg7[%swap3A_36, %swap3A_37], %add3A_35 {strides = array<i32>} : memref<10000x128xf32, #tpu.memory_space<vmem>>, vector<2320x128xf32>,
    return
  }
}

module attributes {stable_mosaic.version = 14 : i64} {
  func.func @_psum1_body(%arg0: memref<3840x128xf32, #tpu.memory_space<vmem>>, %arg1: memref<3840x128xf32, #tpu.memory_space<vmem>>, %arg2: memref<3840x128xf32, #tpu.memory_space<vmem>>, %arg3: memref<3840x128xf32, #tpu.memory_space<vmem>>, %arg4: memref<3840x128xf32, #tpu.memory_space<vmem>>, %arg5: memref<3840x128xf32, #tpu.memory_space<vmem>>, %arg6: memref<20480x128xf32, #tpu.memory_space<vmem>>, %arg7: memref<1x1xf32, #tpu.memory_space<vmem>>, %arg8: memref<10000x128xf32, #tpu.memory_space<vmem>>) attributes {dimension_semantics = [], scalar_prefetch = 0 : i64, scratch_operands = 0 : i64, tpu.core_type = #tpu.core_type<tc>} {
    %get3A = arith.constant 0 : index
    %get3A_0 = arith.constant 0 : index
    %get3A_1 = vector.load %arg7[%get3A, %get3A_0] : memref<1x1xf32, #tpu.memory_space<vmem>>, vector<1x1xf32>
    %ne3A = arith.constant 0.000000e+00 : f32
    %ne3A_2 = vector.broadcast %ne3A : f32 to vector<1x1xf32>
    %ne3A_3 = arith.cmpf one, %get3A_1, %ne3A_2 : vector<1x1xf32>
    %get3A_4 = arith.constant 0 : index
    %get3A_5 = arith.constant 0 : index
    %get3A_6 = vector.load %arg0[%get3A_4, %get3A_5] : memref<3840x128xf32, #tpu.memory_space<vmem>>, vector<3840x128xf32>
    %get3A_7 = arith.constant 0 : index
    %get3A_8 = arith.constant 0 : index
    %get3A_9 = vector.load %arg1[%get3A_7, %get3A_8] : memref<3840x128xf32, #tpu.memory_space<vmem>>, vector<3840x128xf32>
    %add3A = arith.addf %get3A_6, %get3A_9 : vector<3840x128xf32>
    %get3A_10 = arith.constant 10240 : index
    %get3A_11 = arith.constant 0 : index
    %get3A_12 = vector.load %arg6[%get3A_10, %get3A_11] : memref<20480x128xf32, #tpu.memory_space<vmem>>, vector<3840x128xf32>
    %add3A_13 = arith.addf %add3A, %get3A_12 : vector<3840x128xf32>
    %jit3A = arith.constant 0.000000e+00 : f32
    %broadcast_in_dim3A = vector.shape_cast %ne3A_3 : vector<1x1xi1> to vector<1x1xi1>
    %broadcast_in_dim3A_14 = vector.broadcast %broadcast_in_dim3A : vector<1x1xi1> to vector<3840x128xi1>
    %broadcast_in_dim3A_15 = vector.broadcast %jit3A : f32 to vector<3840x128xf32>
    %select_n3A = arith.select %broadcast_in_dim3A_14, %add3A_13, %broadcast_in_dim3A_15 : vector<3840x128xi1>, vector<3840x128xf32>
    %swap3A = arith.constant 0 : index
    %swap3A_16 = arith.constant 0 : index
    %swap3A_17 = vector.load %arg8[%swap3A, %swap3A_16] : memref<10000x128xf32, #tpu.memory_space<vmem>>, vector<3840x128xf32>
    tpu.vector_store %arg8[%swap3A, %swap3A_16], %select_n3A {strides = array<i32>} : memref<10000x128xf32, #tpu.memory_space<vmem>>, vector<3840x128xf32>,
    %get3A_18 = arith.constant 0 : index
    %get3A_19 = arith.constant 0 : index
    %get3A_20 = vector.load %arg2[%get3A_18, %get3A_19] : memref<3840x128xf32, #tpu.memory_space<vmem>>, vector<3840x128xf32>
    %get3A_21 = arith.constant 0 : index
    %get3A_22 = arith.constant 0 : index
    %get3A_23 = vector.load %arg3[%get3A_21, %get3A_22] : memref<3840x128xf32, #tpu.memory_space<vmem>>, vector<3840x128xf32>
    %add3A_24 = arith.addf %get3A_20, %get3A_23 : vector<3840x128xf32>
    %get3A_25 = arith.constant 14080 : index
    %get3A_26 = arith.constant 0 : index
    %get3A_27 = vector.load %arg6[%get3A_25, %get3A_26] : memref<20480x128xf32, #tpu.memory_space<vmem>>, vector<3840x128xf32>
    %add3A_28 = arith.addf %add3A_24, %get3A_27 : vector<3840x128xf32>
    %jit3A_29 = arith.constant 0.000000e+00 : f32
    %broadcast_in_dim3A_30 = vector.shape_cast %ne3A_3 : vector<1x1xi1> to vector<1x1xi1>
    %broadcast_in_dim3A_31 = vector.broadcast %broadcast_in_dim3A_30 : vector<1x1xi1> to vector<3840x128xi1>
    %broadcast_in_dim3A_32 = vector.broadcast %jit3A_29 : f32 to vector<3840x128xf32>
    %select_n3A_33 = arith.select %broadcast_in_dim3A_31, %add3A_28, %broadcast_in_dim3A_32 : vector<3840x128xi1>, vector<3840x128xf32>
    %swap3A_34 = arith.constant 3840 : index
    %swap3A_35 = arith.constant 0 : index
    %swap3A_36 = vector.load %arg8[%swap3A_34, %swap3A_35] : memref<10000x128xf32, #tpu.memory_space<vmem>>, vector<3840x128xf32>
    tpu.vector_store %arg8[%swap3A_34, %swap3A_35], %select_n3A_33 {strides = array<i32>} : memref<10000x128xf32, #tpu.memory_space<vmem>>, vector<3840x128xf32>,
    %get3A_37 = arith.constant 0 : index
    %get3A_38 = arith.constant 0 : index
    %get3A_39 = vector.load %arg4[%get3A_37, %get3A_38] : memref<3840x128xf32, #tpu.memory_space<vmem>>, vector<2320x128xf32>
    %get3A_40 = arith.constant 0 : index
    %get3A_41 = arith.constant 0 : index
    %get3A_42 = vector.load %arg5[%get3A_40, %get3A_41] : memref<3840x128xf32, #tpu.memory_space<vmem>>, vector<2320x128xf32>
    %add3A_43 = arith.addf %get3A_39, %get3A_42 : vector<2320x128xf32>
    %get3A_44 = arith.constant 17920 : index
    %get3A_45 = arith.constant 0 : index
    %get3A_46 = vector.load %arg6[%get3A_44, %get3A_45] : memref<20480x128xf32, #tpu.memory_space<vmem>>, vector<2320x128xf32>
    %add3A_47 = arith.addf %add3A_43, %get3A_46 : vector<2320x128xf32>
    %jit3A_48 = arith.constant 0.000000e+00 : f32
    %broadcast_in_dim3A_49 = vector.shape_cast %ne3A_3 : vector<1x1xi1> to vector<1x1xi1>
    %broadcast_in_dim3A_50 = vector.broadcast %broadcast_in_dim3A_49 : vector<1x1xi1> to vector<2320x128xi1>
    %broadcast_in_dim3A_51 = vector.broadcast %jit3A_48 : f32 to vector<2320x128xf32>
    %select_n3A_52 = arith.select %broadcast_in_dim3A_50, %add3A_47, %broadcast_in_dim3A_51 : vector<2320x128xi1>, vector<2320x128xf32>
    %swap3A_53 = arith.constant 7680 : index
    %swap3A_54 = arith.constant 0 : index
    %swap3A_55 = vector.load %arg8[%swap3A_53, %swap3A_54] : memref<10000x128xf32, #tpu.memory_space<vmem>>, vector<2320x128xf32>
    tpu.vector_store %arg8[%swap3A_53, %swap3A_54], %select_n3A_52 {strides = array<i32>} : memref<10000x128xf32, #tpu.memory_space<vmem>>, vector<2320x128xf32>,
    return
  }
}

module attributes {stable_mosaic.version = 14 : i64} {
  func.func @_post_body(%arg0: memref<10000x128xf32, #tpu.memory_space<vmem>>, %arg1: memref<10000x128xf32, #tpu.memory_space<vmem>>, %arg2: memref<10000x1xf32, #tpu.memory_space<vmem>>, %arg3: memref<1x256xf32, #tpu.memory_space<vmem>>, %arg4: memref<1x256xf32, #tpu.memory_space<vmem>>, %arg5: memref<1x256xf32, #tpu.memory_space<vmem>>, %arg6: memref<1x1xf32, #tpu.memory_space<vmem>>, %arg7: memref<10000x256xf32, #tpu.memory_space<vmem>>, %arg8: memref<10000x256xf32, #tpu.memory_space<vmem>>) attributes {dimension_semantics = [], scalar_prefetch = 0 : i64, scratch_operands = 0 : i64, tpu.core_type = #tpu.core_type<tc>} {
    %get3A = arith.constant 0 : index
    %get3A_0 = arith.constant 0 : index
    %get3A_1 = vector.load %arg0[%get3A, %get3A_0] : memref<10000x128xf32, #tpu.memory_space<vmem>>, vector<10000x128xf32>
    %get3A_2 = arith.constant 0 : index
    %get3A_3 = arith.constant 0 : index
    %get3A_4 = vector.load %arg1[%get3A_2, %get3A_3] : memref<10000x128xf32, #tpu.memory_space<vmem>>, vector<10000x128xf32>
    %concatenate3A = tpu.concatenate %get3A_1, %get3A_4 in 1 : vector<10000x128xf32>, vector<10000x128xf32> -> vector<10000x256xf32>
    %get3A_5 = arith.constant 0 : index
    %get3A_6 = arith.constant 0 : index
    %get3A_7 = vector.load %arg2[%get3A_5, %get3A_6] : memref<10000x1xf32, #tpu.memory_space<vmem>>, vector<10000x1xf32>
    %mul3A = vector.broadcast %get3A_7 : vector<10000x1xf32> to vector<10000x256xf32>
    %mul3A_8 = arith.mulf %concatenate3A, %mul3A : vector<10000x256xf32>
    %get3A_9 = arith.constant 0 : index
    %get3A_10 = arith.constant 0 : index
    %get3A_11 = vector.load %arg3[%get3A_9, %get3A_10] : memref<1x256xf32, #tpu.memory_space<vmem>>, vector<1x256xf32>
    %add3A = vector.broadcast %get3A_11 : vector<1x256xf32> to vector<10000x256xf32>
    %add3A_12 = arith.addf %mul3A_8, %add3A : vector<10000x256xf32>
    %get3A_13 = arith.constant 0 : index
    %get3A_14 = arith.constant 0 : index
    %get3A_15 = vector.load %arg4[%get3A_13, %get3A_14] : memref<1x256xf32, #tpu.memory_space<vmem>>, vector<1x256xf32>
    %get3A_16 = arith.constant 0 : index
    %get3A_17 = arith.constant 0 : index
    %get3A_18 = vector.load %arg5[%get3A_16, %get3A_17] : memref<1x256xf32, #tpu.memory_space<vmem>>, vector<1x256xf32>
    %reduce_sum3A = arith.constant dense<0.000000e+00> : vector<256xf32>
    %reduce_sum3A_19 = vector.multi_reduction <add>, %add3A_12, %reduce_sum3A [0] : vector<10000x256xf32> to vector<256xf32>
    %div3A = arith.constant 1.000000e+04 : f32
    %div3A_20 = vector.broadcast %div3A : f32 to vector<256xf32>
    %div3A_21 = arith.divf %reduce_sum3A_19, %div3A_20 : vector<256xf32>
    %jit3A = arith.constant 0 : i32
    %reduce_sum3A_22 = arith.constant dense<0.000000e+00> : vector<256xf32>
    %reduce_sum3A_23 = vector.multi_reduction <add>, %add3A_12, %reduce_sum3A_22 [0] : vector<10000x256xf32> to vector<256xf32>
    %broadcast_in_dim3A = vector.shape_cast %reduce_sum3A_23 : vector<256xf32> to vector<1x256xf32>
    %div3A_24 = arith.constant 1.000000e+04 : f32
    %div3A_25 = vector.broadcast %div3A_24 : f32 to vector<1x256xf32>
    %div3A_26 = arith.divf %broadcast_in_dim3A, %div3A_25 : vector<1x256xf32>
    %sub3A = vector.broadcast %div3A_26 : vector<1x256xf32> to vector<10000x256xf32>
    %sub3A_27 = arith.subf %add3A_12, %sub3A : vector<10000x256xf32>
    %square3A = arith.mulf %sub3A_27, %sub3A_27 : vector<10000x256xf32>
    %convert_element_type3A = arith.sitofp %jit3A : i32 to f32
    %sub3A_28 = arith.constant 1.000000e+04 : f32
    %sub3A_29 = arith.subf %sub3A_28, %convert_element_type3A : f32
    %reduce_sum3A_30 = arith.constant dense<0.000000e+00> : vector<256xf32>
    %reduce_sum3A_31 = vector.multi_reduction <add>, %square3A, %reduce_sum3A_30 [0] : vector<10000x256xf32> to vector<256xf32>
    %div3A_32 = vector.broadcast %sub3A_29 : f32 to vector<256xf32>
    %div3A_33 = arith.divf %reduce_sum3A_31, %div3A_32 : vector<256xf32>
    %gt3A = arith.constant 0.000000e+00 : f32
    %gt3A_34 = arith.cmpf ogt, %sub3A_29, %gt3A : f32
    %jit3A_35 = arith.constant 0x7FC00000 : f32
    %broadcast_in_dim3A_36 = vector.broadcast %jit3A_35 : f32 to vector<256xf32>
    %select_n3A = arith.select %gt3A_34, %div3A_33, %broadcast_in_dim3A_36 : vector<256xf32>
    %broadcast_in_dim3A_37 = vector.shape_cast %div3A_21 : vector<256xf32> to vector<1x256xf32>
    %sub3A_38 = vector.broadcast %broadcast_in_dim3A_37 : vector<1x256xf32> to vector<10000x256xf32>
    %sub3A_39 = arith.subf %add3A_12, %sub3A_38 : vector<10000x256xf32>
    %add3A_40 = arith.constant 9.99999974E-6 : f32
    %add3A_41 = vector.broadcast %add3A_40 : f32 to vector<256xf32>
    %add3A_42 = arith.addf %select_n3A, %add3A_41 : vector<256xf32>
    %sqrt3A = math.sqrt %add3A_42 : vector<256xf32>
    %broadcast_in_dim3A_43 = vector.shape_cast %sqrt3A : vector<256xf32> to vector<1x256xf32>
    %div3A_44 = vector.broadcast %broadcast_in_dim3A_43 : vector<1x256xf32> to vector<10000x256xf32>
    %div3A_45 = arith.divf %sub3A_39, %div3A_44 : vector<10000x256xf32>
    %mul3A_46 = vector.broadcast %get3A_15 : vector<1x256xf32> to vector<10000x256xf32>
    %mul3A_47 = arith.mulf %div3A_45, %mul3A_46 : vector<10000x256xf32>
    %add3A_48 = vector.broadcast %get3A_18 : vector<1x256xf32> to vector<10000x256xf32>
    %add3A_49 = arith.addf %mul3A_47, %add3A_48 : vector<10000x256xf32>
    %max3A = arith.constant 0.000000e+00 : f32
    %max3A_50 = vector.broadcast %max3A : f32 to vector<10000x256xf32>
    %max3A_51 = arith.maximumf %add3A_49, %max3A_50 : vector<10000x256xf32>
    %get3A_52 = arith.constant 0 : index
    %get3A_53 = arith.constant 0 : index
    %get3A_54 = vector.load %arg6[%get3A_52, %get3A_53] : memref<1x1xf32, #tpu.memory_space<vmem>>, vector<1x1xf32>
    %get3A_55 = arith.constant 0 : index
    %get3A_56 = arith.constant 0 : index
    %get3A_57 = vector.load %arg7[%get3A_55, %get3A_56] : memref<10000x256xf32, #tpu.memory_space<vmem>>, vector<10000x256xf32>
    %mul3A_58 = vector.broadcast %get3A_54 : vector<1x1xf32> to vector<10000x256xf32>
    %mul3A_59 = arith.mulf %mul3A_58, %get3A_57 : vector<10000x256xf32>
    %add3A_60 = arith.addf %max3A_51, %mul3A_59 : vector<10000x256xf32>
    %swap3A = arith.constant 0 : index
    %swap3A_61 = arith.constant 0 : index
    %swap3A_62 = vector.load %arg8[%swap3A, %swap3A_61] : memref<10000x256xf32, #tpu.memory_space<vmem>>, vector<10000x256xf32>
    tpu.vector_store %arg8[%swap3A, %swap3A_61], %add3A_60 {strides = array<i32>} : memref<10000x256xf32, #tpu.memory_space<vmem>>, vector<10000x256xf32>,
    return
  }
}

module attributes {stable_mosaic.version = 14 : i64} {
  func.func @_pre_body(%arg0: memref<10000x256xf32, #tpu.memory_space<vmem>>, %arg1: memref<10000x1xf32, #tpu.memory_space<vmem>>, %arg2: memref<256x256xf32, #tpu.memory_space<vmem>>, %arg3: memref<20480x128xf32, #tpu.memory_space<vmem>>) attributes {dimension_semantics = [], scalar_prefetch = 0 : i64, scratch_operands = 0 : i64, tpu.core_type = #tpu.core_type<tc>} {
    %get3A = arith.constant 0 : index
    %get3A_0 = arith.constant 0 : index
    %get3A_1 = vector.load %arg0[%get3A, %get3A_0] : memref<10000x256xf32, #tpu.memory_space<vmem>>, vector<10000x256xf32>
    %get3A_2 = arith.constant 0 : index
    %get3A_3 = arith.constant 0 : index
    %get3A_4 = vector.load %arg2[%get3A_2, %get3A_3] : memref<256x256xf32, #tpu.memory_space<vmem>>, vector<256x256xf32>
    %dot_general3A = arith.constant dense<0.000000e+00> : vector<10000x256xf32>
    %dot_general3A_5 = tpu.matmul %get3A_1, %get3A_4, %dot_general3A {dimension_numbers = #tpu.dot_dimension_numbers<[1], [0], [0], [1], [0, 0, 1, 1], [], []>, transpose_lhs_hint = false} : vector<10000x256xf32>, vector<256x256xf32>, vector<10000x256xf32> -> vector<10000x256xf32>
    %get3A_6 = arith.constant 0 : index
    %get3A_7 = arith.constant 0 : index
    %get3A_8 = vector.load %arg1[%get3A_6, %get3A_7] : memref<10000x1xf32, #tpu.memory_space<vmem>>, vector<10000x1xf32>
    %mul3A = vector.broadcast %get3A_8 : vector<10000x1xf32> to vector<10000x256xf32>
    %mul3A_9 = arith.mulf %dot_general3A_5, %mul3A : vector<10000x256xf32>
    %slice3A = vector.extract_strided_slice %mul3A_9 {offsets = [0, 0], sizes = [10000, 128], strides = [1, 1]} : vector<10000x256xf32> to vector<10000x128xf32>
    %swap3A = arith.constant 0 : index
    %swap3A_10 = arith.constant 0 : index
    %swap3A_11 = vector.load %arg3[%swap3A, %swap3A_10] : memref<20480x128xf32, #tpu.memory_space<vmem>>, vector<10000x128xf32>
    tpu.vector_store %arg3[%swap3A, %swap3A_10], %slice3A {strides = array<i32>} : memref<20480x128xf32, #tpu.memory_space<vmem>>, vector<10000x128xf32>,
    %broadcast_in_dim3A = arith.constant 0.000000e+00 : f32
    %broadcast_in_dim3A_12 = vector.broadcast %broadcast_in_dim3A : f32 to vector<240x128xf32>
    %swap3A_13 = arith.constant 10000 : index
    %swap3A_14 = arith.constant 0 : index
    %swap3A_15 = vector.load %arg3[%swap3A_13, %swap3A_14] : memref<20480x128xf32, #tpu.memory_space<vmem>>, vector<240x128xf32>
    tpu.vector_store %arg3[%swap3A_13, %swap3A_14], %broadcast_in_dim3A_12 {strides = array<i32>} : memref<20480x128xf32, #tpu.memory_space<vmem>>, vector<240x128xf32>,
    %slice3A_16 = vector.extract_strided_slice %mul3A_9 {offsets = [0, 128], sizes = [10000, 128], strides = [1, 1]} : vector<10000x256xf32> to vector<10000x128xf32>
    %swap3A_17 = arith.constant 10240 : index
    %swap3A_18 = arith.constant 0 : index
    %swap3A_19 = vector.load %arg3[%swap3A_17, %swap3A_18] : memref<20480x128xf32, #tpu.memory_space<vmem>>, vector<10000x128xf32>
    tpu.vector_store %arg3[%swap3A_17, %swap3A_18], %slice3A_16 {strides = array<i32>} : memref<20480x128xf32, #tpu.memory_space<vmem>>, vector<10000x128xf32>,
    %broadcast_in_dim3A_20 = arith.constant 0.000000e+00 : f32
    %broadcast_in_dim3A_21 = vector.broadcast %broadcast_in_dim3A_20 : f32 to vector<240x128xf32>
    %swap3A_22 = arith.constant 20240 : index
    %swap3A_23 = arith.constant 0 : index
    %swap3A_24 = vector.load %arg3[%swap3A_22, %swap3A_23] : memref<20480x128xf32, #tpu.memory_space<vmem>>, vector<240x128xf32>
    tpu.vector_store %arg3[%swap3A_22, %swap3A_23], %broadcast_in_dim3A_21 {strides = array<i32>} : memref<20480x128xf32, #tpu.memory_space<vmem>>, vector<240x128xf32>,
    return
  }
}

module attributes {stable_mosaic.version = 14 : i64} {
  func.func @_head_body(%arg0: memref<10000x256xf32, #tpu.memory_space<vmem>>, %arg1: memref<64x128xf32, #tpu.memory_space<vmem>>, %arg2: memref<1x128xf32, #tpu.memory_space<vmem>>, %arg3: memref<1x128xf32, #tpu.memory_space<vmem>>, %arg4: memref<1x128xf32, #tpu.memory_space<vmem>>, %arg5: memref<128x64xf32, #tpu.memory_space<vmem>>, %arg6: memref<1x64xf32, #tpu.memory_space<vmem>>, %arg7: memref<1x64xf32, #tpu.memory_space<vmem>>, %arg8: memref<1x64xf32, #tpu.memory_space<vmem>>, %arg9: memref<64x32xf32, #tpu.memory_space<vmem>>, %arg10: memref<1x32xf32, #tpu.memory_space<vmem>>, %arg11: memref<32x1xf32, #tpu.memory_space<vmem>>, %arg12: memref<1x1xf32, #tpu.memory_space<vmem>>, %arg13: memref<10000x1xf32, #tpu.memory_space<vmem>>) attributes {dimension_semantics = [], scalar_prefetch = 0 : i64, scratch_operands = 0 : i64, tpu.core_type = #tpu.core_type<tc>} {
    %get3A = arith.constant 0 : index
    %get3A_0 = arith.constant 0 : index
    %get3A_1 = vector.load %arg0[%get3A, %get3A_0] : memref<10000x256xf32, #tpu.memory_space<vmem>>, vector<10000x64xf32>
    %get3A_2 = arith.constant 0 : index
    %get3A_3 = arith.constant 0 : index
    %get3A_4 = vector.load %arg1[%get3A_2, %get3A_3] : memref<64x128xf32, #tpu.memory_space<vmem>>, vector<64x128xf32>
    %dot_general3A = arith.constant dense<0.000000e+00> : vector<10000x128xf32>
    %dot_general3A_5 = tpu.matmul %get3A_1, %get3A_4, %dot_general3A {dimension_numbers = #tpu.dot_dimension_numbers<[1], [0], [0], [1], [0, 0, 1, 1], [], []>, transpose_lhs_hint = false} : vector<10000x64xf32>, vector<64x128xf32>, vector<10000x128xf32> -> vector<10000x128xf32>
    %get3A_6 = arith.constant 0 : index
    %get3A_7 = arith.constant 0 : index
    %get3A_8 = vector.load %arg2[%get3A_6, %get3A_7] : memref<1x128xf32, #tpu.memory_space<vmem>>, vector<1x128xf32>
    %add3A = vector.broadcast %get3A_8 : vector<1x128xf32> to vector<10000x128xf32>
    %add3A_9 = arith.addf %dot_general3A_5, %add3A : vector<10000x128xf32>
    %get3A_10 = arith.constant 0 : index
    %get3A_11 = arith.constant 0 : index
    %get3A_12 = vector.load %arg3[%get3A_10, %get3A_11] : memref<1x128xf32, #tpu.memory_space<vmem>>, vector<1x128xf32>
    %get3A_13 = arith.constant 0 : index
    %get3A_14 = arith.constant 0 : index
    %get3A_15 = vector.load %arg4[%get3A_13, %get3A_14] : memref<1x128xf32, #tpu.memory_space<vmem>>, vector<1x128xf32>
    %reduce_sum3A = arith.constant dense<0.000000e+00> : vector<10000xf32>
    %reduce_sum3A_16 = vector.multi_reduction <add>, %add3A_9, %reduce_sum3A [1] : vector<10000x128xf32> to vector<10000xf32>
    %broadcast_in_dim3A = vector.shape_cast %reduce_sum3A_16 : vector<10000xf32> to vector<10000x1xf32>
    %div3A = arith.constant 1.280000e+02 : f32
    %div3A_17 = vector.broadcast %div3A : f32 to vector<10000x1xf32>
    %div3A_18 = arith.divf %broadcast_in_dim3A, %div3A_17 : vector<10000x1xf32>
    %jit3A = arith.constant 0 : i32
    %reduce_sum3A_19 = arith.constant dense<0.000000e+00> : vector<10000xf32>
    %reduce_sum3A_20 = vector.multi_reduction <add>, %add3A_9, %reduce_sum3A_19 [1] : vector<10000x128xf32> to vector<10000xf32>
    %broadcast_in_dim3A_21 = vector.shape_cast %reduce_sum3A_20 : vector<10000xf32> to vector<10000x1xf32>
    %div3A_22 = arith.constant 1.280000e+02 : f32
    %div3A_23 = vector.broadcast %div3A_22 : f32 to vector<10000x1xf32>
    %div3A_24 = arith.divf %broadcast_in_dim3A_21, %div3A_23 : vector<10000x1xf32>
    %sub3A = vector.broadcast %div3A_24 : vector<10000x1xf32> to vector<10000x128xf32>
    %sub3A_25 = arith.subf %add3A_9, %sub3A : vector<10000x128xf32>
    %square3A = arith.mulf %sub3A_25, %sub3A_25 : vector<10000x128xf32>
    %convert_element_type3A = arith.sitofp %jit3A : i32 to f32
    %sub3A_26 = arith.constant 1.280000e+02 : f32
    %sub3A_27 = arith.subf %sub3A_26, %convert_element_type3A : f32
    %reduce_sum3A_28 = arith.constant dense<0.000000e+00> : vector<10000xf32>
    %reduce_sum3A_29 = vector.multi_reduction <add>, %square3A, %reduce_sum3A_28 [1] : vector<10000x128xf32> to vector<10000xf32>
    %broadcast_in_dim3A_30 = vector.shape_cast %reduce_sum3A_29 : vector<10000xf32> to vector<10000x1xf32>
    %div3A_31 = vector.broadcast %sub3A_27 : f32 to vector<10000x1xf32>
    %div3A_32 = arith.divf %broadcast_in_dim3A_30, %div3A_31 : vector<10000x1xf32>
    %gt3A = arith.constant 0.000000e+00 : f32
    %gt3A_33 = arith.cmpf ogt, %sub3A_27, %gt3A : f32
    %jit3A_34 = arith.constant 0x7FC00000 : f32
    %broadcast_in_dim3A_35 = vector.broadcast %jit3A_34 : f32 to vector<10000x1xf32>
    %select_n3A = arith.select %gt3A_33, %div3A_32, %broadcast_in_dim3A_35 : vector<10000x1xf32>
    %sub3A_36 = vector.broadcast %div3A_18 : vector<10000x1xf32> to vector<10000x128xf32>
    %sub3A_37 = arith.subf %add3A_9, %sub3A_36 : vector<10000x128xf32>
    %add3A_38 = arith.constant 9.99999974E-6 : f32
    %add3A_39 = vector.broadcast %add3A_38 : f32 to vector<10000x1xf32>
    %add3A_40 = arith.addf %select_n3A, %add3A_39 : vector<10000x1xf32>
    %sqrt3A = math.sqrt %add3A_40 : vector<10000x1xf32>
    %div3A_41 = vector.broadcast %sqrt3A : vector<10000x1xf32> to vector<10000x128xf32>
    %div3A_42 = arith.divf %sub3A_37, %div3A_41 : vector<10000x128xf32>
    %mul3A = vector.broadcast %get3A_12 : vector<1x128xf32> to vector<10000x128xf32>
    %mul3A_43 = arith.mulf %div3A_42, %mul3A : vector<10000x128xf32>
    %add3A_44 = vector.broadcast %get3A_15 : vector<1x128xf32> to vector<10000x128xf32>
    %add3A_45 = arith.addf %mul3A_43, %add3A_44 : vector<10000x128xf32>
    %max3A = arith.constant 0.000000e+00 : f32
    %max3A_46 = vector.broadcast %max3A : f32 to vector<10000x128xf32>
    %max3A_47 = arith.maximumf %add3A_45, %max3A_46 : vector<10000x128xf32>
    %get3A_48 = arith.constant 0 : index
    %get3A_49 = arith.constant 0 : index
    %get3A_50 = vector.load %arg5[%get3A_48, %get3A_49] : memref<128x64xf32, #tpu.memory_space<vmem>>, vector<128x64xf32>
    %dot_general3A_51 = arith.constant dense<0.000000e+00> : vector<10000x64xf32>
    %dot_general3A_52 = tpu.matmul %max3A_47, %get3A_50, %dot_general3A_51 {dimension_numbers = #tpu.dot_dimension_numbers<[1], [0], [0], [1], [0, 0, 1, 1], [], []>, transpose_lhs_hint = false} : vector<10000x128xf32>, vector<128x64xf32>, vector<10000x64xf32> -> vector<10000x64xf32>
    %get3A_53 = arith.constant 0 : index
    %get3A_54 = arith.constant 0 : index
    %get3A_55 = vector.load %arg6[%get3A_53, %get3A_54] : memref<1x64xf32, #tpu.memory_space<vmem>>, vector<1x64xf32>
    %add3A_56 = vector.broadcast %get3A_55 : vector<1x64xf32> to vector<10000x64xf32>
    %add3A_57 = arith.addf %dot_general3A_52, %add3A_56 : vector<10000x64xf32>
    %get3A_58 = arith.constant 0 : index
    %get3A_59 = arith.constant 0 : index
    %get3A_60 = vector.load %arg7[%get3A_58, %get3A_59] : memref<1x64xf32, #tpu.memory_space<vmem>>, vector<1x64xf32>
    %get3A_61 = arith.constant 0 : index
    %get3A_62 = arith.constant 0 : index
    %get3A_63 = vector.load %arg8[%get3A_61, %get3A_62] : memref<1x64xf32, #tpu.memory_space<vmem>>, vector<1x64xf32>
    %reduce_sum3A_64 = arith.constant dense<0.000000e+00> : vector<10000xf32>
    %reduce_sum3A_65 = vector.multi_reduction <add>, %add3A_57, %reduce_sum3A_64 [1] : vector<10000x64xf32> to vector<10000xf32>
    %broadcast_in_dim3A_66 = vector.shape_cast %reduce_sum3A_65 : vector<10000xf32> to vector<10000x1xf32>
    %div3A_67 = arith.constant 6.400000e+01 : f32
    %div3A_68 = vector.broadcast %div3A_67 : f32 to vector<10000x1xf32>
    %div3A_69 = arith.divf %broadcast_in_dim3A_66, %div3A_68 : vector<10000x1xf32>
    %jit3A_70 = arith.constant 0 : i32
    %reduce_sum3A_71 = arith.constant dense<0.000000e+00> : vector<10000xf32>
    %reduce_sum3A_72 = vector.multi_reduction <add>, %add3A_57, %reduce_sum3A_71 [1] : vector<10000x64xf32> to vector<10000xf32>
    %broadcast_in_dim3A_73 = vector.shape_cast %reduce_sum3A_72 : vector<10000xf32> to vector<10000x1xf32>
    %div3A_74 = arith.constant 6.400000e+01 : f32
    %div3A_75 = vector.broadcast %div3A_74 : f32 to vector<10000x1xf32>
    %div3A_76 = arith.divf %broadcast_in_dim3A_73, %div3A_75 : vector<10000x1xf32>
    %sub3A_77 = vector.broadcast %div3A_76 : vector<10000x1xf32> to vector<10000x64xf32>
    %sub3A_78 = arith.subf %add3A_57, %sub3A_77 : vector<10000x64xf32>
    %square3A_79 = arith.mulf %sub3A_78, %sub3A_78 : vector<10000x64xf32>
    %convert_element_type3A_80 = arith.sitofp %jit3A_70 : i32 to f32
    %sub3A_81 = arith.constant 6.400000e+01 : f32
    %sub3A_82 = arith.subf %sub3A_81, %convert_element_type3A_80 : f32
    %reduce_sum3A_83 = arith.constant dense<0.000000e+00> : vector<10000xf32>
    %reduce_sum3A_84 = vector.multi_reduction <add>, %square3A_79, %reduce_sum3A_83 [1] : vector<10000x64xf32> to vector<10000xf32>
    %broadcast_in_dim3A_85 = vector.shape_cast %reduce_sum3A_84 : vector<10000xf32> to vector<10000x1xf32>
    %div3A_86 = vector.broadcast %sub3A_82 : f32 to vector<10000x1xf32>
    %div3A_87 = arith.divf %broadcast_in_dim3A_85, %div3A_86 : vector<10000x1xf32>
    %gt3A_88 = arith.constant 0.000000e+00 : f32
    %gt3A_89 = arith.cmpf ogt, %sub3A_82, %gt3A_88 : f32
    %jit3A_90 = arith.constant 0x7FC00000 : f32
    %broadcast_in_dim3A_91 = vector.broadcast %jit3A_90 : f32 to vector<10000x1xf32>
    %select_n3A_92 = arith.select %gt3A_89, %div3A_87, %broadcast_in_dim3A_91 : vector<10000x1xf32>
    %sub3A_93 = vector.broadcast %div3A_69 : vector<10000x1xf32> to vector<10000x64xf32>
    %sub3A_94 = arith.subf %add3A_57, %sub3A_93 : vector<10000x64xf32>
    %add3A_95 = arith.constant 9.99999974E-6 : f32
    %add3A_96 = vector.broadcast %add3A_95 : f32 to vector<10000x1xf32>
    %add3A_97 = arith.addf %select_n3A_92, %add3A_96 : vector<10000x1xf32>
    %sqrt3A_98 = math.sqrt %add3A_97 : vector<10000x1xf32>
    %div3A_99 = vector.broadcast %sqrt3A_98 : vector<10000x1xf32> to vector<10000x64xf32>
    %div3A_100 = arith.divf %sub3A_94, %div3A_99 : vector<10000x64xf32>
    %mul3A_101 = vector.broadcast %get3A_60 : vector<1x64xf32> to vector<10000x64xf32>
    %mul3A_102 = arith.mulf %div3A_100, %mul3A_101 : vector<10000x64xf32>
    %add3A_103 = vector.broadcast %get3A_63 : vector<1x64xf32> to vector<10000x64xf32>
    %add3A_104 = arith.addf %mul3A_102, %add3A_103 : vector<10000x64xf32>
    %max3A_105 = arith.constant 0.000000e+00 : f32
    %max3A_106 = vector.broadcast %max3A_105 : f32 to vector<10000x64xf32>
    %max3A_107 = arith.maximumf %add3A_104, %max3A_106 : vector<10000x64xf32>
    %get3A_108 = arith.constant 0 : index
    %get3A_109 = arith.constant 0 : index
    %get3A_110 = vector.load %arg9[%get3A_108, %get3A_109] : memref<64x32xf32, #tpu.memory_space<vmem>>, vector<64x32xf32>
    %dot_general3A_111 = arith.constant dense<0.000000e+00> : vector<10000x32xf32>
    %dot_general3A_112 = tpu.matmul %max3A_107, %get3A_110, %dot_general3A_111 {dimension_numbers = #tpu.dot_dimension_numbers<[1], [0], [0], [1], [0, 0, 1, 1], [], []>, transpose_lhs_hint = false} : vector<10000x64xf32>, vector<64x32xf32>, vector<10000x32xf32> -> vector<10000x32xf32>
    %get3A_113 = arith.constant 0 : index
    %get3A_114 = arith.constant 0 : index
    %get3A_115 = vector.load %arg10[%get3A_113, %get3A_114] : memref<1x32xf32, #tpu.memory_space<vmem>>, vector<1x32xf32>
    %add3A_116 = vector.broadcast %get3A_115 : vector<1x32xf32> to vector<10000x32xf32>
    %add3A_117 = arith.addf %dot_general3A_112, %add3A_116 : vector<10000x32xf32>
    %max3A_118 = arith.constant 0.000000e+00 : f32
    %max3A_119 = vector.broadcast %max3A_118 : f32 to vector<10000x32xf32>
    %max3A_120 = arith.maximumf %add3A_117, %max3A_119 : vector<10000x32xf32>
    %get3A_121 = arith.constant 0 : index
    %get3A_122 = arith.constant 0 : index
    %get3A_123 = vector.load %arg11[%get3A_121, %get3A_122] : memref<32x1xf32, #tpu.memory_space<vmem>>, vector<32x1xf32>
    %dot_general3A_124 = arith.constant dense<0.000000e+00> : vector<10000x1xf32>
    %dot_general3A_125 = tpu.matmul %max3A_120, %get3A_123, %dot_general3A_124 {dimension_numbers = #tpu.dot_dimension_numbers<[1], [0], [0], [1], [0, 0, 1, 1], [], []>, transpose_lhs_hint = false} : vector<10000x32xf32>, vector<32x1xf32>, vector<10000x1xf32> -> vector<10000x1xf32>
    %get3A_126 = arith.constant 0 : index
    %get3A_127 = arith.constant 0 : index
    %get3A_128 = vector.load %arg12[%get3A_126, %get3A_127] : memref<1x1xf32, #tpu.memory_space<vmem>>, vector<1x1xf32>
    %add3A_129 = vector.broadcast %get3A_128 : vector<1x1xf32> to vector<10000x1xf32>
    %add3A_130 = arith.addf %dot_general3A_125, %add3A_129 : vector<10000x1xf32>
    %swap3A = arith.constant 0 : index
    %swap3A_131 = arith.constant 0 : index
    %swap3A_132 = vector.load %arg13[%swap3A, %swap3A_131] : memref<10000x1xf32, #tpu.memory_space<vmem>>, vector<10000x1xf32>
    tpu.vector_store %arg13[%swap3A, %swap3A_131], %add3A_130 {strides = array<i32>} : memref<10000x1xf32, #tpu.memory_space<vmem>>, vector<10000x1xf32>,
    return
  }
}

</mosaic_0001>

<sc_bundles>
// kernel: closed_call.40.cloned.1.call-start
scs
__scs_entry_jumppad:
0x0: {  	(pc) =	sbr.rel $0x88, $3  }
0x1: {  	(tag) =	ssettag $0x0;
	lr =	simm.s32 $0x1  }
0x2: {  	[smem:$0x3F7B] =	sst lr;
	_ =	strace $0xD0000000  }
0x3: {  	_ = 	snop  }
0x4: {  	_ = 	snop  }
0x5: {  	_ = 	snop  }
0x6: {  	_ = 	snop  }
0x7: {  	_ = 	snop  }
__scs_overlays_trampoline_lowered:
0x8: {  	[smem:$0x3F8A] =	sst s0  }
0x9: {  	[smem:$0x3F8B] =	sst s1  }
0xa: {  	[smem:$0x3F8C] =	sst s2  }
0xb: {  	[smem:$0x3F8D] =	sst s3  }
0xc: {  	[smem:$0x3F8E] =	sst s4  }
0xd: {  	[smem:$0x3F8F] =	sst s5  }
0xe: {  	[smem:$0x3F90] =	sst s6  }
0xf: {  	[smem:$0x3F91] =	sst s7  }
0x10: {  	[smem:$0x3F92] =	sst s8  }
0x11: {  	[smem:$0x3F93] =	sst s9;
	s0 =	simm.s32 @!p0 $0x0  }
0x12: {  	s1 =	sld [smem:$0x3F79];
	s0 =	simm.s32 @p0 $0x1  }
0x13: {  	[smem:$0x3F94] =	sst s0;
	s0 =	simm.s32 @!p1 $0x0  }
0x14: {  	s2 =	sld [smem:$0x3F78];
	s0 =	simm.s32 @p1 $0x1  }
0x15: {  	[smem:$0x3F95] =	sst s0;
	s0 =	simm.s32 @!p2 $0x0  }
0x16: {  	s3 =	sld [smem:$0x3FDB];
	s0 =	simm.s32 @p2 $0x1  }
0x17: {  	s4 =	simm.s32 $0x1BF5;
	[smem:$0x3F97] =	sst s0  }
0x18: {  	s0 =	sld [smem:$0x3F7A];
	_ =	swait.ge [sflag:s4], $0x0  }
0x19: {  	s7 =	sld [smem:$0x3F7B]  }
0x1a: {  	s8 =	sadd.s32 $0xFFFFE003, lr  }
0x1b: {  	s9 =	sadd.s32 $0xFFFFFEF7, lr;
	s5 =	simm.s32 $0xFFFFFFFF;
	p2 =	slt.u32 s8, $0xFFFFF086  }
0x1c: {  	p1 =	slt.u32 s9, $0xF7A;
	s5 =	simm.s32 @!p2 $0x0  }
0x1d: {  	s5 =	simm.s32 @p1 $0x1;
	p0 =	seq.s32 s7, s2  }
0x1e: {  	s7 =	smul.u32 @!p0 $0xF7A, s2;
	p2 =	seq.s32 @!p0 s5, $0x0  }
0x1f: {  	s9 =	smul.u32 $0xF7A, s1;
	s8 =	simm.s32 @!p0 $0x1BF5;
	p2 =	por !p2, p0  }
0x20: {  	[sflag:s8] =	ssyncset.s32 @!p0 $0xFFFFF086;
	s6 =	sadd.s32 @!p0 s3, s7;
	s7 =	simm.s32 @!p0 $0x108  }
0x21: {  	s3 =	sadd.s32 s3, s9;
	s6 =	sadd.s32 @!p0 $0x88, s6;
	s7 =	simm.s32 @p2 $0x1082  }
0x22: {  	[simem:s7], [sflag:s8] =	dma.local @!p0 [hbm:s6], $0xF7A  }
0x23: {  	s9 =	sor.u32 $0xD0000000, s2;
	s6 =	simm.s32 $0x108;
	_ =	swait.ge @!p0 [sflag:s8], $0x0  }
0x24: {  	s3 =	sadd.s32 $0x88, s3;
	s6 =	simm.s32 @!p1 $0x1082;
	[sflag:s4] =	ssyncset.s32 $0xFFFFF086  }
0x25: {  	[simem:s6], [sflag:s4] =	dma.local [hbm:s3], $0xF7A  }
0x26: {  	[smem:$0x3F7B] =	sst s1;
	(tag) =	ssettag s2;
	_ =	strace s9  }
0x27: {  	s1 =	sld [smem:$0x3F8B]  }
0x28: {  	s2 =	sld [smem:$0x3F8C]  }
0x29: {  	s4 =	sld [smem:$0x3F8E]  }
0x2a: {  	p0 =	seq.s32 s5, $0x0;
	s5 =	sld [smem:$0x3F8F]  }
0x2b: {  	s6 =	sld [smem:$0x3F90]  }
0x2c: {  	s7 =	sld [smem:$0x3F91]  }
0x2d: {  	s3 =	simm.s32 $0x108;
	s8 =	sld [smem:$0x3F92]  }
0x2e: {  	s3 =	simm.s32 @!p0 $0x1082;
	s9 =	sld [smem:$0x3F93]  }
0x2f: {  	lr =	sadd.s32 s0, s3;
	s0 =	sld [smem:$0x3F8A]  }
0x30: {  	s3 =	sld [smem:$0x3F8D]  }
0x31: {  	[smem:$0x3F96] =	sst s10  }
0x32: {  	s10 =	sld [smem:$0x3F94];
	_ =	sdelay $0x3  }
0x33: {  	p0 =	seq.s32 s10, $0x1;
	s10 =	sld [smem:$0x3F96];
	_ =	sdelay $0x3  }
0x34: {  	[smem:$0x3F96] =	sst s10  }
0x35: {  	s10 =	sld [smem:$0x3F95];
	_ =	sdelay $0x3  }
0x36: {  	p1 =	seq.s32 s10, $0x1;
	s10 =	sld [smem:$0x3F96];
	_ =	sdelay $0x3  }
0x37: {  	[smem:$0x3F96] =	sst s10  }
0x38: {  	s10 =	sld [smem:$0x3F97]  }
0x39: {  	_ = 	snop;
	(pc) =	sbr.ind lr, $3  }
0x3a: {  	_ = 	snop  }
0x3b: {  	_ = 	snop  }
0x3c: {  	p2 =	seq.s32 s10, $0x1;
	s10 =	sld [smem:$0x3F96]  }
0x3d: {  	_ =	shalt  }
0x3e: {  	_ =	shalt  }
0x3f: {  	_ =	shalt  }
0x40: {  	_ =	shalt  }
0x41: {  	_ =	shalt  }
0x42: {  	_ =	shalt  }
0x43: {  	_ =	shalt  }
0x44: {  	_ =	shalt  }
0x45: {  	_ =	shalt  }
0x46: {  	_ =	shalt  }
0x47: {  	_ =	shalt  }
0x48: {  	_ =	shalt  }
0x49: {  	_ =	shalt  }
0x4a: {  	_ =	shalt  }
0x4b: {  	_ =	shalt  }
0x4c: {  	_ =	shalt  }
0x4d: {  	_ =	shalt  }
0x4e: {  	_ =	shalt  }
0x4f: {  	_ =	shalt  }
0x50: {  	_ =	shalt  }
0x51: {  	_ =	shalt  }
0x52: {  	_ =	shalt  }
0x53: {  	_ =	shalt  }
0x54: {  	_ =	shalt  }
0x55: {  	_ =	shalt  }
0x56: {  	_ =	shalt  }
0x57: {  	_ =	shalt  }
0x58: {  	_ =	shalt  }
0x59: {  	_ =	shalt  }
0x5a: {  	_ =	shalt  }
0x5b: {  	_ =	shalt  }
0x5c: {  	_ =	shalt  }
0x5d: {  	_ =	shalt  }
0x5e: {  	_ =	shalt  }
0x5f: {  	_ =	shalt  }
0x60: {  	_ =	shalt  }
0x61: {  	_ =	shalt  }
0x62: {  	_ =	shalt  }
0x63: {  	_ =	shalt  }
0x64: {  	_ =	shalt  }
0x65: {  	_ =	shalt  }
0x66: {  	_ =	shalt  }
0x67: {  	_ =	shalt  }
0x68: {  	_ =	shalt  }
0x69: {  	_ =	shalt  }
0x6a: {  	_ =	shalt  }
0x6b: {  	_ =	shalt  }
0x6c: {  	_ =	shalt  }
0x6d: {  	_ =	shalt  }
0x6e: {  	_ =	shalt  }
0x6f: {  	_ =	shalt  }
0x70: {  	_ =	shalt  }
0x71: {  	_ =	shalt  }
0x72: {  	_ =	shalt  }
0x73: {  	_ =	shalt  }
0x74: {  	_ =	shalt  }
0x75: {  	_ =	shalt  }
0x76: {  	_ =	shalt  }
0x77: {  	_ =	shalt  }
0x78: {  	_ =	shalt  }
0x79: {  	_ =	shalt  }
0x7a: {  	_ =	shalt  }
0x7b: {  	_ =	shalt  }
0x7c: {  	_ =	shalt  }
0x7d: {  	_ =	shalt  }
0x7e: {  	_ =	shalt  }
0x7f: {  	_ =	shalt  }
0x80: {  	_ =	shalt  }
0x81: {  	_ =	shalt  }
0x82: {  	_ =	shalt  }
0x83: {  	_ =	shalt  }
0x84: {  	_ =	shalt  }
0x85: {  	_ =	shalt  }
0x86: {  	_ =	shalt  }
0x87: {  	_ =	shalt  }
.Lfunc_end0:
.L_simem_size_0:
called_computation_lowered:
.L_overlay_start_0:
0x88: {  	s2 =	sld [smem:$0x3FD9]  }
0x89: {  	s3 =	sld [smem:$0x3FFE];
	_ =	sdelay $0x1  }
0x8a: {  	s1 =	srdreg.scid  }
0x8b: {  	s0 =	sand.u32 $0x1, s1  }
0x8c: {  	s16 =	sshll.u32 s0, $0xA;
	s2 =	sadd.s32 s3, s2  }
0x8d: {  	s2 =	sadd.s32 s2, s16  }
0x8e: {  	[smem:$0x3FA2] =	sst s2  }
0x8f: {  	_ = 	snop  }
0x90: {  	(tm) =	ssettm $0x1  }
0x91: {  	s17 =	sld [smem:$0x3FFB];
	_ =	sdelay $0x3  }
0x92: {  	_ =	strace s17  }
0x93: {  	s2 =	sld [smem:$0x3FFC];
	_ =	sdelay $0x3  }
0x94: {  	_ =	strace s2  }
0x95: {  	s2 =	sld [smem:$0x3FFD];
	_ =	sdelay $0x3  }
0x96: {  	_ =	strace s2  }
0x97: {  	_ =	strace $0x8FFFFFFF  }
0x98: {  	s18 =	sld [smem:$0x3FDB];
	_ =	sdelay $0x1  }
0x99: {  	s19 =	simm.s32 $_scs_section_size  }
0x9a: {  	s4 =	simm.s32 $_size__tile_overlayer_lowered;
	s5 =	simm.s32 $_tile_overlayer_lowered  }
0x9b: {  	s22 =	simm.s32 $0x1BFF;
	s21 =	sshll.u32 s5, $0x1;
	s2 =	sadd.s32 s19, s18  }
0x9c: {  	s6 =	simm.s32 $0x0;
	s20 =	sshll.u32 s4, $0x1;
	s4 =	sadd.s32 s21, s2  }
0x9d: {  	[timem:s6], [sflag:s22] =	dma.local [hbm:s4], s20  }
0x9e: {  	_ =	swait.ge [sflag:s22], s20  }
0x9f: {  	s3 =	ssub.s32 $0x0, s20;
	[sflag:s22] =	ssyncset.done $0x0  }
0xa0: {  	[sflag:s22] =	ssyncadd.s32 s3;
	_ =	sdelay $0x1  }
0xa1: {  	s23 =	simm.s32 $0x1B8B  }
0xa2: {  	_ =	swait.ge [sflag:s23], $0x1  }
0xa3: {  	[sflag:s23] =	ssyncset.done $0x0  }
0xa4: {  	s25 =	simm.s32 $0x1B8E;
	s24 =	sld [smem:$0x3FFE];
	[sflag:s23] =	ssyncadd.s32 $0xFFFFFFFF  }
0xa5: {  	s26 =	simm.s32 $execute0_lowered;
	[smem:$0x3FD2] =	sst s25  }
0xa6: {  	s4 =	sshll.u32 s26, $0x1;
	_ =	strace $0x80000049;
	[dreg:$0x1] =	wrdreg $0xFFFFFFFF  }
0xa7: {  	s28 =	simm.s32 $_size_execute0_lowered;
	s2 =	sadd.s32 s2, s4;
	[dreg:$0x0] =	wrdreg $0x0  }
0xa8: {  	s4 =	sshll.u32 s28, $0x1;
	[dreg:$0x2] =	wrdreg s2  }
0xa9: {  	[dreg:$0x3] =	wrdreg s4  }
0xaa: {  	[dreg:$0x4] =	wrdreg $0xC0  }
0xab: {  	_ =	task [dreg:s6], $0x5FFFF  }
0xac: {  	[dreg:$0x1] =	wrdreg $0xFFFFFFFF  }
0xad: {  	[dreg:$0x0] =	wrdreg $0x60  }
0xae: {  	[dreg:$0x2] =	wrdreg s24  }
0xaf: {  	[dreg:$0x3] =	wrdreg $0x160000  }
0xb0: {  	[dreg:$0x4] =	wrdreg $0x9  }
0xb1: {  	_ =	task.clear_ibuf [dreg:s6], $0x5FFFF;
	_ =	strace $0x90000049  }
0xb2: {  	s29 =	simm.s32 $0x9;
	_ =	strace $0x8000004B  }
0xb3: {  	_ =	swait.ge [sflag:s29], $0x1  }
0xb4: {  	[sflag:s29] =	ssyncadd.s32 $0xFFFFFFFF  }
0xb5: {  	_ =	strace $0x9000004B  }
0xb6: {  	_ =	sfence  }
0xb7: {  	s30 =	sld [smem:$0x0];
	_ =	sdelay $0x2  }
0xb8: {  	s31 =	sshll.u32 s1, $0xD;
	s1 =	sshrl.u32 s1, $0x2  }
0xb9: {  	s3 =	sand.u32 $0x4000, s31;
	s1 =	sadd.s32 s1, s30  }
0xba: {  	s0 =	sor.u32 s3, s0;
	s1 =	sshll.u32 s1, $0x11  }
0xbb: {  	s0 =	sor.u32 s1, s0  }
0xbc: {  	s0 =	sadd.s32 $0x8F2B, s0  }
0xbd: {  	[sflag:s0] =	ssyncadd.remote.s32 $0x1  }
0xbe: {  	_ =	sfence.sel $0xFFFF  }
0xbf: {  	[dreg:$0x0] =	wrdreg $0xFFFFFFFF;
	(pc) =	sbr.abs _section_cstart, $3  }
0xc0: {  	[dreg:$0x1] =	wrdreg $0xFFFFFFFF  }
0xc1: {  	_ =	task.clear_ibuf [dreg:s6], $0x2FFFF;
	_ =	strace $0x9FFFFFFF  }
0xc2: {  	(tm) =	ssettm $0x7FFFFFFF  }
0xc3: {  	_ =	shalt  }
tec
execute0_lowered:
.L_overlay_start_1:
0x0: {  	(tag) =	ssettag $0x1  }
0x1: {  	s0 =	srdreg.scid;
	s14 =	rddreg [dreg:$0x0]  }
0x2: {  	s2 =	rddreg [dreg:$0x1];
	s1 =	stileid.u32  }
0x3: {  	s3 =	simm.s32 $0x0;
	s15 =	simm.s32 $0x3;
	s19 =	simm.s32 $0x7000  }
0x4: {  	s20 =	simm.s32 $0x60;
	s21 =	simm.s32 $0xA000;
	s22 =	simm.s32 $0xD000  }
0x5: {  	s23 =	simm.s32 $0x10000;
	s24 =	simm.s32 $0x13000;
	s25 =	simm.s32 $0x1  }
0x6: {  	s26 =	simm.s32 $0x2;
	s28 =	simm.s32 $0x0;
	s0 =	sand.u32 $0x1, s0  }
0x7: {  	[smem:$0x7FF] =	sst s3;
	s8 =	smul.u32 $0x1E000, s1;
	s6 =	sadd.s32 $0x4CE00, s14  }
0x8: {  	s12 =	smul.u32 $0x7800, s1;
	s4 =	sshll.u32 s0, $0x4;
	_ =	strace $0x8000004A  }
0x9: {  	s7 =	ssub.s32 $0x2, s0;
	p0 =	seq.s32 s0, $0x1;
	s4 =	sor.u32 s1, s4  }
0xa: {  	s0 =	simm.s32 $0xD1000;
	s10 =	sshrl.u32 s7, $0x1;
	s5 =	smul.u32 $0x3800, s4  }
.Ltmp0:
0xb: {  	s31 =	sshrl.u32 s8, $0x2;
	s0 =	simm.s32 @!p0 $0x4D200;
	(pc) =	sbr.rel .LBB2_1-.Ltmp0, $4  }
0xc: {  	s4 =	sadd.s32 $0x81000, s14;
	s13 =	ssub.s32 s7, s10;
	s5 =	sshrl.u32 s5, $0x3  }
0xd: {  	s13 =	smax.u32 s13, $0x1;
	s9 =	sadd.s32 s5, s14;
	s5 =	sadd.s32 $0x4D000, s14  }
0xe: {  	s7 =	sadd.s32 $0x9C00, s9;
	s8 =	sadd.s32 $0x17C00, s9;
	s9 =	sadd.s32 s31, s2  }
0xf: {  	v0 =	vimm.f32 $0.0e+00;
	s14 =	sadd.s32 s0, s14;
	s10 =	sadd.s32 $0x3000, s9;
	s11 =	sadd.s32 $0x6000, s9  }
.LBB2_10:
0x10: {  	s28 =	sadd.s32 $0x1, s28  }
0x11: {  	p0 =	sne.s32 s28, s13  }
.Ltmp1:
0x12: {  	_ = 	snop;
	(pc) =	sbr.rel @!p0 .LBB2_11-.Ltmp1, $1  }
0x13: {  	_ =	sdelay $0x3  }
.LBB2_1:
0x14: {  	[tilespmem:s3], [sflag:$0x3] =	stream.linear.gather [hbm4b:s7+s3], $0x3480, $0x38;
	[tilespmem:$0x1D900] =	vst v63  }
0x15: {  	_ =	swait.ge [sflag:s15], $0x3480  }
0x16: {  	[sflag:s15] =	ssyncset.done $0x0  }
0x17: {  	s0 =	simm.s32 $0x3800;
	[sflag:s15] =	ssyncadd.s32 $0xFFFFCB80  }
0x18: {  	[tilespmem:s0], [sflag:$0x3] =	stream.linear.gather [hbm4b:s8+s3], $0x3480, $0x38;
	[tilespmem:$0x1D900] =	vst v63  }
0x19: {  	_ =	swait.ge [sflag:s15], $0x3480  }
0x1a: {  	[sflag:s15] =	ssyncset.done $0x0  }
0x1b: {  	s16 =	simm.s32 $0x1D800;
	[sflag:s15] =	ssyncadd.s32 $0xFFFFCB80  }
0x1c: {  	[tilespmem:s16], [sflag:$0x3] =	stream.linear.gather [hbm4b:s5+s3], $0x80, $0x38;
	[tilespmem:$0x1D900] =	vst v63  }
0x1d: {  	_ =	swait.ge [sflag:s15], $0x80  }
0x1e: {  	[sflag:s15] =	ssyncset.done $0x0  }
0x1f: {  	s17 =	simm.s32 $0x1D880;
	[sflag:s15] =	ssyncadd.s32 $0xFFFFFF80  }
0x20: {  	[tilespmem:s17], [sflag:$0x3] =	stream.linear.gather [hbm4b:s6+s3], $0x80, $0x38;
	[tilespmem:$0x1D900] =	vst v63  }
0x21: {  	_ =	swait.ge [sflag:s15], $0x80  }
0x22: {  	[sflag:s15] =	ssyncset.done $0x0  }
0x23: {  	[sflag:s15] =	ssyncadd.s32 $0xFFFFFF80  }
0x24: {  	v1 =	vld [tilespmem:$0x1D880];
	_ =	sdelay $0x4  }
0x25: {  	v1 =	vxor.u32 $0x80000000, v1  }
0x26: {  	(xrf0) =	vmax.scan.msk.u32 $0xffff, v1;
	_ =	sdelay $0x5  }
0x27: {  	v1, _, _ =	vpop (xrf0)  }
0x28: {  	(v2sf) =	vpush v1, $0xF;
	_ =	sdelay $0x9  }
0x29: {  	s30 =	simm.s32 $0x0  }
0x2a: {  	v2 =	vld [tilespmem:s30+$0x3800]  }
0x2b: {  	v3 =	vld [tilespmem:s30+$0x0]  }
0x2c: {  	v4 =	vld [tilespmem:s30+$0x3810]  }
0x2d: {  	v5 =	vld [tilespmem:s30+$0x20]  }
0x2e: {  	v9 =	vld [tilespmem:s30+$0x3820];
	s18 =	spop (v2sf)  }
0x2f: {  	v7 =	vld [tilespmem:s30+$0x30];
	s0 =	sxor.u32 $0x80000000, s18  }
0x30: {  	v13 =	vld [tilespmem:s30+$0x3830];
	v1 =	vmov s0  }
0x31: {  	v6 =	vsub.s32 v2, v1  }
0x32: {  	v11 =	vand.u32 $0x7F, v5;
	vm0 =	vge.s32 v2, v1;
	vm1 =	vlt.s32 v6, $0xF00  }
0x33: {  	v12 =	vand.u32 $0x7F, v3;
	v2 =	vand.u32 $0x7FF, v2;
	vm1 =	vmand vm0, vm1  }
0x34: {  	v18 =	vand.u32 $0x7F, v7;
	v12 =	vadd.s32 $0x2710, v12;
	v2 =	vsel vm1, v6, v2;
	v6 =	vld [tilespmem:s30+$0x3840]  }
0x35: {  	v14 =	vsub.s32 v9, v1;
	v17 =	vsub.s32 v13, v1;
	[tilespmem:s30+$0x3800] =	vst v2;
	v2 =	vsub.s32 v4, v1  }
0x36: {  	v8 =	vld [tilespmem:s30+$0x40];
	vm3 =	vlt.s32 v14, $0xF00;
	vm0 =	vge.s32 v4, v1;
	vm2 =	vlt.s32 v2, $0xF00  }
0x37: {  	v3 =	vsel vm1, v3, v12;
	v4 =	vand.u32 $0x7FF, v4;
	vm0 =	vmand vm0, vm2  }
0x38: {  	s29 =	simm.s32 $0x80;
	v10 =	vld [tilespmem:s30+$0x10];
	vm2 =	vge.s32 v9, v1;
	v9 =	vand.u32 $0x7FF, v9;
	v2 =	vsel vm0, v2, v4  }
0x39: {  	v15 =	vld [tilespmem:s29+$0x3800];
	vm1 =	vmand vm2, vm3;
	[tilespmem:s30+$0x3810] =	vst v2;
	v2 =	vadd.s32 $0x2710, v11;
	v4 =	vsub.s32 v6, v1  }
0x3a: {  	[tilespmem:s30+$0x0] =	vst v3;
	vm3 =	vge.s32 v6, v1;
	v9 =	vsel vm1, v14, v9;
	v3 =	vsel vm1, v5, v2  }
0x3b: {  	v6 =	vand.u32 $0x7FF, v6;
	v2 =	vld [tilespmem:s29+$0x0];
	v5 =	vand.u32 $0x7F, v8;
	vm2 =	vlt.s32 v4, $0xF00;
	[tilespmem:s30+$0x20] =	vst v3  }
0x3c: {  	vm1 =	vge.s32 v13, v1;
	v11 =	vadd.s32 $0x2710, v5;
	vm2 =	vmand vm3, vm2;
	v5 =	vld [tilespmem:s29+$0x3810]  }
0x3d: {  	vm3 =	vlt.s32 v17, $0xF00;
	v3 =	vld [tilespmem:s29+$0x20];
	v8 =	vsel vm2, v8, v11;
	v11 =	vand.u32 $0x7F, v10  }
0x3e: {  	v12 =	vsub.s32 v15, v1;
	v14 =	vand.u32 $0x7FF, v15;
	[tilespmem:s30+$0x40] =	vst v8;
	v16 =	vadd.s32 $0x2710, v11;
	v8 =	vld [tilespmem:s30+$0x3850]  }
0x3f: {  	[tilespmem:s30+$0x3820] =	vst v9;
	vm4 =	vlt.s32 v12, $0xF00;
	v11 =	vsel vm2, v4, v6;
	v6 =	vld [tilespmem:s30+$0x50];
	v9 =	vsel vm0, v10, v16  }
0x40: {  	vm1 =	vmand vm1, vm3;
	vm2 =	vge.s32 v15, v1;
	v4 =	vld [tilespmem:s29+$0x40];
	v10 =	vand.u32 $0x7FF, v13;
	[tilespmem:s30+$0x10] =	vst v9  }
0x41: {  	s31 =	simm.s32 $0x400;
	vm0 =	vmand vm2, vm4;
	v13 =	vadd.s32 $0x2710, v18;
	v10 =	vsel vm1, v17, v10;
	v9 =	vld [tilespmem:s29+$0x3820]  }
.LBB2_2:
0x42: {  	s0 =	sshra.s32 s31, $0x2;
	p0 =	sne.s32 s31, $0xD000;
	s31 =	sadd.s32 $0x200, s31;
	v12 =	vsel vm0, v12, v14;
	v14 =	vld [tilespmem:s29+$0x10];
	v15 =	vand.u32 $0x7F, v3;
	v7 =	vsel vm1, v7, v13  }
0x43: {  	v13 =	vsub.s32 v5, v1;
	vm1 =	vge.s32 v5, v1;
	[tilespmem:s30+$0x3840] =	vst v11;
	v11 =	vand.u32 $0x7FF, v8  }
0x44: {  	vm2 =	vlt.s32 v13, $0xF00;
	[tilespmem:s29+$0x3800] =	vst v12;
	v12 =	vadd.s32 $0x2710, v15;
	v15 =	vand.u32 $0x7F, v6  }
0x45: {  	vm3 =	vge.s32 v8, v1;
	v16 =	vld [tilespmem:s29+$0x3840];
	v17 =	vand.u32 $0x7F, v4;
	v15 =	vadd.s32 $0x2710, v15  }
0x46: {  	v18 =	vand.u32 $0x7F, v2;
	v8 =	vsub.s32 v8, v1;
	v19 =	vsub.s32 v9, v1  }
0x47: {  	vm4 =	vge.s32 v9, v1;
	v9 =	vand.u32 $0x7FF, v9;
	v20 =	vand.u32 $0x7F, v14  }
0x48: {  	v18 =	vadd.s32 $0x2710, v18;
	v17 =	vadd.s32 $0x2710, v17;
	vm5 =	vlt.s32 v19, $0xF00;
	[tilespmem:s30+$0x3830] =	vst v10  }
0x49: {  	v5 =	vand.u32 $0x7FF, v5;
	vm1 =	vmand vm1, vm2;
	v10 =	vadd.s32 $0x2710, v20;
	v20 =	vld [tilespmem:s29+$0x3830];
	[tilespmem:s30+$0x30] =	vst v7  }
0x4a: {  	vm2 =	vlt.s32 v8, $0xF00;
	v5 =	vsel vm1, v13, v5;
	v7 =	vld [tilespmem:s29+$0x30];
	v13 =	vsub.s32 v16, v1  }
0x4b: {  	v2 =	vsel vm0, v2, v18;
	vm2 =	vmand vm3, vm2;
	vm0 =	vmand vm4, vm5;
	v21 =	vld [tilespmem:s0+$0x3800];
	[tilespmem:s29+$0x3810] =	vst v5  }
0x4c: {  	v6 =	vsel vm2, v6, v15;
	v3 =	vsel vm0, v3, v12;
	vm3 =	vlt.s32 v13, $0xF00;
	[tilespmem:s29+$0x0] =	vst v2  }
0x4d: {  	v9 =	vsel vm0, v19, v9;
	vm0 =	vge.s32 v16, v1;
	v15 =	vand.u32 $0x7FF, v16;
	v2 =	vld [tilespmem:s0+$0x0];
	[tilespmem:s29+$0x20] =	vst v3  }
0x4e: {  	vm0 =	vmand vm0, vm3;
	v5 =	vld [tilespmem:s0+$0x3810];
	v16 =	vsub.s32 v20, v1;
	[tilespmem:s30+$0x50] =	vst v6;
	v6 =	vsel vm2, v8, v11  }
.Ltmp2:
0x4f: {  	v4 =	vsel vm0, v4, v17;
	vm2 =	vge.s32 v20, v1;
	v3 =	vld [tilespmem:s0+$0x20];
	vm3 =	vlt.s32 v16, $0xF00;
	[tilespmem:s30+$0x3850] =	vst v6;
	s30 =	smov.u32 s29;
	s29 =	smov.u32 s0;
	(pc) =	sbr.rel @p0 .LBB2_2-.Ltmp2, $4  }
0x50: {  	v11 =	vsel vm0, v13, v15;
	v17 =	vand.u32 $0x7F, v7;
	v12 =	vsub.s32 v21, v1;
	[tilespmem:s30+$0x40] =	vst v4;
	v8 =	vld [tilespmem:s30+$0x3850]  }
0x51: {  	v10 =	vsel vm1, v14, v10;
	vm0 =	vge.s32 v21, v1;
	vm4 =	vlt.s32 v12, $0xF00;
	[tilespmem:s30+$0x3820] =	vst v9;
	v6 =	vld [tilespmem:s30+$0x50]  }
0x52: {  	vm1 =	vmand vm2, vm3;
	vm0 =	vmand vm0, vm4;
	v4 =	vld [tilespmem:s29+$0x40];
	[tilespmem:s30+$0x10] =	vst v10;
	v10 =	vand.u32 $0x7FF, v20  }
0x53: {  	v14 =	vand.u32 $0x7FF, v21;
	v13 =	vadd.s32 $0x2710, v17;
	v9 =	vld [tilespmem:s29+$0x3820];
	v10 =	vsel vm1, v16, v10  }
0x54: {  	v12 =	vsel vm0, v12, v14;
	v45 =	vand.u32 $0x7F, v3;
	v7 =	vsel vm1, v7, v13  }
0x55: {  	v46 =	vsub.s32 v5, v1;
	vm13 =	vge.s32 v5, v1;
	v50 =	vand.u32 $0x7F, v2  }
0x56: {  	v15 =	vld [tilespmem:s29+$0x10];
	[tilespmem:s30+$0x3840] =	vst v11;
	v52 =	vand.u32 $0x7FF, v5;
	v47 =	vand.u32 $0x7FF, v8;
	vm2 =	vlt.s32 v46, $0xF00  }
0x57: {  	v48 =	vadd.s32 $0x2710, v45;
	v16 =	vld [tilespmem:s29+$0x3840];
	vm3 =	vge.s32 v8, v1;
	v51 =	vsub.s32 v8, v1  }
0x58: {  	[tilespmem:s29+$0x3800] =	vst v12;
	v53 =	vadd.s32 $0x2710, v50;
	v49 =	vand.u32 $0x7F, v6;
	vm1 =	vmand vm13, vm2  }
0x59: {  	[tilespmem:s30+$0x3830] =	vst v10;
	vm5 =	vlt.s32 v51, $0xF00;
	v2 =	vsel vm0, v2, v53;
	v18 =	vsub.s32 v9, v1  }
0x5a: {  	v19 =	vld [tilespmem:s29+$0x3830];
	[tilespmem:s30+$0x30] =	vst v7;
	v5 =	vsel vm1, v46, v52;
	vm4 =	vge.s32 v9, v1;
	vm14 =	vlt.s32 v18, $0xF00  }
0x5b: {  	v17 =	vand.u32 $0x7F, v4;
	v14 =	vadd.s32 $0x2710, v49;
	[tilespmem:s29+$0x3810] =	vst v5;
	vm15 =	vmand vm4, vm14  }
0x5c: {  	vm8 =	vmand vm3, vm5;
	[tilespmem:s29+$0x0] =	vst v2;
	v55 =	vsub.s32 v16, v1;
	v2 =	vsel vm15, v3, v48  }
0x5d: {  	vm10 =	vge.s32 v16, v1;
	vm9 =	vlt.s32 v55, $0xF00;
	v3 =	vsel vm8, v6, v14;
	[tilespmem:s29+$0x20] =	vst v2  }
0x5e: {  	v54 =	vld [tilespmem:s29+$0x30];
	v2 =	vadd.s32 $0x2710, v17;
	vm3 =	vmand vm10, vm9;
	[tilespmem:s30+$0x50] =	vst v3;
	v3 =	vsel vm8, v51, v47  }
0x5f: {  	v2 =	vsel vm3, v4, v2;
	[tilespmem:s30+$0x3850] =	vst v3;
	v3 =	vand.u32 $0x7FF, v9  }
0x60: {  	[tilespmem:s29+$0x40] =	vst v2;
	v2 =	vsel vm15, v18, v3;
	v3 =	vld [tilespmem:s29+$0x3850]  }
0x61: {  	v56 =	vand.u32 $0x7F, v15;
	v58 =	vand.u32 $0x7FF, v16;
	v57 =	vld [tilespmem:s29+$0x50]  }
0x62: {  	v59 =	vsub.s32 v19, v1;
	vm11 =	vge.s32 v19, v1;
	v61 =	vand.u32 $0x7FF, v19  }
0x63: {  	vm12 =	vlt.s32 v59, $0xF00;
	v60 =	vand.u32 $0x7F, v54;
	[tilespmem:s29+$0x3820] =	vst v2;
	v2 =	vadd.s32 $0x2710, v56  }
0x64: {  	v5 =	vsel vm3, v55, v58;
	vm0 =	vmand vm11, vm12;
	v2 =	vsel vm1, v15, v2  }
0x65: {  	v6 =	vsel vm0, v59, v61;
	[tilespmem:s29+$0x10] =	vst v2;
	v2 =	vadd.s32 $0x2710, v60;
	v62 =	vsub.s32 v3, v1  }
0x66: {  	[tilespmem:s29+$0x3840] =	vst v5;
	v63 =	vand.u32 $0x7F, v57;
	vm13 =	vge.s32 v3, v1;
	vm14 =	vlt.s32 v62, $0xF00  }
0x67: {  	[tilespmem:s29+$0x3830] =	vst v6;
	v1 =	vsel vm0, v54, v2;
	v2 =	vadd.s32 $0x2710, v63;
	vm15 =	vmand vm13, vm14  }
0x68: {  	v3 =	vand.u32 $0x7FF, v3;
	[tilespmem:s29+$0x30] =	vst v1;
	v1 =	vsel vm15, v57, v2  }
0x69: {  	[tilespmem:s29+$0x50] =	vst v1;
	v1 =	vsel vm15, v62, v3  }
0x6a: {  	[tilespmem:s29+$0x3850] =	vst v1  }
0x6b: {  	v1 =	vld [tilespmem:$0x1D800];
	_ =	sdelay $0x4  }
0x6c: {  	v1 =	vxor.u32 $0x80000000, v1  }
0x6d: {  	(xrf0) =	vmax.scan.msk.u32 $0xffff, v1;
	_ =	sdelay $0x5  }
0x6e: {  	v1, _, _ =	vpop (xrf0)  }
0x6f: {  	(v2sf) =	vpush v1, $0xF;
	_ =	sdelay $0xe  }
0x70: {  	s0 =	spop (v2sf)  }
0x71: {  	p0 =	sgt.s32 s0, $0xFFFFFFFE  }
.Ltmp3:
0x72: {  	_ = 	snop;
	(pc) =	sbr.rel @p0 .LBB2_10-.Ltmp3, $1  }
0x73: {  	_ =	sdelay $0x3  }
0x74: {  	s29 =	sand.u32 $0x7FFFFFFF, s0;
	s30 =	simm.s32 $0x0  }
.LBB2_5:
0x75: {  	s0 =	simm.s32 $0x70;
	s16 =	simm.s32 $0x3C0  }
.LBB2_6:
0x76: {  	p0 =	sne.s32 s16, $0xBFC0;
	[tilespmem:s0+$0x7000] =	vst v0  }
0x77: {  	[tilespmem:s0+$0x6F90] =	vst v0  }
0x78: {  	[tilespmem:s0+$0x6FA0] =	vst v0  }
.Ltmp4:
0x79: {  	[tilespmem:s0+$0x6FB0] =	vst v0;
	(pc) =	sbr.rel @p0 .LBB2_6-.Ltmp4, $4  }
0x7a: {  	[tilespmem:s0+$0x6FC0] =	vst v0  }
0x7b: {  	[tilespmem:s0+$0x6FD0] =	vst v0  }
0x7c: {  	[tilespmem:s0+$0x6FE0] =	vst v0  }
0x7d: {  	[tilespmem:s0+$0x6FF0] =	vst v0;
	s0 =	sshra.s32 s16, $0x2;
	s16 =	sadd.s32 $0x200, s16  }
0x7e: {  	[tilespmem:s0+$0x7000] =	vst v0  }
0x7f: {  	[tilespmem:s0+$0x6F90] =	vst v0  }
0x80: {  	[tilespmem:s0+$0x6FA0] =	vst v0  }
0x81: {  	[tilespmem:s0+$0x6FB0] =	vst v0  }
0x82: {  	[tilespmem:s0+$0x6FC0] =	vst v0  }
0x83: {  	[tilespmem:s0+$0x6FD0] =	vst v0  }
0x84: {  	[tilespmem:s0+$0x6FE0] =	vst v0  }
0x85: {  	[tilespmem:s0+$0x6FF0] =	vst v0  }
0x86: {  	[spmem:s9] =	stream.linear.scatter [tilespmem:s19], [sflag:$0x3], $0x3000, $0x38;
	[tilespmem:$0x1D900] =	vst v63  }
0x87: {  	_ =	swait.ge [sflag:s15], $0x3000  }
0x88: {  	[sflag:s15] =	ssyncset.done $0x0  }
0x89: {  	[sflag:s15] =	ssyncadd.s32 $0xFFFFD000  }
0x8a: {  	[spmem:s10] =	stream.linear.scatter [tilespmem:s19], [sflag:$0x3], $0x3000, $0x38;
	[tilespmem:$0x1D900] =	vst v63  }
0x8b: {  	_ =	swait.ge [sflag:s15], $0x3000  }
0x8c: {  	[sflag:s15] =	ssyncset.done $0x0  }
0x8d: {  	[sflag:s15] =	ssyncadd.s32 $0xFFFFD000  }
0x8e: {  	[spmem:s11] =	stream.linear.scatter [tilespmem:s19], [sflag:$0x3], $0x1800, $0x38;
	[tilespmem:$0x1D900] =	vst v63  }
0x8f: {  	s17 =	smul.u32 $0x140000, s30;
	_ =	swait.ge [sflag:s15], $0x1800  }
0x90: {  	[sflag:s15] =	ssyncset.done $0x0  }
0x91: {  	s0 =	sshrl.u32 s17, $0x3;
	[sflag:s15] =	ssyncadd.s32 $0xFFFFE800  }
0x92: {  	s18 =	simm.s32 $0x0;
	s31 =	sadd.s32 s4, s0;
	[bflag:$0x0] =	sbarrier.arrive $0xFFFF  }
0x93: {  	[tilespmem:s19], [sflag:$0x1] =	stream.indirect.gather [hbm4b:s31+s20], $0x80, s18, s20, $0xb8;
	[tilespmem:$0x1D900] =	vst v63  }
0x94: {  	s16 =	simm.s32 $0x80  }
0x95: {  	[tilespmem:s21], [sflag:$0x1] =	stream.indirect.gather [hbm4b:s31+s20], $0x80, s16, s20, $0xb8;
	[tilespmem:$0x1D900] =	vst v63  }
0x96: {  	s17 =	simm.s32 $0x100  }
0x97: {  	[tilespmem:s22], [sflag:$0x1] =	stream.indirect.gather [hbm4b:s31+s20], $0x80, s17, s20, $0xb8;
	[tilespmem:$0x1D900] =	vst v63  }
0x98: {  	s18 =	simm.s32 $0x180  }
0x99: {  	[tilespmem:s23], [sflag:$0x1] =	stream.indirect.gather [hbm4b:s31+s20], $0x80, s18, s20, $0xb8;
	[tilespmem:$0x1D900] =	vst v63  }
0x9a: {  	s16 =	simm.s32 $0x200  }
0x9b: {  	[tilespmem:s24], [sflag:$0x1] =	stream.indirect.gather [hbm4b:s31+s20], $0x80, s16, s20, $0xb8;
	[tilespmem:$0x1D900] =	vst v63  }
0x9c: {  	_ =	swait.ge [sflag:s25], $0x3000  }
0x9d: {  	[sflag:s25] =	ssyncset.done $0x0  }
0x9e: {  	s17 =	simm.s32 $0x3800;
	[sflag:s25] =	ssyncadd.s32 $0xFFFFD000  }
0x9f: {  	[spmem:s2] =	stream.indirect.scatter.add.f32 [tilespmem:s19], [sflag:$0x2], $0x80, s17, s20, $0xb8;
	[tilespmem:$0x1D900] =	vst v63  }
0xa0: {  	_ =	swait.ge [sflag:s25], $0x3000  }
0xa1: {  	[sflag:s25] =	ssyncset.done $0x0  }
0xa2: {  	s18 =	simm.s32 $0x3880;
	[sflag:s25] =	ssyncadd.s32 $0xFFFFD000  }
0xa3: {  	[spmem:s2] =	stream.indirect.scatter.add.f32 [tilespmem:s21], [sflag:$0x2], $0x80, s18, s20, $0xb8;
	[tilespmem:$0x1D900] =	vst v63  }
0xa4: {  	_ =	swait.ge [sflag:s25], $0x3000  }
0xa5: {  	[sflag:s25] =	ssyncset.done $0x0  }
0xa6: {  	s16 =	simm.s32 $0x3900;
	[sflag:s25] =	ssyncadd.s32 $0xFFFFD000  }
0xa7: {  	[spmem:s2] =	stream.indirect.scatter.add.f32 [tilespmem:s22], [sflag:$0x2], $0x80, s16, s20, $0xb8;
	[tilespmem:$0x1D900] =	vst v63  }
0xa8: {  	_ =	swait.ge [sflag:s25], $0x3000  }
0xa9: {  	[sflag:s25] =	ssyncset.done $0x0  }
0xaa: {  	s17 =	simm.s32 $0x3980;
	[sflag:s25] =	ssyncadd.s32 $0xFFFFD000  }
0xab: {  	[spmem:s2] =	stream.indirect.scatter.add.f32 [tilespmem:s23], [sflag:$0x2], $0x80, s17, s20, $0xb8;
	[tilespmem:$0x1D900] =	vst v63  }
0xac: {  	_ =	swait.ge [sflag:s25], $0x3000  }
0xad: {  	[sflag:s25] =	ssyncset.done $0x0  }
0xae: {  	s18 =	simm.s32 $0x3A00;
	[sflag:s25] =	ssyncadd.s32 $0xFFFFD000  }
0xaf: {  	[spmem:s2] =	stream.indirect.scatter.add.f32 [tilespmem:s24], [sflag:$0x2], $0x80, s18, s20, $0xb8;
	[tilespmem:$0x1D900] =	vst v63  }
0xb0: {  	_ =	swait.ge [sflag:s26], $0x3000  }
0xb1: {  	[sflag:s26] =	ssyncset.done $0x0  }
0xb2: {  	[sflag:s26] =	ssyncadd.s32 $0xFFFFD000  }
0xb3: {  	_ =	swait.ge [sflag:s26], $0x3000  }
0xb4: {  	[sflag:s26] =	ssyncset.done $0x0  }
0xb5: {  	[sflag:s26] =	ssyncadd.s32 $0xFFFFD000  }
0xb6: {  	_ =	swait.ge [sflag:s26], $0x3000  }
0xb7: {  	[sflag:s26] =	ssyncset.done $0x0  }
0xb8: {  	[sflag:s26] =	ssyncadd.s32 $0xFFFFD000  }
0xb9: {  	_ =	swait.ge [sflag:s26], $0x3000  }
0xba: {  	[sflag:s26] =	ssyncset.done $0x0  }
0xbb: {  	[sflag:s26] =	ssyncadd.s32 $0xFFFFD000  }
0xbc: {  	_ =	swait.ge [sflag:s26], $0x3000  }
0xbd: {  	s0 =	simm.s32 $0xA00;
	s16 =	simm.s32 $0x1400;
	[sflag:s26] =	ssyncset.done $0x0  }
.LBB2_8:
0xbe: {  	s17 =	sshra.s32 s0, $0x2  }
0xbf: {  	[sflag:s26] =	ssyncadd.s32 $0xFFFFD000;
	s0 =	smov.u32 s16;
	s18 =	sadd.s32 $0xA00, s16  }
0xc0: {  	[tilespmem:s19], [sflag:$0x1] =	stream.indirect.gather [hbm4b:s31+s20], $0x80, s17, s20, $0xb8;
	[tilespmem:$0x1D900] =	vst v63  }
0xc1: {  	p0 =	sne.s32 s16, $0xC800;
	s16 =	sadd.s32 $0x80, s17  }
0xc2: {  	[tilespmem:s21], [sflag:$0x1] =	stream.indirect.gather [hbm4b:s31+s20], $0x80, s16, s20, $0xb8;
	[tilespmem:$0x1D900] =	vst v63  }
0xc3: {  	s16 =	sadd.s32 $0x100, s17  }
0xc4: {  	[tilespmem:s22], [sflag:$0x1] =	stream.indirect.gather [hbm4b:s31+s20], $0x80, s16, s20, $0xb8;
	[tilespmem:$0x1D900] =	vst v63  }
0xc5: {  	s16 =	sadd.s32 $0x180, s17  }
0xc6: {  	[tilespmem:s23], [sflag:$0x1] =	stream.indirect.gather [hbm4b:s31+s20], $0x80, s16, s20, $0xb8;
	[tilespmem:$0x1D900] =	vst v63  }
0xc7: {  	s16 =	sadd.s32 $0x200, s17  }
0xc8: {  	[tilespmem:s24], [sflag:$0x1] =	stream.indirect.gather [hbm4b:s31+s20], $0x80, s16, s20, $0xb8;
	[tilespmem:$0x1D900] =	vst v63  }
0xc9: {  	_ =	swait.ge [sflag:s25], $0x3000  }
0xca: {  	[sflag:s25] =	ssyncset.done $0x0  }
0xcb: {  	s16 =	sadd.s32 $0x3800, s17;
	[sflag:s25] =	ssyncadd.s32 $0xFFFFD000  }
0xcc: {  	[spmem:s2] =	stream.indirect.scatter.add.f32 [tilespmem:s19], [sflag:$0x2], $0x80, s16, s20, $0xb8;
	[tilespmem:$0x1D900] =	vst v63  }
0xcd: {  	_ =	swait.ge [sflag:s25], $0x3000  }
0xce: {  	[sflag:s25] =	ssyncset.done $0x0  }
0xcf: {  	s16 =	sadd.s32 $0x3880, s17;
	[sflag:s25] =	ssyncadd.s32 $0xFFFFD000  }
0xd0: {  	[spmem:s2] =	stream.indirect.scatter.add.f32 [tilespmem:s21], [sflag:$0x2], $0x80, s16, s20, $0xb8;
	[tilespmem:$0x1D900] =	vst v63  }
0xd1: {  	_ =	swait.ge [sflag:s25], $0x3000  }
0xd2: {  	[sflag:s25] =	ssyncset.done $0x0  }
0xd3: {  	s16 =	sadd.s32 $0x3900, s17;
	[sflag:s25] =	ssyncadd.s32 $0xFFFFD000  }
0xd4: {  	[spmem:s2] =	stream.indirect.scatter.add.f32 [tilespmem:s22], [sflag:$0x2], $0x80, s16, s20, $0xb8;
	[tilespmem:$0x1D900] =	vst v63  }
0xd5: {  	_ =	swait.ge [sflag:s25], $0x3000  }
0xd6: {  	[sflag:s25] =	ssyncset.done $0x0  }
0xd7: {  	s16 =	sadd.s32 $0x3980, s17;
	[sflag:s25] =	ssyncadd.s32 $0xFFFFD000  }
0xd8: {  	[spmem:s2] =	stream.indirect.scatter.add.f32 [tilespmem:s23], [sflag:$0x2], $0x80, s16, s20, $0xb8;
	[tilespmem:$0x1D900] =	vst v63  }
0xd9: {  	_ =	swait.ge [sflag:s25], $0x3000  }
0xda: {  	[sflag:s25] =	ssyncset.done $0x0  }
0xdb: {  	s16 =	sadd.s32 $0x3A00, s17;
	[sflag:s25] =	ssyncadd.s32 $0xFFFFD000  }
0xdc: {  	[spmem:s2] =	stream.indirect.scatter.add.f32 [tilespmem:s24], [sflag:$0x2], $0x80, s16, s20, $0xb8;
	[tilespmem:$0x1D900] =	vst v63  }
0xdd: {  	_ =	swait.ge [sflag:s26], $0x3000  }
0xde: {  	[sflag:s26] =	ssyncset.done $0x0  }
0xdf: {  	[sflag:s26] =	ssyncadd.s32 $0xFFFFD000  }
0xe0: {  	_ =	swait.ge [sflag:s26], $0x3000  }
0xe1: {  	[sflag:s26] =	ssyncset.done $0x0  }
0xe2: {  	[sflag:s26] =	ssyncadd.s32 $0xFFFFD000  }
0xe3: {  	_ =	swait.ge [sflag:s26], $0x3000  }
0xe4: {  	[sflag:s26] =	ssyncset.done $0x0  }
0xe5: {  	[sflag:s26] =	ssyncadd.s32 $0xFFFFD000  }
.Ltmp5:
0xe6: {  	_ =	swait.ge [sflag:s26], $0x3000;
	(pc) =	sbr.rel @p0 .LBB2_8-.Ltmp5, $4  }
0xe7: {  	[sflag:s26] =	ssyncset.done $0x0  }
0xe8: {  	[sflag:s26] =	ssyncadd.s32 $0xFFFFD000  }
0xe9: {  	_ =	swait.ge [sflag:s26], $0x3000  }
0xea: {  	s16 =	smov.u32 s18;
	[sflag:s26] =	ssyncset.done $0x0  }
0xeb: {  	s0 =	sshra.s32 s0, $0x2;
	[sflag:s26] =	ssyncadd.s32 $0xFFFFD000  }
0xec: {  	[tilespmem:s19], [sflag:$0x1] =	stream.indirect.gather [hbm4b:s31+s20], $0x80, s0, s20, $0xb8;
	[tilespmem:$0x1D900] =	vst v63  }
0xed: {  	s16 =	sadd.s32 $0x80, s0  }
0xee: {  	[tilespmem:s21], [sflag:$0x1] =	stream.indirect.gather [hbm4b:s31+s20], $0x80, s16, s20, $0xb8;
	[tilespmem:$0x1D900] =	vst v63  }
0xef: {  	s18 =	sadd.s32 $0x100, s0  }
0xf0: {  	[tilespmem:s22], [sflag:$0x1] =	stream.indirect.gather [hbm4b:s31+s20], $0x80, s18, s20, $0xb8;
	[tilespmem:$0x1D900] =	vst v63  }
0xf1: {  	s17 =	sadd.s32 $0x180, s0  }
0xf2: {  	[tilespmem:s23], [sflag:$0x1] =	stream.indirect.gather [hbm4b:s31+s20], $0x80, s17, s20, $0xb8;
	[tilespmem:$0x1D900] =	vst v63  }
0xf3: {  	s18 =	sadd.s32 $0x200, s0  }
0xf4: {  	[tilespmem:s24], [sflag:$0x1] =	stream.indirect.gather [hbm4b:s31+s20], $0x80, s18, s20, $0xb8;
	[tilespmem:$0x1D900] =	vst v63  }
0xf5: {  	_ =	swait.ge [sflag:s25], $0x3000  }
0xf6: {  	[sflag:s25] =	ssyncset.done $0x0  }
0xf7: {  	s31 =	sadd.s32 $0x3800, s0;
	[sflag:s25] =	ssyncadd.s32 $0xFFFFD000  }
0xf8: {  	[spmem:s2] =	stream.indirect.scatter.add.f32 [tilespmem:s19], [sflag:$0x2], $0x80, s31, s20, $0xb8;
	[tilespmem:$0x1D900] =	vst v63  }
0xf9: {  	_ =	swait.ge [sflag:s25], $0x3000  }
0xfa: {  	[sflag:s25] =	ssyncset.done $0x0  }
0xfb: {  	s17 =	sadd.s32 $0x3880, s0;
	[sflag:s25] =	ssyncadd.s32 $0xFFFFD000  }
0xfc: {  	[spmem:s2] =	stream.indirect.scatter.add.f32 [tilespmem:s21], [sflag:$0x2], $0x80, s17, s20, $0xb8;
	[tilespmem:$0x1D900] =	vst v63  }
0xfd: {  	_ =	swait.ge [sflag:s25], $0x3000  }
0xfe: {  	[sflag:s25] =	ssyncset.done $0x0  }
0xff: {  	s18 =	sadd.s32 $0x3900, s0;
	[sflag:s25] =	ssyncadd.s32 $0xFFFFD000  }
0x100: {  	[spmem:s2] =	stream.indirect.scatter.add.f32 [tilespmem:s22], [sflag:$0x2], $0x80, s18, s20, $0xb8;
	[tilespmem:$0x1D900] =	vst v63  }
0x101: {  	_ =	swait.ge [sflag:s25], $0x3000  }
0x102: {  	[sflag:s25] =	ssyncset.done $0x0  }
0x103: {  	s31 =	sadd.s32 $0x3980, s0;
	[sflag:s25] =	ssyncadd.s32 $0xFFFFD000  }
0x104: {  	[spmem:s2] =	stream.indirect.scatter.add.f32 [tilespmem:s23], [sflag:$0x2], $0x80, s31, s20, $0xb8;
	[tilespmem:$0x1D900] =	vst v63  }
0x105: {  	_ =	swait.ge [sflag:s25], $0x3000  }
0x106: {  	[sflag:s25] =	ssyncset.done $0x0  }
0x107: {  	s0 =	sadd.s32 $0x3A00, s0;
	[sflag:s25] =	ssyncadd.s32 $0xFFFFD000  }
0x108: {  	[spmem:s2] =	stream.indirect.scatter.add.f32 [tilespmem:s24], [sflag:$0x2], $0x80, s0, s20, $0xb8;
	[tilespmem:$0x1D900] =	vst v63  }
0x109: {  	_ =	swait.ge [sflag:s26], $0x3000  }
0x10a: {  	[sflag:s26] =	ssyncset.done $0x0  }
0x10b: {  	[sflag:s26] =	ssyncadd.s32 $0xFFFFD000  }
0x10c: {  	_ =	swait.ge [sflag:s26], $0x3000  }
0x10d: {  	[sflag:s26] =	ssyncset.done $0x0  }
0x10e: {  	[sflag:s26] =	ssyncadd.s32 $0xFFFFD000  }
0x10f: {  	_ =	swait.ge [sflag:s26], $0x3000  }
0x110: {  	[sflag:s26] =	ssyncset.done $0x0  }
0x111: {  	[sflag:s26] =	ssyncadd.s32 $0xFFFFD000  }
0x112: {  	_ =	swait.ge [sflag:s26], $0x3000  }
0x113: {  	[sflag:s26] =	ssyncset.done $0x0  }
0x114: {  	s17 =	smul.u32 $0x78000, s30;
	[sflag:s26] =	ssyncadd.s32 $0xFFFFD000  }
0x115: {  	p0 =	sne.s32 s30, s29;
	_ =	swait.ge [sflag:s26], $0x3000  }
0x116: {  	s18 =	sshll.u32 s1, $0x6;
	s0 =	sadd.s32 s12, s17;
	[sflag:s26] =	ssyncset.done $0x0  }
0x117: {  	s16 =	sor.u32 $0x1C03, s18;
	s0 =	sshrl.u32 s0, $0x3;
	[sflag:s26] =	ssyncadd.s32 $0xFFFFD000  }
0x118: {  	s17 =	sshrl.u32 s9, $0x3;
	s0 =	sadd.s32 s14, s0;
	[bflag:$0x0] =	sbarrier.arrive $0xFFFF  }
0x119: {  	[hbm:s0], [sflag:s16] =	dma.local [spmem:s17], $0xF00  }
.Ltmp6:
0x11a: {  	_ =	swait.ge [sflag:s15], $0xF00;
	(pc) =	sbr.rel @p0 .LBB2_5-.Ltmp6, $4  }
.Ltmp7:
0x11b: {  	[sflag:s15] =	ssyncset.done $0x0;
	(pc) =	sbr.rel @!p0 .LBB2_10-.Ltmp7, $4  }
0x11c: {  	[sflag:s15] =	ssyncadd.s32 $0xFFFFF100  }
0x11d: {  	s31 =	sadd.s32 $0x1, s30;
	[bflag:$0x0] =	sbarrier.arrive $0xFFFF  }
0x11e: {  	s30 =	smov.u32 s31  }
0x11f: {  	_ = 	snop  }
.LBB2_11:
0x120: {  	_ =	sfence.sel $0x180000  }
0x121: {  	[bflag:$0x0] =	sbarrier.arrive $0xFFFF  }
0x122: {  	_ =	strace $0x9000004A  }
0x123: {  	[bflag:$0x2] =	sbarrier.arrive $0xFFFF  }
0x124: {  	p0 =	sne.s32 s1, $0x0;
	s0 =	rddreg [dreg:$0x2]  }
0x125: {  	s0 =	sadd.s32 @!p0 $0x100000, s0  }
0x126: {  	[sflag:s0] =	ssyncadd.tile.s32 @!p0 $0x1;
	_ =	shalt  }
.Lfunc_end2:
_tile_overlayer_lowered:
.L_overlay_start_2:
0x127: {  	(tag) =	ssettag $0x2  }
0x128: {  	s0 =	rddreg [dreg:$0x0];
	s2 =	stileid.u32  }
0x129: {  	s1 =	rddreg [dreg:$0x1];
	p0 =	sne.s32 s2, $0x0  }
0x12a: {  	s3 =	rddreg [dreg:$0x2];
	[bflag:$0x3] =	sbarrier.arrive $0xFFFF;
	s2 =	simm.s32 @!p0 $0x1C03  }
0x12b: {  	[timem:s3], [sflag:s2] =	dma.local @!p0 [hbm:s0], s1  }
0x12c: {  	s0 =	simm.s32 @!p0 $0x3  }
0x12d: {  	_ =	swait.ge @!p0 [sflag:s0], s1  }
0x12e: {  	s1 =	ssub.s32 @!p0 $0x0, s1;
	[sflag:s0] =	ssyncset.done @!p0 $0x0  }
0x12f: {  	[sflag:s0] =	ssyncadd.s32 @!p0 s1  }
0x130: {  	[bflag:$0x3] =	sbarrier.arrive $0xFFFF  }
0x131: {  	_ =	shalt  }

// kernel: closed_call.43.cloned.1.call-start
scs
__scs_entry_jumppad:
0x0: {  	(pc) =	sbr.rel $0x88, $3  }
0x1: {  	(tag) =	ssettag $0x0;
	lr =	simm.s32 $0x1  }
0x2: {  	[smem:$0x3F7B] =	sst lr;
	_ =	strace $0xD0000000  }
0x3: {  	_ = 	snop  }
0x4: {  	_ = 	snop  }
0x5: {  	_ = 	snop  }
0x6: {  	_ = 	snop  }
0x7: {  	_ = 	snop  }
__scs_overlays_trampoline_lowered:
0x8: {  	[smem:$0x3F8A] =	sst s0  }
0x9: {  	[smem:$0x3F8B] =	sst s1  }
0xa: {  	[smem:$0x3F8C] =	sst s2  }
0xb: {  	[smem:$0x3F8D] =	sst s3  }
0xc: {  	[smem:$0x3F8E] =	sst s4  }
0xd: {  	[smem:$0x3F8F] =	sst s5  }
0xe: {  	[smem:$0x3F90] =	sst s6  }
0xf: {  	[smem:$0x3F91] =	sst s7  }
0x10: {  	[smem:$0x3F92] =	sst s8  }
0x11: {  	[smem:$0x3F93] =	sst s9;
	s0 =	simm.s32 @!p0 $0x0  }
0x12: {  	s1 =	sld [smem:$0x3F79];
	s0 =	simm.s32 @p0 $0x1  }
0x13: {  	[smem:$0x3F94] =	sst s0;
	s0 =	simm.s32 @!p1 $0x0  }
0x14: {  	s2 =	sld [smem:$0x3F78];
	s0 =	simm.s32 @p1 $0x1  }
0x15: {  	[smem:$0x3F95] =	sst s0;
	s0 =	simm.s32 @!p2 $0x0  }
0x16: {  	s3 =	sld [smem:$0x3FDB];
	s0 =	simm.s32 @p2 $0x1  }
0x17: {  	s4 =	simm.s32 $0x1BF5;
	[smem:$0x3F97] =	sst s0  }
0x18: {  	s0 =	sld [smem:$0x3F7A];
	_ =	swait.ge [sflag:s4], $0x0  }
0x19: {  	s7 =	sld [smem:$0x3F7B]  }
0x1a: {  	s8 =	sadd.s32 $0xFFFFE003, lr  }
0x1b: {  	s9 =	sadd.s32 $0xFFFFFEF7, lr;
	s5 =	simm.s32 $0xFFFFFFFF;
	p2 =	slt.u32 s8, $0xFFFFF086  }
0x1c: {  	p1 =	slt.u32 s9, $0xF7A;
	s5 =	simm.s32 @!p2 $0x0  }
0x1d: {  	s5 =	simm.s32 @p1 $0x1;
	p0 =	seq.s32 s7, s2  }
0x1e: {  	s7 =	smul.u32 @!p0 $0xF7A, s2;
	p2 =	seq.s32 @!p0 s5, $0x0  }
0x1f: {  	s9 =	smul.u32 $0xF7A, s1;
	s8 =	simm.s32 @!p0 $0x1BF5;
	p2 =	por !p2, p0  }
0x20: {  	[sflag:s8] =	ssyncset.s32 @!p0 $0xFFFFF086;
	s6 =	sadd.s32 @!p0 s3, s7;
	s7 =	simm.s32 @!p0 $0x108  }
0x21: {  	s3 =	sadd.s32 s3, s9;
	s6 =	sadd.s32 @!p0 $0x88, s6;
	s7 =	simm.s32 @p2 $0x1082  }
0x22: {  	[simem:s7], [sflag:s8] =	dma.local @!p0 [hbm:s6], $0xF7A  }
0x23: {  	s9 =	sor.u32 $0xD0000000, s2;
	s6 =	simm.s32 $0x108;
	_ =	swait.ge @!p0 [sflag:s8], $0x0  }
0x24: {  	s3 =	sadd.s32 $0x88, s3;
	s6 =	simm.s32 @!p1 $0x1082;
	[sflag:s4] =	ssyncset.s32 $0xFFFFF086  }
0x25: {  	[simem:s6], [sflag:s4] =	dma.local [hbm:s3], $0xF7A  }
0x26: {  	[smem:$0x3F7B] =	sst s1;
	(tag) =	ssettag s2;
	_ =	strace s9  }
0x27: {  	s1 =	sld [smem:$0x3F8B]  }
0x28: {  	s2 =	sld [smem:$0x3F8C]  }
0x29: {  	s4 =	sld [smem:$0x3F8E]  }
0x2a: {  	p0 =	seq.s32 s5, $0x0;
	s5 =	sld [smem:$0x3F8F]  }
0x2b: {  	s6 =	sld [smem:$0x3F90]  }
0x2c: {  	s7 =	sld [smem:$0x3F91]  }
0x2d: {  	s3 =	simm.s32 $0x108;
	s8 =	sld [smem:$0x3F92]  }
0x2e: {  	s3 =	simm.s32 @!p0 $0x1082;
	s9 =	sld [smem:$0x3F93]  }
0x2f: {  	lr =	sadd.s32 s0, s3;
	s0 =	sld [smem:$0x3F8A]  }
0x30: {  	s3 =	sld [smem:$0x3F8D]  }
0x31: {  	[smem:$0x3F96] =	sst s10  }
0x32: {  	s10 =	sld [smem:$0x3F94];
	_ =	sdelay $0x3  }
0x33: {  	p0 =	seq.s32 s10, $0x1;
	s10 =	sld [smem:$0x3F96];
	_ =	sdelay $0x3  }
0x34: {  	[smem:$0x3F96] =	sst s10  }
0x35: {  	s10 =	sld [smem:$0x3F95];
	_ =	sdelay $0x3  }
0x36: {  	p1 =	seq.s32 s10, $0x1;
	s10 =	sld [smem:$0x3F96];
	_ =	sdelay $0x3  }
0x37: {  	[smem:$0x3F96] =	sst s10  }
0x38: {  	s10 =	sld [smem:$0x3F97]  }
0x39: {  	_ = 	snop;
	(pc) =	sbr.ind lr, $3  }
0x3a: {  	_ = 	snop  }
0x3b: {  	_ = 	snop  }
0x3c: {  	p2 =	seq.s32 s10, $0x1;
	s10 =	sld [smem:$0x3F96]  }
0x3d: {  	_ =	shalt  }
0x3e: {  	_ =	shalt  }
0x3f: {  	_ =	shalt  }
0x40: {  	_ =	shalt  }
0x41: {  	_ =	shalt  }
0x42: {  	_ =	shalt  }
0x43: {  	_ =	shalt  }
0x44: {  	_ =	shalt  }
0x45: {  	_ =	shalt  }
0x46: {  	_ =	shalt  }
0x47: {  	_ =	shalt  }
0x48: {  	_ =	shalt  }
0x49: {  	_ =	shalt  }
0x4a: {  	_ =	shalt  }
0x4b: {  	_ =	shalt  }
0x4c: {  	_ =	shalt  }
0x4d: {  	_ =	shalt  }
0x4e: {  	_ =	shalt  }
0x4f: {  	_ =	shalt  }
0x50: {  	_ =	shalt  }
0x51: {  	_ =	shalt  }
0x52: {  	_ =	shalt  }
0x53: {  	_ =	shalt  }
0x54: {  	_ =	shalt  }
0x55: {  	_ =	shalt  }
0x56: {  	_ =	shalt  }
0x57: {  	_ =	shalt  }
0x58: {  	_ =	shalt  }
0x59: {  	_ =	shalt  }
0x5a: {  	_ =	shalt  }
0x5b: {  	_ =	shalt  }
0x5c: {  	_ =	shalt  }
0x5d: {  	_ =	shalt  }
0x5e: {  	_ =	shalt  }
0x5f: {  	_ =	shalt  }
0x60: {  	_ =	shalt  }
0x61: {  	_ =	shalt  }
0x62: {  	_ =	shalt  }
0x63: {  	_ =	shalt  }
0x64: {  	_ =	shalt  }
0x65: {  	_ =	shalt  }
0x66: {  	_ =	shalt  }
0x67: {  	_ =	shalt  }
0x68: {  	_ =	shalt  }
0x69: {  	_ =	shalt  }
0x6a: {  	_ =	shalt  }
0x6b: {  	_ =	shalt  }
0x6c: {  	_ =	shalt  }
0x6d: {  	_ =	shalt  }
0x6e: {  	_ =	shalt  }
0x6f: {  	_ =	shalt  }
0x70: {  	_ =	shalt  }
0x71: {  	_ =	shalt  }
0x72: {  	_ =	shalt  }
0x73: {  	_ =	shalt  }
0x74: {  	_ =	shalt  }
0x75: {  	_ =	shalt  }
0x76: {  	_ =	shalt  }
0x77: {  	_ =	shalt  }
0x78: {  	_ =	shalt  }
0x79: {  	_ =	shalt  }
0x7a: {  	_ =	shalt  }
0x7b: {  	_ =	shalt  }
0x7c: {  	_ =	shalt  }
0x7d: {  	_ =	shalt  }
0x7e: {  	_ =	shalt  }
0x7f: {  	_ =	shalt  }
0x80: {  	_ =	shalt  }
0x81: {  	_ =	shalt  }
0x82: {  	_ =	shalt  }
0x83: {  	_ =	shalt  }
0x84: {  	_ =	shalt  }
0x85: {  	_ =	shalt  }
0x86: {  	_ =	shalt  }
0x87: {  	_ =	shalt  }
.Lfunc_end0:
.L_simem_size_0:
called_computation.1_lowered:
.L_overlay_start_0:
0x88: {  	s2 =	sld [smem:$0x3FD9]  }
0x89: {  	s3 =	sld [smem:$0x3FFE];
	_ =	sdelay $0x1  }
0x8a: {  	s1 =	srdreg.scid  }
0x8b: {  	s0 =	sand.u32 $0x1, s1  }
0x8c: {  	s16 =	sshll.u32 s0, $0xA;
	s2 =	sadd.s32 s3, s2  }
0x8d: {  	s2 =	sadd.s32 s2, s16  }
0x8e: {  	[smem:$0x3FA2] =	sst s2  }
0x8f: {  	_ = 	snop  }
0x90: {  	(tm) =	ssettm $0x1  }
0x91: {  	s17 =	sld [smem:$0x3FFB];
	_ =	sdelay $0x3  }
0x92: {  	_ =	strace s17  }
0x93: {  	s2 =	sld [smem:$0x3FFC];
	_ =	sdelay $0x3  }
0x94: {  	_ =	strace s2  }
0x95: {  	s2 =	sld [smem:$0x3FFD];
	_ =	sdelay $0x3  }
0x96: {  	_ =	strace s2  }
0x97: {  	_ =	strace $0x8FFFFFFF  }
0x98: {  	s18 =	sld [smem:$0x3FDB];
	_ =	sdelay $0x1  }
0x99: {  	s19 =	simm.s32 $_scs_section_size  }
0x9a: {  	s4 =	simm.s32 $_size__tile_overlayer_lowered;
	s5 =	simm.s32 $_tile_overlayer_lowered  }
0x9b: {  	s22 =	simm.s32 $0x1BFF;
	s21 =	sshll.u32 s5, $0x1;
	s2 =	sadd.s32 s19, s18  }
0x9c: {  	s6 =	simm.s32 $0x0;
	s20 =	sshll.u32 s4, $0x1;
	s4 =	sadd.s32 s21, s2  }
0x9d: {  	[timem:s6], [sflag:s22] =	dma.local [hbm:s4], s20  }
0x9e: {  	_ =	swait.ge [sflag:s22], s20  }
0x9f: {  	s3 =	ssub.s32 $0x0, s20;
	[sflag:s22] =	ssyncset.done $0x0  }
0xa0: {  	[sflag:s22] =	ssyncadd.s32 s3;
	_ =	sdelay $0x1  }
0xa1: {  	s23 =	simm.s32 $0x1B8B  }
0xa2: {  	_ =	swait.ge [sflag:s23], $0x1  }
0xa3: {  	[sflag:s23] =	ssyncset.done $0x0  }
0xa4: {  	s25 =	simm.s32 $0x1B8E;
	s24 =	sld [smem:$0x3FFE];
	[sflag:s23] =	ssyncadd.s32 $0xFFFFFFFF  }
0xa5: {  	s26 =	simm.s32 $execute0_lowered;
	[smem:$0x3FD2] =	sst s25  }
0xa6: {  	s4 =	sshll.u32 s26, $0x1;
	_ =	strace $0x8000004C;
	[dreg:$0x1] =	wrdreg $0xFFFFFFFF  }
0xa7: {  	s28 =	simm.s32 $_size_execute0_lowered;
	s2 =	sadd.s32 s2, s4;
	[dreg:$0x0] =	wrdreg $0x0  }
0xa8: {  	s4 =	sshll.u32 s28, $0x1;
	[dreg:$0x2] =	wrdreg s2  }
0xa9: {  	[dreg:$0x3] =	wrdreg s4  }
0xaa: {  	[dreg:$0x4] =	wrdreg $0xC0  }
0xab: {  	_ =	task [dreg:s6], $0x5FFFF  }
0xac: {  	[dreg:$0x1] =	wrdreg $0xFFFFFFFF  }
0xad: {  	[dreg:$0x0] =	wrdreg $0x60  }
0xae: {  	[dreg:$0x2] =	wrdreg s24  }
0xaf: {  	[dreg:$0x3] =	wrdreg $0x160000  }
0xb0: {  	[dreg:$0x4] =	wrdreg $0x9  }
0xb1: {  	_ =	task.clear_ibuf [dreg:s6], $0x5FFFF;
	_ =	strace $0x9000004C  }
0xb2: {  	s29 =	simm.s32 $0x9;
	_ =	strace $0x8000004E  }
0xb3: {  	_ =	swait.ge [sflag:s29], $0x1  }
0xb4: {  	[sflag:s29] =	ssyncadd.s32 $0xFFFFFFFF  }
0xb5: {  	_ =	strace $0x9000004E  }
0xb6: {  	_ =	sfence  }
0xb7: {  	s30 =	sld [smem:$0x0];
	_ =	sdelay $0x2  }
0xb8: {  	s31 =	sshll.u32 s1, $0xD;
	s1 =	sshrl.u32 s1, $0x2  }
0xb9: {  	s3 =	sand.u32 $0x4000, s31;
	s1 =	sadd.s32 s1, s30  }
0xba: {  	s0 =	sor.u32 s3, s0;
	s1 =	sshll.u32 s1, $0x11  }
0xbb: {  	s0 =	sor.u32 s1, s0  }
0xbc: {  	s0 =	sadd.s32 $0x8F2B, s0  }
0xbd: {  	[sflag:s0] =	ssyncadd.remote.s32 $0x1  }
0xbe: {  	_ =	sfence.sel $0xFFFF  }
0xbf: {  	[dreg:$0x0] =	wrdreg $0xFFFFFFFF;
	(pc) =	sbr.abs _section_cstart, $3  }
0xc0: {  	[dreg:$0x1] =	wrdreg $0xFFFFFFFF  }
0xc1: {  	_ =	task.clear_ibuf [dreg:s6], $0x2FFFF;
	_ =	strace $0x9FFFFFFF  }
0xc2: {  	(tm) =	ssettm $0x7FFFFFFF  }
0xc3: {  	_ =	shalt  }
tec
execute0_lowered:
.L_overlay_start_1:
0x0: {  	(tag) =	ssettag $0x1  }
0x1: {  	s0 =	srdreg.scid;
	s14 =	rddreg [dreg:$0x0]  }
0x2: {  	s2 =	rddreg [dreg:$0x1];
	s1 =	stileid.u32  }
0x3: {  	s3 =	simm.s32 $0x0;
	s15 =	simm.s32 $0x3;
	s19 =	simm.s32 $0x7000  }
0x4: {  	s20 =	simm.s32 $0x60;
	s21 =	simm.s32 $0xA000;
	s22 =	simm.s32 $0xD000  }
0x5: {  	s23 =	simm.s32 $0x10000;
	s24 =	simm.s32 $0x13000;
	s25 =	simm.s32 $0x1  }
0x6: {  	s26 =	simm.s32 $0x2;
	s28 =	simm.s32 $0x0;
	s0 =	sand.u32 $0x1, s0  }
0x7: {  	[smem:$0x7FF] =	sst s3;
	s8 =	smul.u32 $0x1E000, s1;
	s6 =	sadd.s32 $0x4CE00, s14  }
0x8: {  	s12 =	smul.u32 $0x7800, s1;
	s4 =	sshll.u32 s0, $0x4;
	_ =	strace $0x8000004D  }
0x9: {  	s7 =	ssub.s32 $0x2, s0;
	p0 =	seq.s32 s0, $0x1;
	s4 =	sor.u32 s1, s4  }
0xa: {  	s0 =	simm.s32 $0x10D000;
	s10 =	sshrl.u32 s7, $0x1;
	s5 =	smul.u32 $0x3800, s4  }
.Ltmp0:
0xb: {  	s31 =	sshrl.u32 s8, $0x2;
	s0 =	simm.s32 @!p0 $0xEF000;
	(pc) =	sbr.rel .LBB2_1-.Ltmp0, $4  }
0xc: {  	s4 =	sadd.s32 $0x81000, s14;
	s13 =	ssub.s32 s7, s10;
	s5 =	sshrl.u32 s5, $0x3  }
0xd: {  	s13 =	smax.u32 s13, $0x1;
	s9 =	sadd.s32 s5, s14;
	s5 =	sadd.s32 $0x4D000, s14  }
0xe: {  	s7 =	sadd.s32 $0x9C00, s9;
	s8 =	sadd.s32 $0x17C00, s9;
	s9 =	sadd.s32 s31, s2  }
0xf: {  	v0 =	vimm.f32 $0.0e+00;
	s14 =	sadd.s32 s0, s14;
	s10 =	sadd.s32 $0x3000, s9;
	s11 =	sadd.s32 $0x6000, s9  }
.LBB2_10:
0x10: {  	s28 =	sadd.s32 $0x1, s28  }
0x11: {  	p0 =	sne.s32 s28, s13  }
.Ltmp1:
0x12: {  	_ = 	snop;
	(pc) =	sbr.rel @!p0 .LBB2_11-.Ltmp1, $1  }
0x13: {  	_ =	sdelay $0x3  }
.LBB2_1:
0x14: {  	[tilespmem:s3], [sflag:$0x3] =	stream.linear.gather [hbm4b:s7+s3], $0x3480, $0x38;
	[tilespmem:$0x1D900] =	vst v63  }
0x15: {  	_ =	swait.ge [sflag:s15], $0x3480  }
0x16: {  	[sflag:s15] =	ssyncset.done $0x0  }
0x17: {  	s0 =	simm.s32 $0x3800;
	[sflag:s15] =	ssyncadd.s32 $0xFFFFCB80  }
0x18: {  	[tilespmem:s0], [sflag:$0x3] =	stream.linear.gather [hbm4b:s8+s3], $0x3480, $0x38;
	[tilespmem:$0x1D900] =	vst v63  }
0x19: {  	_ =	swait.ge [sflag:s15], $0x3480  }
0x1a: {  	[sflag:s15] =	ssyncset.done $0x0  }
0x1b: {  	s16 =	simm.s32 $0x1D800;
	[sflag:s15] =	ssyncadd.s32 $0xFFFFCB80  }
0x1c: {  	[tilespmem:s16], [sflag:$0x3] =	stream.linear.gather [hbm4b:s5+s3], $0x80, $0x38;
	[tilespmem:$0x1D900] =	vst v63  }
0x1d: {  	_ =	swait.ge [sflag:s15], $0x80  }
0x1e: {  	[sflag:s15] =	ssyncset.done $0x0  }
0x1f: {  	s17 =	simm.s32 $0x1D880;
	[sflag:s15] =	ssyncadd.s32 $0xFFFFFF80  }
0x20: {  	[tilespmem:s17], [sflag:$0x3] =	stream.linear.gather [hbm4b:s6+s3], $0x80, $0x38;
	[tilespmem:$0x1D900] =	vst v63  }
0x21: {  	_ =	swait.ge [sflag:s15], $0x80  }
0x22: {  	[sflag:s15] =	ssyncset.done $0x0  }
0x23: {  	[sflag:s15] =	ssyncadd.s32 $0xFFFFFF80  }
0x24: {  	v1 =	vld [tilespmem:$0x1D880];
	_ =	sdelay $0x4  }
0x25: {  	v1 =	vxor.u32 $0x80000000, v1  }
0x26: {  	(xrf0) =	vmax.scan.msk.u32 $0xffff, v1;
	_ =	sdelay $0x5  }
0x27: {  	v1, _, _ =	vpop (xrf0)  }
0x28: {  	(v2sf) =	vpush v1, $0xF;
	_ =	sdelay $0x9  }
0x29: {  	s30 =	simm.s32 $0x0  }
0x2a: {  	v2 =	vld [tilespmem:s30+$0x3800]  }
0x2b: {  	v3 =	vld [tilespmem:s30+$0x0]  }
0x2c: {  	v4 =	vld [tilespmem:s30+$0x3810]  }
0x2d: {  	v5 =	vld [tilespmem:s30+$0x20]  }
0x2e: {  	v9 =	vld [tilespmem:s30+$0x3820];
	s18 =	spop (v2sf)  }
0x2f: {  	v7 =	vld [tilespmem:s30+$0x30];
	s0 =	sxor.u32 $0x80000000, s18  }
0x30: {  	v13 =	vld [tilespmem:s30+$0x3830];
	v1 =	vmov s0  }
0x31: {  	v6 =	vsub.s32 v2, v1  }
0x32: {  	v11 =	vand.u32 $0x7F, v5;
	vm0 =	vge.s32 v2, v1;
	vm1 =	vlt.s32 v6, $0xF00  }
0x33: {  	v12 =	vand.u32 $0x7F, v3;
	v2 =	vand.u32 $0x7FF, v2;
	vm1 =	vmand vm0, vm1  }
0x34: {  	v18 =	vand.u32 $0x7F, v7;
	v12 =	vadd.s32 $0x2710, v12;
	v2 =	vsel vm1, v6, v2;
	v6 =	vld [tilespmem:s30+$0x3840]  }
0x35: {  	v14 =	vsub.s32 v9, v1;
	v17 =	vsub.s32 v13, v1;
	[tilespmem:s30+$0x3800] =	vst v2;
	v2 =	vsub.s32 v4, v1  }
0x36: {  	v8 =	vld [tilespmem:s30+$0x40];
	vm3 =	vlt.s32 v14, $0xF00;
	vm0 =	vge.s32 v4, v1;
	vm2 =	vlt.s32 v2, $0xF00  }
0x37: {  	v3 =	vsel vm1, v3, v12;
	v4 =	vand.u32 $0x7FF, v4;
	vm0 =	vmand vm0, vm2  }
0x38: {  	s29 =	simm.s32 $0x80;
	v10 =	vld [tilespmem:s30+$0x10];
	vm2 =	vge.s32 v9, v1;
	v9 =	vand.u32 $0x7FF, v9;
	v2 =	vsel vm0, v2, v4  }
0x39: {  	v15 =	vld [tilespmem:s29+$0x3800];
	vm1 =	vmand vm2, vm3;
	[tilespmem:s30+$0x3810] =	vst v2;
	v2 =	vadd.s32 $0x2710, v11;
	v4 =	vsub.s32 v6, v1  }
0x3a: {  	[tilespmem:s30+$0x0] =	vst v3;
	vm3 =	vge.s32 v6, v1;
	v9 =	vsel vm1, v14, v9;
	v3 =	vsel vm1, v5, v2  }
0x3b: {  	v6 =	vand.u32 $0x7FF, v6;
	v2 =	vld [tilespmem:s29+$0x0];
	v5 =	vand.u32 $0x7F, v8;
	vm2 =	vlt.s32 v4, $0xF00;
	[tilespmem:s30+$0x20] =	vst v3  }
0x3c: {  	vm1 =	vge.s32 v13, v1;
	v11 =	vadd.s32 $0x2710, v5;
	vm2 =	vmand vm3, vm2;
	v5 =	vld [tilespmem:s29+$0x3810]  }
0x3d: {  	vm3 =	vlt.s32 v17, $0xF00;
	v3 =	vld [tilespmem:s29+$0x20];
	v8 =	vsel vm2, v8, v11;
	v11 =	vand.u32 $0x7F, v10  }
0x3e: {  	v12 =	vsub.s32 v15, v1;
	v14 =	vand.u32 $0x7FF, v15;
	[tilespmem:s30+$0x40] =	vst v8;
	v16 =	vadd.s32 $0x2710, v11;
	v8 =	vld [tilespmem:s30+$0x3850]  }
0x3f: {  	[tilespmem:s30+$0x3820] =	vst v9;
	vm4 =	vlt.s32 v12, $0xF00;
	v11 =	vsel vm2, v4, v6;
	v6 =	vld [tilespmem:s30+$0x50];
	v9 =	vsel vm0, v10, v16  }
0x40: {  	vm1 =	vmand vm1, vm3;
	vm2 =	vge.s32 v15, v1;
	v4 =	vld [tilespmem:s29+$0x40];
	v10 =	vand.u32 $0x7FF, v13;
	[tilespmem:s30+$0x10] =	vst v9  }
0x41: {  	s31 =	simm.s32 $0x400;
	vm0 =	vmand vm2, vm4;
	v13 =	vadd.s32 $0x2710, v18;
	v10 =	vsel vm1, v17, v10;
	v9 =	vld [tilespmem:s29+$0x3820]  }
.LBB2_2:
0x42: {  	s0 =	sshra.s32 s31, $0x2;
	p0 =	sne.s32 s31, $0xD000;
	s31 =	sadd.s32 $0x200, s31;
	v12 =	vsel vm0, v12, v14;
	v14 =	vld [tilespmem:s29+$0x10];
	v15 =	vand.u32 $0x7F, v3;
	v7 =	vsel vm1, v7, v13  }
0x43: {  	v13 =	vsub.s32 v5, v1;
	vm1 =	vge.s32 v5, v1;
	[tilespmem:s30+$0x3840] =	vst v11;
	v11 =	vand.u32 $0x7FF, v8  }
0x44: {  	vm2 =	vlt.s32 v13, $0xF00;
	[tilespmem:s29+$0x3800] =	vst v12;
	v12 =	vadd.s32 $0x2710, v15;
	v15 =	vand.u32 $0x7F, v6  }
0x45: {  	vm3 =	vge.s32 v8, v1;
	v16 =	vld [tilespmem:s29+$0x3840];
	v17 =	vand.u32 $0x7F, v4;
	v15 =	vadd.s32 $0x2710, v15  }
0x46: {  	v18 =	vand.u32 $0x7F, v2;
	v8 =	vsub.s32 v8, v1;
	v19 =	vsub.s32 v9, v1  }
0x47: {  	vm4 =	vge.s32 v9, v1;
	v9 =	vand.u32 $0x7FF, v9;
	v20 =	vand.u32 $0x7F, v14  }
0x48: {  	v18 =	vadd.s32 $0x2710, v18;
	v17 =	vadd.s32 $0x2710, v17;
	vm5 =	vlt.s32 v19, $0xF00;
	[tilespmem:s30+$0x3830] =	vst v10  }
0x49: {  	v5 =	vand.u32 $0x7FF, v5;
	vm1 =	vmand vm1, vm2;
	v10 =	vadd.s32 $0x2710, v20;
	v20 =	vld [tilespmem:s29+$0x3830];
	[tilespmem:s30+$0x30] =	vst v7  }
0x4a: {  	vm2 =	vlt.s32 v8, $0xF00;
	v5 =	vsel vm1, v13, v5;
	v7 =	vld [tilespmem:s29+$0x30];
	v13 =	vsub.s32 v16, v1  }
0x4b: {  	v2 =	vsel vm0, v2, v18;
	vm2 =	vmand vm3, vm2;
	vm0 =	vmand vm4, vm5;
	v21 =	vld [tilespmem:s0+$0x3800];
	[tilespmem:s29+$0x3810] =	vst v5  }
0x4c: {  	v6 =	vsel vm2, v6, v15;
	v3 =	vsel vm0, v3, v12;
	vm3 =	vlt.s32 v13, $0xF00;
	[tilespmem:s29+$0x0] =	vst v2  }
0x4d: {  	v9 =	vsel vm0, v19, v9;
	vm0 =	vge.s32 v16, v1;
	v15 =	vand.u32 $0x7FF, v16;
	v2 =	vld [tilespmem:s0+$0x0];
	[tilespmem:s29+$0x20] =	vst v3  }
0x4e: {  	vm0 =	vmand vm0, vm3;
	v5 =	vld [tilespmem:s0+$0x3810];
	v16 =	vsub.s32 v20, v1;
	[tilespmem:s30+$0x50] =	vst v6;
	v6 =	vsel vm2, v8, v11  }
.Ltmp2:
0x4f: {  	v4 =	vsel vm0, v4, v17;
	vm2 =	vge.s32 v20, v1;
	v3 =	vld [tilespmem:s0+$0x20];
	vm3 =	vlt.s32 v16, $0xF00;
	[tilespmem:s30+$0x3850] =	vst v6;
	s30 =	smov.u32 s29;
	s29 =	smov.u32 s0;
	(pc) =	sbr.rel @p0 .LBB2_2-.Ltmp2, $4  }
0x50: {  	v11 =	vsel vm0, v13, v15;
	v17 =	vand.u32 $0x7F, v7;
	v12 =	vsub.s32 v21, v1;
	[tilespmem:s30+$0x40] =	vst v4;
	v8 =	vld [tilespmem:s30+$0x3850]  }
0x51: {  	v10 =	vsel vm1, v14, v10;
	vm0 =	vge.s32 v21, v1;
	vm4 =	vlt.s32 v12, $0xF00;
	[tilespmem:s30+$0x3820] =	vst v9;
	v6 =	vld [tilespmem:s30+$0x50]  }
0x52: {  	vm1 =	vmand vm2, vm3;
	vm0 =	vmand vm0, vm4;
	v4 =	vld [tilespmem:s29+$0x40];
	[tilespmem:s30+$0x10] =	vst v10;
	v10 =	vand.u32 $0x7FF, v20  }
0x53: {  	v14 =	vand.u32 $0x7FF, v21;
	v13 =	vadd.s32 $0x2710, v17;
	v9 =	vld [tilespmem:s29+$0x3820];
	v10 =	vsel vm1, v16, v10  }
0x54: {  	v12 =	vsel vm0, v12, v14;
	v45 =	vand.u32 $0x7F, v3;
	v7 =	vsel vm1, v7, v13  }
0x55: {  	v46 =	vsub.s32 v5, v1;
	vm13 =	vge.s32 v5, v1;
	v50 =	vand.u32 $0x7F, v2  }
0x56: {  	v15 =	vld [tilespmem:s29+$0x10];
	[tilespmem:s30+$0x3840] =	vst v11;
	v52 =	vand.u32 $0x7FF, v5;
	v47 =	vand.u32 $0x7FF, v8;
	vm2 =	vlt.s32 v46, $0xF00  }
0x57: {  	v48 =	vadd.s32 $0x2710, v45;
	v16 =	vld [tilespmem:s29+$0x3840];
	vm3 =	vge.s32 v8, v1;
	v51 =	vsub.s32 v8, v1  }
0x58: {  	[tilespmem:s29+$0x3800] =	vst v12;
	v53 =	vadd.s32 $0x2710, v50;
	v49 =	vand.u32 $0x7F, v6;
	vm1 =	vmand vm13, vm2  }
0x59: {  	[tilespmem:s30+$0x3830] =	vst v10;
	vm5 =	vlt.s32 v51, $0xF00;
	v2 =	vsel vm0, v2, v53;
	v18 =	vsub.s32 v9, v1  }
0x5a: {  	v19 =	vld [tilespmem:s29+$0x3830];
	[tilespmem:s30+$0x30] =	vst v7;
	v5 =	vsel vm1, v46, v52;
	vm4 =	vge.s32 v9, v1;
	vm14 =	vlt.s32 v18, $0xF00  }
0x5b: {  	v17 =	vand.u32 $0x7F, v4;
	v14 =	vadd.s32 $0x2710, v49;
	[tilespmem:s29+$0x3810] =	vst v5;
	vm15 =	vmand vm4, vm14  }
0x5c: {  	vm8 =	vmand vm3, vm5;
	[tilespmem:s29+$0x0] =	vst v2;
	v55 =	vsub.s32 v16, v1;
	v2 =	vsel vm15, v3, v48  }
0x5d: {  	vm10 =	vge.s32 v16, v1;
	vm9 =	vlt.s32 v55, $0xF00;
	v3 =	vsel vm8, v6, v14;
	[tilespmem:s29+$0x20] =	vst v2  }
0x5e: {  	v54 =	vld [tilespmem:s29+$0x30];
	v2 =	vadd.s32 $0x2710, v17;
	vm3 =	vmand vm10, vm9;
	[tilespmem:s30+$0x50] =	vst v3;
	v3 =	vsel vm8, v51, v47  }
0x5f: {  	v2 =	vsel vm3, v4, v2;
	[tilespmem:s30+$0x3850] =	vst v3;
	v3 =	vand.u32 $0x7FF, v9  }
0x60: {  	[tilespmem:s29+$0x40] =	vst v2;
	v2 =	vsel vm15, v18, v3;
	v3 =	vld [tilespmem:s29+$0x3850]  }
0x61: {  	v56 =	vand.u32 $0x7F, v15;
	v58 =	vand.u32 $0x7FF, v16;
	v57 =	vld [tilespmem:s29+$0x50]  }
0x62: {  	v59 =	vsub.s32 v19, v1;
	vm11 =	vge.s32 v19, v1;
	v61 =	vand.u32 $0x7FF, v19  }
0x63: {  	vm12 =	vlt.s32 v59, $0xF00;
	v60 =	vand.u32 $0x7F, v54;
	[tilespmem:s29+$0x3820] =	vst v2;
	v2 =	vadd.s32 $0x2710, v56  }
0x64: {  	v5 =	vsel vm3, v55, v58;
	vm0 =	vmand vm11, vm12;
	v2 =	vsel vm1, v15, v2  }
0x65: {  	v6 =	vsel vm0, v59, v61;
	[tilespmem:s29+$0x10] =	vst v2;
	v2 =	vadd.s32 $0x2710, v60;
	v62 =	vsub.s32 v3, v1  }
0x66: {  	[tilespmem:s29+$0x3840] =	vst v5;
	v63 =	vand.u32 $0x7F, v57;
	vm13 =	vge.s32 v3, v1;
	vm14 =	vlt.s32 v62, $0xF00  }
0x67: {  	[tilespmem:s29+$0x3830] =	vst v6;
	v1 =	vsel vm0, v54, v2;
	v2 =	vadd.s32 $0x2710, v63;
	vm15 =	vmand vm13, vm14  }
0x68: {  	v3 =	vand.u32 $0x7FF, v3;
	[tilespmem:s29+$0x30] =	vst v1;
	v1 =	vsel vm15, v57, v2  }
0x69: {  	[tilespmem:s29+$0x50] =	vst v1;
	v1 =	vsel vm15, v62, v3  }
0x6a: {  	[tilespmem:s29+$0x3850] =	vst v1  }
0x6b: {  	v1 =	vld [tilespmem:$0x1D800];
	_ =	sdelay $0x4  }
0x6c: {  	v1 =	vxor.u32 $0x80000000, v1  }
0x6d: {  	(xrf0) =	vmax.scan.msk.u32 $0xffff, v1;
	_ =	sdelay $0x5  }
0x6e: {  	v1, _, _ =	vpop (xrf0)  }
0x6f: {  	(v2sf) =	vpush v1, $0xF;
	_ =	sdelay $0xe  }
0x70: {  	s0 =	spop (v2sf)  }
0x71: {  	p0 =	sgt.s32 s0, $0xFFFFFFFE  }
.Ltmp3:
0x72: {  	_ = 	snop;
	(pc) =	sbr.rel @p0 .LBB2_10-.Ltmp3, $1  }
0x73: {  	_ =	sdelay $0x3  }
0x74: {  	s29 =	sand.u32 $0x7FFFFFFF, s0;
	s30 =	simm.s32 $0x0  }
.LBB2_5:
0x75: {  	s0 =	simm.s32 $0x70;
	s16 =	simm.s32 $0x3C0  }
.LBB2_6:
0x76: {  	p0 =	sne.s32 s16, $0xBFC0;
	[tilespmem:s0+$0x7000] =	vst v0  }
0x77: {  	[tilespmem:s0+$0x6F90] =	vst v0  }
0x78: {  	[tilespmem:s0+$0x6FA0] =	vst v0  }
.Ltmp4:
0x79: {  	[tilespmem:s0+$0x6FB0] =	vst v0;
	(pc) =	sbr.rel @p0 .LBB2_6-.Ltmp4, $4  }
0x7a: {  	[tilespmem:s0+$0x6FC0] =	vst v0  }
0x7b: {  	[tilespmem:s0+$0x6FD0] =	vst v0  }
0x7c: {  	[tilespmem:s0+$0x6FE0] =	vst v0  }
0x7d: {  	[tilespmem:s0+$0x6FF0] =	vst v0;
	s0 =	sshra.s32 s16, $0x2;
	s16 =	sadd.s32 $0x200, s16  }
0x7e: {  	[tilespmem:s0+$0x7000] =	vst v0  }
0x7f: {  	[tilespmem:s0+$0x6F90] =	vst v0  }
0x80: {  	[tilespmem:s0+$0x6FA0] =	vst v0  }
0x81: {  	[tilespmem:s0+$0x6FB0] =	vst v0  }
0x82: {  	[tilespmem:s0+$0x6FC0] =	vst v0  }
0x83: {  	[tilespmem:s0+$0x6FD0] =	vst v0  }
0x84: {  	[tilespmem:s0+$0x6FE0] =	vst v0  }
0x85: {  	[tilespmem:s0+$0x6FF0] =	vst v0  }
0x86: {  	[spmem:s9] =	stream.linear.scatter [tilespmem:s19], [sflag:$0x3], $0x3000, $0x38;
	[tilespmem:$0x1D900] =	vst v63  }
0x87: {  	_ =	swait.ge [sflag:s15], $0x3000  }
0x88: {  	[sflag:s15] =	ssyncset.done $0x0  }
0x89: {  	[sflag:s15] =	ssyncadd.s32 $0xFFFFD000  }
0x8a: {  	[spmem:s10] =	stream.linear.scatter [tilespmem:s19], [sflag:$0x3], $0x3000, $0x38;
	[tilespmem:$0x1D900] =	vst v63  }
0x8b: {  	_ =	swait.ge [sflag:s15], $0x3000  }
0x8c: {  	[sflag:s15] =	ssyncset.done $0x0  }
0x8d: {  	[sflag:s15] =	ssyncadd.s32 $0xFFFFD000  }
0x8e: {  	[spmem:s11] =	stream.linear.scatter [tilespmem:s19], [sflag:$0x3], $0x1800, $0x38;
	[tilespmem:$0x1D900] =	vst v63  }
0x8f: {  	s17 =	smul.u32 $0x140000, s30;
	_ =	swait.ge [sflag:s15], $0x1800  }
0x90: {  	[sflag:s15] =	ssyncset.done $0x0  }
0x91: {  	s0 =	sshrl.u32 s17, $0x3;
	[sflag:s15] =	ssyncadd.s32 $0xFFFFE800  }
0x92: {  	s18 =	simm.s32 $0x0;
	s31 =	sadd.s32 s4, s0;
	[bflag:$0x0] =	sbarrier.arrive $0xFFFF  }
0x93: {  	[tilespmem:s19], [sflag:$0x1] =	stream.indirect.gather [hbm4b:s31+s20], $0x80, s18, s20, $0xb8;
	[tilespmem:$0x1D900] =	vst v63  }
0x94: {  	s16 =	simm.s32 $0x80  }
0x95: {  	[tilespmem:s21], [sflag:$0x1] =	stream.indirect.gather [hbm4b:s31+s20], $0x80, s16, s20, $0xb8;
	[tilespmem:$0x1D900] =	vst v63  }
0x96: {  	s17 =	simm.s32 $0x100  }
0x97: {  	[tilespmem:s22], [sflag:$0x1] =	stream.indirect.gather [hbm4b:s31+s20], $0x80, s17, s20, $0xb8;
	[tilespmem:$0x1D900] =	vst v63  }
0x98: {  	s18 =	simm.s32 $0x180  }
0x99: {  	[tilespmem:s23], [sflag:$0x1] =	stream.indirect.gather [hbm4b:s31+s20], $0x80, s18, s20, $0xb8;
	[tilespmem:$0x1D900] =	vst v63  }
0x9a: {  	s16 =	simm.s32 $0x200  }
0x9b: {  	[tilespmem:s24], [sflag:$0x1] =	stream.indirect.gather [hbm4b:s31+s20], $0x80, s16, s20, $0xb8;
	[tilespmem:$0x1D900] =	vst v63  }
0x9c: {  	_ =	swait.ge [sflag:s25], $0x3000  }
0x9d: {  	[sflag:s25] =	ssyncset.done $0x0  }
0x9e: {  	s17 =	simm.s32 $0x3800;
	[sflag:s25] =	ssyncadd.s32 $0xFFFFD000  }
0x9f: {  	[spmem:s2] =	stream.indirect.scatter.add.f32 [tilespmem:s19], [sflag:$0x2], $0x80, s17, s20, $0xb8;
	[tilespmem:$0x1D900] =	vst v63  }
0xa0: {  	_ =	swait.ge [sflag:s25], $0x3000  }
0xa1: {  	[sflag:s25] =	ssyncset.done $0x0  }
0xa2: {  	s18 =	simm.s32 $0x3880;
	[sflag:s25] =	ssyncadd.s32 $0xFFFFD000  }
0xa3: {  	[spmem:s2] =	stream.indirect.scatter.add.f32 [tilespmem:s21], [sflag:$0x2], $0x80, s18, s20, $0xb8;
	[tilespmem:$0x1D900] =	vst v63  }
0xa4: {  	_ =	swait.ge [sflag:s25], $0x3000  }
0xa5: {  	[sflag:s25] =	ssyncset.done $0x0  }
0xa6: {  	s16 =	simm.s32 $0x3900;
	[sflag:s25] =	ssyncadd.s32 $0xFFFFD000  }
0xa7: {  	[spmem:s2] =	stream.indirect.scatter.add.f32 [tilespmem:s22], [sflag:$0x2], $0x80, s16, s20, $0xb8;
	[tilespmem:$0x1D900] =	vst v63  }
0xa8: {  	_ =	swait.ge [sflag:s25], $0x3000  }
0xa9: {  	[sflag:s25] =	ssyncset.done $0x0  }
0xaa: {  	s17 =	simm.s32 $0x3980;
	[sflag:s25] =	ssyncadd.s32 $0xFFFFD000  }
0xab: {  	[spmem:s2] =	stream.indirect.scatter.add.f32 [tilespmem:s23], [sflag:$0x2], $0x80, s17, s20, $0xb8;
	[tilespmem:$0x1D900] =	vst v63  }
0xac: {  	_ =	swait.ge [sflag:s25], $0x3000  }
0xad: {  	[sflag:s25] =	ssyncset.done $0x0  }
0xae: {  	s18 =	simm.s32 $0x3A00;
	[sflag:s25] =	ssyncadd.s32 $0xFFFFD000  }
0xaf: {  	[spmem:s2] =	stream.indirect.scatter.add.f32 [tilespmem:s24], [sflag:$0x2], $0x80, s18, s20, $0xb8;
	[tilespmem:$0x1D900] =	vst v63  }
0xb0: {  	_ =	swait.ge [sflag:s26], $0x3000  }
0xb1: {  	[sflag:s26] =	ssyncset.done $0x0  }
0xb2: {  	[sflag:s26] =	ssyncadd.s32 $0xFFFFD000  }
0xb3: {  	_ =	swait.ge [sflag:s26], $0x3000  }
0xb4: {  	[sflag:s26] =	ssyncset.done $0x0  }
0xb5: {  	[sflag:s26] =	ssyncadd.s32 $0xFFFFD000  }
0xb6: {  	_ =	swait.ge [sflag:s26], $0x3000  }
0xb7: {  	[sflag:s26] =	ssyncset.done $0x0  }
0xb8: {  	[sflag:s26] =	ssyncadd.s32 $0xFFFFD000  }
0xb9: {  	_ =	swait.ge [sflag:s26], $0x3000  }
0xba: {  	[sflag:s26] =	ssyncset.done $0x0  }
0xbb: {  	[sflag:s26] =	ssyncadd.s32 $0xFFFFD000  }
0xbc: {  	_ =	swait.ge [sflag:s26], $0x3000  }
0xbd: {  	s0 =	simm.s32 $0xA00;
	s16 =	simm.s32 $0x1400;
	[sflag:s26] =	ssyncset.done $0x0  }
.LBB2_8:
0xbe: {  	s17 =	sshra.s32 s0, $0x2  }
0xbf: {  	[sflag:s26] =	ssyncadd.s32 $0xFFFFD000;
	s0 =	smov.u32 s16;
	s18 =	sadd.s32 $0xA00, s16  }
0xc0: {  	[tilespmem:s19], [sflag:$0x1] =	stream.indirect.gather [hbm4b:s31+s20], $0x80, s17, s20, $0xb8;
	[tilespmem:$0x1D900] =	vst v63  }
0xc1: {  	p0 =	sne.s32 s16, $0xC800;
	s16 =	sadd.s32 $0x80, s17  }
0xc2: {  	[tilespmem:s21], [sflag:$0x1] =	stream.indirect.gather [hbm4b:s31+s20], $0x80, s16, s20, $0xb8;
	[tilespmem:$0x1D900] =	vst v63  }
0xc3: {  	s16 =	sadd.s32 $0x100, s17  }
0xc4: {  	[tilespmem:s22], [sflag:$0x1] =	stream.indirect.gather [hbm4b:s31+s20], $0x80, s16, s20, $0xb8;
	[tilespmem:$0x1D900] =	vst v63  }
0xc5: {  	s16 =	sadd.s32 $0x180, s17  }
0xc6: {  	[tilespmem:s23], [sflag:$0x1] =	stream.indirect.gather [hbm4b:s31+s20], $0x80, s16, s20, $0xb8;
	[tilespmem:$0x1D900] =	vst v63  }
0xc7: {  	s16 =	sadd.s32 $0x200, s17  }
0xc8: {  	[tilespmem:s24], [sflag:$0x1] =	stream.indirect.gather [hbm4b:s31+s20], $0x80, s16, s20, $0xb8;
	[tilespmem:$0x1D900] =	vst v63  }
0xc9: {  	_ =	swait.ge [sflag:s25], $0x3000  }
0xca: {  	[sflag:s25] =	ssyncset.done $0x0  }
0xcb: {  	s16 =	sadd.s32 $0x3800, s17;
	[sflag:s25] =	ssyncadd.s32 $0xFFFFD000  }
0xcc: {  	[spmem:s2] =	stream.indirect.scatter.add.f32 [tilespmem:s19], [sflag:$0x2], $0x80, s16, s20, $0xb8;
	[tilespmem:$0x1D900] =	vst v63  }
0xcd: {  	_ =	swait.ge [sflag:s25], $0x3000  }
0xce: {  	[sflag:s25] =	ssyncset.done $0x0  }
0xcf: {  	s16 =	sadd.s32 $0x3880, s17;
	[sflag:s25] =	ssyncadd.s32 $0xFFFFD000  }
0xd0: {  	[spmem:s2] =	stream.indirect.scatter.add.f32 [tilespmem:s21], [sflag:$0x2], $0x80, s16, s20, $0xb8;
	[tilespmem:$0x1D900] =	vst v63  }
0xd1: {  	_ =	swait.ge [sflag:s25], $0x3000  }
0xd2: {  	[sflag:s25] =	ssyncset.done $0x0  }
0xd3: {  	s16 =	sadd.s32 $0x3900, s17;
	[sflag:s25] =	ssyncadd.s32 $0xFFFFD000  }
0xd4: {  	[spmem:s2] =	stream.indirect.scatter.add.f32 [tilespmem:s22], [sflag:$0x2], $0x80, s16, s20, $0xb8;
	[tilespmem:$0x1D900] =	vst v63  }
0xd5: {  	_ =	swait.ge [sflag:s25], $0x3000  }
0xd6: {  	[sflag:s25] =	ssyncset.done $0x0  }
0xd7: {  	s16 =	sadd.s32 $0x3980, s17;
	[sflag:s25] =	ssyncadd.s32 $0xFFFFD000  }
0xd8: {  	[spmem:s2] =	stream.indirect.scatter.add.f32 [tilespmem:s23], [sflag:$0x2], $0x80, s16, s20, $0xb8;
	[tilespmem:$0x1D900] =	vst v63  }
0xd9: {  	_ =	swait.ge [sflag:s25], $0x3000  }
0xda: {  	[sflag:s25] =	ssyncset.done $0x0  }
0xdb: {  	s16 =	sadd.s32 $0x3A00, s17;
	[sflag:s25] =	ssyncadd.s32 $0xFFFFD000  }
0xdc: {  	[spmem:s2] =	stream.indirect.scatter.add.f32 [tilespmem:s24], [sflag:$0x2], $0x80, s16, s20, $0xb8;
	[tilespmem:$0x1D900] =	vst v63  }
0xdd: {  	_ =	swait.ge [sflag:s26], $0x3000  }
0xde: {  	[sflag:s26] =	ssyncset.done $0x0  }
0xdf: {  	[sflag:s26] =	ssyncadd.s32 $0xFFFFD000  }
0xe0: {  	_ =	swait.ge [sflag:s26], $0x3000  }
0xe1: {  	[sflag:s26] =	ssyncset.done $0x0  }
0xe2: {  	[sflag:s26] =	ssyncadd.s32 $0xFFFFD000  }
0xe3: {  	_ =	swait.ge [sflag:s26], $0x3000  }
0xe4: {  	[sflag:s26] =	ssyncset.done $0x0  }
0xe5: {  	[sflag:s26] =	ssyncadd.s32 $0xFFFFD000  }
.Ltmp5:
0xe6: {  	_ =	swait.ge [sflag:s26], $0x3000;
	(pc) =	sbr.rel @p0 .LBB2_8-.Ltmp5, $4  }
0xe7: {  	[sflag:s26] =	ssyncset.done $0x0  }
0xe8: {  	[sflag:s26] =	ssyncadd.s32 $0xFFFFD000  }
0xe9: {  	_ =	swait.ge [sflag:s26], $0x3000  }
0xea: {  	s16 =	smov.u32 s18;
	[sflag:s26] =	ssyncset.done $0x0  }
0xeb: {  	s0 =	sshra.s32 s0, $0x2;
	[sflag:s26] =	ssyncadd.s32 $0xFFFFD000  }
0xec: {  	[tilespmem:s19], [sflag:$0x1] =	stream.indirect.gather [hbm4b:s31+s20], $0x80, s0, s20, $0xb8;
	[tilespmem:$0x1D900] =	vst v63  }
0xed: {  	s16 =	sadd.s32 $0x80, s0  }
0xee: {  	[tilespmem:s21], [sflag:$0x1] =	stream.indirect.gather [hbm4b:s31+s20], $0x80, s16, s20, $0xb8;
	[tilespmem:$0x1D900] =	vst v63  }
0xef: {  	s18 =	sadd.s32 $0x100, s0  }
0xf0: {  	[tilespmem:s22], [sflag:$0x1] =	stream.indirect.gather [hbm4b:s31+s20], $0x80, s18, s20, $0xb8;
	[tilespmem:$0x1D900] =	vst v63  }
0xf1: {  	s17 =	sadd.s32 $0x180, s0  }
0xf2: {  	[tilespmem:s23], [sflag:$0x1] =	stream.indirect.gather [hbm4b:s31+s20], $0x80, s17, s20, $0xb8;
	[tilespmem:$0x1D900] =	vst v63  }
0xf3: {  	s18 =	sadd.s32 $0x200, s0  }
0xf4: {  	[tilespmem:s24], [sflag:$0x1] =	stream.indirect.gather [hbm4b:s31+s20], $0x80, s18, s20, $0xb8;
	[tilespmem:$0x1D900] =	vst v63  }
0xf5: {  	_ =	swait.ge [sflag:s25], $0x3000  }
0xf6: {  	[sflag:s25] =	ssyncset.done $0x0  }
0xf7: {  	s31 =	sadd.s32 $0x3800, s0;
	[sflag:s25] =	ssyncadd.s32 $0xFFFFD000  }
0xf8: {  	[spmem:s2] =	stream.indirect.scatter.add.f32 [tilespmem:s19], [sflag:$0x2], $0x80, s31, s20, $0xb8;
	[tilespmem:$0x1D900] =	vst v63  }
0xf9: {  	_ =	swait.ge [sflag:s25], $0x3000  }
0xfa: {  	[sflag:s25] =	ssyncset.done $0x0  }
0xfb: {  	s17 =	sadd.s32 $0x3880, s0;
	[sflag:s25] =	ssyncadd.s32 $0xFFFFD000  }
0xfc: {  	[spmem:s2] =	stream.indirect.scatter.add.f32 [tilespmem:s21], [sflag:$0x2], $0x80, s17, s20, $0xb8;
	[tilespmem:$0x1D900] =	vst v63  }
0xfd: {  	_ =	swait.ge [sflag:s25], $0x3000  }
0xfe: {  	[sflag:s25] =	ssyncset.done $0x0  }
0xff: {  	s18 =	sadd.s32 $0x3900, s0;
	[sflag:s25] =	ssyncadd.s32 $0xFFFFD000  }
0x100: {  	[spmem:s2] =	stream.indirect.scatter.add.f32 [tilespmem:s22], [sflag:$0x2], $0x80, s18, s20, $0xb8;
	[tilespmem:$0x1D900] =	vst v63  }
0x101: {  	_ =	swait.ge [sflag:s25], $0x3000  }
0x102: {  	[sflag:s25] =	ssyncset.done $0x0  }
0x103: {  	s31 =	sadd.s32 $0x3980, s0;
	[sflag:s25] =	ssyncadd.s32 $0xFFFFD000  }
0x104: {  	[spmem:s2] =	stream.indirect.scatter.add.f32 [tilespmem:s23], [sflag:$0x2], $0x80, s31, s20, $0xb8;
	[tilespmem:$0x1D900] =	vst v63  }
0x105: {  	_ =	swait.ge [sflag:s25], $0x3000  }
0x106: {  	[sflag:s25] =	ssyncset.done $0x0  }
0x107: {  	s0 =	sadd.s32 $0x3A00, s0;
	[sflag:s25] =	ssyncadd.s32 $0xFFFFD000  }
0x108: {  	[spmem:s2] =	stream.indirect.scatter.add.f32 [tilespmem:s24], [sflag:$0x2], $0x80, s0, s20, $0xb8;
	[tilespmem:$0x1D900] =	vst v63  }
0x109: {  	_ =	swait.ge [sflag:s26], $0x3000  }
0x10a: {  	[sflag:s26] =	ssyncset.done $0x0  }
0x10b: {  	[sflag:s26] =	ssyncadd.s32 $0xFFFFD000  }
0x10c: {  	_ =	swait.ge [sflag:s26], $0x3000  }
0x10d: {  	[sflag:s26] =	ssyncset.done $0x0  }
0x10e: {  	[sflag:s26] =	ssyncadd.s32 $0xFFFFD000  }
0x10f: {  	_ =	swait.ge [sflag:s26], $0x3000  }
0x110: {  	[sflag:s26] =	ssyncset.done $0x0  }
0x111: {  	[sflag:s26] =	ssyncadd.s32 $0xFFFFD000  }
0x112: {  	_ =	swait.ge [sflag:s26], $0x3000  }
0x113: {  	[sflag:s26] =	ssyncset.done $0x0  }
0x114: {  	s17 =	smul.u32 $0x78000, s30;
	[sflag:s26] =	ssyncadd.s32 $0xFFFFD000  }
0x115: {  	p0 =	sne.s32 s30, s29;
	_ =	swait.ge [sflag:s26], $0x3000  }
0x116: {  	s18 =	sshll.u32 s1, $0x6;
	s0 =	sadd.s32 s12, s17;
	[sflag:s26] =	ssyncset.done $0x0  }
0x117: {  	s16 =	sor.u32 $0x1C03, s18;
	s0 =	sshrl.u32 s0, $0x3;
	[sflag:s26] =	ssyncadd.s32 $0xFFFFD000  }
0x118: {  	s17 =	sshrl.u32 s9, $0x3;
	s0 =	sadd.s32 s14, s0;
	[bflag:$0x0] =	sbarrier.arrive $0xFFFF  }
0x119: {  	[hbm:s0], [sflag:s16] =	dma.local [spmem:s17], $0xF00  }
.Ltmp6:
0x11a: {  	_ =	swait.ge [sflag:s15], $0xF00;
	(pc) =	sbr.rel @p0 .LBB2_5-.Ltmp6, $4  }
.Ltmp7:
0x11b: {  	[sflag:s15] =	ssyncset.done $0x0;
	(pc) =	sbr.rel @!p0 .LBB2_10-.Ltmp7, $4  }
0x11c: {  	[sflag:s15] =	ssyncadd.s32 $0xFFFFF100  }
0x11d: {  	s31 =	sadd.s32 $0x1, s30;
	[bflag:$0x0] =	sbarrier.arrive $0xFFFF  }
0x11e: {  	s30 =	smov.u32 s31  }
0x11f: {  	_ = 	snop  }
.LBB2_11:
0x120: {  	_ =	sfence.sel $0x180000  }
0x121: {  	[bflag:$0x0] =	sbarrier.arrive $0xFFFF  }
0x122: {  	_ =	strace $0x9000004D  }
0x123: {  	[bflag:$0x2] =	sbarrier.arrive $0xFFFF  }
0x124: {  	p0 =	sne.s32 s1, $0x0;
	s0 =	rddreg [dreg:$0x2]  }
0x125: {  	s0 =	sadd.s32 @!p0 $0x100000, s0  }
0x126: {  	[sflag:s0] =	ssyncadd.tile.s32 @!p0 $0x1;
	_ =	shalt  }
.Lfunc_end2:
_tile_overlayer_lowered:
.L_overlay_start_2:
0x127: {  	(tag) =	ssettag $0x2  }
0x128: {  	s0 =	rddreg [dreg:$0x0];
	s2 =	stileid.u32  }
0x129: {  	s1 =	rddreg [dreg:$0x1];
	p0 =	sne.s32 s2, $0x0  }
0x12a: {  	s3 =	rddreg [dreg:$0x2];
	[bflag:$0x3] =	sbarrier.arrive $0xFFFF;
	s2 =	simm.s32 @!p0 $0x1C03  }
0x12b: {  	[timem:s3], [sflag:s2] =	dma.local @!p0 [hbm:s0], s1  }
0x12c: {  	s0 =	simm.s32 @!p0 $0x3  }
0x12d: {  	_ =	swait.ge @!p0 [sflag:s0], s1  }
0x12e: {  	s1 =	ssub.s32 @!p0 $0x0, s1;
	[sflag:s0] =	ssyncset.done @!p0 $0x0  }
0x12f: {  	[sflag:s0] =	ssyncadd.s32 @!p0 s1  }
0x130: {  	[bflag:$0x3] =	sbarrier.arrive $0xFFFF  }
0x131: {  	_ =	shalt  }

// kernel: closed_call.46.cloned.1.call-start
scs
__scs_entry_jumppad:
0x0: {  	(pc) =	sbr.rel $0x88, $3  }
0x1: {  	(tag) =	ssettag $0x0;
	lr =	simm.s32 $0x1  }
0x2: {  	[smem:$0x3F7B] =	sst lr;
	_ =	strace $0xD0000000  }
0x3: {  	_ = 	snop  }
0x4: {  	_ = 	snop  }
0x5: {  	_ = 	snop  }
0x6: {  	_ = 	snop  }
0x7: {  	_ = 	snop  }
__scs_overlays_trampoline_lowered:
0x8: {  	[smem:$0x3F8A] =	sst s0  }
0x9: {  	[smem:$0x3F8B] =	sst s1  }
0xa: {  	[smem:$0x3F8C] =	sst s2  }
0xb: {  	[smem:$0x3F8D] =	sst s3  }
0xc: {  	[smem:$0x3F8E] =	sst s4  }
0xd: {  	[smem:$0x3F8F] =	sst s5  }
0xe: {  	[smem:$0x3F90] =	sst s6  }
0xf: {  	[smem:$0x3F91] =	sst s7  }
0x10: {  	[smem:$0x3F92] =	sst s8  }
0x11: {  	[smem:$0x3F93] =	sst s9;
	s0 =	simm.s32 @!p0 $0x0  }
0x12: {  	s1 =	sld [smem:$0x3F79];
	s0 =	simm.s32 @p0 $0x1  }
0x13: {  	[smem:$0x3F94] =	sst s0;
	s0 =	simm.s32 @!p1 $0x0  }
0x14: {  	s2 =	sld [smem:$0x3F78];
	s0 =	simm.s32 @p1 $0x1  }
0x15: {  	[smem:$0x3F95] =	sst s0;
	s0 =	simm.s32 @!p2 $0x0  }
0x16: {  	s3 =	sld [smem:$0x3FDB];
	s0 =	simm.s32 @p2 $0x1  }
0x17: {  	s4 =	simm.s32 $0x1BF5;
	[smem:$0x3F97] =	sst s0  }
0x18: {  	s0 =	sld [smem:$0x3F7A];
	_ =	swait.ge [sflag:s4], $0x0  }
0x19: {  	s7 =	sld [smem:$0x3F7B]  }
0x1a: {  	s8 =	sadd.s32 $0xFFFFE003, lr  }
0x1b: {  	s9 =	sadd.s32 $0xFFFFFEF7, lr;
	s5 =	simm.s32 $0xFFFFFFFF;
	p2 =	slt.u32 s8, $0xFFFFF086  }
0x1c: {  	p1 =	slt.u32 s9, $0xF7A;
	s5 =	simm.s32 @!p2 $0x0  }
0x1d: {  	s5 =	simm.s32 @p1 $0x1;
	p0 =	seq.s32 s7, s2  }
0x1e: {  	s7 =	smul.u32 @!p0 $0xF7A, s2;
	p2 =	seq.s32 @!p0 s5, $0x0  }
0x1f: {  	s9 =	smul.u32 $0xF7A, s1;
	s8 =	simm.s32 @!p0 $0x1BF5;
	p2 =	por !p2, p0  }
0x20: {  	[sflag:s8] =	ssyncset.s32 @!p0 $0xFFFFF086;
	s6 =	sadd.s32 @!p0 s3, s7;
	s7 =	simm.s32 @!p0 $0x108  }
0x21: {  	s3 =	sadd.s32 s3, s9;
	s6 =	sadd.s32 @!p0 $0x88, s6;
	s7 =	simm.s32 @p2 $0x1082  }
0x22: {  	[simem:s7], [sflag:s8] =	dma.local @!p0 [hbm:s6], $0xF7A  }
0x23: {  	s9 =	sor.u32 $0xD0000000, s2;
	s6 =	simm.s32 $0x108;
	_ =	swait.ge @!p0 [sflag:s8], $0x0  }
0x24: {  	s3 =	sadd.s32 $0x88, s3;
	s6 =	simm.s32 @!p1 $0x1082;
	[sflag:s4] =	ssyncset.s32 $0xFFFFF086  }
0x25: {  	[simem:s6], [sflag:s4] =	dma.local [hbm:s3], $0xF7A  }
0x26: {  	[smem:$0x3F7B] =	sst s1;
	(tag) =	ssettag s2;
	_ =	strace s9  }
0x27: {  	s1 =	sld [smem:$0x3F8B]  }
0x28: {  	s2 =	sld [smem:$0x3F8C]  }
0x29: {  	s4 =	sld [smem:$0x3F8E]  }
0x2a: {  	p0 =	seq.s32 s5, $0x0;
	s5 =	sld [smem:$0x3F8F]  }
0x2b: {  	s6 =	sld [smem:$0x3F90]  }
0x2c: {  	s7 =	sld [smem:$0x3F91]  }
0x2d: {  	s3 =	simm.s32 $0x108;
	s8 =	sld [smem:$0x3F92]  }
0x2e: {  	s3 =	simm.s32 @!p0 $0x1082;
	s9 =	sld [smem:$0x3F93]  }
0x2f: {  	lr =	sadd.s32 s0, s3;
	s0 =	sld [smem:$0x3F8A]  }
0x30: {  	s3 =	sld [smem:$0x3F8D]  }
0x31: {  	[smem:$0x3F96] =	sst s10  }
0x32: {  	s10 =	sld [smem:$0x3F94];
	_ =	sdelay $0x3  }
0x33: {  	p0 =	seq.s32 s10, $0x1;
	s10 =	sld [smem:$0x3F96];
	_ =	sdelay $0x3  }
0x34: {  	[smem:$0x3F96] =	sst s10  }
0x35: {  	s10 =	sld [smem:$0x3F95];
	_ =	sdelay $0x3  }
0x36: {  	p1 =	seq.s32 s10, $0x1;
	s10 =	sld [smem:$0x3F96];
	_ =	sdelay $0x3  }
0x37: {  	[smem:$0x3F96] =	sst s10  }
0x38: {  	s10 =	sld [smem:$0x3F97]  }
0x39: {  	_ = 	snop;
	(pc) =	sbr.ind lr, $3  }
0x3a: {  	_ = 	snop  }
0x3b: {  	_ = 	snop  }
0x3c: {  	p2 =	seq.s32 s10, $0x1;
	s10 =	sld [smem:$0x3F96]  }
0x3d: {  	_ =	shalt  }
0x3e: {  	_ =	shalt  }
0x3f: {  	_ =	shalt  }
0x40: {  	_ =	shalt  }
0x41: {  	_ =	shalt  }
0x42: {  	_ =	shalt  }
0x43: {  	_ =	shalt  }
0x44: {  	_ =	shalt  }
0x45: {  	_ =	shalt  }
0x46: {  	_ =	shalt  }
0x47: {  	_ =	shalt  }
0x48: {  	_ =	shalt  }
0x49: {  	_ =	shalt  }
0x4a: {  	_ =	shalt  }
0x4b: {  	_ =	shalt  }
0x4c: {  	_ =	shalt  }
0x4d: {  	_ =	shalt  }
0x4e: {  	_ =	shalt  }
0x4f: {  	_ =	shalt  }
0x50: {  	_ =	shalt  }
0x51: {  	_ =	shalt  }
0x52: {  	_ =	shalt  }
0x53: {  	_ =	shalt  }
0x54: {  	_ =	shalt  }
0x55: {  	_ =	shalt  }
0x56: {  	_ =	shalt  }
0x57: {  	_ =	shalt  }
0x58: {  	_ =	shalt  }
0x59: {  	_ =	shalt  }
0x5a: {  	_ =	shalt  }
0x5b: {  	_ =	shalt  }
0x5c: {  	_ =	shalt  }
0x5d: {  	_ =	shalt  }
0x5e: {  	_ =	shalt  }
0x5f: {  	_ =	shalt  }
0x60: {  	_ =	shalt  }
0x61: {  	_ =	shalt  }
0x62: {  	_ =	shalt  }
0x63: {  	_ =	shalt  }
0x64: {  	_ =	shalt  }
0x65: {  	_ =	shalt  }
0x66: {  	_ =	shalt  }
0x67: {  	_ =	shalt  }
0x68: {  	_ =	shalt  }
0x69: {  	_ =	shalt  }
0x6a: {  	_ =	shalt  }
0x6b: {  	_ =	shalt  }
0x6c: {  	_ =	shalt  }
0x6d: {  	_ =	shalt  }
0x6e: {  	_ =	shalt  }
0x6f: {  	_ =	shalt  }
0x70: {  	_ =	shalt  }
0x71: {  	_ =	shalt  }
0x72: {  	_ =	shalt  }
0x73: {  	_ =	shalt  }
0x74: {  	_ =	shalt  }
0x75: {  	_ =	shalt  }
0x76: {  	_ =	shalt  }
0x77: {  	_ =	shalt  }
0x78: {  	_ =	shalt  }
0x79: {  	_ =	shalt  }
0x7a: {  	_ =	shalt  }
0x7b: {  	_ =	shalt  }
0x7c: {  	_ =	shalt  }
0x7d: {  	_ =	shalt  }
0x7e: {  	_ =	shalt  }
0x7f: {  	_ =	shalt  }
0x80: {  	_ =	shalt  }
0x81: {  	_ =	shalt  }
0x82: {  	_ =	shalt  }
0x83: {  	_ =	shalt  }
0x84: {  	_ =	shalt  }
0x85: {  	_ =	shalt  }
0x86: {  	_ =	shalt  }
0x87: {  	_ =	shalt  }
.Lfunc_end0:
.L_simem_size_0:
called_computation.2_lowered:
.L_overlay_start_0:
0x88: {  	s2 =	sld [smem:$0x3FD9]  }
0x89: {  	s3 =	sld [smem:$0x3FFE];
	_ =	sdelay $0x1  }
0x8a: {  	s1 =	srdreg.scid  }
0x8b: {  	s0 =	sand.u32 $0x1, s1  }
0x8c: {  	s16 =	sshll.u32 s0, $0xA;
	s2 =	sadd.s32 s3, s2  }
0x8d: {  	s2 =	sadd.s32 s2, s16  }
0x8e: {  	[smem:$0x3FA2] =	sst s2  }
0x8f: {  	_ = 	snop  }
0x90: {  	(tm) =	ssettm $0x1  }
0x91: {  	s17 =	sld [smem:$0x3FFB];
	_ =	sdelay $0x3  }
0x92: {  	_ =	strace s17  }
0x93: {  	s2 =	sld [smem:$0x3FFC];
	_ =	sdelay $0x3  }
0x94: {  	_ =	strace s2  }
0x95: {  	s2 =	sld [smem:$0x3FFD];
	_ =	sdelay $0x3  }
0x96: {  	_ =	strace s2  }
0x97: {  	_ =	strace $0x8FFFFFFF  }
0x98: {  	s18 =	sld [smem:$0x3FDB];
	_ =	sdelay $0x1  }
0x99: {  	s19 =	simm.s32 $_scs_section_size  }
0x9a: {  	s4 =	simm.s32 $_size__tile_overlayer_lowered;
	s5 =	simm.s32 $_tile_overlayer_lowered  }
0x9b: {  	s22 =	simm.s32 $0x1BFF;
	s21 =	sshll.u32 s5, $0x1;
	s2 =	sadd.s32 s19, s18  }
0x9c: {  	s6 =	simm.s32 $0x0;
	s20 =	sshll.u32 s4, $0x1;
	s4 =	sadd.s32 s21, s2  }
0x9d: {  	[timem:s6], [sflag:s22] =	dma.local [hbm:s4], s20  }
0x9e: {  	_ =	swait.ge [sflag:s22], s20  }
0x9f: {  	s3 =	ssub.s32 $0x0, s20;
	[sflag:s22] =	ssyncset.done $0x0  }
0xa0: {  	[sflag:s22] =	ssyncadd.s32 s3;
	_ =	sdelay $0x1  }
0xa1: {  	s23 =	simm.s32 $0x1B8B  }
0xa2: {  	_ =	swait.ge [sflag:s23], $0x1  }
0xa3: {  	[sflag:s23] =	ssyncset.done $0x0  }
0xa4: {  	s25 =	simm.s32 $0x1B8E;
	s24 =	sld [smem:$0x3FFE];
	[sflag:s23] =	ssyncadd.s32 $0xFFFFFFFF  }
0xa5: {  	s26 =	simm.s32 $execute0_lowered;
	[smem:$0x3FD2] =	sst s25  }
0xa6: {  	s4 =	sshll.u32 s26, $0x1;
	_ =	strace $0x8000004F;
	[dreg:$0x1] =	wrdreg $0xFFFFFFFF  }
0xa7: {  	s28 =	simm.s32 $_size_execute0_lowered;
	s2 =	sadd.s32 s2, s4;
	[dreg:$0x0] =	wrdreg $0x0  }
0xa8: {  	s4 =	sshll.u32 s28, $0x1;
	[dreg:$0x2] =	wrdreg s2  }
0xa9: {  	[dreg:$0x3] =	wrdreg s4  }
0xaa: {  	[dreg:$0x4] =	wrdreg $0xC0  }
0xab: {  	_ =	task [dreg:s6], $0x5FFFF  }
0xac: {  	[dreg:$0x1] =	wrdreg $0xFFFFFFFF  }
0xad: {  	[dreg:$0x0] =	wrdreg $0x60  }
0xae: {  	[dreg:$0x2] =	wrdreg s24  }
0xaf: {  	[dreg:$0x3] =	wrdreg $0x160000  }
0xb0: {  	[dreg:$0x4] =	wrdreg $0x9  }
0xb1: {  	_ =	task.clear_ibuf [dreg:s6], $0x5FFFF;
	_ =	strace $0x9000004F  }
0xb2: {  	s29 =	simm.s32 $0x9;
	_ =	strace $0x80000051  }
0xb3: {  	_ =	swait.ge [sflag:s29], $0x1  }
0xb4: {  	[sflag:s29] =	ssyncadd.s32 $0xFFFFFFFF  }
0xb5: {  	_ =	strace $0x90000051  }
0xb6: {  	_ =	sfence  }
0xb7: {  	s30 =	sld [smem:$0x0];
	_ =	sdelay $0x2  }
0xb8: {  	s31 =	sshll.u32 s1, $0xD;
	s1 =	sshrl.u32 s1, $0x2  }
0xb9: {  	s3 =	sand.u32 $0x4000, s31;
	s1 =	sadd.s32 s1, s30  }
0xba: {  	s0 =	sor.u32 s3, s0;
	s1 =	sshll.u32 s1, $0x11  }
0xbb: {  	s0 =	sor.u32 s1, s0  }
0xbc: {  	s0 =	sadd.s32 $0x8F2B, s0  }
0xbd: {  	[sflag:s0] =	ssyncadd.remote.s32 $0x1  }
0xbe: {  	_ =	sfence.sel $0xFFFF  }
0xbf: {  	[dreg:$0x0] =	wrdreg $0xFFFFFFFF;
	(pc) =	sbr.abs _section_cstart, $3  }
0xc0: {  	[dreg:$0x1] =	wrdreg $0xFFFFFFFF  }
0xc1: {  	_ =	task.clear_ibuf [dreg:s6], $0x2FFFF;
	_ =	strace $0x9FFFFFFF  }
0xc2: {  	(tm) =	ssettm $0x7FFFFFFF  }
0xc3: {  	_ =	shalt  }
tec
execute0_lowered:
.L_overlay_start_1:
0x0: {  	(tag) =	ssettag $0x1  }
0x1: {  	s0 =	srdreg.scid;
	s14 =	rddreg [dreg:$0x0]  }
0x2: {  	s2 =	rddreg [dreg:$0x1];
	s1 =	stileid.u32  }
0x3: {  	s3 =	simm.s32 $0x0;
	s15 =	simm.s32 $0x3;
	s19 =	simm.s32 $0x7000  }
0x4: {  	s20 =	simm.s32 $0x60;
	s21 =	simm.s32 $0xA000;
	s22 =	simm.s32 $0xD000  }
0x5: {  	s23 =	simm.s32 $0x10000;
	s24 =	simm.s32 $0x13000;
	s25 =	simm.s32 $0x1  }
0x6: {  	s26 =	simm.s32 $0x2;
	s28 =	simm.s32 $0x0;
	s0 =	sand.u32 $0x1, s0  }
0x7: {  	[smem:$0x7FF] =	sst s3;
	s8 =	smul.u32 $0x1E000, s1;
	s6 =	sadd.s32 $0x4CE00, s14  }
0x8: {  	s12 =	smul.u32 $0x7800, s1;
	s4 =	sshll.u32 s0, $0x4;
	_ =	strace $0x80000050  }
0x9: {  	s7 =	ssub.s32 $0x2, s0;
	p0 =	seq.s32 s0, $0x1;
	s4 =	sor.u32 s1, s4  }
0xa: {  	s0 =	simm.s32 $0x149000;
	s10 =	sshrl.u32 s7, $0x1;
	s5 =	smul.u32 $0x3800, s4  }
.Ltmp0:
0xb: {  	s31 =	sshrl.u32 s8, $0x2;
	s0 =	simm.s32 @!p0 $0x12B000;
	(pc) =	sbr.rel .LBB2_1-.Ltmp0, $4  }
0xc: {  	s4 =	sadd.s32 $0x81000, s14;
	s13 =	ssub.s32 s7, s10;
	s5 =	sshrl.u32 s5, $0x3  }
0xd: {  	s13 =	smax.u32 s13, $0x1;
	s9 =	sadd.s32 s5, s14;
	s5 =	sadd.s32 $0x4D000, s14  }
0xe: {  	s7 =	sadd.s32 $0x9C00, s9;
	s8 =	sadd.s32 $0x17C00, s9;
	s9 =	sadd.s32 s31, s2  }
0xf: {  	v0 =	vimm.f32 $0.0e+00;
	s14 =	sadd.s32 s0, s14;
	s10 =	sadd.s32 $0x3000, s9;
	s11 =	sadd.s32 $0x6000, s9  }
.LBB2_10:
0x10: {  	s28 =	sadd.s32 $0x1, s28  }
0x11: {  	p0 =	sne.s32 s28, s13  }
.Ltmp1:
0x12: {  	_ = 	snop;
	(pc) =	sbr.rel @!p0 .LBB2_11-.Ltmp1, $1  }
0x13: {  	_ =	sdelay $0x3  }
.LBB2_1:
0x14: {  	[tilespmem:s3], [sflag:$0x3] =	stream.linear.gather [hbm4b:s7+s3], $0x3480, $0x38;
	[tilespmem:$0x1D900] =	vst v63  }
0x15: {  	_ =	swait.ge [sflag:s15], $0x3480  }
0x16: {  	[sflag:s15] =	ssyncset.done $0x0  }
0x17: {  	s0 =	simm.s32 $0x3800;
	[sflag:s15] =	ssyncadd.s32 $0xFFFFCB80  }
0x18: {  	[tilespmem:s0], [sflag:$0x3] =	stream.linear.gather [hbm4b:s8+s3], $0x3480, $0x38;
	[tilespmem:$0x1D900] =	vst v63  }
0x19: {  	_ =	swait.ge [sflag:s15], $0x3480  }
0x1a: {  	[sflag:s15] =	ssyncset.done $0x0  }
0x1b: {  	s16 =	simm.s32 $0x1D800;
	[sflag:s15] =	ssyncadd.s32 $0xFFFFCB80  }
0x1c: {  	[tilespmem:s16], [sflag:$0x3] =	stream.linear.gather [hbm4b:s5+s3], $0x80, $0x38;
	[tilespmem:$0x1D900] =	vst v63  }
0x1d: {  	_ =	swait.ge [sflag:s15], $0x80  }
0x1e: {  	[sflag:s15] =	ssyncset.done $0x0  }
0x1f: {  	s17 =	simm.s32 $0x1D880;
	[sflag:s15] =	ssyncadd.s32 $0xFFFFFF80  }
0x20: {  	[tilespmem:s17], [sflag:$0x3] =	stream.linear.gather [hbm4b:s6+s3], $0x80, $0x38;
	[tilespmem:$0x1D900] =	vst v63  }
0x21: {  	_ =	swait.ge [sflag:s15], $0x80  }
0x22: {  	[sflag:s15] =	ssyncset.done $0x0  }
0x23: {  	[sflag:s15] =	ssyncadd.s32 $0xFFFFFF80  }
0x24: {  	v1 =	vld [tilespmem:$0x1D880];
	_ =	sdelay $0x4  }
0x25: {  	v1 =	vxor.u32 $0x80000000, v1  }
0x26: {  	(xrf0) =	vmax.scan.msk.u32 $0xffff, v1;
	_ =	sdelay $0x5  }
0x27: {  	v1, _, _ =	vpop (xrf0)  }
0x28: {  	(v2sf) =	vpush v1, $0xF;
	_ =	sdelay $0x9  }
0x29: {  	s30 =	simm.s32 $0x0  }
0x2a: {  	v2 =	vld [tilespmem:s30+$0x3800]  }
0x2b: {  	v3 =	vld [tilespmem:s30+$0x0]  }
0x2c: {  	v4 =	vld [tilespmem:s30+$0x3810]  }
0x2d: {  	v5 =	vld [tilespmem:s30+$0x20]  }
0x2e: {  	v9 =	vld [tilespmem:s30+$0x3820];
	s18 =	spop (v2sf)  }
0x2f: {  	v7 =	vld [tilespmem:s30+$0x30];
	s0 =	sxor.u32 $0x80000000, s18  }
0x30: {  	v13 =	vld [tilespmem:s30+$0x3830];
	v1 =	vmov s0  }
0x31: {  	v6 =	vsub.s32 v2, v1  }
0x32: {  	v11 =	vand.u32 $0x7F, v5;
	vm0 =	vge.s32 v2, v1;
	vm1 =	vlt.s32 v6, $0xF00  }
0x33: {  	v12 =	vand.u32 $0x7F, v3;
	v2 =	vand.u32 $0x7FF, v2;
	vm1 =	vmand vm0, vm1  }
0x34: {  	v18 =	vand.u32 $0x7F, v7;
	v12 =	vadd.s32 $0x2710, v12;
	v2 =	vsel vm1, v6, v2;
	v6 =	vld [tilespmem:s30+$0x3840]  }
0x35: {  	v14 =	vsub.s32 v9, v1;
	v17 =	vsub.s32 v13, v1;
	[tilespmem:s30+$0x3800] =	vst v2;
	v2 =	vsub.s32 v4, v1  }
0x36: {  	v8 =	vld [tilespmem:s30+$0x40];
	vm3 =	vlt.s32 v14, $0xF00;
	vm0 =	vge.s32 v4, v1;
	vm2 =	vlt.s32 v2, $0xF00  }
0x37: {  	v3 =	vsel vm1, v3, v12;
	v4 =	vand.u32 $0x7FF, v4;
	vm0 =	vmand vm0, vm2  }
0x38: {  	s29 =	simm.s32 $0x80;
	v10 =	vld [tilespmem:s30+$0x10];
	vm2 =	vge.s32 v9, v1;
	v9 =	vand.u32 $0x7FF, v9;
	v2 =	vsel vm0, v2, v4  }
0x39: {  	v15 =	vld [tilespmem:s29+$0x3800];
	vm1 =	vmand vm2, vm3;
	[tilespmem:s30+$0x3810] =	vst v2;
	v2 =	vadd.s32 $0x2710, v11;
	v4 =	vsub.s32 v6, v1  }
0x3a: {  	[tilespmem:s30+$0x0] =	vst v3;
	vm3 =	vge.s32 v6, v1;
	v9 =	vsel vm1, v14, v9;
	v3 =	vsel vm1, v5, v2  }
0x3b: {  	v6 =	vand.u32 $0x7FF, v6;
	v2 =	vld [tilespmem:s29+$0x0];
	v5 =	vand.u32 $0x7F, v8;
	vm2 =	vlt.s32 v4, $0xF00;
	[tilespmem:s30+$0x20] =	vst v3  }
0x3c: {  	vm1 =	vge.s32 v13, v1;
	v11 =	vadd.s32 $0x2710, v5;
	vm2 =	vmand vm3, vm2;
	v5 =	vld [tilespmem:s29+$0x3810]  }
0x3d: {  	vm3 =	vlt.s32 v17, $0xF00;
	v3 =	vld [tilespmem:s29+$0x20];
	v8 =	vsel vm2, v8, v11;
	v11 =	vand.u32 $0x7F, v10  }
0x3e: {  	v12 =	vsub.s32 v15, v1;
	v14 =	vand.u32 $0x7FF, v15;
	[tilespmem:s30+$0x40] =	vst v8;
	v16 =	vadd.s32 $0x2710, v11;
	v8 =	vld [tilespmem:s30+$0x3850]  }
0x3f: {  	[tilespmem:s30+$0x3820] =	vst v9;
	vm4 =	vlt.s32 v12, $0xF00;
	v11 =	vsel vm2, v4, v6;
	v6 =	vld [tilespmem:s30+$0x50];
	v9 =	vsel vm0, v10, v16  }
0x40: {  	vm1 =	vmand vm1, vm3;
	vm2 =	vge.s32 v15, v1;
	v4 =	vld [tilespmem:s29+$0x40];
	v10 =	vand.u32 $0x7FF, v13;
	[tilespmem:s30+$0x10] =	vst v9  }
0x41: {  	s31 =	simm.s32 $0x400;
	vm0 =	vmand vm2, vm4;
	v13 =	vadd.s32 $0x2710, v18;
	v10 =	vsel vm1, v17, v10;
	v9 =	vld [tilespmem:s29+$0x3820]  }
.LBB2_2:
0x42: {  	s0 =	sshra.s32 s31, $0x2;
	p0 =	sne.s32 s31, $0xD000;
	s31 =	sadd.s32 $0x200, s31;
	v12 =	vsel vm0, v12, v14;
	v14 =	vld [tilespmem:s29+$0x10];
	v15 =	vand.u32 $0x7F, v3;
	v7 =	vsel vm1, v7, v13  }
0x43: {  	v13 =	vsub.s32 v5, v1;
	vm1 =	vge.s32 v5, v1;
	[tilespmem:s30+$0x3840] =	vst v11;
	v11 =	vand.u32 $0x7FF, v8  }
0x44: {  	vm2 =	vlt.s32 v13, $0xF00;
	[tilespmem:s29+$0x3800] =	vst v12;
	v12 =	vadd.s32 $0x2710, v15;
	v15 =	vand.u32 $0x7F, v6  }
0x45: {  	vm3 =	vge.s32 v8, v1;
	v16 =	vld [tilespmem:s29+$0x3840];
	v17 =	vand.u32 $0x7F, v4;
	v15 =	vadd.s32 $0x2710, v15  }
0x46: {  	v18 =	vand.u32 $0x7F, v2;
	v8 =	vsub.s32 v8, v1;
	v19 =	vsub.s32 v9, v1  }
0x47: {  	vm4 =	vge.s32 v9, v1;
	v9 =	vand.u32 $0x7FF, v9;
	v20 =	vand.u32 $0x7F, v14  }
0x48: {  	v18 =	vadd.s32 $0x2710, v18;
	v17 =	vadd.s32 $0x2710, v17;
	vm5 =	vlt.s32 v19, $0xF00;
	[tilespmem:s30+$0x3830] =	vst v10  }
0x49: {  	v5 =	vand.u32 $0x7FF, v5;
	vm1 =	vmand vm1, vm2;
	v10 =	vadd.s32 $0x2710, v20;
	v20 =	vld [tilespmem:s29+$0x3830];
	[tilespmem:s30+$0x30] =	vst v7  }
0x4a: {  	vm2 =	vlt.s32 v8, $0xF00;
	v5 =	vsel vm1, v13, v5;
	v7 =	vld [tilespmem:s29+$0x30];
	v13 =	vsub.s32 v16, v1  }
0x4b: {  	v2 =	vsel vm0, v2, v18;
	vm2 =	vmand vm3, vm2;
	vm0 =	vmand vm4, vm5;
	v21 =	vld [tilespmem:s0+$0x3800];
	[tilespmem:s29+$0x3810] =	vst v5  }
0x4c: {  	v6 =	vsel vm2, v6, v15;
	v3 =	vsel vm0, v3, v12;
	vm3 =	vlt.s32 v13, $0xF00;
	[tilespmem:s29+$0x0] =	vst v2  }
0x4d: {  	v9 =	vsel vm0, v19, v9;
	vm0 =	vge.s32 v16, v1;
	v15 =	vand.u32 $0x7FF, v16;
	v2 =	vld [tilespmem:s0+$0x0];
	[tilespmem:s29+$0x20] =	vst v3  }
0x4e: {  	vm0 =	vmand vm0, vm3;
	v5 =	vld [tilespmem:s0+$0x3810];
	v16 =	vsub.s32 v20, v1;
	[tilespmem:s30+$0x50] =	vst v6;
	v6 =	vsel vm2, v8, v11  }
.Ltmp2:
0x4f: {  	v4 =	vsel vm0, v4, v17;
	vm2 =	vge.s32 v20, v1;
	v3 =	vld [tilespmem:s0+$0x20];
	vm3 =	vlt.s32 v16, $0xF00;
	[tilespmem:s30+$0x3850] =	vst v6;
	s30 =	smov.u32 s29;
	s29 =	smov.u32 s0;
	(pc) =	sbr.rel @p0 .LBB2_2-.Ltmp2, $4  }
0x50: {  	v11 =	vsel vm0, v13, v15;
	v17 =	vand.u32 $0x7F, v7;
	v12 =	vsub.s32 v21, v1;
	[tilespmem:s30+$0x40] =	vst v4;
	v8 =	vld [tilespmem:s30+$0x3850]  }
0x51: {  	v10 =	vsel vm1, v14, v10;
	vm0 =	vge.s32 v21, v1;
	vm4 =	vlt.s32 v12, $0xF00;
	[tilespmem:s30+$0x3820] =	vst v9;
	v6 =	vld [tilespmem:s30+$0x50]  }
0x52: {  	vm1 =	vmand vm2, vm3;
	vm0 =	vmand vm0, vm4;
	v4 =	vld [tilespmem:s29+$0x40];
	[tilespmem:s30+$0x10] =	vst v10;
	v10 =	vand.u32 $0x7FF, v20  }
0x53: {  	v14 =	vand.u32 $0x7FF, v21;
	v13 =	vadd.s32 $0x2710, v17;
	v9 =	vld [tilespmem:s29+$0x3820];
	v10 =	vsel vm1, v16, v10  }
0x54: {  	v12 =	vsel vm0, v12, v14;
	v45 =	vand.u32 $0x7F, v3;
	v7 =	vsel vm1, v7, v13  }
0x55: {  	v46 =	vsub.s32 v5, v1;
	vm13 =	vge.s32 v5, v1;
	v50 =	vand.u32 $0x7F, v2  }
0x56: {  	v15 =	vld [tilespmem:s29+$0x10];
	[tilespmem:s30+$0x3840] =	vst v11;
	v52 =	vand.u32 $0x7FF, v5;
	v47 =	vand.u32 $0x7FF, v8;
	vm2 =	vlt.s32 v46, $0xF00  }
0x57: {  	v48 =	vadd.s32 $0x2710, v45;
	v16 =	vld [tilespmem:s29+$0x3840];
	vm3 =	vge.s32 v8, v1;
	v51 =	vsub.s32 v8, v1  }
0x58: {  	[tilespmem:s29+$0x3800] =	vst v12;
	v53 =	vadd.s32 $0x2710, v50;
	v49 =	vand.u32 $0x7F, v6;
	vm1 =	vmand vm13, vm2  }
0x59: {  	[tilespmem:s30+$0x3830] =	vst v10;
	vm5 =	vlt.s32 v51, $0xF00;
	v2 =	vsel vm0, v2, v53;
	v18 =	vsub.s32 v9, v1  }
0x5a: {  	v19 =	vld [tilespmem:s29+$0x3830];
	[tilespmem:s30+$0x30] =	vst v7;
	v5 =	vsel vm1, v46, v52;
	vm4 =	vge.s32 v9, v1;
	vm14 =	vlt.s32 v18, $0xF00  }
0x5b: {  	v17 =	vand.u32 $0x7F, v4;
	v14 =	vadd.s32 $0x2710, v49;
	[tilespmem:s29+$0x3810] =	vst v5;
	vm15 =	vmand vm4, vm14  }
0x5c: {  	vm8 =	vmand vm3, vm5;
	[tilespmem:s29+$0x0] =	vst v2;
	v55 =	vsub.s32 v16, v1;
	v2 =	vsel vm15, v3, v48  }
0x5d: {  	vm10 =	vge.s32 v16, v1;
	vm9 =	vlt.s32 v55, $0xF00;
	v3 =	vsel vm8, v6, v14;
	[tilespmem:s29+$0x20] =	vst v2  }
0x5e: {  	v54 =	vld [tilespmem:s29+$0x30];
	v2 =	vadd.s32 $0x2710, v17;
	vm3 =	vmand vm10, vm9;
	[tilespmem:s30+$0x50] =	vst v3;
	v3 =	vsel vm8, v51, v47  }
0x5f: {  	v2 =	vsel vm3, v4, v2;
	[tilespmem:s30+$0x3850] =	vst v3;
	v3 =	vand.u32 $0x7FF, v9  }
0x60: {  	[tilespmem:s29+$0x40] =	vst v2;
	v2 =	vsel vm15, v18, v3;
	v3 =	vld [tilespmem:s29+$0x3850]  }
0x61: {  	v56 =	vand.u32 $0x7F, v15;
	v58 =	vand.u32 $0x7FF, v16;
	v57 =	vld [tilespmem:s29+$0x50]  }
0x62: {  	v59 =	vsub.s32 v19, v1;
	vm11 =	vge.s32 v19, v1;
	v61 =	vand.u32 $0x7FF, v19  }
0x63: {  	vm12 =	vlt.s32 v59, $0xF00;
	v60 =	vand.u32 $0x7F, v54;
	[tilespmem:s29+$0x3820] =	vst v2;
	v2 =	vadd.s32 $0x2710, v56  }
0x64: {  	v5 =	vsel vm3, v55, v58;
	vm0 =	vmand vm11, vm12;
	v2 =	vsel vm1, v15, v2  }
0x65: {  	v6 =	vsel vm0, v59, v61;
	[tilespmem:s29+$0x10] =	vst v2;
	v2 =	vadd.s32 $0x2710, v60;
	v62 =	vsub.s32 v3, v1  }
0x66: {  	[tilespmem:s29+$0x3840] =	vst v5;
	v63 =	vand.u32 $0x7F, v57;
	vm13 =	vge.s32 v3, v1;
	vm14 =	vlt.s32 v62, $0xF00  }
0x67: {  	[tilespmem:s29+$0x3830] =	vst v6;
	v1 =	vsel vm0, v54, v2;
	v2 =	vadd.s32 $0x2710, v63;
	vm15 =	vmand vm13, vm14  }
0x68: {  	v3 =	vand.u32 $0x7FF, v3;
	[tilespmem:s29+$0x30] =	vst v1;
	v1 =	vsel vm15, v57, v2  }
0x69: {  	[tilespmem:s29+$0x50] =	vst v1;
	v1 =	vsel vm15, v62, v3  }
0x6a: {  	[tilespmem:s29+$0x3850] =	vst v1  }
0x6b: {  	v1 =	vld [tilespmem:$0x1D800];
	_ =	sdelay $0x4  }
0x6c: {  	v1 =	vxor.u32 $0x80000000, v1  }
0x6d: {  	(xrf0) =	vmax.scan.msk.u32 $0xffff, v1;
	_ =	sdelay $0x5  }
0x6e: {  	v1, _, _ =	vpop (xrf0)  }
0x6f: {  	(v2sf) =	vpush v1, $0xF;
	_ =	sdelay $0xe  }
0x70: {  	s0 =	spop (v2sf)  }
0x71: {  	p0 =	sgt.s32 s0, $0xFFFFFFFE  }
.Ltmp3:
0x72: {  	_ = 	snop;
	(pc) =	sbr.rel @p0 .LBB2_10-.Ltmp3, $1  }
0x73: {  	_ =	sdelay $0x3  }
0x74: {  	s29 =	sand.u32 $0x7FFFFFFF, s0;
	s30 =	simm.s32 $0x0  }
.LBB2_5:
0x75: {  	s0 =	simm.s32 $0x70;
	s16 =	simm.s32 $0x3C0  }
.LBB2_6:
0x76: {  	p0 =	sne.s32 s16, $0xBFC0;
	[tilespmem:s0+$0x7000] =	vst v0  }
0x77: {  	[tilespmem:s0+$0x6F90] =	vst v0  }
0x78: {  	[tilespmem:s0+$0x6FA0] =	vst v0  }
.Ltmp4:
0x79: {  	[tilespmem:s0+$0x6FB0] =	vst v0;
	(pc) =	sbr.rel @p0 .LBB2_6-.Ltmp4, $4  }
0x7a: {  	[tilespmem:s0+$0x6FC0] =	vst v0  }
0x7b: {  	[tilespmem:s0+$0x6FD0] =	vst v0  }
0x7c: {  	[tilespmem:s0+$0x6FE0] =	vst v0  }
0x7d: {  	[tilespmem:s0+$0x6FF0] =	vst v0;
	s0 =	sshra.s32 s16, $0x2;
	s16 =	sadd.s32 $0x200, s16  }
0x7e: {  	[tilespmem:s0+$0x7000] =	vst v0  }
0x7f: {  	[tilespmem:s0+$0x6F90] =	vst v0  }
0x80: {  	[tilespmem:s0+$0x6FA0] =	vst v0  }
0x81: {  	[tilespmem:s0+$0x6FB0] =	vst v0  }
0x82: {  	[tilespmem:s0+$0x6FC0] =	vst v0  }
0x83: {  	[tilespmem:s0+$0x6FD0] =	vst v0  }
0x84: {  	[tilespmem:s0+$0x6FE0] =	vst v0  }
0x85: {  	[tilespmem:s0+$0x6FF0] =	vst v0  }
0x86: {  	[spmem:s9] =	stream.linear.scatter [tilespmem:s19], [sflag:$0x3], $0x3000, $0x38;
	[tilespmem:$0x1D900] =	vst v63  }
0x87: {  	_ =	swait.ge [sflag:s15], $0x3000  }
0x88: {  	[sflag:s15] =	ssyncset.done $0x0  }
0x89: {  	[sflag:s15] =	ssyncadd.s32 $0xFFFFD000  }
0x8a: {  	[spmem:s10] =	stream.linear.scatter [tilespmem:s19], [sflag:$0x3], $0x3000, $0x38;
	[tilespmem:$0x1D900] =	vst v63  }
0x8b: {  	_ =	swait.ge [sflag:s15], $0x3000  }
0x8c: {  	[sflag:s15] =	ssyncset.done $0x0  }
0x8d: {  	[sflag:s15] =	ssyncadd.s32 $0xFFFFD000  }
0x8e: {  	[spmem:s11] =	stream.linear.scatter [tilespmem:s19], [sflag:$0x3], $0x1800, $0x38;
	[tilespmem:$0x1D900] =	vst v63  }
0x8f: {  	s17 =	smul.u32 $0x140000, s30;
	_ =	swait.ge [sflag:s15], $0x1800  }
0x90: {  	[sflag:s15] =	ssyncset.done $0x0  }
0x91: {  	s0 =	sshrl.u32 s17, $0x3;
	[sflag:s15] =	ssyncadd.s32 $0xFFFFE800  }
0x92: {  	s18 =	simm.s32 $0x0;
	s31 =	sadd.s32 s4, s0;
	[bflag:$0x0] =	sbarrier.arrive $0xFFFF  }
0x93: {  	[tilespmem:s19], [sflag:$0x1] =	stream.indirect.gather [hbm4b:s31+s20], $0x80, s18, s20, $0xb8;
	[tilespmem:$0x1D900] =	vst v63  }
0x94: {  	s16 =	simm.s32 $0x80  }
0x95: {  	[tilespmem:s21], [sflag:$0x1] =	stream.indirect.gather [hbm4b:s31+s20], $0x80, s16, s20, $0xb8;
	[tilespmem:$0x1D900] =	vst v63  }
0x96: {  	s17 =	simm.s32 $0x100  }
0x97: {  	[tilespmem:s22], [sflag:$0x1] =	stream.indirect.gather [hbm4b:s31+s20], $0x80, s17, s20, $0xb8;
	[tilespmem:$0x1D900] =	vst v63  }
0x98: {  	s18 =	simm.s32 $0x180  }
0x99: {  	[tilespmem:s23], [sflag:$0x1] =	stream.indirect.gather [hbm4b:s31+s20], $0x80, s18, s20, $0xb8;
	[tilespmem:$0x1D900] =	vst v63  }
0x9a: {  	s16 =	simm.s32 $0x200  }
0x9b: {  	[tilespmem:s24], [sflag:$0x1] =	stream.indirect.gather [hbm4b:s31+s20], $0x80, s16, s20, $0xb8;
	[tilespmem:$0x1D900] =	vst v63  }
0x9c: {  	_ =	swait.ge [sflag:s25], $0x3000  }
0x9d: {  	[sflag:s25] =	ssyncset.done $0x0  }
0x9e: {  	s17 =	simm.s32 $0x3800;
	[sflag:s25] =	ssyncadd.s32 $0xFFFFD000  }
0x9f: {  	[spmem:s2] =	stream.indirect.scatter.add.f32 [tilespmem:s19], [sflag:$0x2], $0x80, s17, s20, $0xb8;
	[tilespmem:$0x1D900] =	vst v63  }
0xa0: {  	_ =	swait.ge [sflag:s25], $0x3000  }
0xa1: {  	[sflag:s25] =	ssyncset.done $0x0  }
0xa2: {  	s18 =	simm.s32 $0x3880;
	[sflag:s25] =	ssyncadd.s32 $0xFFFFD000  }
0xa3: {  	[spmem:s2] =	stream.indirect.scatter.add.f32 [tilespmem:s21], [sflag:$0x2], $0x80, s18, s20, $0xb8;
	[tilespmem:$0x1D900] =	vst v63  }
0xa4: {  	_ =	swait.ge [sflag:s25], $0x3000  }
0xa5: {  	[sflag:s25] =	ssyncset.done $0x0  }
0xa6: {  	s16 =	simm.s32 $0x3900;
	[sflag:s25] =	ssyncadd.s32 $0xFFFFD000  }
0xa7: {  	[spmem:s2] =	stream.indirect.scatter.add.f32 [tilespmem:s22], [sflag:$0x2], $0x80, s16, s20, $0xb8;
	[tilespmem:$0x1D900] =	vst v63  }
0xa8: {  	_ =	swait.ge [sflag:s25], $0x3000  }
0xa9: {  	[sflag:s25] =	ssyncset.done $0x0  }
0xaa: {  	s17 =	simm.s32 $0x3980;
	[sflag:s25] =	ssyncadd.s32 $0xFFFFD000  }
0xab: {  	[spmem:s2] =	stream.indirect.scatter.add.f32 [tilespmem:s23], [sflag:$0x2], $0x80, s17, s20, $0xb8;
	[tilespmem:$0x1D900] =	vst v63  }
0xac: {  	_ =	swait.ge [sflag:s25], $0x3000  }
0xad: {  	[sflag:s25] =	ssyncset.done $0x0  }
0xae: {  	s18 =	simm.s32 $0x3A00;
	[sflag:s25] =	ssyncadd.s32 $0xFFFFD000  }
0xaf: {  	[spmem:s2] =	stream.indirect.scatter.add.f32 [tilespmem:s24], [sflag:$0x2], $0x80, s18, s20, $0xb8;
	[tilespmem:$0x1D900] =	vst v63  }
0xb0: {  	_ =	swait.ge [sflag:s26], $0x3000  }
0xb1: {  	[sflag:s26] =	ssyncset.done $0x0  }
0xb2: {  	[sflag:s26] =	ssyncadd.s32 $0xFFFFD000  }
0xb3: {  	_ =	swait.ge [sflag:s26], $0x3000  }
0xb4: {  	[sflag:s26] =	ssyncset.done $0x0  }
0xb5: {  	[sflag:s26] =	ssyncadd.s32 $0xFFFFD000  }
0xb6: {  	_ =	swait.ge [sflag:s26], $0x3000  }
0xb7: {  	[sflag:s26] =	ssyncset.done $0x0  }
0xb8: {  	[sflag:s26] =	ssyncadd.s32 $0xFFFFD000  }
0xb9: {  	_ =	swait.ge [sflag:s26], $0x3000  }
0xba: {  	[sflag:s26] =	ssyncset.done $0x0  }
0xbb: {  	[sflag:s26] =	ssyncadd.s32 $0xFFFFD000  }
0xbc: {  	_ =	swait.ge [sflag:s26], $0x3000  }
0xbd: {  	s0 =	simm.s32 $0xA00;
	s16 =	simm.s32 $0x1400;
	[sflag:s26] =	ssyncset.done $0x0  }
.LBB2_8:
0xbe: {  	s17 =	sshra.s32 s0, $0x2  }
0xbf: {  	[sflag:s26] =	ssyncadd.s32 $0xFFFFD000;
	s0 =	smov.u32 s16;
	s18 =	sadd.s32 $0xA00, s16  }
0xc0: {  	[tilespmem:s19], [sflag:$0x1] =	stream.indirect.gather [hbm4b:s31+s20], $0x80, s17, s20, $0xb8;
	[tilespmem:$0x1D900] =	vst v63  }
0xc1: {  	p0 =	sne.s32 s16, $0xC800;
	s16 =	sadd.s32 $0x80, s17  }
0xc2: {  	[tilespmem:s21], [sflag:$0x1] =	stream.indirect.gather [hbm4b:s31+s20], $0x80, s16, s20, $0xb8;
	[tilespmem:$0x1D900] =	vst v63  }
0xc3: {  	s16 =	sadd.s32 $0x100, s17  }
0xc4: {  	[tilespmem:s22], [sflag:$0x1] =	stream.indirect.gather [hbm4b:s31+s20], $0x80, s16, s20, $0xb8;
	[tilespmem:$0x1D900] =	vst v63  }
0xc5: {  	s16 =	sadd.s32 $0x180, s17  }
0xc6: {  	[tilespmem:s23], [sflag:$0x1] =	stream.indirect.gather [hbm4b:s31+s20], $0x80, s16, s20, $0xb8;
	[tilespmem:$0x1D900] =	vst v63  }
0xc7: {  	s16 =	sadd.s32 $0x200, s17  }
0xc8: {  	[tilespmem:s24], [sflag:$0x1] =	stream.indirect.gather [hbm4b:s31+s20], $0x80, s16, s20, $0xb8;
	[tilespmem:$0x1D900] =	vst v63  }
0xc9: {  	_ =	swait.ge [sflag:s25], $0x3000  }
0xca: {  	[sflag:s25] =	ssyncset.done $0x0  }
0xcb: {  	s16 =	sadd.s32 $0x3800, s17;
	[sflag:s25] =	ssyncadd.s32 $0xFFFFD000  }
0xcc: {  	[spmem:s2] =	stream.indirect.scatter.add.f32 [tilespmem:s19], [sflag:$0x2], $0x80, s16, s20, $0xb8;
	[tilespmem:$0x1D900] =	vst v63  }
0xcd: {  	_ =	swait.ge [sflag:s25], $0x3000  }
0xce: {  	[sflag:s25] =	ssyncset.done $0x0  }
0xcf: {  	s16 =	sadd.s32 $0x3880, s17;
	[sflag:s25] =	ssyncadd.s32 $0xFFFFD000  }
0xd0: {  	[spmem:s2] =	stream.indirect.scatter.add.f32 [tilespmem:s21], [sflag:$0x2], $0x80, s16, s20, $0xb8;
	[tilespmem:$0x1D900] =	vst v63  }
0xd1: {  	_ =	swait.ge [sflag:s25], $0x3000  }
0xd2: {  	[sflag:s25] =	ssyncset.done $0x0  }
0xd3: {  	s16 =	sadd.s32 $0x3900, s17;
	[sflag:s25] =	ssyncadd.s32 $0xFFFFD000  }
0xd4: {  	[spmem:s2] =	stream.indirect.scatter.add.f32 [tilespmem:s22], [sflag:$0x2], $0x80, s16, s20, $0xb8;
	[tilespmem:$0x1D900] =	vst v63  }
0xd5: {  	_ =	swait.ge [sflag:s25], $0x3000  }
0xd6: {  	[sflag:s25] =	ssyncset.done $0x0  }
0xd7: {  	s16 =	sadd.s32 $0x3980, s17;
	[sflag:s25] =	ssyncadd.s32 $0xFFFFD000  }
0xd8: {  	[spmem:s2] =	stream.indirect.scatter.add.f32 [tilespmem:s23], [sflag:$0x2], $0x80, s16, s20, $0xb8;
	[tilespmem:$0x1D900] =	vst v63  }
0xd9: {  	_ =	swait.ge [sflag:s25], $0x3000  }
0xda: {  	[sflag:s25] =	ssyncset.done $0x0  }
0xdb: {  	s16 =	sadd.s32 $0x3A00, s17;
	[sflag:s25] =	ssyncadd.s32 $0xFFFFD000  }
0xdc: {  	[spmem:s2] =	stream.indirect.scatter.add.f32 [tilespmem:s24], [sflag:$0x2], $0x80, s16, s20, $0xb8;
	[tilespmem:$0x1D900] =	vst v63  }
0xdd: {  	_ =	swait.ge [sflag:s26], $0x3000  }
0xde: {  	[sflag:s26] =	ssyncset.done $0x0  }
0xdf: {  	[sflag:s26] =	ssyncadd.s32 $0xFFFFD000  }
0xe0: {  	_ =	swait.ge [sflag:s26], $0x3000  }
0xe1: {  	[sflag:s26] =	ssyncset.done $0x0  }
0xe2: {  	[sflag:s26] =	ssyncadd.s32 $0xFFFFD000  }
0xe3: {  	_ =	swait.ge [sflag:s26], $0x3000  }
0xe4: {  	[sflag:s26] =	ssyncset.done $0x0  }
0xe5: {  	[sflag:s26] =	ssyncadd.s32 $0xFFFFD000  }
.Ltmp5:
0xe6: {  	_ =	swait.ge [sflag:s26], $0x3000;
	(pc) =	sbr.rel @p0 .LBB2_8-.Ltmp5, $4  }
0xe7: {  	[sflag:s26] =	ssyncset.done $0x0  }
0xe8: {  	[sflag:s26] =	ssyncadd.s32 $0xFFFFD000  }
0xe9: {  	_ =	swait.ge [sflag:s26], $0x3000  }
0xea: {  	s16 =	smov.u32 s18;
	[sflag:s26] =	ssyncset.done $0x0  }
0xeb: {  	s0 =	sshra.s32 s0, $0x2;
	[sflag:s26] =	ssyncadd.s32 $0xFFFFD000  }
0xec: {  	[tilespmem:s19], [sflag:$0x1] =	stream.indirect.gather [hbm4b:s31+s20], $0x80, s0, s20, $0xb8;
	[tilespmem:$0x1D900] =	vst v63  }
0xed: {  	s16 =	sadd.s32 $0x80, s0  }
0xee: {  	[tilespmem:s21], [sflag:$0x1] =	stream.indirect.gather [hbm4b:s31+s20], $0x80, s16, s20, $0xb8;
	[tilespmem:$0x1D900] =	vst v63  }
0xef: {  	s18 =	sadd.s32 $0x100, s0  }
0xf0: {  	[tilespmem:s22], [sflag:$0x1] =	stream.indirect.gather [hbm4b:s31+s20], $0x80, s18, s20, $0xb8;
	[tilespmem:$0x1D900] =	vst v63  }
0xf1: {  	s17 =	sadd.s32 $0x180, s0  }
0xf2: {  	[tilespmem:s23], [sflag:$0x1] =	stream.indirect.gather [hbm4b:s31+s20], $0x80, s17, s20, $0xb8;
	[tilespmem:$0x1D900] =	vst v63  }
0xf3: {  	s18 =	sadd.s32 $0x200, s0  }
0xf4: {  	[tilespmem:s24], [sflag:$0x1] =	stream.indirect.gather [hbm4b:s31+s20], $0x80, s18, s20, $0xb8;
	[tilespmem:$0x1D900] =	vst v63  }
0xf5: {  	_ =	swait.ge [sflag:s25], $0x3000  }
0xf6: {  	[sflag:s25] =	ssyncset.done $0x0  }
0xf7: {  	s31 =	sadd.s32 $0x3800, s0;
	[sflag:s25] =	ssyncadd.s32 $0xFFFFD000  }
0xf8: {  	[spmem:s2] =	stream.indirect.scatter.add.f32 [tilespmem:s19], [sflag:$0x2], $0x80, s31, s20, $0xb8;
	[tilespmem:$0x1D900] =	vst v63  }
0xf9: {  	_ =	swait.ge [sflag:s25], $0x3000  }
0xfa: {  	[sflag:s25] =	ssyncset.done $0x0  }
0xfb: {  	s17 =	sadd.s32 $0x3880, s0;
	[sflag:s25] =	ssyncadd.s32 $0xFFFFD000  }
0xfc: {  	[spmem:s2] =	stream.indirect.scatter.add.f32 [tilespmem:s21], [sflag:$0x2], $0x80, s17, s20, $0xb8;
	[tilespmem:$0x1D900] =	vst v63  }
0xfd: {  	_ =	swait.ge [sflag:s25], $0x3000  }
0xfe: {  	[sflag:s25] =	ssyncset.done $0x0  }
0xff: {  	s18 =	sadd.s32 $0x3900, s0;
	[sflag:s25] =	ssyncadd.s32 $0xFFFFD000  }
0x100: {  	[spmem:s2] =	stream.indirect.scatter.add.f32 [tilespmem:s22], [sflag:$0x2], $0x80, s18, s20, $0xb8;
	[tilespmem:$0x1D900] =	vst v63  }
0x101: {  	_ =	swait.ge [sflag:s25], $0x3000  }
0x102: {  	[sflag:s25] =	ssyncset.done $0x0  }
0x103: {  	s31 =	sadd.s32 $0x3980, s0;
	[sflag:s25] =	ssyncadd.s32 $0xFFFFD000  }
0x104: {  	[spmem:s2] =	stream.indirect.scatter.add.f32 [tilespmem:s23], [sflag:$0x2], $0x80, s31, s20, $0xb8;
	[tilespmem:$0x1D900] =	vst v63  }
0x105: {  	_ =	swait.ge [sflag:s25], $0x3000  }
0x106: {  	[sflag:s25] =	ssyncset.done $0x0  }
0x107: {  	s0 =	sadd.s32 $0x3A00, s0;
	[sflag:s25] =	ssyncadd.s32 $0xFFFFD000  }
0x108: {  	[spmem:s2] =	stream.indirect.scatter.add.f32 [tilespmem:s24], [sflag:$0x2], $0x80, s0, s20, $0xb8;
	[tilespmem:$0x1D900] =	vst v63  }
0x109: {  	_ =	swait.ge [sflag:s26], $0x3000  }
0x10a: {  	[sflag:s26] =	ssyncset.done $0x0  }
0x10b: {  	[sflag:s26] =	ssyncadd.s32 $0xFFFFD000  }
0x10c: {  	_ =	swait.ge [sflag:s26], $0x3000  }
0x10d: {  	[sflag:s26] =	ssyncset.done $0x0  }
0x10e: {  	[sflag:s26] =	ssyncadd.s32 $0xFFFFD000  }
0x10f: {  	_ =	swait.ge [sflag:s26], $0x3000  }
0x110: {  	[sflag:s26] =	ssyncset.done $0x0  }
0x111: {  	[sflag:s26] =	ssyncadd.s32 $0xFFFFD000  }
0x112: {  	_ =	swait.ge [sflag:s26], $0x3000  }
0x113: {  	[sflag:s26] =	ssyncset.done $0x0  }
0x114: {  	s17 =	smul.u32 $0x78000, s30;
	[sflag:s26] =	ssyncadd.s32 $0xFFFFD000  }
0x115: {  	p0 =	sne.s32 s30, s29;
	_ =	swait.ge [sflag:s26], $0x3000  }
0x116: {  	s18 =	sshll.u32 s1, $0x6;
	s0 =	sadd.s32 s12, s17;
	[sflag:s26] =	ssyncset.done $0x0  }
0x117: {  	s16 =	sor.u32 $0x1C03, s18;
	s0 =	sshrl.u32 s0, $0x3;
	[sflag:s26] =	ssyncadd.s32 $0xFFFFD000  }
0x118: {  	s17 =	sshrl.u32 s9, $0x3;
	s0 =	sadd.s32 s14, s0;
	[bflag:$0x0] =	sbarrier.arrive $0xFFFF  }
0x119: {  	[hbm:s0], [sflag:s16] =	dma.local [spmem:s17], $0xF00  }
.Ltmp6:
0x11a: {  	_ =	swait.ge [sflag:s15], $0xF00;
	(pc) =	sbr.rel @p0 .LBB2_5-.Ltmp6, $4  }
.Ltmp7:
0x11b: {  	[sflag:s15] =	ssyncset.done $0x0;
	(pc) =	sbr.rel @!p0 .LBB2_10-.Ltmp7, $4  }
0x11c: {  	[sflag:s15] =	ssyncadd.s32 $0xFFFFF100  }
0x11d: {  	s31 =	sadd.s32 $0x1, s30;
	[bflag:$0x0] =	sbarrier.arrive $0xFFFF  }
0x11e: {  	s30 =	smov.u32 s31  }
0x11f: {  	_ = 	snop  }
.LBB2_11:
0x120: {  	_ =	sfence.sel $0x180000  }
0x121: {  	[bflag:$0x0] =	sbarrier.arrive $0xFFFF  }
0x122: {  	_ =	strace $0x90000050  }
0x123: {  	[bflag:$0x2] =	sbarrier.arrive $0xFFFF  }
0x124: {  	p0 =	sne.s32 s1, $0x0;
	s0 =	rddreg [dreg:$0x2]  }
0x125: {  	s0 =	sadd.s32 @!p0 $0x100000, s0  }
0x126: {  	[sflag:s0] =	ssyncadd.tile.s32 @!p0 $0x1;
	_ =	shalt  }
.Lfunc_end2:
_tile_overlayer_lowered:
.L_overlay_start_2:
0x127: {  	(tag) =	ssettag $0x2  }
0x128: {  	s0 =	rddreg [dreg:$0x0];
	s2 =	stileid.u32  }
0x129: {  	s1 =	rddreg [dreg:$0x1];
	p0 =	sne.s32 s2, $0x0  }
0x12a: {  	s3 =	rddreg [dreg:$0x2];
	[bflag:$0x3] =	sbarrier.arrive $0xFFFF;
	s2 =	simm.s32 @!p0 $0x1C03  }
0x12b: {  	[timem:s3], [sflag:s2] =	dma.local @!p0 [hbm:s0], s1  }
0x12c: {  	s0 =	simm.s32 @!p0 $0x3  }
0x12d: {  	_ =	swait.ge @!p0 [sflag:s0], s1  }
0x12e: {  	s1 =	ssub.s32 @!p0 $0x0, s1;
	[sflag:s0] =	ssyncset.done @!p0 $0x0  }
0x12f: {  	[sflag:s0] =	ssyncadd.s32 @!p0 s1  }
0x130: {  	[bflag:$0x3] =	sbarrier.arrive $0xFFFF  }
0x131: {  	_ =	shalt  }

// kernel: kernel.6.cloned.1.call-start
scs
__scs_entry_jumppad:
0x0: {  	(pc) =	sbr.rel $0x88, $3  }
0x1: {  	(tag) =	ssettag $0x0;
	lr =	simm.s32 $0x1  }
0x2: {  	[smem:$0x3F7B] =	sst lr;
	_ =	strace $0xD0000000  }
0x3: {  	_ = 	snop  }
0x4: {  	_ = 	snop  }
0x5: {  	_ = 	snop  }
0x6: {  	_ = 	snop  }
0x7: {  	_ = 	snop  }
__scs_overlays_trampoline_lowered:
0x8: {  	[smem:$0x3F8A] =	sst s0  }
0x9: {  	[smem:$0x3F8B] =	sst s1  }
0xa: {  	[smem:$0x3F8C] =	sst s2  }
0xb: {  	[smem:$0x3F8D] =	sst s3  }
0xc: {  	[smem:$0x3F8E] =	sst s4  }
0xd: {  	[smem:$0x3F8F] =	sst s5  }
0xe: {  	[smem:$0x3F90] =	sst s6  }
0xf: {  	[smem:$0x3F91] =	sst s7  }
0x10: {  	[smem:$0x3F92] =	sst s8  }
0x11: {  	[smem:$0x3F93] =	sst s9;
	s0 =	simm.s32 @!p0 $0x0  }
0x12: {  	s1 =	sld [smem:$0x3F79];
	s0 =	simm.s32 @p0 $0x1  }
0x13: {  	[smem:$0x3F94] =	sst s0;
	s0 =	simm.s32 @!p1 $0x0  }
0x14: {  	s2 =	sld [smem:$0x3F78];
	s0 =	simm.s32 @p1 $0x1  }
0x15: {  	[smem:$0x3F95] =	sst s0;
	s0 =	simm.s32 @!p2 $0x0  }
0x16: {  	s3 =	sld [smem:$0x3FDB];
	s0 =	simm.s32 @p2 $0x1  }
0x17: {  	s4 =	simm.s32 $0x1BF5;
	[smem:$0x3F97] =	sst s0  }
0x18: {  	s0 =	sld [smem:$0x3F7A];
	_ =	swait.ge [sflag:s4], $0x0  }
0x19: {  	s7 =	sld [smem:$0x3F7B]  }
0x1a: {  	s8 =	sadd.s32 $0xFFFFE003, lr  }
0x1b: {  	s9 =	sadd.s32 $0xFFFFFEF7, lr;
	s5 =	simm.s32 $0xFFFFFFFF;
	p2 =	slt.u32 s8, $0xFFFFF086  }
0x1c: {  	p1 =	slt.u32 s9, $0xF7A;
	s5 =	simm.s32 @!p2 $0x0  }
0x1d: {  	s5 =	simm.s32 @p1 $0x1;
	p0 =	seq.s32 s7, s2  }
0x1e: {  	s7 =	smul.u32 @!p0 $0xF7A, s2;
	p2 =	seq.s32 @!p0 s5, $0x0  }
0x1f: {  	s9 =	smul.u32 $0xF7A, s1;
	s8 =	simm.s32 @!p0 $0x1BF5;
	p2 =	por !p2, p0  }
0x20: {  	[sflag:s8] =	ssyncset.s32 @!p0 $0xFFFFF086;
	s6 =	sadd.s32 @!p0 s3, s7;
	s7 =	simm.s32 @!p0 $0x108  }
0x21: {  	s3 =	sadd.s32 s3, s9;
	s6 =	sadd.s32 @!p0 $0x88, s6;
	s7 =	simm.s32 @p2 $0x1082  }
0x22: {  	[simem:s7], [sflag:s8] =	dma.local @!p0 [hbm:s6], $0xF7A  }
0x23: {  	s9 =	sor.u32 $0xD0000000, s2;
	s6 =	simm.s32 $0x108;
	_ =	swait.ge @!p0 [sflag:s8], $0x0  }
0x24: {  	s3 =	sadd.s32 $0x88, s3;
	s6 =	simm.s32 @!p1 $0x1082;
	[sflag:s4] =	ssyncset.s32 $0xFFFFF086  }
0x25: {  	[simem:s6], [sflag:s4] =	dma.local [hbm:s3], $0xF7A  }
0x26: {  	[smem:$0x3F7B] =	sst s1;
	(tag) =	ssettag s2;
	_ =	strace s9  }
0x27: {  	s1 =	sld [smem:$0x3F8B]  }
0x28: {  	s2 =	sld [smem:$0x3F8C]  }
0x29: {  	s4 =	sld [smem:$0x3F8E]  }
0x2a: {  	p0 =	seq.s32 s5, $0x0;
	s5 =	sld [smem:$0x3F8F]  }
0x2b: {  	s6 =	sld [smem:$0x3F90]  }
0x2c: {  	s7 =	sld [smem:$0x3F91]  }
0x2d: {  	s3 =	simm.s32 $0x108;
	s8 =	sld [smem:$0x3F92]  }
0x2e: {  	s3 =	simm.s32 @!p0 $0x1082;
	s9 =	sld [smem:$0x3F93]  }
0x2f: {  	lr =	sadd.s32 s0, s3;
	s0 =	sld [smem:$0x3F8A]  }
0x30: {  	s3 =	sld [smem:$0x3F8D]  }
0x31: {  	[smem:$0x3F96] =	sst s10  }
0x32: {  	s10 =	sld [smem:$0x3F94];
	_ =	sdelay $0x3  }
0x33: {  	p0 =	seq.s32 s10, $0x1;
	s10 =	sld [smem:$0x3F96];
	_ =	sdelay $0x3  }
0x34: {  	[smem:$0x3F96] =	sst s10  }
0x35: {  	s10 =	sld [smem:$0x3F95];
	_ =	sdelay $0x3  }
0x36: {  	p1 =	seq.s32 s10, $0x1;
	s10 =	sld [smem:$0x3F96];
	_ =	sdelay $0x3  }
0x37: {  	[smem:$0x3F96] =	sst s10  }
0x38: {  	s10 =	sld [smem:$0x3F97]  }
0x39: {  	_ = 	snop;
	(pc) =	sbr.ind lr, $3  }
0x3a: {  	_ = 	snop  }
0x3b: {  	_ = 	snop  }
0x3c: {  	p2 =	seq.s32 s10, $0x1;
	s10 =	sld [smem:$0x3F96]  }
0x3d: {  	_ =	shalt  }
0x3e: {  	_ =	shalt  }
0x3f: {  	_ =	shalt  }
0x40: {  	_ =	shalt  }
0x41: {  	_ =	shalt  }
0x42: {  	_ =	shalt  }
0x43: {  	_ =	shalt  }
0x44: {  	_ =	shalt  }
0x45: {  	_ =	shalt  }
0x46: {  	_ =	shalt  }
0x47: {  	_ =	shalt  }
0x48: {  	_ =	shalt  }
0x49: {  	_ =	shalt  }
0x4a: {  	_ =	shalt  }
0x4b: {  	_ =	shalt  }
0x4c: {  	_ =	shalt  }
0x4d: {  	_ =	shalt  }
0x4e: {  	_ =	shalt  }
0x4f: {  	_ =	shalt  }
0x50: {  	_ =	shalt  }
0x51: {  	_ =	shalt  }
0x52: {  	_ =	shalt  }
0x53: {  	_ =	shalt  }
0x54: {  	_ =	shalt  }
0x55: {  	_ =	shalt  }
0x56: {  	_ =	shalt  }
0x57: {  	_ =	shalt  }
0x58: {  	_ =	shalt  }
0x59: {  	_ =	shalt  }
0x5a: {  	_ =	shalt  }
0x5b: {  	_ =	shalt  }
0x5c: {  	_ =	shalt  }
0x5d: {  	_ =	shalt  }
0x5e: {  	_ =	shalt  }
0x5f: {  	_ =	shalt  }
0x60: {  	_ =	shalt  }
0x61: {  	_ =	shalt  }
0x62: {  	_ =	shalt  }
0x63: {  	_ =	shalt  }
0x64: {  	_ =	shalt  }
0x65: {  	_ =	shalt  }
0x66: {  	_ =	shalt  }
0x67: {  	_ =	shalt  }
0x68: {  	_ =	shalt  }
0x69: {  	_ =	shalt  }
0x6a: {  	_ =	shalt  }
0x6b: {  	_ =	shalt  }
0x6c: {  	_ =	shalt  }
0x6d: {  	_ =	shalt  }
0x6e: {  	_ =	shalt  }
0x6f: {  	_ =	shalt  }
0x70: {  	_ =	shalt  }
0x71: {  	_ =	shalt  }
0x72: {  	_ =	shalt  }
0x73: {  	_ =	shalt  }
0x74: {  	_ =	shalt  }
0x75: {  	_ =	shalt  }
0x76: {  	_ =	shalt  }
0x77: {  	_ =	shalt  }
0x78: {  	_ =	shalt  }
0x79: {  	_ =	shalt  }
0x7a: {  	_ =	shalt  }
0x7b: {  	_ =	shalt  }
0x7c: {  	_ =	shalt  }
0x7d: {  	_ =	shalt  }
0x7e: {  	_ =	shalt  }
0x7f: {  	_ =	shalt  }
0x80: {  	_ =	shalt  }
0x81: {  	_ =	shalt  }
0x82: {  	_ =	shalt  }
0x83: {  	_ =	shalt  }
0x84: {  	_ =	shalt  }
0x85: {  	_ =	shalt  }
0x86: {  	_ =	shalt  }
0x87: {  	_ =	shalt  }
.Lfunc_end0:
.L_simem_size_0:
called_computation.3_lowered:
.L_overlay_start_0:
0x88: {  	s2 =	sld [smem:$0x3FD9]  }
0x89: {  	s3 =	sld [smem:$0x3FFE];
	_ =	sdelay $0x1  }
0x8a: {  	s1 =	srdreg.scid  }
0x8b: {  	s0 =	sand.u32 $0x1, s1  }
0x8c: {  	s16 =	sshll.u32 s0, $0xA;
	s2 =	sadd.s32 s3, s2  }
0x8d: {  	s2 =	sadd.s32 s2, s16  }
0x8e: {  	[smem:$0x3FA2] =	sst s2  }
0x8f: {  	_ = 	snop  }
0x90: {  	(tm) =	ssettm $0x1  }
0x91: {  	s17 =	sld [smem:$0x3FFB];
	_ =	sdelay $0x3  }
0x92: {  	_ =	strace s17  }
0x93: {  	s2 =	sld [smem:$0x3FFC];
	_ =	sdelay $0x3  }
0x94: {  	_ =	strace s2  }
0x95: {  	s2 =	sld [smem:$0x3FFD];
	_ =	sdelay $0x3  }
0x96: {  	_ =	strace s2  }
0x97: {  	_ =	strace $0x8FFFFFFF  }
0x98: {  	s18 =	sld [smem:$0x3FDB];
	_ =	sdelay $0x1  }
0x99: {  	s19 =	simm.s32 $_scs_section_size  }
0x9a: {  	s4 =	simm.s32 $_size__tile_overlayer_lowered;
	s5 =	simm.s32 $_tile_overlayer_lowered  }
0x9b: {  	s22 =	simm.s32 $0x1BFF;
	s21 =	sshll.u32 s5, $0x1;
	s2 =	sadd.s32 s19, s18  }
0x9c: {  	s6 =	simm.s32 $0x0;
	s20 =	sshll.u32 s4, $0x1;
	s4 =	sadd.s32 s21, s2  }
0x9d: {  	[timem:s6], [sflag:s22] =	dma.local [hbm:s4], s20  }
0x9e: {  	_ =	swait.ge [sflag:s22], s20  }
0x9f: {  	s3 =	ssub.s32 $0x0, s20;
	[sflag:s22] =	ssyncset.done $0x0  }
0xa0: {  	[sflag:s22] =	ssyncadd.s32 s3;
	_ =	sdelay $0x1  }
0xa1: {  	s23 =	simm.s32 $0x1B8B  }
0xa2: {  	_ =	swait.ge [sflag:s23], $0x1  }
0xa3: {  	[sflag:s23] =	ssyncset.done $0x0  }
0xa4: {  	s25 =	simm.s32 $0x1B8E;
	s24 =	sld [smem:$0x3FFE];
	[sflag:s23] =	ssyncadd.s32 $0xFFFFFFFF  }
0xa5: {  	s26 =	simm.s32 $execute0_lowered;
	[smem:$0x3FD2] =	sst s25  }
0xa6: {  	s4 =	sshll.u32 s26, $0x1;
	_ =	strace $0x80000046;
	[dreg:$0x1] =	wrdreg $0xFFFFFFFF  }
0xa7: {  	s28 =	simm.s32 $_size_execute0_lowered;
	s2 =	sadd.s32 s2, s4;
	[dreg:$0x0] =	wrdreg $0x0  }
0xa8: {  	s4 =	sshll.u32 s28, $0x1;
	[dreg:$0x2] =	wrdreg s2  }
0xa9: {  	[dreg:$0x3] =	wrdreg s4  }
0xaa: {  	[dreg:$0x4] =	wrdreg $0xC0  }
0xab: {  	_ =	task [dreg:s6], $0x5FFFF  }
0xac: {  	[dreg:$0x1] =	wrdreg $0xFFFFFFFF  }
0xad: {  	[dreg:$0x0] =	wrdreg $0x60  }
0xae: {  	[dreg:$0x2] =	wrdreg s24  }
0xaf: {  	[dreg:$0x3] =	wrdreg $0xB8000  }
0xb0: {  	[dreg:$0x4] =	wrdreg $0x9  }
0xb1: {  	_ =	task.clear_ibuf [dreg:s6], $0x5FFFF;
	_ =	strace $0x90000046  }
0xb2: {  	s29 =	simm.s32 $0x9;
	_ =	strace $0x80000048  }
0xb3: {  	_ =	swait.ge [sflag:s29], $0x1  }
0xb4: {  	[sflag:s29] =	ssyncadd.s32 $0xFFFFFFFF  }
0xb5: {  	_ =	strace $0x90000048  }
0xb6: {  	_ =	sfence  }
0xb7: {  	s30 =	sld [smem:$0x0];
	_ =	sdelay $0x2  }
0xb8: {  	s31 =	sshll.u32 s1, $0xD;
	s1 =	sshrl.u32 s1, $0x2  }
0xb9: {  	s3 =	sand.u32 $0x4000, s31;
	s1 =	sadd.s32 s1, s30  }
0xba: {  	s0 =	sor.u32 s3, s0;
	s1 =	sshll.u32 s1, $0x11  }
0xbb: {  	s0 =	sor.u32 s1, s0  }
0xbc: {  	s0 =	sadd.s32 $0x8F2B, s0  }
0xbd: {  	[sflag:s0] =	ssyncadd.remote.s32 $0x1  }
0xbe: {  	_ =	sfence.sel $0xFFFF  }
0xbf: {  	[dreg:$0x0] =	wrdreg $0xFFFFFFFF;
	(pc) =	sbr.abs _section_cstart, $3  }
0xc0: {  	[dreg:$0x1] =	wrdreg $0xFFFFFFFF  }
0xc1: {  	_ =	task.clear_ibuf [dreg:s6], $0x2FFFF;
	_ =	strace $0x9FFFFFFF  }
0xc2: {  	(tm) =	ssettm $0x7FFFFFFF  }
0xc3: {  	_ =	shalt  }
tec
execute0_lowered:
.L_overlay_start_1:
0x0: {  	(tag) =	ssettag $0x1  }
0x1: {  	s4 =	rddreg [dreg:$0x0]  }
0x2: {  	s0 =	srdreg.scid;
	s2 =	rddreg [dreg:$0x1]  }
0x3: {  	s1 =	rddreg [dreg:$0x2];
	s11 =	simm.s32 $0x1;
	s5 =	sand.u32 $0x1, s0  }
0x4: {  	s12 =	simm.s32 $0x6800;
	s0 =	stileid.u32;
	s6 =	smul.u32 $0x140000, s5  }
0x5: {  	s13 =	simm.s32 $0x60;
	s14 =	simm.s32 $0x3800;
	s7 =	smul.u32 $0x14000, s0  }
0x6: {  	s17 =	simm.s32 $0x0;
	s3 =	sshll.u32 s5, $0x4;
	s28 =	smul.u32 $0x50000, s0  }
0x7: {  	s5 =	ssub.s32 $0x2, s5;
	s15 =	sshll.u32 s0, $0x6;
	s8 =	sor.u32 s0, s3  }
0x8: {  	s3 =	simm.s32 $0x0;
	s31 =	sshrl.u32 s5, $0x1;
	s15 =	sor.u32 $0x1C01, s15  }
0x9: {  	s6 =	sadd.s32 s7, s6;
	s26 =	smul.u32 $0x3800, s8;
	[smem:$0x7FF] =	sst s3  }
0xa: {  	s30 =	sshrl.u32 s28, $0x2;
	s10 =	ssub.s32 s5, s31;
	s6 =	sshrl.u32 s6, $0x3  }
0xb: {  	_ =	strace $0x80000047;
	s10 =	smax.u32 s10, $0x1;
	s29 =	sshrl.u32 s26, $0x3  }
0xc: {  	s9 =	sadd.s32 s6, s4;
	s6 =	sadd.s32 s4, s29;
	s4 =	sadd.s32 s30, s2  }
0xd: {  	s9 =	sadd.s32 $0x25C00, s9;
	s5 =	sadd.s32 $0x17C00, s6;
	s6 =	sadd.s32 $0x5000, s4  }
0xe: {  	v0 =	vimm.f32 $1.000000000e+00;
	v1 =	vimm.f32 $0.0e+00;
	s7 =	sadd.s32 $0xA000, s4;
	s8 =	sadd.s32 $0xF000, s4;
	s16 =	sshrl.u32 s4, $0x3  }
.LBB2_1:
0xf: {  	[tilespmem:s3], [sflag:$0x1] =	stream.linear.gather [hbm4b:s5+s3], $0x3480, $0x38;
	[tilespmem:$0xE000] =	vst v63  }
0x10: {  	_ =	swait.ge [sflag:s11], $0x3480  }
0x11: {  	[sflag:s11] =	ssyncset.done $0x0  }
0x12: {  	s18 =	simm.s32 $0x0;
	[sflag:s11] =	ssyncadd.s32 $0xFFFFCB80  }
.LBB2_2:
0x13: {  	p0 =	sne.s32 s18, $0xBE00  }
.Ltmp0:
0x14: {  	_ = 	snop;
	(pc) =	sbr.rel @p0 .LBB2_2-.Ltmp0, $3  }
0x15: {  	_ =	sdelay $0x1  }
0x16: {  	s19 =	sshra.s32 s18, $0x2  }
0x17: {  	s18 =	sadd.s32 $0x200, s18;
	[tilespmem:s19+$0x3800] =	vst v0  }
0x18: {  	s18 =	simm.s32 $0x200;
	s19 =	simm.s32 $0x0  }
.LBB2_4:
0x19: {  	p0 =	sne.s32 s18, $0x13E00;
	[tilespmem:s19+$0x6800] =	vst v1;
	s19 =	smov.u32 s18;
	s18 =	sadd.s32 $0x200, s18  }
.Ltmp1:
0x1a: {  	(pc) =	sbr.rel @p0 .LBB2_4-.Ltmp1, $2  }
0x1b: {  	_ =	sdelay $0x2  }
0x1c: {  	s19 =	sshra.s32 s19, $0x2  }
0x1d: {  	[tilespmem:s19+$0x6800] =	vst v1  }
0x1e: {  	[spmem:s4] =	stream.linear.scatter [tilespmem:s12], [sflag:$0x1], $0x5000, $0x38;
	[tilespmem:$0xE000] =	vst v63  }
0x1f: {  	_ =	swait.ge [sflag:s11], $0x5000  }
0x20: {  	[sflag:s11] =	ssyncset.done $0x0  }
0x21: {  	[sflag:s11] =	ssyncadd.s32 $0xFFFFB000  }
0x22: {  	[spmem:s6] =	stream.linear.scatter [tilespmem:s12], [sflag:$0x1], $0x5000, $0x38;
	[tilespmem:$0xE000] =	vst v63  }
0x23: {  	_ =	swait.ge [sflag:s11], $0x5000  }
0x24: {  	[sflag:s11] =	ssyncset.done $0x0  }
0x25: {  	[sflag:s11] =	ssyncadd.s32 $0xFFFFB000  }
0x26: {  	[spmem:s7] =	stream.linear.scatter [tilespmem:s12], [sflag:$0x1], $0x5000, $0x38;
	[tilespmem:$0xE000] =	vst v63  }
0x27: {  	_ =	swait.ge [sflag:s11], $0x5000  }
0x28: {  	[sflag:s11] =	ssyncset.done $0x0  }
0x29: {  	[sflag:s11] =	ssyncadd.s32 $0xFFFFB000  }
0x2a: {  	[spmem:s8] =	stream.linear.scatter [tilespmem:s12], [sflag:$0x1], $0x5000, $0x38;
	[tilespmem:$0xE000] =	vst v63  }
0x2b: {  	_ =	swait.ge [sflag:s11], $0x5000  }
0x2c: {  	[sflag:s11] =	ssyncset.done $0x0  }
0x2d: {  	[sflag:s11] =	ssyncadd.s32 $0xFFFFB000  }
0x2e: {  	s18 =	simm.s32 $0x0;
	[bflag:$0x0] =	sbarrier.arrive $0xFFFF  }
0x2f: {  	[spmem:s2] =	stream.indirect.scatter.add.f32 [tilespmem:s14], [sflag:$0x1], $0x10, s18, s13, $0xb8;
	[tilespmem:$0xE000] =	vst v63  }
0x30: {  	_ =	swait.ge [sflag:s11], $0x600  }
0x31: {  	s18 =	simm.s32 $0x200;
	[sflag:s11] =	ssyncset.done $0x0  }
.LBB2_6:
0x32: {  	s19 =	sshra.s32 s18, $0x2;
	[sflag:s11] =	ssyncadd.s32 $0xFFFFFA00;
	p0 =	sne.s32 s18, $0xD000  }
0x33: {  	[spmem:s2] =	stream.indirect.scatter.add.f32 [tilespmem:s14], [sflag:$0x1], $0x10, s19, s13, $0xb8;
	[tilespmem:$0xE000] =	vst v63  }
.Ltmp2:
0x34: {  	_ = 	snop;
	(pc) =	sbr.rel @p0 .LBB2_6-.Ltmp2, $4  }
0x35: {  	_ = 	snop  }
0x36: {  	s18 =	sadd.s32 $0x200, s18  }
0x37: {  	_ =	swait.ge [sflag:s11], $0x600  }
0x38: {  	[sflag:s11] =	ssyncset.done $0x0  }
0x39: {  	s17 =	sadd.s32 $0x1, s17  }
0x3a: {  	[sflag:s11] =	ssyncadd.s32 $0xFFFFFA00;
	p0 =	sne.s32 s17, s10  }
.Ltmp3:
0x3b: {  	[bflag:$0x0] =	sbarrier.arrive $0xFFFF;
	(pc) =	sbr.rel @p0 .LBB2_1-.Ltmp3, $4  }
0x3c: {  	[hbm:s9], [sflag:s15] =	dma.local [spmem:s16], $0x2800  }
0x3d: {  	_ =	swait.ge [sflag:s11], $0x2800  }
0x3e: {  	[sflag:s11] =	ssyncset.done $0x0  }
0x3f: {  	[sflag:s11] =	ssyncadd.s32 $0xFFFFD800  }
0x40: {  	_ =	sfence.sel $0x180000  }
0x41: {  	[bflag:$0x0] =	sbarrier.arrive $0xFFFF  }
0x42: {  	p0 =	sne.s32 s0, $0x0;
	_ =	strace $0x90000047  }
0x43: {  	s0 =	sadd.s32 @!p0 $0x100000, s1;
	[bflag:$0x2] =	sbarrier.arrive $0xFFFF  }
0x44: {  	[sflag:s0] =	ssyncadd.tile.s32 @!p0 $0x1;
	_ =	shalt  }
.Lfunc_end2:
_tile_overlayer_lowered:
.L_overlay_start_2:
0x45: {  	(tag) =	ssettag $0x2  }
0x46: {  	s0 =	rddreg [dreg:$0x0];
	s2 =	stileid.u32  }
0x47: {  	s1 =	rddreg [dreg:$0x1];
	p0 =	sne.s32 s2, $0x0  }
0x48: {  	s3 =	rddreg [dreg:$0x2];
	[bflag:$0x3] =	sbarrier.arrive $0xFFFF;
	s2 =	simm.s32 @!p0 $0x1C01  }
0x49: {  	[timem:s3], [sflag:s2] =	dma.local @!p0 [hbm:s0], s1  }
0x4a: {  	s0 =	simm.s32 @!p0 $0x1  }
0x4b: {  	_ =	swait.ge @!p0 [sflag:s0], s1  }
0x4c: {  	s1 =	ssub.s32 @!p0 $0x0, s1;
	[sflag:s0] =	ssyncset.done @!p0 $0x0  }
0x4d: {  	[sflag:s0] =	ssyncadd.s32 @!p0 s1  }
0x4e: {  	[bflag:$0x3] =	sbarrier.arrive $0xFFFF  }
0x4f: {  	_ =	shalt  }

</sc_bundles>
